<compile_context>
chip_gen: v7x
topology: tpu7x:2x2x1
jax: 0.10.2.dev20260603
libtpu: 0.0.44.dev20260713+nightly
codegen_flags: <defaults>
</compile_context>

<pallas_src>
import functools

import jax
import jax.numpy as jnp
from jax import lax
from jax.experimental import pallas as pl
from jax.experimental.pallas import tpu as pltpu
from jax.experimental.pallas import tpu_sc as plsc

_N = 10000
_D = 128
_E_MESH = 320000
_E_WORLD = 160000
_NW = 32
_CH = 256


def _precompute_tables(nf, w_stack):
    blk = 2000
    grid = _N // blk

    def body(nf_ref, w_ref, oa_m, ob_m, oa_w, ob_w):
        x = nf_ref[...].astype(jnp.bfloat16)
        for j, o_ref in enumerate((oa_m, ob_m, oa_w, ob_w)):
            o_ref[...] = jnp.dot(x, w_ref[j].astype(jnp.bfloat16),
                                 preferred_element_type=jnp.float32)

    out = pl.pallas_call(
        body,
        grid=(grid,),
        in_specs=[
            pl.BlockSpec((blk, _D), lambda i: (i, 0)),
            pl.BlockSpec((4, _D, _D), lambda i: (0, 0, 0)),
        ],
        out_specs=[pl.BlockSpec((blk, _D), lambda i: (i, 0))] * 4,
        out_shape=[jax.ShapeDtypeStruct((_N, _D), jnp.float32)] * 4,
    )(nf, w_stack)
    return out


_GCH = 64


def _sc_gather(ta, tb, sidx, ridx, n_edges):
    mesh = plsc.VectorSubcoreMesh(core_axis_name="c", subcore_axis_name="s")
    nchunks = n_edges // _GCH
    niter = (nchunks + _NW - 1) // _NW
    ntrip = (niter + 2) // 3

    @functools.partial(
        pl.kernel,
        out_type=jax.ShapeDtypeStruct((n_edges, _D), jnp.float32),
        mesh=mesh,
        scratch_types=[
            pltpu.VMEM((3, _GCH), jnp.int32),
            pltpu.VMEM((3, _GCH), jnp.int32),
            pltpu.VMEM((3, _GCH, _D), jnp.float32),
            pltpu.VMEM((3, _GCH, _D), jnp.float32),
            pltpu.VMEM_SHARED((_N, _D), jnp.float32),
            pltpu.SemaphoreType.DMA,
            pltpu.SemaphoreType.DMA,
            pltpu.SemaphoreType.DMA,
        ],
    )
    def k(ta_r, tb_r, si_r, ri_r, g_out, idxs, idxr, buf_a, buf_b, stab,
          sem_i, sem_g, sem_o):
        sub = lax.axis_index("s")
        wid = lax.axis_index("c") * 16 + sub
        zrows, nzchunks = 80, _N // 80

        def stage(step, carry):
            cid = sub + step * 16

            @pl.when(cid < nzchunks)
            def _():
                sl = pl.ds(cid * zrows, zrows)
                pltpu.sync_copy(ta_r.at[sl], stab.at[sl])

            return carry

        lax.fori_loop(0, (nzchunks + 15) // 16, stage, None)
        plsc.subcore_barrier()

        def fetch(cid, slot):
            ca = pltpu.async_copy(stab.at[idxs.at[slot]], buf_a.at[slot],
                                  sem_g)
            ca.wait()
            pltpu.async_copy(tb_r.at[idxr.at[slot]], buf_b.at[slot], sem_g)

        def fire_idx(cid, slot):
            base = cid * _GCH
            pltpu.async_copy(si_r.at[pl.ds(base, _GCH)], idxs.at[slot], sem_i)
            pltpu.async_copy(ri_r.at[pl.ds(base, _GCH)], idxr.at[slot], sem_i)

        def drain_idx(slot):
            pltpu.make_async_copy(si_r.at[pl.ds(0, _GCH)], idxs.at[slot],
                                  sem_i).wait()
            pltpu.make_async_copy(ri_r.at[pl.ds(0, _GCH)], idxr.at[slot],
                                  sem_i).wait()

        def drain_out(slot):
            pltpu.make_async_copy(buf_a.at[slot], g_out.at[pl.ds(0, _GCH)],
                                  sem_o).wait()

        @pl.when(wid < nchunks)
        def _():
            base = wid * _GCH
            pltpu.sync_copy(si_r.at[pl.ds(base, _GCH)], idxs.at[0])
            pltpu.sync_copy(ri_r.at[pl.ds(base, _GCH)], idxr.at[0])
            fetch(wid, 0)

        @pl.when(wid + _NW < nchunks)
        def _():
            fire_idx(wid + _NW, 1)

        def body(step, carry):
            for u in range(3):
                s, o, oo = u, (u + 1) % 3, (u + 2) % 3
                cid = wid + (3 * step + u) * _NW
                nxt = cid + _NW

                @pl.when(cid < nchunks)
                def _(cid=cid, nxt=nxt, s=s, o=o, oo=oo):
                    pltpu.make_async_copy(tb_r.at[pl.ds(0, _GCH)],
                                          buf_b.at[s], sem_g).wait()

                    @pl.when(nxt < nchunks)
                    def _():
                        drain_idx(o)

                        @pl.when(cid >= wid + 2 * _NW)
                        def _():
                            drain_out(o)

                        fetch(nxt, o)

                    @pl.when(nxt + _NW < nchunks)
                    def _():
                        fire_idx(nxt + _NW, oo)

                    def rbody(r, c2):
                        for g in range(_D // 16):
                            sl = pl.ds(g * 16, 16)
                            buf_a[s, r, sl] = buf_a[s, r, sl] + buf_b[s, r, sl]
                        return c2

                    lax.fori_loop(0, _GCH, rbody, None)
                    pltpu.async_copy(buf_a.at[s],
                                     g_out.at[pl.ds(cid * _GCH, _GCH)], sem_o)

            return carry

        lax.fori_loop(0, ntrip, body, None)

        for q in range(3):
            @pl.when(wid + q * _NW < nchunks)
            def _(q=q):
                drain_out(q)

    return k(ta, tb, sidx, ridx)


def _edge_mlp(gsum, ef, w1e, b1, w2, b2, ln_g, ln_b):
    n_edges = gsum.shape[0]
    blk = 2000
    grid = n_edges // blk

    def body(gs_r, ef_r, w1_r, b1_r, w2_r, b2_r, g_r, be_r,
             new_r, out_r):
        ef = ef_r[...]
        pre = (gs_r[...]
               + jnp.dot(ef.astype(jnp.bfloat16),
                         w1_r[...].astype(jnp.bfloat16),
                         preferred_element_type=jnp.float32)
               + b1_r[...])
        h = jnp.maximum(pre, 0.0)
        o = jnp.dot(h.astype(jnp.bfloat16), w2_r[...].astype(jnp.bfloat16),
                    preferred_element_type=jnp.float32) + b2_r[...]
        mu = jnp.mean(o, axis=-1, keepdims=True)
        var = jnp.mean((o - mu) ** 2, axis=-1, keepdims=True)
        ln = (o - mu) * lax.rsqrt(var + 1e-5) * g_r[...] + be_r[...]
        new_r[...] = ln
        out_r[...] = ln + ef

    row = pl.BlockSpec((blk, _D), lambda i: (i, 0))
    full = pl.BlockSpec((_D, _D), lambda i: (0, 0))
    vec = pl.BlockSpec((1, _D), lambda i: (0, 0))
    return pl.pallas_call(
        body,
        grid=(grid,),
        in_specs=[row, row, full, vec, full, vec, vec, vec],
        out_specs=[row, row],
        out_shape=[jax.ShapeDtypeStruct((n_edges, _D), jnp.float32)] * 2,
    )(gsum, ef, w1e, b1.reshape(1, _D), w2, b2.reshape(1, _D),
      ln_g.reshape(1, _D), ln_b.reshape(1, _D))


_SCH = 128


def _sc_scatter(new_e, ridx, n_edges):
    mesh = plsc.VectorSubcoreMesh(core_axis_name="c", subcore_axis_name="s")
    zrows = 80
    nzchunks = _N // zrows

    @functools.partial(
        pl.kernel,
        out_type=jax.ShapeDtypeStruct((2 * _N, _D), jnp.float32),
        mesh=mesh,
        scratch_types=[
            pltpu.VMEM((zrows, _D), jnp.float32),
            pltpu.VMEM((2, _SCH), jnp.int32),
            pltpu.VMEM((2, _SCH, _D), jnp.float32),
            pltpu.VMEM_SHARED((_N, _D), jnp.float32),
            pltpu.SemaphoreType.DMA,
            pltpu.SemaphoreType.DMA,
        ],
    )
    def k(src, idx, out, zbuf, idx_v, rows_v, acc, sem_i, sem_r):
        core = lax.axis_index("c")
        sub = lax.axis_index("s")
        wid = core * 16 + sub

        zero16 = jnp.zeros((16,), jnp.float32)

        def zbody(i, carry):
            for j in range(_D // 16):
                zbuf[i, pl.ds(j * 16, 16)] = zero16
            return carry

        lax.fori_loop(0, zrows, zbody, None)

        def zero_acc(step, carry):
            cid = sub + step * 16

            @pl.when(cid < nzchunks)
            def _():
                pltpu.sync_copy(zbuf, acc.at[pl.ds(cid * zrows, zrows)])

            return carry

        lax.fori_loop(0, (nzchunks + 15) // 16, zero_acc, None)
        plsc.subcore_barrier()

        nchunks = n_edges // _SCH
        niter = (nchunks + _NW - 1) // _NW
        npairs = (niter + 1) // 2

        def fire_in(cid, slot):
            base = cid * _SCH
            pltpu.async_copy(idx.at[pl.ds(base, _SCH)], idx_v.at[slot], sem_i)
            pltpu.async_copy(src.at[pl.ds(base, _SCH)], rows_v.at[slot],
                             sem_r)

        @pl.when(wid < nchunks)
        def _():
            fire_in(wid, 0)

        def body(step, carry):
            for u in range(2):
                s, o = (0, 1) if u == 0 else (1, 0)
                cid = wid + (2 * step + u) * _NW
                nxt = cid + _NW

                @pl.when(cid < nchunks)
                def _(cid=cid, nxt=nxt, s=s, o=o):
                    pltpu.make_async_copy(idx.at[pl.ds(0, _SCH)],
                                          idx_v.at[s], sem_i).wait()
                    pltpu.make_async_copy(src.at[pl.ds(0, _SCH)],
                                          rows_v.at[s], sem_r).wait()

                    @pl.when(nxt < nchunks)
                    def _():
                        fire_in(nxt, o)

                    pltpu.sync_copy(rows_v.at[s], acc.at[idx_v.at[s]],
                                    add=True)

            return carry

        lax.fori_loop(0, npairs, body, None)
        plsc.subcore_barrier()

        def writeout(step, carry):
            cid = sub + step * 16

            @pl.when(cid < nzchunks)
            def _():
                pltpu.sync_copy(
                    acc.at[pl.ds(cid * zrows, zrows)],
                    out.at[pl.ds(core * _N + cid * zrows, zrows)])

            return carry

        lax.fori_loop(0, (nzchunks + 15) // 16, writeout, None)
        plsc.subcore_barrier()

    return k(new_e, ridx)


def _node_mlp(nf, am0, am1, aw0, aw1, w_stack, b1, w2, b2, ln_g, ln_b):
    blk = 1000
    grid = _N // blk

    def body(nf_r, am0_r, am1_r, aw0_r, aw1_r, w_r, b1_r, w2_r, b2_r,
             g_r, be_r, out_r):
        nfx = nf_r[...]
        agg_m = am0_r[...] + am1_r[...]
        agg_w = aw0_r[...] + aw1_r[...]
        w16 = w_r[...].astype(jnp.bfloat16)
        pre = (jnp.dot(nfx.astype(jnp.bfloat16), w16[0],
                       preferred_element_type=jnp.float32)
               + jnp.dot(agg_m.astype(jnp.bfloat16), w16[1],
                         preferred_element_type=jnp.float32)
               + jnp.dot(agg_w.astype(jnp.bfloat16), w16[2],
                         preferred_element_type=jnp.float32)
               + b1_r[...])
        h = jnp.maximum(pre, 0.0)
        o = jnp.dot(h.astype(jnp.bfloat16), w2_r[...].astype(jnp.bfloat16),
                    preferred_element_type=jnp.float32) + b2_r[...]
        mu = jnp.mean(o, axis=-1, keepdims=True)
        var = jnp.mean((o - mu) ** 2, axis=-1, keepdims=True)
        ln = (o - mu) * lax.rsqrt(var + 1e-5) * g_r[...] + be_r[...]
        out_r[...] = ln + nfx

    row = pl.BlockSpec((blk, _D), lambda i: (i, 0))
    full = pl.BlockSpec((_D, _D), lambda i: (0, 0))
    vec = pl.BlockSpec((1, _D), lambda i: (0, 0))
    return pl.pallas_call(
        body,
        grid=(grid,),
        in_specs=[row, row, row, row, row,
                  pl.BlockSpec((3, _D, _D), lambda i: (0, 0, 0)),
                  vec, full, vec, vec, vec],
        out_specs=row,
        out_shape=jax.ShapeDtypeStruct((_N, _D), jnp.float32),
    )(nf, am0, am1, aw0, aw1, w_stack, b1.reshape(1, _D), w2,
      b2.reshape(1, _D), ln_g.reshape(1, _D), ln_b.reshape(1, _D))


def kernel(node_features, mesh_edge_features, mesh_senders, mesh_receivers,
           world_edge_features, world_senders, world_receivers, params):
    pm, pw, pn = params["mesh_edge"], params["world_edge"], params["node"]

    w_gather = jnp.stack([pm["W1"][:_D], pm["W1"][_D:2 * _D],
                          pw["W1"][:_D], pw["W1"][_D:2 * _D]])
    tam, tbm, taw, tbw = _precompute_tables(node_features, w_gather)

    ms = mesh_senders.astype(jnp.int32)
    mr = mesh_receivers.astype(jnp.int32)
    ws = world_senders.astype(jnp.int32)
    wr = world_receivers.astype(jnp.int32)

    gm = _sc_gather(tam, tbm, ms, mr, _E_MESH)
    gw = _sc_gather(taw, tbw, ws, wr, _E_WORLD)

    new_m, out_m = _edge_mlp(gm, mesh_edge_features,
                             pm["W1"][2 * _D:], pm["b1"], pm["W2"], pm["b2"],
                             pm["ln_g"], pm["ln_b"])
    new_w, out_w = _edge_mlp(gw, world_edge_features,
                             pw["W1"][2 * _D:], pw["b1"], pw["W2"], pw["b2"],
                             pw["ln_g"], pw["ln_b"])

    aggm2 = _sc_scatter(new_m, mr, _E_MESH)
    aggw2 = _sc_scatter(new_w, wr, _E_WORLD)

    w_node = jnp.stack([pn["W1"][:_D], pn["W1"][_D:2 * _D], pn["W1"][2 * _D:]])
    new_nodes = _node_mlp(node_features,
                          aggm2[:_N], aggm2[_N:], aggw2[:_N], aggw2[_N:],
                          w_node, pn["b1"], pn["W2"], pn["b2"],
                          pn["ln_g"], pn["ln_b"])
    return new_nodes, out_m, out_w

# --- scband reference (transcript-rebuilt; emitter-appended) ---
"""Pipeline reference for scband-graph-net-33956011442625 (READ-ONLY COPY).

The authoritative reference and input builder live on the scoring server;
editing this copy changes nothing except your own understanding.
"""

import jax, jax.numpy as jnp
import numpy as np

N = 10000
D = 128
H = 128
E_MESH = 320000
E_WORLD = 160000


def _mlp_params(key, in_dim, hidden, out_dim):
    k1, k2 = jax.random.split(key)
    return {
        "W1": jax.random.normal(k1, (in_dim, hidden), dtype=jnp.float32) * (1.0 / np.sqrt(in_dim)),
        "b1": jnp.zeros((hidden,), dtype=jnp.float32),
        "W2": jax.random.normal(k2, (hidden, out_dim), dtype=jnp.float32) * (1.0 / np.sqrt(hidden)),
        "b2": jnp.zeros((out_dim,), dtype=jnp.float32),
        "ln_g": jnp.ones((out_dim,), dtype=jnp.float32),
        "ln_b": jnp.zeros((out_dim,), dtype=jnp.float32),
    }


def _mlp(p, x):
    h = jnp.maximum(x @ p["W1"] + p["b1"], 0.0)
    o = h @ p["W2"] + p["b2"]
    mu = o.mean(axis=-1, keepdims=True)
    var = o.var(axis=-1, keepdims=True)
    return (o - mu) / jnp.sqrt(var + 1e-5) * p["ln_g"] + p["ln_b"]


def setup_inputs(seed: int = 0) -> dict:
    key = jax.random.key(seed)
    ks = jax.random.split(key, 10)
    node_features = jax.random.normal(ks[0], (N, D), dtype=jnp.float32)
    mesh_edge_features = jax.random.normal(ks[1], (E_MESH, D), dtype=jnp.float32)
    world_edge_features = jax.random.normal(ks[2], (E_WORLD, D), dtype=jnp.float32)
    mesh_senders = jax.random.randint(ks[3], (E_MESH,), 0, N, dtype=jnp.int64 if jax.config.read('jax_enable_x64') else jnp.int32)
    mesh_receivers = jax.random.randint(ks[4], (E_MESH,), 0, N, dtype=jnp.int64 if jax.config.read('jax_enable_x64') else jnp.int32)
    world_senders = jax.random.randint(ks[5], (E_WORLD,), 0, N, dtype=jnp.int64 if jax.config.read('jax_enable_x64') else jnp.int32)
    world_receivers = jax.random.randint(ks[6], (E_WORLD,), 0, N, dtype=jnp.int64 if jax.config.read('jax_enable_x64') else jnp.int32)
    params = {
        "mesh_edge": _mlp_params(ks[7], 3 * D, H, D),
        "world_edge": _mlp_params(ks[8], 3 * D, H, D),
        "node": _mlp_params(ks[9], 3 * D, H, D),
    }
    return {
        "node_features": node_features,
        "mesh_edge_features": mesh_edge_features,
        "mesh_senders": mesh_senders,
        "mesh_receivers": mesh_receivers,
        "world_edge_features": world_edge_features,
        "world_senders": world_senders,
        "world_receivers": world_receivers,
        "params": params,
    }


def reference(node_features, mesh_edge_features, mesh_senders, mesh_receivers,
              world_edge_features, world_senders, world_receivers, params):
    # --- update edge features (gather sender/receiver node feats, concat, MLP) ---
    mesh_in = jnp.concatenate([
        jnp.take(node_features, mesh_senders, axis=0),
        jnp.take(node_features, mesh_receivers, axis=0),
        mesh_edge_features,
    ], axis=-1)
    new_mesh = _mlp(params["mesh_edge"], mesh_in)

    world_in = jnp.concatenate([
        jnp.take(node_features, world_senders, axis=0),
        jnp.take(node_features, world_receivers, axis=0),
        world_edge_features,
    ], axis=-1)
    new_world = _mlp(params["world_edge"], world_in)

    # --- update node features (unsorted segment sum aggregation per edge set) ---
    agg_mesh = jax.ops.segment_sum(new_mesh, mesh_receivers, num_segments=N)
    agg_world = jax.ops.segment_sum(new_world, world_receivers, num_segments=N)
    node_in = jnp.concatenate([node_features, agg_mesh, agg_world], axis=-1)
    new_node_features = _mlp(params["node"], node_in)

    # --- residual connections ---
    new_node_features = new_node_features + node_features
    out_mesh = new_mesh + mesh_edge_features
    out_world = new_world + world_edge_features
    return new_node_features, out_mesh, out_world

if __name__ == "__main__":
    import jax
    _d = setup_inputs()
    print(jax.jit(kernel)(*tuple(_d.values())))

</pallas_src>

<mosaic_0001>
#map = affine_map<(d0, d1) -> (0, 0)>
#map1 = affine_map<(d0, d1) -> (0)>
module attributes {stable_mosaic.version = 14 : i64} {
  func.func @k(%arg0: i32, %arg1: i32, %arg2: memref<160000x128xf32, #tpu.memory_space<hbm>>, %arg3: memref<160000xi32, #tpu.memory_space<hbm>>, %arg4: memref<20000x128xf32, #tpu.memory_space<hbm>>, %arg5: memref<80x128xf32, #tpu.memory_space<vmem>>, %arg6: memref<2x128xi32, #tpu.memory_space<vmem>>, %arg7: memref<2x128x128xf32, #tpu.memory_space<vmem>>, %arg8: memref<10000x128xf32, #tpu.memory_space<vmem_shared>>, %arg9: memref<!tpu.dma_semaphore, #tpu.memory_space<semaphore_mem>>, %arg10: memref<!tpu.dma_semaphore, #tpu.memory_space<semaphore_mem>>) attributes {dimension_semantics = [#tpu.dimension_semantics<core_parallel>, #tpu.dimension_semantics<subcore_parallel>], iteration_bounds = array<i64: 2, 16>, scalar_prefetch = 0 : i64, scratch_operands = 6 : i64, tpu.core_type = #tpu.core_type<sc_vector_subcore>, window_params = [{transform_indices = #map}, {transform_indices = #map1}, {transform_indices = #map}]} {
    %mul3A = arith.constant 16 : i32
    %mul3A_0 = arith.muli %arg0, %mul3A : i32
    %add3A = arith.addi %mul3A_0, %arg1 : i32
    %broadcast_in_dim3A = arith.constant 0.000000e+00 : f32
    %broadcast_in_dim3A_1 = vector.broadcast %broadcast_in_dim3A : f32 to vector<16xf32>
    %scan3A = arith.constant 0 : i32
    %scan3A_2 = arith.constant 80 : i32
    %scan3A_3 = arith.addi %scan3A, %scan3A_2 : i32
    %scan3A_4 = arith.constant 1 : i32
    scf.for %scan3A_25 = %scan3A to %scan3A_3 step %scan3A_4  : i32 {
      %swap3A = arith.index_cast %scan3A_25 : i32 to index
      %swap3A_26 = arith.constant 0 : index
      %swap3A_27 = tpu.vector_load %arg5[%swap3A, %swap3A_26] {strides = array<i32>} : memref<80x128xf32, #tpu.memory_space<vmem>>, vector<1x16xf32>,
      %swap3A_28 = vector.shape_cast %swap3A_27 : vector<1x16xf32> to vector<16xf32>
      %swap3A_29 = vector.shape_cast %broadcast_in_dim3A_1 : vector<16xf32> to vector<1x16xf32>
      tpu.vector_store %arg5[%swap3A, %swap3A_26], %swap3A_29 {strides = array<i32>} : memref<80x128xf32, #tpu.memory_space<vmem>>, vector<1x16xf32>,
      %swap3A_30 = arith.index_cast %scan3A_25 : i32 to index
      %swap3A_31 = arith.constant 16 : index
      %swap3A_32 = tpu.vector_load %arg5[%swap3A_30, %swap3A_31] {strides = array<i32>} : memref<80x128xf32, #tpu.memory_space<vmem>>, vector<1x16xf32>,
      %swap3A_33 = vector.shape_cast %swap3A_32 : vector<1x16xf32> to vector<16xf32>
      %swap3A_34 = vector.shape_cast %broadcast_in_dim3A_1 : vector<16xf32> to vector<1x16xf32>
      tpu.vector_store %arg5[%swap3A_30, %swap3A_31], %swap3A_34 {strides = array<i32>} : memref<80x128xf32, #tpu.memory_space<vmem>>, vector<1x16xf32>,
      %swap3A_35 = arith.index_cast %scan3A_25 : i32 to index
      %swap3A_36 = arith.constant 32 : index
      %swap3A_37 = tpu.vector_load %arg5[%swap3A_35, %swap3A_36] {strides = array<i32>} : memref<80x128xf32, #tpu.memory_space<vmem>>, vector<1x16xf32>,
      %swap3A_38 = vector.shape_cast %swap3A_37 : vector<1x16xf32> to vector<16xf32>
      %swap3A_39 = vector.shape_cast %broadcast_in_dim3A_1 : vector<16xf32> to vector<1x16xf32>
      tpu.vector_store %arg5[%swap3A_35, %swap3A_36], %swap3A_39 {strides = array<i32>} : memref<80x128xf32, #tpu.memory_space<vmem>>, vector<1x16xf32>,
      %swap3A_40 = arith.index_cast %scan3A_25 : i32 to index
      %swap3A_41 = arith.constant 48 : index
      %swap3A_42 = tpu.vector_load %arg5[%swap3A_40, %swap3A_41] {strides = array<i32>} : memref<80x128xf32, #tpu.memory_space<vmem>>, vector<1x16xf32>,
      %swap3A_43 = vector.shape_cast %swap3A_42 : vector<1x16xf32> to vector<16xf32>
      %swap3A_44 = vector.shape_cast %broadcast_in_dim3A_1 : vector<16xf32> to vector<1x16xf32>
      tpu.vector_store %arg5[%swap3A_40, %swap3A_41], %swap3A_44 {strides = array<i32>} : memref<80x128xf32, #tpu.memory_space<vmem>>, vector<1x16xf32>,
      %swap3A_45 = arith.index_cast %scan3A_25 : i32 to index
      %swap3A_46 = arith.constant 64 : index
      %swap3A_47 = tpu.vector_load %arg5[%swap3A_45, %swap3A_46] {strides = array<i32>} : memref<80x128xf32, #tpu.memory_space<vmem>>, vector<1x16xf32>,
      %swap3A_48 = vector.shape_cast %swap3A_47 : vector<1x16xf32> to vector<16xf32>
      %swap3A_49 = vector.shape_cast %broadcast_in_dim3A_1 : vector<16xf32> to vector<1x16xf32>
      tpu.vector_store %arg5[%swap3A_45, %swap3A_46], %swap3A_49 {strides = array<i32>} : memref<80x128xf32, #tpu.memory_space<vmem>>, vector<1x16xf32>,
      %swap3A_50 = arith.index_cast %scan3A_25 : i32 to index
      %swap3A_51 = arith.constant 80 : index
      %swap3A_52 = tpu.vector_load %arg5[%swap3A_50, %swap3A_51] {strides = array<i32>} : memref<80x128xf32, #tpu.memory_space<vmem>>, vector<1x16xf32>,
      %swap3A_53 = vector.shape_cast %swap3A_52 : vector<1x16xf32> to vector<16xf32>
      %swap3A_54 = vector.shape_cast %broadcast_in_dim3A_1 : vector<16xf32> to vector<1x16xf32>
      tpu.vector_store %arg5[%swap3A_50, %swap3A_51], %swap3A_54 {strides = array<i32>} : memref<80x128xf32, #tpu.memory_space<vmem>>, vector<1x16xf32>,
      %swap3A_55 = arith.index_cast %scan3A_25 : i32 to index
      %swap3A_56 = arith.constant 96 : index
      %swap3A_57 = tpu.vector_load %arg5[%swap3A_55, %swap3A_56] {strides = array<i32>} : memref<80x128xf32, #tpu.memory_space<vmem>>, vector<1x16xf32>,
      %swap3A_58 = vector.shape_cast %swap3A_57 : vector<1x16xf32> to vector<16xf32>
      %swap3A_59 = vector.shape_cast %broadcast_in_dim3A_1 : vector<16xf32> to vector<1x16xf32>
      tpu.vector_store %arg5[%swap3A_55, %swap3A_56], %swap3A_59 {strides = array<i32>} : memref<80x128xf32, #tpu.memory_space<vmem>>, vector<1x16xf32>,
      %swap3A_60 = arith.index_cast %scan3A_25 : i32 to index
      %swap3A_61 = arith.constant 112 : index
      %swap3A_62 = tpu.vector_load %arg5[%swap3A_60, %swap3A_61] {strides = array<i32>} : memref<80x128xf32, #tpu.memory_space<vmem>>, vector<1x16xf32>,
      %swap3A_63 = vector.shape_cast %swap3A_62 : vector<1x16xf32> to vector<16xf32>
      %swap3A_64 = vector.shape_cast %broadcast_in_dim3A_1 : vector<16xf32> to vector<1x16xf32>
      tpu.vector_store %arg5[%swap3A_60, %swap3A_61], %swap3A_64 {strides = array<i32>} : memref<80x128xf32, #tpu.memory_space<vmem>>, vector<1x16xf32>,
    }
    %scan3A_5 = arith.constant 80 : i32
    %scan3A_6 = arith.constant 0 : i32
    %scan3A_7 = arith.constant 8 : i32
    %scan3A_8 = arith.addi %scan3A_6, %scan3A_7 : i32
    %scan3A_9 = arith.constant 1 : i32
    scf.for %scan3A_25 = %scan3A_6 to %scan3A_8 step %scan3A_9  : i32 {
      %mul3A_26 = arith.constant 16 : i32
      %mul3A_27 = arith.muli %scan3A_25, %mul3A_26 : i32
      %add3A_28 = arith.addi %arg1, %mul3A_27 : i32
      %lt3A_29 = arith.constant 125 : i32
      %lt3A_30 = arith.cmpi slt, %add3A_28, %lt3A_29 : i32
      %convert_element_type3A_31 = arith.extui %lt3A_30 : i1 to i32
      %cond3A_32 = arith.constant 0 : i32
      %cond3A_33 = arith.cmpi ne, %convert_element_type3A_31, %cond3A_32 : i32
      scf.if %cond3A_33 {
        %mul3A_34 = arith.constant 80 : i32
        %mul3A_35 = arith.muli %add3A_28, %mul3A_34 : i32
        "tpu.region"() ({
          %run_scoped3A = tpu.sem_alloc : memref<!tpu.dma_semaphore, #tpu.memory_space<semaphore_mem>>
          %dma_start3A = arith.constant 0 : i32
          %dma_start3A_36 = tpu.memref_slice %arg8[%mul3A_35, %dma_start3A] : memref<10000x128xf32, #tpu.memory_space<vmem_shared>> -> memref<80x128xf32, #tpu.memory_space<vmem_shared>>
          %dma_start3A_37 = arith.constant 0 : i32
          %dma_start3A_38 = tpu.memref_slice %arg8[%mul3A_35, %dma_start3A_37] : memref<10000x128xf32, #tpu.memory_space<vmem_shared>> -> memref<80x128xf32, #tpu.memory_space<vmem_shared>>
          tpu.enqueue_dma source(%arg5 : memref<80x128xf32, #tpu.memory_space<vmem>>) target(%dma_start3A_38 : memref<80x128xf32, #tpu.memory_space<vmem_shared>>) target_semaphore(%run_scoped3A : memref<!tpu.dma_semaphore, #tpu.memory_space<semaphore_mem>>)
          %dma_wait3A = arith.constant 0 : i32
          %dma_wait3A_39 = tpu.memref_slice %arg8[%mul3A_35, %dma_wait3A] : memref<10000x128xf32, #tpu.memory_space<vmem_shared>> -> memref<80x128xf32, #tpu.memory_space<vmem_shared>>
          %dma_wait3A_40 = arith.constant 0 : i32
          %dma_wait3A_41 = tpu.memref_slice %arg8[%mul3A_35, %dma_wait3A_40] : memref<10000x128xf32, #tpu.memory_space<vmem_shared>> -> memref<80x128xf32, #tpu.memory_space<vmem_shared>>
          tpu.wait_dma2 semaphore(%run_scoped3A : memref<!tpu.dma_semaphore, #tpu.memory_space<semaphore_mem>>) src(%arg5 : memref<80x128xf32, #tpu.memory_space<vmem>>) dst(%dma_wait3A_41 : memref<80x128xf32, #tpu.memory_space<vmem_shared>>)
          tpu.yield
        }) : () -> ()
      } else {
      }
    }
    %scan3A_10 = arith.constant 8 : i32
    %barrier3A = arith.constant 0 : index
    tpu.barrier barrier_id(%barrier3A)
    %lt3A = arith.constant 1250 : i32
    %lt3A_11 = arith.cmpi slt, %add3A, %lt3A : i32
    %convert_element_type3A = arith.extui %lt3A_11 : i1 to i32
    %cond3A = arith.constant 0 : i32
    %cond3A_12 = arith.cmpi ne, %convert_element_type3A, %cond3A : i32
    scf.if %cond3A_12 {
      %mul3A_25 = arith.constant 128 : i32
      %mul3A_26 = arith.muli %add3A, %mul3A_25 : i32
      %dma_start3A = arith.constant 0 : i32
      %dma_start3A_27 = arith.constant 0 : i32
      %dma_start3A_28 = tpu.memref_slice %arg6[%dma_start3A, %dma_start3A_27] : memref<2x128xi32, #tpu.memory_space<vmem>> -> memref<1x128xi32, #tpu.memory_space<vmem>>
      %dma_start3A_29 = tpu.memref_squeeze %dma_start3A_28 : memref<1x128xi32, #tpu.memory_space<vmem>> -> memref<128xi32, #tpu.memory_space<vmem>>
      %dma_start3A_30 = tpu.memref_slice %arg3[%mul3A_26] : memref<160000xi32, #tpu.memory_space<hbm>> -> memref<128xi32, #tpu.memory_space<hbm>>
      %dma_start3A_31 = arith.constant 0 : i32
      %dma_start3A_32 = tpu.memref_slice %arg6[%dma_start3A, %dma_start3A_31] : memref<2x128xi32, #tpu.memory_space<vmem>> -> memref<1x128xi32, #tpu.memory_space<vmem>>
      %dma_start3A_33 = tpu.memref_squeeze %dma_start3A_32 : memref<1x128xi32, #tpu.memory_space<vmem>> -> memref<128xi32, #tpu.memory_space<vmem>>
      %dma_start3A_34 = tpu.memref_slice %arg3[%mul3A_26] : memref<160000xi32, #tpu.memory_space<hbm>> -> memref<128xi32, #tpu.memory_space<hbm>>
      tpu.enqueue_dma source(%dma_start3A_34 : memref<128xi32, #tpu.memory_space<hbm>>) target(%dma_start3A_33 : memref<128xi32, #tpu.memory_space<vmem>>) target_semaphore(%arg9 : memref<!tpu.dma_semaphore, #tpu.memory_space<semaphore_mem>>)
      %dma_start3A_35 = arith.constant 0 : i32
      %dma_start3A_36 = arith.constant 0 : i32
      %dma_start3A_37 = arith.constant 0 : i32
      %dma_start3A_38 = tpu.memref_slice %arg7[%dma_start3A_35, %dma_start3A_36, %dma_start3A_37] : memref<2x128x128xf32, #tpu.memory_space<vmem>> -> memref<1x128x128xf32, #tpu.memory_space<vmem>>
      %dma_start3A_39 = tpu.memref_squeeze %dma_start3A_38 : memref<1x128x128xf32, #tpu.memory_space<vmem>> -> memref<128x128xf32, #tpu.memory_space<vmem>>
      %dma_start3A_40 = arith.constant 0 : i32
      %dma_start3A_41 = tpu.memref_slice %arg2[%mul3A_26, %dma_start3A_40] : memref<160000x128xf32, #tpu.memory_space<hbm>> -> memref<128x128xf32, #tpu.memory_space<hbm>>
      %dma_start3A_42 = arith.constant 0 : i32
      %dma_start3A_43 = arith.constant 0 : i32
      %dma_start3A_44 = tpu.memref_slice %arg7[%dma_start3A_35, %dma_start3A_42, %dma_start3A_43] : memref<2x128x128xf32, #tpu.memory_space<vmem>> -> memref<1x128x128xf32, #tpu.memory_space<vmem>>
      %dma_start3A_45 = tpu.memref_squeeze %dma_start3A_44 : memref<1x128x128xf32, #tpu.memory_space<vmem>> -> memref<128x128xf32, #tpu.memory_space<vmem>>
      %dma_start3A_46 = arith.constant 0 : i32
      %dma_start3A_47 = tpu.memref_slice %arg2[%mul3A_26, %dma_start3A_46] : memref<160000x128xf32, #tpu.memory_space<hbm>> -> memref<128x128xf32, #tpu.memory_space<hbm>>
      tpu.enqueue_dma source(%dma_start3A_47 : memref<128x128xf32, #tpu.memory_space<hbm>>) target(%dma_start3A_45 : memref<128x128xf32, #tpu.memory_space<vmem>>) target_semaphore(%arg10 : memref<!tpu.dma_semaphore, #tpu.memory_space<semaphore_mem>>)
    } else {
    }
    %scan3A_13 = arith.constant 0 : i32
    %scan3A_14 = arith.constant 20 : i32
    %scan3A_15 = arith.addi %scan3A_13, %scan3A_14 : i32
    %scan3A_16 = arith.constant 1 : i32
    scf.for %scan3A_25 = %scan3A_13 to %scan3A_15 step %scan3A_16  : i32 {
      %mul3A_26 = arith.constant 2 : i32
      %mul3A_27 = arith.muli %mul3A_26, %scan3A_25 : i32
      %add3A_28 = arith.constant 0 : i32
      %add3A_29 = arith.addi %mul3A_27, %add3A_28 : i32
      %mul3A_30 = arith.constant 32 : i32
      %mul3A_31 = arith.muli %add3A_29, %mul3A_30 : i32
      %add3A_32 = arith.addi %add3A, %mul3A_31 : i32
      %add3A_33 = arith.constant 32 : i32
      %add3A_34 = arith.addi %add3A_32, %add3A_33 : i32
      %lt3A_35 = arith.constant 1250 : i32
      %lt3A_36 = arith.cmpi slt, %add3A_32, %lt3A_35 : i32
      %convert_element_type3A_37 = arith.extui %lt3A_36 : i1 to i32
      %cond3A_38 = arith.constant 0 : i32
      %cond3A_39 = arith.cmpi ne, %convert_element_type3A_37, %cond3A_38 : i32
      scf.if %cond3A_39 {
        %dma_wait3A = arith.constant 0 : i32
        %dma_wait3A_54 = arith.constant 0 : i32
        %dma_wait3A_55 = tpu.memref_slice %arg6[%dma_wait3A, %dma_wait3A_54] : memref<2x128xi32, #tpu.memory_space<vmem>> -> memref<1x128xi32, #tpu.memory_space<vmem>>
        %dma_wait3A_56 = tpu.memref_squeeze %dma_wait3A_55 : memref<1x128xi32, #tpu.memory_space<vmem>> -> memref<128xi32, #tpu.memory_space<vmem>>
        %dma_wait3A_57 = arith.constant 0 : i32
        %dma_wait3A_58 = tpu.memref_slice %arg3[%dma_wait3A_57] : memref<160000xi32, #tpu.memory_space<hbm>> -> memref<128xi32, #tpu.memory_space<hbm>>
        %dma_wait3A_59 = arith.constant 0 : i32
        %dma_wait3A_60 = tpu.memref_slice %arg6[%dma_wait3A, %dma_wait3A_59] : memref<2x128xi32, #tpu.memory_space<vmem>> -> memref<1x128xi32, #tpu.memory_space<vmem>>
        %dma_wait3A_61 = tpu.memref_squeeze %dma_wait3A_60 : memref<1x128xi32, #tpu.memory_space<vmem>> -> memref<128xi32, #tpu.memory_space<vmem>>
        %dma_wait3A_62 = arith.constant 0 : i32
        %dma_wait3A_63 = tpu.memref_slice %arg3[%dma_wait3A_62] : memref<160000xi32, #tpu.memory_space<hbm>> -> memref<128xi32, #tpu.memory_space<hbm>>
        tpu.wait_dma2 semaphore(%arg9 : memref<!tpu.dma_semaphore, #tpu.memory_space<semaphore_mem>>) src(%dma_wait3A_63 : memref<128xi32, #tpu.memory_space<hbm>>) dst(%dma_wait3A_61 : memref<128xi32, #tpu.memory_space<vmem>>)
        %dma_wait3A_64 = arith.constant 0 : i32
        %dma_wait3A_65 = arith.constant 0 : i32
        %dma_wait3A_66 = arith.constant 0 : i32
        %dma_wait3A_67 = tpu.memref_slice %arg7[%dma_wait3A_64, %dma_wait3A_65, %dma_wait3A_66] : memref<2x128x128xf32, #tpu.memory_space<vmem>> -> memref<1x128x128xf32, #tpu.memory_space<vmem>>
        %dma_wait3A_68 = tpu.memref_squeeze %dma_wait3A_67 : memref<1x128x128xf32, #tpu.memory_space<vmem>> -> memref<128x128xf32, #tpu.memory_space<vmem>>
        %dma_wait3A_69 = arith.constant 0 : i32
        %dma_wait3A_70 = arith.constant 0 : i32
        %dma_wait3A_71 = tpu.memref_slice %arg2[%dma_wait3A_69, %dma_wait3A_70] : memref<160000x128xf32, #tpu.memory_space<hbm>> -> memref<128x128xf32, #tpu.memory_space<hbm>>
        %dma_wait3A_72 = arith.constant 0 : i32
        %dma_wait3A_73 = arith.constant 0 : i32
        %dma_wait3A_74 = tpu.memref_slice %arg7[%dma_wait3A_64, %dma_wait3A_72, %dma_wait3A_73] : memref<2x128x128xf32, #tpu.memory_space<vmem>> -> memref<1x128x128xf32, #tpu.memory_space<vmem>>
        %dma_wait3A_75 = tpu.memref_squeeze %dma_wait3A_74 : memref<1x128x128xf32, #tpu.memory_space<vmem>> -> memref<128x128xf32, #tpu.memory_space<vmem>>
        %dma_wait3A_76 = arith.constant 0 : i32
        %dma_wait3A_77 = arith.constant 0 : i32
        %dma_wait3A_78 = tpu.memref_slice %arg2[%dma_wait3A_76, %dma_wait3A_77] : memref<160000x128xf32, #tpu.memory_space<hbm>> -> memref<128x128xf32, #tpu.memory_space<hbm>>
        tpu.wait_dma2 semaphore(%arg10 : memref<!tpu.dma_semaphore, #tpu.memory_space<semaphore_mem>>) src(%dma_wait3A_78 : memref<128x128xf32, #tpu.memory_space<hbm>>) dst(%dma_wait3A_75 : memref<128x128xf32, #tpu.memory_space<vmem>>)
        %lt3A_79 = arith.constant 1250 : i32
        %lt3A_80 = arith.cmpi slt, %add3A_34, %lt3A_79 : i32
        %convert_element_type3A_81 = arith.extui %lt3A_80 : i1 to i32
        %cond3A_82 = arith.constant 0 : i32
        %cond3A_83 = arith.cmpi ne, %convert_element_type3A_81, %cond3A_82 : i32
        scf.if %cond3A_83 {
          %mul3A_85 = arith.constant 128 : i32
          %mul3A_86 = arith.muli %add3A_34, %mul3A_85 : i32
          %dma_start3A = arith.constant 1 : i32
          %dma_start3A_87 = arith.constant 0 : i32
          %dma_start3A_88 = tpu.memref_slice %arg6[%dma_start3A, %dma_start3A_87] : memref<2x128xi32, #tpu.memory_space<vmem>> -> memref<1x128xi32, #tpu.memory_space<vmem>>
          %dma_start3A_89 = tpu.memref_squeeze %dma_start3A_88 : memref<1x128xi32, #tpu.memory_space<vmem>> -> memref<128xi32, #tpu.memory_space<vmem>>
          %dma_start3A_90 = tpu.memref_slice %arg3[%mul3A_86] : memref<160000xi32, #tpu.memory_space<hbm>> -> memref<128xi32, #tpu.memory_space<hbm>>
          %dma_start3A_91 = arith.constant 0 : i32
          %dma_start3A_92 = tpu.memref_slice %arg6[%dma_start3A, %dma_start3A_91] : memref<2x128xi32, #tpu.memory_space<vmem>> -> memref<1x128xi32, #tpu.memory_space<vmem>>
          %dma_start3A_93 = tpu.memref_squeeze %dma_start3A_92 : memref<1x128xi32, #tpu.memory_space<vmem>> -> memref<128xi32, #tpu.memory_space<vmem>>
          %dma_start3A_94 = tpu.memref_slice %arg3[%mul3A_86] : memref<160000xi32, #tpu.memory_space<hbm>> -> memref<128xi32, #tpu.memory_space<hbm>>
          tpu.enqueue_dma source(%dma_start3A_94 : memref<128xi32, #tpu.memory_space<hbm>>) target(%dma_start3A_93 : memref<128xi32, #tpu.memory_space<vmem>>) target_semaphore(%arg9 : memref<!tpu.dma_semaphore, #tpu.memory_space<semaphore_mem>>)
          %dma_start3A_95 = arith.constant 1 : i32
          %dma_start3A_96 = arith.constant 0 : i32
          %dma_start3A_97 = arith.constant 0 : i32
          %dma_start3A_98 = tpu.memref_slice %arg7[%dma_start3A_95, %dma_start3A_96, %dma_start3A_97] : memref<2x128x128xf32, #tpu.memory_space<vmem>> -> memref<1x128x128xf32, #tpu.memory_space<vmem>>
          %dma_start3A_99 = tpu.memref_squeeze %dma_start3A_98 : memref<1x128x128xf32, #tpu.memory_space<vmem>> -> memref<128x128xf32, #tpu.memory_space<vmem>>
          %dma_start3A_100 = arith.constant 0 : i32
          %dma_start3A_101 = tpu.memref_slice %arg2[%mul3A_86, %dma_start3A_100] : memref<160000x128xf32, #tpu.memory_space<hbm>> -> memref<128x128xf32, #tpu.memory_space<hbm>>
          %dma_start3A_102 = arith.constant 0 : i32
          %dma_start3A_103 = arith.constant 0 : i32
          %dma_start3A_104 = tpu.memref_slice %arg7[%dma_start3A_95, %dma_start3A_102, %dma_start3A_103] : memref<2x128x128xf32, #tpu.memory_space<vmem>> -> memref<1x128x128xf32, #tpu.memory_space<vmem>>
          %dma_start3A_105 = tpu.memref_squeeze %dma_start3A_104 : memref<1x128x128xf32, #tpu.memory_space<vmem>> -> memref<128x128xf32, #tpu.memory_space<vmem>>
          %dma_start3A_106 = arith.constant 0 : i32
          %dma_start3A_107 = tpu.memref_slice %arg2[%mul3A_86, %dma_start3A_106] : memref<160000x128xf32, #tpu.memory_space<hbm>> -> memref<128x128xf32, #tpu.memory_space<hbm>>
          tpu.enqueue_dma source(%dma_start3A_107 : memref<128x128xf32, #tpu.memory_space<hbm>>) target(%dma_start3A_105 : memref<128x128xf32, #tpu.memory_space<vmem>>) target_semaphore(%arg10 : memref<!tpu.dma_semaphore, #tpu.memory_space<semaphore_mem>>)
        } else {
        }
        %run_scoped3A = arith.constant 0 : i32
        %run_scoped3A_84 = arith.constant 0 : i32
        "tpu.region"() ({
          %run_scoped3A_85 = tpu.sem_alloc : memref<!tpu.dma_semaphore, #tpu.memory_space<semaphore_mem>>
          %dma_start3A = arith.constant 0 : i32
          %dma_start3A_86 = arith.constant 0 : i32
          %dma_start3A_87 = tpu.memref_slice %arg7[%run_scoped3A, %dma_start3A, %dma_start3A_86] : memref<2x128x128xf32, #tpu.memory_space<vmem>> -> memref<1x128x128xf32, #tpu.memory_space<vmem>>
          %dma_start3A_88 = tpu.memref_squeeze %dma_start3A_87 : memref<1x128x128xf32, #tpu.memory_space<vmem>> -> memref<128x128xf32, #tpu.memory_space<vmem>>
          %dma_start3A_89 = arith.constant 0 : i32
          %dma_start3A_90 = tpu.memref_slice %arg6[%run_scoped3A_84, %dma_start3A_89] : memref<2x128xi32, #tpu.memory_space<vmem>> -> memref<1x128xi32, #tpu.memory_space<vmem>>
          %dma_start3A_91 = tpu.memref_squeeze %dma_start3A_90 : memref<1x128xi32, #tpu.memory_space<vmem>> -> memref<128xi32, #tpu.memory_space<vmem>>
          %dma_start3A_92 = arith.constant 0 : i32
          %dma_start3A_93 = arith.constant 0 : i32
          %dma_start3A_94 = tpu.memref_slice %arg8[%dma_start3A_92, %dma_start3A_93] : memref<10000x128xf32, #tpu.memory_space<vmem_shared>> -> memref<10000x128xf32, #tpu.memory_space<vmem_shared>>
          tpu.enqueue_indirect_dma source(%dma_start3A_88 : memref<128x128xf32, #tpu.memory_space<vmem>>) target(%dma_start3A_94 : memref<10000x128xf32, #tpu.memory_space<vmem_shared>>) offsets(%dma_start3A_91 : memref<128xi32, #tpu.memory_space<vmem>>) semaphore(%run_scoped3A_85 : memref<!tpu.dma_semaphore, #tpu.memory_space<semaphore_mem>>) {add = true}
          %dma_wait3A_95 = arith.constant 0 : i32
          %dma_wait3A_96 = arith.constant 0 : i32
          %dma_wait3A_97 = tpu.memref_slice %arg7[%run_scoped3A, %dma_wait3A_95, %dma_wait3A_96] : memref<2x128x128xf32, #tpu.memory_space<vmem>> -> memref<1x128x128xf32, #tpu.memory_space<vmem>>
          %dma_wait3A_98 = tpu.memref_squeeze %dma_wait3A_97 : memref<1x128x128xf32, #tpu.memory_space<vmem>> -> memref<128x128xf32, #tpu.memory_space<vmem>>
          %dma_wait3A_99 = arith.constant 0 : i32
          %dma_wait3A_100 = tpu.memref_slice %arg6[%run_scoped3A_84, %dma_wait3A_99] : memref<2x128xi32, #tpu.memory_space<vmem>> -> memref<1x128xi32, #tpu.memory_space<vmem>>
          %dma_wait3A_101 = tpu.memref_squeeze %dma_wait3A_100 : memref<1x128xi32, #tpu.memory_space<vmem>> -> memref<128xi32, #tpu.memory_space<vmem>>
          %dma_wait3A_102 = arith.constant 0 : i32
          %dma_wait3A_103 = arith.constant 0 : i32
          %dma_wait3A_104 = tpu.memref_slice %arg8[%dma_wait3A_102, %dma_wait3A_103] : memref<10000x128xf32, #tpu.memory_space<vmem_shared>> -> memref<10000x128xf32, #tpu.memory_space<vmem_shared>>
          tpu.wait_indirect_dma semaphore(%run_scoped3A_85 : memref<!tpu.dma_semaphore, #tpu.memory_space<semaphore_mem>>) src(%dma_wait3A_98 : memref<128x128xf32, #tpu.memory_space<vmem>>) dst(%dma_wait3A_104 : memref<10000x128xf32, #tpu.memory_space<vmem_shared>>)
          tpu.yield
        }) : () -> ()
      } else {
      }
      %mul3A_40 = arith.constant 2 : i32
      %mul3A_41 = arith.muli %mul3A_40, %scan3A_25 : i32
      %add3A_42 = arith.constant 1 : i32
      %add3A_43 = arith.addi %mul3A_41, %add3A_42 : i32
      %mul3A_44 = arith.constant 32 : i32
      %mul3A_45 = arith.muli %add3A_43, %mul3A_44 : i32
      %add3A_46 = arith.addi %add3A, %mul3A_45 : i32
      %add3A_47 = arith.constant 32 : i32
      %add3A_48 = arith.addi %add3A_46, %add3A_47 : i32
      %lt3A_49 = arith.constant 1250 : i32
      %lt3A_50 = arith.cmpi slt, %add3A_46, %lt3A_49 : i32
      %convert_element_type3A_51 = arith.extui %lt3A_50 : i1 to i32
      %cond3A_52 = arith.constant 0 : i32
      %cond3A_53 = arith.cmpi ne, %convert_element_type3A_51, %cond3A_52 : i32
      scf.if %cond3A_53 {
        %dma_wait3A = arith.constant 1 : i32
        %dma_wait3A_54 = arith.constant 0 : i32
        %dma_wait3A_55 = tpu.memref_slice %arg6[%dma_wait3A, %dma_wait3A_54] : memref<2x128xi32, #tpu.memory_space<vmem>> -> memref<1x128xi32, #tpu.memory_space<vmem>>
        %dma_wait3A_56 = tpu.memref_squeeze %dma_wait3A_55 : memref<1x128xi32, #tpu.memory_space<vmem>> -> memref<128xi32, #tpu.memory_space<vmem>>
        %dma_wait3A_57 = arith.constant 0 : i32
        %dma_wait3A_58 = tpu.memref_slice %arg3[%dma_wait3A_57] : memref<160000xi32, #tpu.memory_space<hbm>> -> memref<128xi32, #tpu.memory_space<hbm>>
        %dma_wait3A_59 = arith.constant 0 : i32
        %dma_wait3A_60 = tpu.memref_slice %arg6[%dma_wait3A, %dma_wait3A_59] : memref<2x128xi32, #tpu.memory_space<vmem>> -> memref<1x128xi32, #tpu.memory_space<vmem>>
        %dma_wait3A_61 = tpu.memref_squeeze %dma_wait3A_60 : memref<1x128xi32, #tpu.memory_space<vmem>> -> memref<128xi32, #tpu.memory_space<vmem>>
        %dma_wait3A_62 = arith.constant 0 : i32
        %dma_wait3A_63 = tpu.memref_slice %arg3[%dma_wait3A_62] : memref<160000xi32, #tpu.memory_space<hbm>> -> memref<128xi32, #tpu.memory_space<hbm>>
        tpu.wait_dma2 semaphore(%arg9 : memref<!tpu.dma_semaphore, #tpu.memory_space<semaphore_mem>>) src(%dma_wait3A_63 : memref<128xi32, #tpu.memory_space<hbm>>) dst(%dma_wait3A_61 : memref<128xi32, #tpu.memory_space<vmem>>)
        %dma_wait3A_64 = arith.constant 1 : i32
        %dma_wait3A_65 = arith.constant 0 : i32
        %dma_wait3A_66 = arith.constant 0 : i32
        %dma_wait3A_67 = tpu.memref_slice %arg7[%dma_wait3A_64, %dma_wait3A_65, %dma_wait3A_66] : memref<2x128x128xf32, #tpu.memory_space<vmem>> -> memref<1x128x128xf32, #tpu.memory_space<vmem>>
        %dma_wait3A_68 = tpu.memref_squeeze %dma_wait3A_67 : memref<1x128x128xf32, #tpu.memory_space<vmem>> -> memref<128x128xf32, #tpu.memory_space<vmem>>
        %dma_wait3A_69 = arith.constant 0 : i32
        %dma_wait3A_70 = arith.constant 0 : i32
        %dma_wait3A_71 = tpu.memref_slice %arg2[%dma_wait3A_69, %dma_wait3A_70] : memref<160000x128xf32, #tpu.memory_space<hbm>> -> memref<128x128xf32, #tpu.memory_space<hbm>>
        %dma_wait3A_72 = arith.constant 0 : i32
        %dma_wait3A_73 = arith.constant 0 : i32
        %dma_wait3A_74 = tpu.memref_slice %arg7[%dma_wait3A_64, %dma_wait3A_72, %dma_wait3A_73] : memref<2x128x128xf32, #tpu.memory_space<vmem>> -> memref<1x128x128xf32, #tpu.memory_space<vmem>>
        %dma_wait3A_75 = tpu.memref_squeeze %dma_wait3A_74 : memref<1x128x128xf32, #tpu.memory_space<vmem>> -> memref<128x128xf32, #tpu.memory_space<vmem>>
        %dma_wait3A_76 = arith.constant 0 : i32
        %dma_wait3A_77 = arith.constant 0 : i32
        %dma_wait3A_78 = tpu.memref_slice %arg2[%dma_wait3A_76, %dma_wait3A_77] : memref<160000x128xf32, #tpu.memory_space<hbm>> -> memref<128x128xf32, #tpu.memory_space<hbm>>
        tpu.wait_dma2 semaphore(%arg10 : memref<!tpu.dma_semaphore, #tpu.memory_space<semaphore_mem>>) src(%dma_wait3A_78 : memref<128x128xf32, #tpu.memory_space<hbm>>) dst(%dma_wait3A_75 : memref<128x128xf32, #tpu.memory_space<vmem>>)
        %lt3A_79 = arith.constant 1250 : i32
        %lt3A_80 = arith.cmpi slt, %add3A_48, %lt3A_79 : i32
        %convert_element_type3A_81 = arith.extui %lt3A_80 : i1 to i32
        %cond3A_82 = arith.constant 0 : i32
        %cond3A_83 = arith.cmpi ne, %convert_element_type3A_81, %cond3A_82 : i32
        scf.if %cond3A_83 {
          %mul3A_85 = arith.constant 128 : i32
          %mul3A_86 = arith.muli %add3A_48, %mul3A_85 : i32
          %dma_start3A = arith.constant 0 : i32
          %dma_start3A_87 = arith.constant 0 : i32
          %dma_start3A_88 = tpu.memref_slice %arg6[%dma_start3A, %dma_start3A_87] : memref<2x128xi32, #tpu.memory_space<vmem>> -> memref<1x128xi32, #tpu.memory_space<vmem>>
          %dma_start3A_89 = tpu.memref_squeeze %dma_start3A_88 : memref<1x128xi32, #tpu.memory_space<vmem>> -> memref<128xi32, #tpu.memory_space<vmem>>
          %dma_start3A_90 = tpu.memref_slice %arg3[%mul3A_86] : memref<160000xi32, #tpu.memory_space<hbm>> -> memref<128xi32, #tpu.memory_space<hbm>>
          %dma_start3A_91 = arith.constant 0 : i32
          %dma_start3A_92 = tpu.memref_slice %arg6[%dma_start3A, %dma_start3A_91] : memref<2x128xi32, #tpu.memory_space<vmem>> -> memref<1x128xi32, #tpu.memory_space<vmem>>
          %dma_start3A_93 = tpu.memref_squeeze %dma_start3A_92 : memref<1x128xi32, #tpu.memory_space<vmem>> -> memref<128xi32, #tpu.memory_space<vmem>>
          %dma_start3A_94 = tpu.memref_slice %arg3[%mul3A_86] : memref<160000xi32, #tpu.memory_space<hbm>> -> memref<128xi32, #tpu.memory_space<hbm>>
          tpu.enqueue_dma source(%dma_start3A_94 : memref<128xi32, #tpu.memory_space<hbm>>) target(%dma_start3A_93 : memref<128xi32, #tpu.memory_space<vmem>>) target_semaphore(%arg9 : memref<!tpu.dma_semaphore, #tpu.memory_space<semaphore_mem>>)
          %dma_start3A_95 = arith.constant 0 : i32
          %dma_start3A_96 = arith.constant 0 : i32
          %dma_start3A_97 = arith.constant 0 : i32
          %dma_start3A_98 = tpu.memref_slice %arg7[%dma_start3A_95, %dma_start3A_96, %dma_start3A_97] : memref<2x128x128xf32, #tpu.memory_space<vmem>> -> memref<1x128x128xf32, #tpu.memory_space<vmem>>
          %dma_start3A_99 = tpu.memref_squeeze %dma_start3A_98 : memref<1x128x128xf32, #tpu.memory_space<vmem>> -> memref<128x128xf32, #tpu.memory_space<vmem>>
          %dma_start3A_100 = arith.constant 0 : i32
          %dma_start3A_101 = tpu.memref_slice %arg2[%mul3A_86, %dma_start3A_100] : memref<160000x128xf32, #tpu.memory_space<hbm>> -> memref<128x128xf32, #tpu.memory_space<hbm>>
          %dma_start3A_102 = arith.constant 0 : i32
          %dma_start3A_103 = arith.constant 0 : i32
          %dma_start3A_104 = tpu.memref_slice %arg7[%dma_start3A_95, %dma_start3A_102, %dma_start3A_103] : memref<2x128x128xf32, #tpu.memory_space<vmem>> -> memref<1x128x128xf32, #tpu.memory_space<vmem>>
          %dma_start3A_105 = tpu.memref_squeeze %dma_start3A_104 : memref<1x128x128xf32, #tpu.memory_space<vmem>> -> memref<128x128xf32, #tpu.memory_space<vmem>>
          %dma_start3A_106 = arith.constant 0 : i32
          %dma_start3A_107 = tpu.memref_slice %arg2[%mul3A_86, %dma_start3A_106] : memref<160000x128xf32, #tpu.memory_space<hbm>> -> memref<128x128xf32, #tpu.memory_space<hbm>>
          tpu.enqueue_dma source(%dma_start3A_107 : memref<128x128xf32, #tpu.memory_space<hbm>>) target(%dma_start3A_105 : memref<128x128xf32, #tpu.memory_space<vmem>>) target_semaphore(%arg10 : memref<!tpu.dma_semaphore, #tpu.memory_space<semaphore_mem>>)
        } else {
        }
        %run_scoped3A = arith.constant 1 : i32
        %run_scoped3A_84 = arith.constant 1 : i32
        "tpu.region"() ({
          %run_scoped3A_85 = tpu.sem_alloc : memref<!tpu.dma_semaphore, #tpu.memory_space<semaphore_mem>>
          %dma_start3A = arith.constant 0 : i32
          %dma_start3A_86 = arith.constant 0 : i32
          %dma_start3A_87 = tpu.memref_slice %arg7[%run_scoped3A, %dma_start3A, %dma_start3A_86] : memref<2x128x128xf32, #tpu.memory_space<vmem>> -> memref<1x128x128xf32, #tpu.memory_space<vmem>>
          %dma_start3A_88 = tpu.memref_squeeze %dma_start3A_87 : memref<1x128x128xf32, #tpu.memory_space<vmem>> -> memref<128x128xf32, #tpu.memory_space<vmem>>
          %dma_start3A_89 = arith.constant 0 : i32
          %dma_start3A_90 = tpu.memref_slice %arg6[%run_scoped3A_84, %dma_start3A_89] : memref<2x128xi32, #tpu.memory_space<vmem>> -> memref<1x128xi32, #tpu.memory_space<vmem>>
          %dma_start3A_91 = tpu.memref_squeeze %dma_start3A_90 : memref<1x128xi32, #tpu.memory_space<vmem>> -> memref<128xi32, #tpu.memory_space<vmem>>
          %dma_start3A_92 = arith.constant 0 : i32
          %dma_start3A_93 = arith.constant 0 : i32
          %dma_start3A_94 = tpu.memref_slice %arg8[%dma_start3A_92, %dma_start3A_93] : memref<10000x128xf32, #tpu.memory_space<vmem_shared>> -> memref<10000x128xf32, #tpu.memory_space<vmem_shared>>
          tpu.enqueue_indirect_dma source(%dma_start3A_88 : memref<128x128xf32, #tpu.memory_space<vmem>>) target(%dma_start3A_94 : memref<10000x128xf32, #tpu.memory_space<vmem_shared>>) offsets(%dma_start3A_91 : memref<128xi32, #tpu.memory_space<vmem>>) semaphore(%run_scoped3A_85 : memref<!tpu.dma_semaphore, #tpu.memory_space<semaphore_mem>>) {add = true}
          %dma_wait3A_95 = arith.constant 0 : i32
          %dma_wait3A_96 = arith.constant 0 : i32
          %dma_wait3A_97 = tpu.memref_slice %arg7[%run_scoped3A, %dma_wait3A_95, %dma_wait3A_96] : memref<2x128x128xf32, #tpu.memory_space<vmem>> -> memref<1x128x128xf32, #tpu.memory_space<vmem>>
          %dma_wait3A_98 = tpu.memref_squeeze %dma_wait3A_97 : memref<1x128x128xf32, #tpu.memory_space<vmem>> -> memref<128x128xf32, #tpu.memory_space<vmem>>
          %dma_wait3A_99 = arith.constant 0 : i32
          %dma_wait3A_100 = tpu.memref_slice %arg6[%run_scoped3A_84, %dma_wait3A_99] : memref<2x128xi32, #tpu.memory_space<vmem>> -> memref<1x128xi32, #tpu.memory_space<vmem>>
          %dma_wait3A_101 = tpu.memref_squeeze %dma_wait3A_100 : memref<1x128xi32, #tpu.memory_space<vmem>> -> memref<128xi32, #tpu.memory_space<vmem>>
          %dma_wait3A_102 = arith.constant 0 : i32
          %dma_wait3A_103 = arith.constant 0 : i32
          %dma_wait3A_104 = tpu.memref_slice %arg8[%dma_wait3A_102, %dma_wait3A_103] : memref<10000x128xf32, #tpu.memory_space<vmem_shared>> -> memref<10000x128xf32, #tpu.memory_space<vmem_shared>>
          tpu.wait_indirect_dma semaphore(%run_scoped3A_85 : memref<!tpu.dma_semaphore, #tpu.memory_space<semaphore_mem>>) src(%dma_wait3A_98 : memref<128x128xf32, #tpu.memory_space<vmem>>) dst(%dma_wait3A_104 : memref<10000x128xf32, #tpu.memory_space<vmem_shared>>)
          tpu.yield
        }) : () -> ()
      } else {
      }
    }
    %scan3A_17 = arith.constant 20 : i32
    %barrier3A_18 = arith.constant 0 : index
    tpu.barrier barrier_id(%barrier3A_18)
    %scan3A_19 = arith.constant 0 : i32
    %scan3A_20 = arith.constant 8 : i32
    %scan3A_21 = arith.addi %scan3A_19, %scan3A_20 : i32
    %scan3A_22 = arith.constant 1 : i32
    scf.for %scan3A_25 = %scan3A_19 to %scan3A_21 step %scan3A_22  : i32 {
      %mul3A_26 = arith.constant 16 : i32
      %mul3A_27 = arith.muli %scan3A_25, %mul3A_26 : i32
      %add3A_28 = arith.addi %arg1, %mul3A_27 : i32
      %lt3A_29 = arith.constant 125 : i32
      %lt3A_30 = arith.cmpi slt, %add3A_28, %lt3A_29 : i32
      %convert_element_type3A_31 = arith.extui %lt3A_30 : i1 to i32
      %cond3A_32 = arith.constant 0 : i32
      %cond3A_33 = arith.cmpi ne, %convert_element_type3A_31, %cond3A_32 : i32
      scf.if %cond3A_33 {
        %mul3A_34 = arith.constant 80 : i32
        %mul3A_35 = arith.muli %add3A_28, %mul3A_34 : i32
        %mul3A_36 = arith.constant 10000 : i32
        %mul3A_37 = arith.muli %arg0, %mul3A_36 : i32
        %mul3A_38 = arith.constant 80 : i32
        %mul3A_39 = arith.muli %add3A_28, %mul3A_38 : i32
        %add3A_40 = arith.addi %mul3A_37, %mul3A_39 : i32
        "tpu.region"() ({
          %run_scoped3A = tpu.sem_alloc : memref<!tpu.dma_semaphore, #tpu.memory_space<semaphore_mem>>
          %dma_start3A = arith.constant 0 : i32
          %dma_start3A_41 = tpu.memref_slice %arg4[%add3A_40, %dma_start3A] : memref<20000x128xf32, #tpu.memory_space<hbm>> -> memref<80x128xf32, #tpu.memory_space<hbm>>
          %dma_start3A_42 = arith.constant 0 : i32
          %dma_start3A_43 = tpu.memref_slice %arg8[%mul3A_35, %dma_start3A_42] : memref<10000x128xf32, #tpu.memory_space<vmem_shared>> -> memref<80x128xf32, #tpu.memory_space<vmem_shared>>
          tpu.enqueue_dma source(%dma_start3A_43 : memref<80x128xf32, #tpu.memory_space<vmem_shared>>) target(%dma_start3A_41 : memref<80x128xf32, #tpu.memory_space<hbm>>) target_semaphore(%run_scoped3A : memref<!tpu.dma_semaphore, #tpu.memory_space<semaphore_mem>>)
          %dma_wait3A = arith.constant 0 : i32
          %dma_wait3A_44 = tpu.memref_slice %arg4[%add3A_40, %dma_wait3A] : memref<20000x128xf32, #tpu.memory_space<hbm>> -> memref<80x128xf32, #tpu.memory_space<hbm>>
          %dma_wait3A_45 = arith.constant 0 : i32
          %dma_wait3A_46 = tpu.memref_slice %arg8[%mul3A_35, %dma_wait3A_45] : memref<10000x128xf32, #tpu.memory_space<vmem_shared>> -> memref<80x128xf32, #tpu.memory_space<vmem_shared>>
          tpu.wait_dma2 semaphore(%run_scoped3A : memref<!tpu.dma_semaphore, #tpu.memory_space<semaphore_mem>>) src(%dma_wait3A_46 : memref<80x128xf32, #tpu.memory_space<vmem_shared>>) dst(%dma_wait3A_44 : memref<80x128xf32, #tpu.memory_space<hbm>>)
          tpu.yield
        }) : () -> ()
      } else {
      }
    }
    %scan3A_23 = arith.constant 8 : i32
    %barrier3A_24 = arith.constant 0 : index
    tpu.barrier barrier_id(%barrier3A_24)
    return
  }
}

#map = affine_map<(d0, d1) -> (0, 0)>
#map1 = affine_map<(d0, d1) -> (0)>
module attributes {stable_mosaic.version = 14 : i64} {
  func.func @k(%arg0: i32, %arg1: i32, %arg2: memref<320000x128xf32, #tpu.memory_space<hbm>>, %arg3: memref<320000xi32, #tpu.memory_space<hbm>>, %arg4: memref<20000x128xf32, #tpu.memory_space<hbm>>, %arg5: memref<80x128xf32, #tpu.memory_space<vmem>>, %arg6: memref<2x128xi32, #tpu.memory_space<vmem>>, %arg7: memref<2x128x128xf32, #tpu.memory_space<vmem>>, %arg8: memref<10000x128xf32, #tpu.memory_space<vmem_shared>>, %arg9: memref<!tpu.dma_semaphore, #tpu.memory_space<semaphore_mem>>, %arg10: memref<!tpu.dma_semaphore, #tpu.memory_space<semaphore_mem>>) attributes {dimension_semantics = [#tpu.dimension_semantics<core_parallel>, #tpu.dimension_semantics<subcore_parallel>], iteration_bounds = array<i64: 2, 16>, scalar_prefetch = 0 : i64, scratch_operands = 6 : i64, tpu.core_type = #tpu.core_type<sc_vector_subcore>, window_params = [{transform_indices = #map}, {transform_indices = #map1}, {transform_indices = #map}]} {
    %mul3A = arith.constant 16 : i32
    %mul3A_0 = arith.muli %arg0, %mul3A : i32
    %add3A = arith.addi %mul3A_0, %arg1 : i32
    %broadcast_in_dim3A = arith.constant 0.000000e+00 : f32
    %broadcast_in_dim3A_1 = vector.broadcast %broadcast_in_dim3A : f32 to vector<16xf32>
    %scan3A = arith.constant 0 : i32
    %scan3A_2 = arith.constant 80 : i32
    %scan3A_3 = arith.addi %scan3A, %scan3A_2 : i32
    %scan3A_4 = arith.constant 1 : i32
    scf.for %scan3A_25 = %scan3A to %scan3A_3 step %scan3A_4  : i32 {
      %swap3A = arith.index_cast %scan3A_25 : i32 to index
      %swap3A_26 = arith.constant 0 : index
      %swap3A_27 = tpu.vector_load %arg5[%swap3A, %swap3A_26] {strides = array<i32>} : memref<80x128xf32, #tpu.memory_space<vmem>>, vector<1x16xf32>,
      %swap3A_28 = vector.shape_cast %swap3A_27 : vector<1x16xf32> to vector<16xf32>
      %swap3A_29 = vector.shape_cast %broadcast_in_dim3A_1 : vector<16xf32> to vector<1x16xf32>
      tpu.vector_store %arg5[%swap3A, %swap3A_26], %swap3A_29 {strides = array<i32>} : memref<80x128xf32, #tpu.memory_space<vmem>>, vector<1x16xf32>,
      %swap3A_30 = arith.index_cast %scan3A_25 : i32 to index
      %swap3A_31 = arith.constant 16 : index
      %swap3A_32 = tpu.vector_load %arg5[%swap3A_30, %swap3A_31] {strides = array<i32>} : memref<80x128xf32, #tpu.memory_space<vmem>>, vector<1x16xf32>,
      %swap3A_33 = vector.shape_cast %swap3A_32 : vector<1x16xf32> to vector<16xf32>
      %swap3A_34 = vector.shape_cast %broadcast_in_dim3A_1 : vector<16xf32> to vector<1x16xf32>
      tpu.vector_store %arg5[%swap3A_30, %swap3A_31], %swap3A_34 {strides = array<i32>} : memref<80x128xf32, #tpu.memory_space<vmem>>, vector<1x16xf32>,
      %swap3A_35 = arith.index_cast %scan3A_25 : i32 to index
      %swap3A_36 = arith.constant 32 : index
      %swap3A_37 = tpu.vector_load %arg5[%swap3A_35, %swap3A_36] {strides = array<i32>} : memref<80x128xf32, #tpu.memory_space<vmem>>, vector<1x16xf32>,
      %swap3A_38 = vector.shape_cast %swap3A_37 : vector<1x16xf32> to vector<16xf32>
      %swap3A_39 = vector.shape_cast %broadcast_in_dim3A_1 : vector<16xf32> to vector<1x16xf32>
      tpu.vector_store %arg5[%swap3A_35, %swap3A_36], %swap3A_39 {strides = array<i32>} : memref<80x128xf32, #tpu.memory_space<vmem>>, vector<1x16xf32>,
      %swap3A_40 = arith.index_cast %scan3A_25 : i32 to index
      %swap3A_41 = arith.constant 48 : index
      %swap3A_42 = tpu.vector_load %arg5[%swap3A_40, %swap3A_41] {strides = array<i32>} : memref<80x128xf32, #tpu.memory_space<vmem>>, vector<1x16xf32>,
      %swap3A_43 = vector.shape_cast %swap3A_42 : vector<1x16xf32> to vector<16xf32>
      %swap3A_44 = vector.shape_cast %broadcast_in_dim3A_1 : vector<16xf32> to vector<1x16xf32>
      tpu.vector_store %arg5[%swap3A_40, %swap3A_41], %swap3A_44 {strides = array<i32>} : memref<80x128xf32, #tpu.memory_space<vmem>>, vector<1x16xf32>,
      %swap3A_45 = arith.index_cast %scan3A_25 : i32 to index
      %swap3A_46 = arith.constant 64 : index
      %swap3A_47 = tpu.vector_load %arg5[%swap3A_45, %swap3A_46] {strides = array<i32>} : memref<80x128xf32, #tpu.memory_space<vmem>>, vector<1x16xf32>,
      %swap3A_48 = vector.shape_cast %swap3A_47 : vector<1x16xf32> to vector<16xf32>
      %swap3A_49 = vector.shape_cast %broadcast_in_dim3A_1 : vector<16xf32> to vector<1x16xf32>
      tpu.vector_store %arg5[%swap3A_45, %swap3A_46], %swap3A_49 {strides = array<i32>} : memref<80x128xf32, #tpu.memory_space<vmem>>, vector<1x16xf32>,
      %swap3A_50 = arith.index_cast %scan3A_25 : i32 to index
      %swap3A_51 = arith.constant 80 : index
      %swap3A_52 = tpu.vector_load %arg5[%swap3A_50, %swap3A_51] {strides = array<i32>} : memref<80x128xf32, #tpu.memory_space<vmem>>, vector<1x16xf32>,
      %swap3A_53 = vector.shape_cast %swap3A_52 : vector<1x16xf32> to vector<16xf32>
      %swap3A_54 = vector.shape_cast %broadcast_in_dim3A_1 : vector<16xf32> to vector<1x16xf32>
      tpu.vector_store %arg5[%swap3A_50, %swap3A_51], %swap3A_54 {strides = array<i32>} : memref<80x128xf32, #tpu.memory_space<vmem>>, vector<1x16xf32>,
      %swap3A_55 = arith.index_cast %scan3A_25 : i32 to index
      %swap3A_56 = arith.constant 96 : index
      %swap3A_57 = tpu.vector_load %arg5[%swap3A_55, %swap3A_56] {strides = array<i32>} : memref<80x128xf32, #tpu.memory_space<vmem>>, vector<1x16xf32>,
      %swap3A_58 = vector.shape_cast %swap3A_57 : vector<1x16xf32> to vector<16xf32>
      %swap3A_59 = vector.shape_cast %broadcast_in_dim3A_1 : vector<16xf32> to vector<1x16xf32>
      tpu.vector_store %arg5[%swap3A_55, %swap3A_56], %swap3A_59 {strides = array<i32>} : memref<80x128xf32, #tpu.memory_space<vmem>>, vector<1x16xf32>,
      %swap3A_60 = arith.index_cast %scan3A_25 : i32 to index
      %swap3A_61 = arith.constant 112 : index
      %swap3A_62 = tpu.vector_load %arg5[%swap3A_60, %swap3A_61] {strides = array<i32>} : memref<80x128xf32, #tpu.memory_space<vmem>>, vector<1x16xf32>,
      %swap3A_63 = vector.shape_cast %swap3A_62 : vector<1x16xf32> to vector<16xf32>
      %swap3A_64 = vector.shape_cast %broadcast_in_dim3A_1 : vector<16xf32> to vector<1x16xf32>
      tpu.vector_store %arg5[%swap3A_60, %swap3A_61], %swap3A_64 {strides = array<i32>} : memref<80x128xf32, #tpu.memory_space<vmem>>, vector<1x16xf32>,
    }
    %scan3A_5 = arith.constant 80 : i32
    %scan3A_6 = arith.constant 0 : i32
    %scan3A_7 = arith.constant 8 : i32
    %scan3A_8 = arith.addi %scan3A_6, %scan3A_7 : i32
    %scan3A_9 = arith.constant 1 : i32
    scf.for %scan3A_25 = %scan3A_6 to %scan3A_8 step %scan3A_9  : i32 {
      %mul3A_26 = arith.constant 16 : i32
      %mul3A_27 = arith.muli %scan3A_25, %mul3A_26 : i32
      %add3A_28 = arith.addi %arg1, %mul3A_27 : i32
      %lt3A_29 = arith.constant 125 : i32
      %lt3A_30 = arith.cmpi slt, %add3A_28, %lt3A_29 : i32
      %convert_element_type3A_31 = arith.extui %lt3A_30 : i1 to i32
      %cond3A_32 = arith.constant 0 : i32
      %cond3A_33 = arith.cmpi ne, %convert_element_type3A_31, %cond3A_32 : i32
      scf.if %cond3A_33 {
        %mul3A_34 = arith.constant 80 : i32
        %mul3A_35 = arith.muli %add3A_28, %mul3A_34 : i32
        "tpu.region"() ({
          %run_scoped3A = tpu.sem_alloc : memref<!tpu.dma_semaphore, #tpu.memory_space<semaphore_mem>>
          %dma_start3A = arith.constant 0 : i32
          %dma_start3A_36 = tpu.memref_slice %arg8[%mul3A_35, %dma_start3A] : memref<10000x128xf32, #tpu.memory_space<vmem_shared>> -> memref<80x128xf32, #tpu.memory_space<vmem_shared>>
          %dma_start3A_37 = arith.constant 0 : i32
          %dma_start3A_38 = tpu.memref_slice %arg8[%mul3A_35, %dma_start3A_37] : memref<10000x128xf32, #tpu.memory_space<vmem_shared>> -> memref<80x128xf32, #tpu.memory_space<vmem_shared>>
          tpu.enqueue_dma source(%arg5 : memref<80x128xf32, #tpu.memory_space<vmem>>) target(%dma_start3A_38 : memref<80x128xf32, #tpu.memory_space<vmem_shared>>) target_semaphore(%run_scoped3A : memref<!tpu.dma_semaphore, #tpu.memory_space<semaphore_mem>>)
          %dma_wait3A = arith.constant 0 : i32
          %dma_wait3A_39 = tpu.memref_slice %arg8[%mul3A_35, %dma_wait3A] : memref<10000x128xf32, #tpu.memory_space<vmem_shared>> -> memref<80x128xf32, #tpu.memory_space<vmem_shared>>
          %dma_wait3A_40 = arith.constant 0 : i32
          %dma_wait3A_41 = tpu.memref_slice %arg8[%mul3A_35, %dma_wait3A_40] : memref<10000x128xf32, #tpu.memory_space<vmem_shared>> -> memref<80x128xf32, #tpu.memory_space<vmem_shared>>
          tpu.wait_dma2 semaphore(%run_scoped3A : memref<!tpu.dma_semaphore, #tpu.memory_space<semaphore_mem>>) src(%arg5 : memref<80x128xf32, #tpu.memory_space<vmem>>) dst(%dma_wait3A_41 : memref<80x128xf32, #tpu.memory_space<vmem_shared>>)
          tpu.yield
        }) : () -> ()
      } else {
      }
    }
    %scan3A_10 = arith.constant 8 : i32
    %barrier3A = arith.constant 0 : index
    tpu.barrier barrier_id(%barrier3A)
    %lt3A = arith.constant 2500 : i32
    %lt3A_11 = arith.cmpi slt, %add3A, %lt3A : i32
    %convert_element_type3A = arith.extui %lt3A_11 : i1 to i32
    %cond3A = arith.constant 0 : i32
    %cond3A_12 = arith.cmpi ne, %convert_element_type3A, %cond3A : i32
    scf.if %cond3A_12 {
      %mul3A_25 = arith.constant 128 : i32
      %mul3A_26 = arith.muli %add3A, %mul3A_25 : i32
      %dma_start3A = arith.constant 0 : i32
      %dma_start3A_27 = arith.constant 0 : i32
      %dma_start3A_28 = tpu.memref_slice %arg6[%dma_start3A, %dma_start3A_27] : memref<2x128xi32, #tpu.memory_space<vmem>> -> memref<1x128xi32, #tpu.memory_space<vmem>>
      %dma_start3A_29 = tpu.memref_squeeze %dma_start3A_28 : memref<1x128xi32, #tpu.memory_space<vmem>> -> memref<128xi32, #tpu.memory_space<vmem>>
      %dma_start3A_30 = tpu.memref_slice %arg3[%mul3A_26] : memref<320000xi32, #tpu.memory_space<hbm>> -> memref<128xi32, #tpu.memory_space<hbm>>
      %dma_start3A_31 = arith.constant 0 : i32
      %dma_start3A_32 = tpu.memref_slice %arg6[%dma_start3A, %dma_start3A_31] : memref<2x128xi32, #tpu.memory_space<vmem>> -> memref<1x128xi32, #tpu.memory_space<vmem>>
      %dma_start3A_33 = tpu.memref_squeeze %dma_start3A_32 : memref<1x128xi32, #tpu.memory_space<vmem>> -> memref<128xi32, #tpu.memory_space<vmem>>
      %dma_start3A_34 = tpu.memref_slice %arg3[%mul3A_26] : memref<320000xi32, #tpu.memory_space<hbm>> -> memref<128xi32, #tpu.memory_space<hbm>>
      tpu.enqueue_dma source(%dma_start3A_34 : memref<128xi32, #tpu.memory_space<hbm>>) target(%dma_start3A_33 : memref<128xi32, #tpu.memory_space<vmem>>) target_semaphore(%arg9 : memref<!tpu.dma_semaphore, #tpu.memory_space<semaphore_mem>>)
      %dma_start3A_35 = arith.constant 0 : i32
      %dma_start3A_36 = arith.constant 0 : i32
      %dma_start3A_37 = arith.constant 0 : i32
      %dma_start3A_38 = tpu.memref_slice %arg7[%dma_start3A_35, %dma_start3A_36, %dma_start3A_37] : memref<2x128x128xf32, #tpu.memory_space<vmem>> -> memref<1x128x128xf32, #tpu.memory_space<vmem>>
      %dma_start3A_39 = tpu.memref_squeeze %dma_start3A_38 : memref<1x128x128xf32, #tpu.memory_space<vmem>> -> memref<128x128xf32, #tpu.memory_space<vmem>>
      %dma_start3A_40 = arith.constant 0 : i32
      %dma_start3A_41 = tpu.memref_slice %arg2[%mul3A_26, %dma_start3A_40] : memref<320000x128xf32, #tpu.memory_space<hbm>> -> memref<128x128xf32, #tpu.memory_space<hbm>>
      %dma_start3A_42 = arith.constant 0 : i32
      %dma_start3A_43 = arith.constant 0 : i32
      %dma_start3A_44 = tpu.memref_slice %arg7[%dma_start3A_35, %dma_start3A_42, %dma_start3A_43] : memref<2x128x128xf32, #tpu.memory_space<vmem>> -> memref<1x128x128xf32, #tpu.memory_space<vmem>>
      %dma_start3A_45 = tpu.memref_squeeze %dma_start3A_44 : memref<1x128x128xf32, #tpu.memory_space<vmem>> -> memref<128x128xf32, #tpu.memory_space<vmem>>
      %dma_start3A_46 = arith.constant 0 : i32
      %dma_start3A_47 = tpu.memref_slice %arg2[%mul3A_26, %dma_start3A_46] : memref<320000x128xf32, #tpu.memory_space<hbm>> -> memref<128x128xf32, #tpu.memory_space<hbm>>
      tpu.enqueue_dma source(%dma_start3A_47 : memref<128x128xf32, #tpu.memory_space<hbm>>) target(%dma_start3A_45 : memref<128x128xf32, #tpu.memory_space<vmem>>) target_semaphore(%arg10 : memref<!tpu.dma_semaphore, #tpu.memory_space<semaphore_mem>>)
    } else {
    }
    %scan3A_13 = arith.constant 0 : i32
    %scan3A_14 = arith.constant 40 : i32
    %scan3A_15 = arith.addi %scan3A_13, %scan3A_14 : i32
    %scan3A_16 = arith.constant 1 : i32
    scf.for %scan3A_25 = %scan3A_13 to %scan3A_15 step %scan3A_16  : i32 {
      %mul3A_26 = arith.constant 2 : i32
      %mul3A_27 = arith.muli %mul3A_26, %scan3A_25 : i32
      %add3A_28 = arith.constant 0 : i32
      %add3A_29 = arith.addi %mul3A_27, %add3A_28 : i32
      %mul3A_30 = arith.constant 32 : i32
      %mul3A_31 = arith.muli %add3A_29, %mul3A_30 : i32
      %add3A_32 = arith.addi %add3A, %mul3A_31 : i32
      %add3A_33 = arith.constant 32 : i32
      %add3A_34 = arith.addi %add3A_32, %add3A_33 : i32
      %lt3A_35 = arith.constant 2500 : i32
      %lt3A_36 = arith.cmpi slt, %add3A_32, %lt3A_35 : i32
      %convert_element_type3A_37 = arith.extui %lt3A_36 : i1 to i32
      %cond3A_38 = arith.constant 0 : i32
      %cond3A_39 = arith.cmpi ne, %convert_element_type3A_37, %cond3A_38 : i32
      scf.if %cond3A_39 {
        %dma_wait3A = arith.constant 0 : i32
        %dma_wait3A_54 = arith.constant 0 : i32
        %dma_wait3A_55 = tpu.memref_slice %arg6[%dma_wait3A, %dma_wait3A_54] : memref<2x128xi32, #tpu.memory_space<vmem>> -> memref<1x128xi32, #tpu.memory_space<vmem>>
        %dma_wait3A_56 = tpu.memref_squeeze %dma_wait3A_55 : memref<1x128xi32, #tpu.memory_space<vmem>> -> memref<128xi32, #tpu.memory_space<vmem>>
        %dma_wait3A_57 = arith.constant 0 : i32
        %dma_wait3A_58 = tpu.memref_slice %arg3[%dma_wait3A_57] : memref<320000xi32, #tpu.memory_space<hbm>> -> memref<128xi32, #tpu.memory_space<hbm>>
        %dma_wait3A_59 = arith.constant 0 : i32
        %dma_wait3A_60 = tpu.memref_slice %arg6[%dma_wait3A, %dma_wait3A_59] : memref<2x128xi32, #tpu.memory_space<vmem>> -> memref<1x128xi32, #tpu.memory_space<vmem>>
        %dma_wait3A_61 = tpu.memref_squeeze %dma_wait3A_60 : memref<1x128xi32, #tpu.memory_space<vmem>> -> memref<128xi32, #tpu.memory_space<vmem>>
        %dma_wait3A_62 = arith.constant 0 : i32
        %dma_wait3A_63 = tpu.memref_slice %arg3[%dma_wait3A_62] : memref<320000xi32, #tpu.memory_space<hbm>> -> memref<128xi32, #tpu.memory_space<hbm>>
        tpu.wait_dma2 semaphore(%arg9 : memref<!tpu.dma_semaphore, #tpu.memory_space<semaphore_mem>>) src(%dma_wait3A_63 : memref<128xi32, #tpu.memory_space<hbm>>) dst(%dma_wait3A_61 : memref<128xi32, #tpu.memory_space<vmem>>)
        %dma_wait3A_64 = arith.constant 0 : i32
        %dma_wait3A_65 = arith.constant 0 : i32
        %dma_wait3A_66 = arith.constant 0 : i32
        %dma_wait3A_67 = tpu.memref_slice %arg7[%dma_wait3A_64, %dma_wait3A_65, %dma_wait3A_66] : memref<2x128x128xf32, #tpu.memory_space<vmem>> -> memref<1x128x128xf32, #tpu.memory_space<vmem>>
        %dma_wait3A_68 = tpu.memref_squeeze %dma_wait3A_67 : memref<1x128x128xf32, #tpu.memory_space<vmem>> -> memref<128x128xf32, #tpu.memory_space<vmem>>
        %dma_wait3A_69 = arith.constant 0 : i32
        %dma_wait3A_70 = arith.constant 0 : i32
        %dma_wait3A_71 = tpu.memref_slice %arg2[%dma_wait3A_69, %dma_wait3A_70] : memref<320000x128xf32, #tpu.memory_space<hbm>> -> memref<128x128xf32, #tpu.memory_space<hbm>>
        %dma_wait3A_72 = arith.constant 0 : i32
        %dma_wait3A_73 = arith.constant 0 : i32
        %dma_wait3A_74 = tpu.memref_slice %arg7[%dma_wait3A_64, %dma_wait3A_72, %dma_wait3A_73] : memref<2x128x128xf32, #tpu.memory_space<vmem>> -> memref<1x128x128xf32, #tpu.memory_space<vmem>>
        %dma_wait3A_75 = tpu.memref_squeeze %dma_wait3A_74 : memref<1x128x128xf32, #tpu.memory_space<vmem>> -> memref<128x128xf32, #tpu.memory_space<vmem>>
        %dma_wait3A_76 = arith.constant 0 : i32
        %dma_wait3A_77 = arith.constant 0 : i32
        %dma_wait3A_78 = tpu.memref_slice %arg2[%dma_wait3A_76, %dma_wait3A_77] : memref<320000x128xf32, #tpu.memory_space<hbm>> -> memref<128x128xf32, #tpu.memory_space<hbm>>
        tpu.wait_dma2 semaphore(%arg10 : memref<!tpu.dma_semaphore, #tpu.memory_space<semaphore_mem>>) src(%dma_wait3A_78 : memref<128x128xf32, #tpu.memory_space<hbm>>) dst(%dma_wait3A_75 : memref<128x128xf32, #tpu.memory_space<vmem>>)
        %lt3A_79 = arith.constant 2500 : i32
        %lt3A_80 = arith.cmpi slt, %add3A_34, %lt3A_79 : i32
        %convert_element_type3A_81 = arith.extui %lt3A_80 : i1 to i32
        %cond3A_82 = arith.constant 0 : i32
        %cond3A_83 = arith.cmpi ne, %convert_element_type3A_81, %cond3A_82 : i32
        scf.if %cond3A_83 {
          %mul3A_85 = arith.constant 128 : i32
          %mul3A_86 = arith.muli %add3A_34, %mul3A_85 : i32
          %dma_start3A = arith.constant 1 : i32
          %dma_start3A_87 = arith.constant 0 : i32
          %dma_start3A_88 = tpu.memref_slice %arg6[%dma_start3A, %dma_start3A_87] : memref<2x128xi32, #tpu.memory_space<vmem>> -> memref<1x128xi32, #tpu.memory_space<vmem>>
          %dma_start3A_89 = tpu.memref_squeeze %dma_start3A_88 : memref<1x128xi32, #tpu.memory_space<vmem>> -> memref<128xi32, #tpu.memory_space<vmem>>
          %dma_start3A_90 = tpu.memref_slice %arg3[%mul3A_86] : memref<320000xi32, #tpu.memory_space<hbm>> -> memref<128xi32, #tpu.memory_space<hbm>>
          %dma_start3A_91 = arith.constant 0 : i32
          %dma_start3A_92 = tpu.memref_slice %arg6[%dma_start3A, %dma_start3A_91] : memref<2x128xi32, #tpu.memory_space<vmem>> -> memref<1x128xi32, #tpu.memory_space<vmem>>
          %dma_start3A_93 = tpu.memref_squeeze %dma_start3A_92 : memref<1x128xi32, #tpu.memory_space<vmem>> -> memref<128xi32, #tpu.memory_space<vmem>>
          %dma_start3A_94 = tpu.memref_slice %arg3[%mul3A_86] : memref<320000xi32, #tpu.memory_space<hbm>> -> memref<128xi32, #tpu.memory_space<hbm>>
          tpu.enqueue_dma source(%dma_start3A_94 : memref<128xi32, #tpu.memory_space<hbm>>) target(%dma_start3A_93 : memref<128xi32, #tpu.memory_space<vmem>>) target_semaphore(%arg9 : memref<!tpu.dma_semaphore, #tpu.memory_space<semaphore_mem>>)
          %dma_start3A_95 = arith.constant 1 : i32
          %dma_start3A_96 = arith.constant 0 : i32
          %dma_start3A_97 = arith.constant 0 : i32
          %dma_start3A_98 = tpu.memref_slice %arg7[%dma_start3A_95, %dma_start3A_96, %dma_start3A_97] : memref<2x128x128xf32, #tpu.memory_space<vmem>> -> memref<1x128x128xf32, #tpu.memory_space<vmem>>
          %dma_start3A_99 = tpu.memref_squeeze %dma_start3A_98 : memref<1x128x128xf32, #tpu.memory_space<vmem>> -> memref<128x128xf32, #tpu.memory_space<vmem>>
          %dma_start3A_100 = arith.constant 0 : i32
          %dma_start3A_101 = tpu.memref_slice %arg2[%mul3A_86, %dma_start3A_100] : memref<320000x128xf32, #tpu.memory_space<hbm>> -> memref<128x128xf32, #tpu.memory_space<hbm>>
          %dma_start3A_102 = arith.constant 0 : i32
          %dma_start3A_103 = arith.constant 0 : i32
          %dma_start3A_104 = tpu.memref_slice %arg7[%dma_start3A_95, %dma_start3A_102, %dma_start3A_103] : memref<2x128x128xf32, #tpu.memory_space<vmem>> -> memref<1x128x128xf32, #tpu.memory_space<vmem>>
          %dma_start3A_105 = tpu.memref_squeeze %dma_start3A_104 : memref<1x128x128xf32, #tpu.memory_space<vmem>> -> memref<128x128xf32, #tpu.memory_space<vmem>>
          %dma_start3A_106 = arith.constant 0 : i32
          %dma_start3A_107 = tpu.memref_slice %arg2[%mul3A_86, %dma_start3A_106] : memref<320000x128xf32, #tpu.memory_space<hbm>> -> memref<128x128xf32, #tpu.memory_space<hbm>>
          tpu.enqueue_dma source(%dma_start3A_107 : memref<128x128xf32, #tpu.memory_space<hbm>>) target(%dma_start3A_105 : memref<128x128xf32, #tpu.memory_space<vmem>>) target_semaphore(%arg10 : memref<!tpu.dma_semaphore, #tpu.memory_space<semaphore_mem>>)
        } else {
        }
        %run_scoped3A = arith.constant 0 : i32
        %run_scoped3A_84 = arith.constant 0 : i32
        "tpu.region"() ({
          %run_scoped3A_85 = tpu.sem_alloc : memref<!tpu.dma_semaphore, #tpu.memory_space<semaphore_mem>>
          %dma_start3A = arith.constant 0 : i32
          %dma_start3A_86 = arith.constant 0 : i32
          %dma_start3A_87 = tpu.memref_slice %arg7[%run_scoped3A, %dma_start3A, %dma_start3A_86] : memref<2x128x128xf32, #tpu.memory_space<vmem>> -> memref<1x128x128xf32, #tpu.memory_space<vmem>>
          %dma_start3A_88 = tpu.memref_squeeze %dma_start3A_87 : memref<1x128x128xf32, #tpu.memory_space<vmem>> -> memref<128x128xf32, #tpu.memory_space<vmem>>
          %dma_start3A_89 = arith.constant 0 : i32
          %dma_start3A_90 = tpu.memref_slice %arg6[%run_scoped3A_84, %dma_start3A_89] : memref<2x128xi32, #tpu.memory_space<vmem>> -> memref<1x128xi32, #tpu.memory_space<vmem>>
          %dma_start3A_91 = tpu.memref_squeeze %dma_start3A_90 : memref<1x128xi32, #tpu.memory_space<vmem>> -> memref<128xi32, #tpu.memory_space<vmem>>
          %dma_start3A_92 = arith.constant 0 : i32
          %dma_start3A_93 = arith.constant 0 : i32
          %dma_start3A_94 = tpu.memref_slice %arg8[%dma_start3A_92, %dma_start3A_93] : memref<10000x128xf32, #tpu.memory_space<vmem_shared>> -> memref<10000x128xf32, #tpu.memory_space<vmem_shared>>
          tpu.enqueue_indirect_dma source(%dma_start3A_88 : memref<128x128xf32, #tpu.memory_space<vmem>>) target(%dma_start3A_94 : memref<10000x128xf32, #tpu.memory_space<vmem_shared>>) offsets(%dma_start3A_91 : memref<128xi32, #tpu.memory_space<vmem>>) semaphore(%run_scoped3A_85 : memref<!tpu.dma_semaphore, #tpu.memory_space<semaphore_mem>>) {add = true}
          %dma_wait3A_95 = arith.constant 0 : i32
          %dma_wait3A_96 = arith.constant 0 : i32
          %dma_wait3A_97 = tpu.memref_slice %arg7[%run_scoped3A, %dma_wait3A_95, %dma_wait3A_96] : memref<2x128x128xf32, #tpu.memory_space<vmem>> -> memref<1x128x128xf32, #tpu.memory_space<vmem>>
          %dma_wait3A_98 = tpu.memref_squeeze %dma_wait3A_97 : memref<1x128x128xf32, #tpu.memory_space<vmem>> -> memref<128x128xf32, #tpu.memory_space<vmem>>
          %dma_wait3A_99 = arith.constant 0 : i32
          %dma_wait3A_100 = tpu.memref_slice %arg6[%run_scoped3A_84, %dma_wait3A_99] : memref<2x128xi32, #tpu.memory_space<vmem>> -> memref<1x128xi32, #tpu.memory_space<vmem>>
          %dma_wait3A_101 = tpu.memref_squeeze %dma_wait3A_100 : memref<1x128xi32, #tpu.memory_space<vmem>> -> memref<128xi32, #tpu.memory_space<vmem>>
          %dma_wait3A_102 = arith.constant 0 : i32
          %dma_wait3A_103 = arith.constant 0 : i32
          %dma_wait3A_104 = tpu.memref_slice %arg8[%dma_wait3A_102, %dma_wait3A_103] : memref<10000x128xf32, #tpu.memory_space<vmem_shared>> -> memref<10000x128xf32, #tpu.memory_space<vmem_shared>>
          tpu.wait_indirect_dma semaphore(%run_scoped3A_85 : memref<!tpu.dma_semaphore, #tpu.memory_space<semaphore_mem>>) src(%dma_wait3A_98 : memref<128x128xf32, #tpu.memory_space<vmem>>) dst(%dma_wait3A_104 : memref<10000x128xf32, #tpu.memory_space<vmem_shared>>)
          tpu.yield
        }) : () -> ()
      } else {
      }
      %mul3A_40 = arith.constant 2 : i32
      %mul3A_41 = arith.muli %mul3A_40, %scan3A_25 : i32
      %add3A_42 = arith.constant 1 : i32
      %add3A_43 = arith.addi %mul3A_41, %add3A_42 : i32
      %mul3A_44 = arith.constant 32 : i32
      %mul3A_45 = arith.muli %add3A_43, %mul3A_44 : i32
      %add3A_46 = arith.addi %add3A, %mul3A_45 : i32
      %add3A_47 = arith.constant 32 : i32
      %add3A_48 = arith.addi %add3A_46, %add3A_47 : i32
      %lt3A_49 = arith.constant 2500 : i32
      %lt3A_50 = arith.cmpi slt, %add3A_46, %lt3A_49 : i32
      %convert_element_type3A_51 = arith.extui %lt3A_50 : i1 to i32
      %cond3A_52 = arith.constant 0 : i32
      %cond3A_53 = arith.cmpi ne, %convert_element_type3A_51, %cond3A_52 : i32
      scf.if %cond3A_53 {
        %dma_wait3A = arith.constant 1 : i32
        %dma_wait3A_54 = arith.constant 0 : i32
        %dma_wait3A_55 = tpu.memref_slice %arg6[%dma_wait3A, %dma_wait3A_54] : memref<2x128xi32, #tpu.memory_space<vmem>> -> memref<1x128xi32, #tpu.memory_space<vmem>>
        %dma_wait3A_56 = tpu.memref_squeeze %dma_wait3A_55 : memref<1x128xi32, #tpu.memory_space<vmem>> -> memref<128xi32, #tpu.memory_space<vmem>>
        %dma_wait3A_57 = arith.constant 0 : i32
        %dma_wait3A_58 = tpu.memref_slice %arg3[%dma_wait3A_57] : memref<320000xi32, #tpu.memory_space<hbm>> -> memref<128xi32, #tpu.memory_space<hbm>>
        %dma_wait3A_59 = arith.constant 0 : i32
        %dma_wait3A_60 = tpu.memref_slice %arg6[%dma_wait3A, %dma_wait3A_59] : memref<2x128xi32, #tpu.memory_space<vmem>> -> memref<1x128xi32, #tpu.memory_space<vmem>>
        %dma_wait3A_61 = tpu.memref_squeeze %dma_wait3A_60 : memref<1x128xi32, #tpu.memory_space<vmem>> -> memref<128xi32, #tpu.memory_space<vmem>>
        %dma_wait3A_62 = arith.constant 0 : i32
        %dma_wait3A_63 = tpu.memref_slice %arg3[%dma_wait3A_62] : memref<320000xi32, #tpu.memory_space<hbm>> -> memref<128xi32, #tpu.memory_space<hbm>>
        tpu.wait_dma2 semaphore(%arg9 : memref<!tpu.dma_semaphore, #tpu.memory_space<semaphore_mem>>) src(%dma_wait3A_63 : memref<128xi32, #tpu.memory_space<hbm>>) dst(%dma_wait3A_61 : memref<128xi32, #tpu.memory_space<vmem>>)
        %dma_wait3A_64 = arith.constant 1 : i32
        %dma_wait3A_65 = arith.constant 0 : i32
        %dma_wait3A_66 = arith.constant 0 : i32
        %dma_wait3A_67 = tpu.memref_slice %arg7[%dma_wait3A_64, %dma_wait3A_65, %dma_wait3A_66] : memref<2x128x128xf32, #tpu.memory_space<vmem>> -> memref<1x128x128xf32, #tpu.memory_space<vmem>>
        %dma_wait3A_68 = tpu.memref_squeeze %dma_wait3A_67 : memref<1x128x128xf32, #tpu.memory_space<vmem>> -> memref<128x128xf32, #tpu.memory_space<vmem>>
        %dma_wait3A_69 = arith.constant 0 : i32
        %dma_wait3A_70 = arith.constant 0 : i32
        %dma_wait3A_71 = tpu.memref_slice %arg2[%dma_wait3A_69, %dma_wait3A_70] : memref<320000x128xf32, #tpu.memory_space<hbm>> -> memref<128x128xf32, #tpu.memory_space<hbm>>
        %dma_wait3A_72 = arith.constant 0 : i32
        %dma_wait3A_73 = arith.constant 0 : i32
        %dma_wait3A_74 = tpu.memref_slice %arg7[%dma_wait3A_64, %dma_wait3A_72, %dma_wait3A_73] : memref<2x128x128xf32, #tpu.memory_space<vmem>> -> memref<1x128x128xf32, #tpu.memory_space<vmem>>
        %dma_wait3A_75 = tpu.memref_squeeze %dma_wait3A_74 : memref<1x128x128xf32, #tpu.memory_space<vmem>> -> memref<128x128xf32, #tpu.memory_space<vmem>>
        %dma_wait3A_76 = arith.constant 0 : i32
        %dma_wait3A_77 = arith.constant 0 : i32
        %dma_wait3A_78 = tpu.memref_slice %arg2[%dma_wait3A_76, %dma_wait3A_77] : memref<320000x128xf32, #tpu.memory_space<hbm>> -> memref<128x128xf32, #tpu.memory_space<hbm>>
        tpu.wait_dma2 semaphore(%arg10 : memref<!tpu.dma_semaphore, #tpu.memory_space<semaphore_mem>>) src(%dma_wait3A_78 : memref<128x128xf32, #tpu.memory_space<hbm>>) dst(%dma_wait3A_75 : memref<128x128xf32, #tpu.memory_space<vmem>>)
        %lt3A_79 = arith.constant 2500 : i32
        %lt3A_80 = arith.cmpi slt, %add3A_48, %lt3A_79 : i32
        %convert_element_type3A_81 = arith.extui %lt3A_80 : i1 to i32
        %cond3A_82 = arith.constant 0 : i32
        %cond3A_83 = arith.cmpi ne, %convert_element_type3A_81, %cond3A_82 : i32
        scf.if %cond3A_83 {
          %mul3A_85 = arith.constant 128 : i32
          %mul3A_86 = arith.muli %add3A_48, %mul3A_85 : i32
          %dma_start3A = arith.constant 0 : i32
          %dma_start3A_87 = arith.constant 0 : i32
          %dma_start3A_88 = tpu.memref_slice %arg6[%dma_start3A, %dma_start3A_87] : memref<2x128xi32, #tpu.memory_space<vmem>> -> memref<1x128xi32, #tpu.memory_space<vmem>>
          %dma_start3A_89 = tpu.memref_squeeze %dma_start3A_88 : memref<1x128xi32, #tpu.memory_space<vmem>> -> memref<128xi32, #tpu.memory_space<vmem>>
          %dma_start3A_90 = tpu.memref_slice %arg3[%mul3A_86] : memref<320000xi32, #tpu.memory_space<hbm>> -> memref<128xi32, #tpu.memory_space<hbm>>
          %dma_start3A_91 = arith.constant 0 : i32
          %dma_start3A_92 = tpu.memref_slice %arg6[%dma_start3A, %dma_start3A_91] : memref<2x128xi32, #tpu.memory_space<vmem>> -> memref<1x128xi32, #tpu.memory_space<vmem>>
          %dma_start3A_93 = tpu.memref_squeeze %dma_start3A_92 : memref<1x128xi32, #tpu.memory_space<vmem>> -> memref<128xi32, #tpu.memory_space<vmem>>
          %dma_start3A_94 = tpu.memref_slice %arg3[%mul3A_86] : memref<320000xi32, #tpu.memory_space<hbm>> -> memref<128xi32, #tpu.memory_space<hbm>>
          tpu.enqueue_dma source(%dma_start3A_94 : memref<128xi32, #tpu.memory_space<hbm>>) target(%dma_start3A_93 : memref<128xi32, #tpu.memory_space<vmem>>) target_semaphore(%arg9 : memref<!tpu.dma_semaphore, #tpu.memory_space<semaphore_mem>>)
          %dma_start3A_95 = arith.constant 0 : i32
          %dma_start3A_96 = arith.constant 0 : i32
          %dma_start3A_97 = arith.constant 0 : i32
          %dma_start3A_98 = tpu.memref_slice %arg7[%dma_start3A_95, %dma_start3A_96, %dma_start3A_97] : memref<2x128x128xf32, #tpu.memory_space<vmem>> -> memref<1x128x128xf32, #tpu.memory_space<vmem>>
          %dma_start3A_99 = tpu.memref_squeeze %dma_start3A_98 : memref<1x128x128xf32, #tpu.memory_space<vmem>> -> memref<128x128xf32, #tpu.memory_space<vmem>>
          %dma_start3A_100 = arith.constant 0 : i32
          %dma_start3A_101 = tpu.memref_slice %arg2[%mul3A_86, %dma_start3A_100] : memref<320000x128xf32, #tpu.memory_space<hbm>> -> memref<128x128xf32, #tpu.memory_space<hbm>>
          %dma_start3A_102 = arith.constant 0 : i32
          %dma_start3A_103 = arith.constant 0 : i32
          %dma_start3A_104 = tpu.memref_slice %arg7[%dma_start3A_95, %dma_start3A_102, %dma_start3A_103] : memref<2x128x128xf32, #tpu.memory_space<vmem>> -> memref<1x128x128xf32, #tpu.memory_space<vmem>>
          %dma_start3A_105 = tpu.memref_squeeze %dma_start3A_104 : memref<1x128x128xf32, #tpu.memory_space<vmem>> -> memref<128x128xf32, #tpu.memory_space<vmem>>
          %dma_start3A_106 = arith.constant 0 : i32
          %dma_start3A_107 = tpu.memref_slice %arg2[%mul3A_86, %dma_start3A_106] : memref<320000x128xf32, #tpu.memory_space<hbm>> -> memref<128x128xf32, #tpu.memory_space<hbm>>
          tpu.enqueue_dma source(%dma_start3A_107 : memref<128x128xf32, #tpu.memory_space<hbm>>) target(%dma_start3A_105 : memref<128x128xf32, #tpu.memory_space<vmem>>) target_semaphore(%arg10 : memref<!tpu.dma_semaphore, #tpu.memory_space<semaphore_mem>>)
        } else {
        }
        %run_scoped3A = arith.constant 1 : i32
        %run_scoped3A_84 = arith.constant 1 : i32
        "tpu.region"() ({
          %run_scoped3A_85 = tpu.sem_alloc : memref<!tpu.dma_semaphore, #tpu.memory_space<semaphore_mem>>
          %dma_start3A = arith.constant 0 : i32
          %dma_start3A_86 = arith.constant 0 : i32
          %dma_start3A_87 = tpu.memref_slice %arg7[%run_scoped3A, %dma_start3A, %dma_start3A_86] : memref<2x128x128xf32, #tpu.memory_space<vmem>> -> memref<1x128x128xf32, #tpu.memory_space<vmem>>
          %dma_start3A_88 = tpu.memref_squeeze %dma_start3A_87 : memref<1x128x128xf32, #tpu.memory_space<vmem>> -> memref<128x128xf32, #tpu.memory_space<vmem>>
          %dma_start3A_89 = arith.constant 0 : i32
          %dma_start3A_90 = tpu.memref_slice %arg6[%run_scoped3A_84, %dma_start3A_89] : memref<2x128xi32, #tpu.memory_space<vmem>> -> memref<1x128xi32, #tpu.memory_space<vmem>>
          %dma_start3A_91 = tpu.memref_squeeze %dma_start3A_90 : memref<1x128xi32, #tpu.memory_space<vmem>> -> memref<128xi32, #tpu.memory_space<vmem>>
          %dma_start3A_92 = arith.constant 0 : i32
          %dma_start3A_93 = arith.constant 0 : i32
          %dma_start3A_94 = tpu.memref_slice %arg8[%dma_start3A_92, %dma_start3A_93] : memref<10000x128xf32, #tpu.memory_space<vmem_shared>> -> memref<10000x128xf32, #tpu.memory_space<vmem_shared>>
          tpu.enqueue_indirect_dma source(%dma_start3A_88 : memref<128x128xf32, #tpu.memory_space<vmem>>) target(%dma_start3A_94 : memref<10000x128xf32, #tpu.memory_space<vmem_shared>>) offsets(%dma_start3A_91 : memref<128xi32, #tpu.memory_space<vmem>>) semaphore(%run_scoped3A_85 : memref<!tpu.dma_semaphore, #tpu.memory_space<semaphore_mem>>) {add = true}
          %dma_wait3A_95 = arith.constant 0 : i32
          %dma_wait3A_96 = arith.constant 0 : i32
          %dma_wait3A_97 = tpu.memref_slice %arg7[%run_scoped3A, %dma_wait3A_95, %dma_wait3A_96] : memref<2x128x128xf32, #tpu.memory_space<vmem>> -> memref<1x128x128xf32, #tpu.memory_space<vmem>>
          %dma_wait3A_98 = tpu.memref_squeeze %dma_wait3A_97 : memref<1x128x128xf32, #tpu.memory_space<vmem>> -> memref<128x128xf32, #tpu.memory_space<vmem>>
          %dma_wait3A_99 = arith.constant 0 : i32
          %dma_wait3A_100 = tpu.memref_slice %arg6[%run_scoped3A_84, %dma_wait3A_99] : memref<2x128xi32, #tpu.memory_space<vmem>> -> memref<1x128xi32, #tpu.memory_space<vmem>>
          %dma_wait3A_101 = tpu.memref_squeeze %dma_wait3A_100 : memref<1x128xi32, #tpu.memory_space<vmem>> -> memref<128xi32, #tpu.memory_space<vmem>>
          %dma_wait3A_102 = arith.constant 0 : i32
          %dma_wait3A_103 = arith.constant 0 : i32
          %dma_wait3A_104 = tpu.memref_slice %arg8[%dma_wait3A_102, %dma_wait3A_103] : memref<10000x128xf32, #tpu.memory_space<vmem_shared>> -> memref<10000x128xf32, #tpu.memory_space<vmem_shared>>
          tpu.wait_indirect_dma semaphore(%run_scoped3A_85 : memref<!tpu.dma_semaphore, #tpu.memory_space<semaphore_mem>>) src(%dma_wait3A_98 : memref<128x128xf32, #tpu.memory_space<vmem>>) dst(%dma_wait3A_104 : memref<10000x128xf32, #tpu.memory_space<vmem_shared>>)
          tpu.yield
        }) : () -> ()
      } else {
      }
    }
    %scan3A_17 = arith.constant 40 : i32
    %barrier3A_18 = arith.constant 0 : index
    tpu.barrier barrier_id(%barrier3A_18)
    %scan3A_19 = arith.constant 0 : i32
    %scan3A_20 = arith.constant 8 : i32
    %scan3A_21 = arith.addi %scan3A_19, %scan3A_20 : i32
    %scan3A_22 = arith.constant 1 : i32
    scf.for %scan3A_25 = %scan3A_19 to %scan3A_21 step %scan3A_22  : i32 {
      %mul3A_26 = arith.constant 16 : i32
      %mul3A_27 = arith.muli %scan3A_25, %mul3A_26 : i32
      %add3A_28 = arith.addi %arg1, %mul3A_27 : i32
      %lt3A_29 = arith.constant 125 : i32
      %lt3A_30 = arith.cmpi slt, %add3A_28, %lt3A_29 : i32
      %convert_element_type3A_31 = arith.extui %lt3A_30 : i1 to i32
      %cond3A_32 = arith.constant 0 : i32
      %cond3A_33 = arith.cmpi ne, %convert_element_type3A_31, %cond3A_32 : i32
      scf.if %cond3A_33 {
        %mul3A_34 = arith.constant 80 : i32
        %mul3A_35 = arith.muli %add3A_28, %mul3A_34 : i32
        %mul3A_36 = arith.constant 10000 : i32
        %mul3A_37 = arith.muli %arg0, %mul3A_36 : i32
        %mul3A_38 = arith.constant 80 : i32
        %mul3A_39 = arith.muli %add3A_28, %mul3A_38 : i32
        %add3A_40 = arith.addi %mul3A_37, %mul3A_39 : i32
        "tpu.region"() ({
          %run_scoped3A = tpu.sem_alloc : memref<!tpu.dma_semaphore, #tpu.memory_space<semaphore_mem>>
          %dma_start3A = arith.constant 0 : i32
          %dma_start3A_41 = tpu.memref_slice %arg4[%add3A_40, %dma_start3A] : memref<20000x128xf32, #tpu.memory_space<hbm>> -> memref<80x128xf32, #tpu.memory_space<hbm>>
          %dma_start3A_42 = arith.constant 0 : i32
          %dma_start3A_43 = tpu.memref_slice %arg8[%mul3A_35, %dma_start3A_42] : memref<10000x128xf32, #tpu.memory_space<vmem_shared>> -> memref<80x128xf32, #tpu.memory_space<vmem_shared>>
          tpu.enqueue_dma source(%dma_start3A_43 : memref<80x128xf32, #tpu.memory_space<vmem_shared>>) target(%dma_start3A_41 : memref<80x128xf32, #tpu.memory_space<hbm>>) target_semaphore(%run_scoped3A : memref<!tpu.dma_semaphore, #tpu.memory_space<semaphore_mem>>)
          %dma_wait3A = arith.constant 0 : i32
          %dma_wait3A_44 = tpu.memref_slice %arg4[%add3A_40, %dma_wait3A] : memref<20000x128xf32, #tpu.memory_space<hbm>> -> memref<80x128xf32, #tpu.memory_space<hbm>>
          %dma_wait3A_45 = arith.constant 0 : i32
          %dma_wait3A_46 = tpu.memref_slice %arg8[%mul3A_35, %dma_wait3A_45] : memref<10000x128xf32, #tpu.memory_space<vmem_shared>> -> memref<80x128xf32, #tpu.memory_space<vmem_shared>>
          tpu.wait_dma2 semaphore(%run_scoped3A : memref<!tpu.dma_semaphore, #tpu.memory_space<semaphore_mem>>) src(%dma_wait3A_46 : memref<80x128xf32, #tpu.memory_space<vmem_shared>>) dst(%dma_wait3A_44 : memref<80x128xf32, #tpu.memory_space<hbm>>)
          tpu.yield
        }) : () -> ()
      } else {
      }
    }
    %scan3A_23 = arith.constant 8 : i32
    %barrier3A_24 = arith.constant 0 : index
    tpu.barrier barrier_id(%barrier3A_24)
    return
  }
}

#map = affine_map<(d0, d1) -> (0, 0)>
#map1 = affine_map<(d0, d1) -> (0)>
module attributes {stable_mosaic.version = 14 : i64} {
  func.func @k(%arg0: i32, %arg1: i32, %arg2: memref<10000x128xf32, #tpu.memory_space<hbm>>, %arg3: memref<10000x128xf32, #tpu.memory_space<hbm>>, %arg4: memref<320000xi32, #tpu.memory_space<hbm>>, %arg5: memref<320000xi32, #tpu.memory_space<hbm>>, %arg6: memref<320000x128xf32, #tpu.memory_space<hbm>>, %arg7: memref<3x64xi32, #tpu.memory_space<vmem>>, %arg8: memref<3x64xi32, #tpu.memory_space<vmem>>, %arg9: memref<3x64x128xf32, #tpu.memory_space<vmem>>, %arg10: memref<3x64x128xf32, #tpu.memory_space<vmem>>, %arg11: memref<10000x128xf32, #tpu.memory_space<vmem_shared>>, %arg12: memref<!tpu.dma_semaphore, #tpu.memory_space<semaphore_mem>>, %arg13: memref<!tpu.dma_semaphore, #tpu.memory_space<semaphore_mem>>, %arg14: memref<!tpu.dma_semaphore, #tpu.memory_space<semaphore_mem>>) attributes {dimension_semantics = [#tpu.dimension_semantics<core_parallel>, #tpu.dimension_semantics<subcore_parallel>], iteration_bounds = array<i64: 2, 16>, scalar_prefetch = 0 : i64, scratch_operands = 8 : i64, tpu.core_type = #tpu.core_type<sc_vector_subcore>, window_params = [{transform_indices = #map}, {transform_indices = #map}, {transform_indices = #map1}, {transform_indices = #map1}, {transform_indices = #map}]} {
    %mul3A = arith.constant 16 : i32
    %mul3A_0 = arith.muli %arg0, %mul3A : i32
    %add3A = arith.addi %mul3A_0, %arg1 : i32
    %scan3A = arith.constant 0 : i32
    %scan3A_1 = arith.constant 8 : i32
    %scan3A_2 = arith.addi %scan3A, %scan3A_1 : i32
    %scan3A_3 = arith.constant 1 : i32
    scf.for %scan3A_40 = %scan3A to %scan3A_2 step %scan3A_3  : i32 {
      %mul3A_41 = arith.constant 16 : i32
      %mul3A_42 = arith.muli %scan3A_40, %mul3A_41 : i32
      %add3A_43 = arith.addi %arg1, %mul3A_42 : i32
      %lt3A_44 = arith.constant 125 : i32
      %lt3A_45 = arith.cmpi slt, %add3A_43, %lt3A_44 : i32
      %convert_element_type3A_46 = arith.extui %lt3A_45 : i1 to i32
      %cond3A_47 = arith.constant 0 : i32
      %cond3A_48 = arith.cmpi ne, %convert_element_type3A_46, %cond3A_47 : i32
      scf.if %cond3A_48 {
        %mul3A_49 = arith.constant 80 : i32
        %mul3A_50 = arith.muli %add3A_43, %mul3A_49 : i32
        "tpu.region"() ({
          %run_scoped3A = tpu.sem_alloc : memref<!tpu.dma_semaphore, #tpu.memory_space<semaphore_mem>>
          %dma_start3A = arith.constant 0 : i32
          %dma_start3A_51 = tpu.memref_slice %arg11[%mul3A_50, %dma_start3A] : memref<10000x128xf32, #tpu.memory_space<vmem_shared>> -> memref<80x128xf32, #tpu.memory_space<vmem_shared>>
          %dma_start3A_52 = arith.constant 0 : i32
          %dma_start3A_53 = tpu.memref_slice %arg2[%mul3A_50, %dma_start3A_52] : memref<10000x128xf32, #tpu.memory_space<hbm>> -> memref<80x128xf32, #tpu.memory_space<hbm>>
          tpu.enqueue_dma source(%dma_start3A_53 : memref<80x128xf32, #tpu.memory_space<hbm>>) target(%dma_start3A_51 : memref<80x128xf32, #tpu.memory_space<vmem_shared>>) target_semaphore(%run_scoped3A : memref<!tpu.dma_semaphore, #tpu.memory_space<semaphore_mem>>)
          %dma_wait3A = arith.constant 0 : i32
          %dma_wait3A_54 = tpu.memref_slice %arg11[%mul3A_50, %dma_wait3A] : memref<10000x128xf32, #tpu.memory_space<vmem_shared>> -> memref<80x128xf32, #tpu.memory_space<vmem_shared>>
          %dma_wait3A_55 = arith.constant 0 : i32
          %dma_wait3A_56 = tpu.memref_slice %arg2[%mul3A_50, %dma_wait3A_55] : memref<10000x128xf32, #tpu.memory_space<hbm>> -> memref<80x128xf32, #tpu.memory_space<hbm>>
          tpu.wait_dma2 semaphore(%run_scoped3A : memref<!tpu.dma_semaphore, #tpu.memory_space<semaphore_mem>>) src(%dma_wait3A_56 : memref<80x128xf32, #tpu.memory_space<hbm>>) dst(%dma_wait3A_54 : memref<80x128xf32, #tpu.memory_space<vmem_shared>>)
          tpu.yield
        }) : () -> ()
      } else {
      }
    }
    %scan3A_4 = arith.constant 8 : i32
    %barrier3A = arith.constant 0 : index
    tpu.barrier barrier_id(%barrier3A)
    %lt3A = arith.constant 5000 : i32
    %lt3A_5 = arith.cmpi slt, %add3A, %lt3A : i32
    %convert_element_type3A = arith.extui %lt3A_5 : i1 to i32
    %cond3A = arith.constant 0 : i32
    %cond3A_6 = arith.cmpi ne, %convert_element_type3A, %cond3A : i32
    scf.if %cond3A_6 {
      %mul3A_40 = arith.constant 64 : i32
      %mul3A_41 = arith.muli %add3A, %mul3A_40 : i32
      %run_scoped3A = arith.constant 0 : i32
      "tpu.region"() ({
        %run_scoped3A_77 = tpu.sem_alloc : memref<!tpu.dma_semaphore, #tpu.memory_space<semaphore_mem>>
        %dma_start3A_78 = arith.constant 0 : i32
        %dma_start3A_79 = tpu.memref_slice %arg7[%run_scoped3A, %dma_start3A_78] : memref<3x64xi32, #tpu.memory_space<vmem>> -> memref<1x64xi32, #tpu.memory_space<vmem>>
        %dma_start3A_80 = tpu.memref_squeeze %dma_start3A_79 : memref<1x64xi32, #tpu.memory_space<vmem>> -> memref<64xi32, #tpu.memory_space<vmem>>
        %dma_start3A_81 = tpu.memref_slice %arg4[%mul3A_41] : memref<320000xi32, #tpu.memory_space<hbm>> -> memref<64xi32, #tpu.memory_space<hbm>>
        %dma_start3A_82 = arith.constant 0 : i32
        %dma_start3A_83 = tpu.memref_slice %arg7[%run_scoped3A, %dma_start3A_82] : memref<3x64xi32, #tpu.memory_space<vmem>> -> memref<1x64xi32, #tpu.memory_space<vmem>>
        %dma_start3A_84 = tpu.memref_squeeze %dma_start3A_83 : memref<1x64xi32, #tpu.memory_space<vmem>> -> memref<64xi32, #tpu.memory_space<vmem>>
        %dma_start3A_85 = tpu.memref_slice %arg4[%mul3A_41] : memref<320000xi32, #tpu.memory_space<hbm>> -> memref<64xi32, #tpu.memory_space<hbm>>
        tpu.enqueue_dma source(%dma_start3A_85 : memref<64xi32, #tpu.memory_space<hbm>>) target(%dma_start3A_84 : memref<64xi32, #tpu.memory_space<vmem>>) target_semaphore(%run_scoped3A_77 : memref<!tpu.dma_semaphore, #tpu.memory_space<semaphore_mem>>)
        %dma_wait3A_86 = arith.constant 0 : i32
        %dma_wait3A_87 = tpu.memref_slice %arg7[%run_scoped3A, %dma_wait3A_86] : memref<3x64xi32, #tpu.memory_space<vmem>> -> memref<1x64xi32, #tpu.memory_space<vmem>>
        %dma_wait3A_88 = tpu.memref_squeeze %dma_wait3A_87 : memref<1x64xi32, #tpu.memory_space<vmem>> -> memref<64xi32, #tpu.memory_space<vmem>>
        %dma_wait3A_89 = tpu.memref_slice %arg4[%mul3A_41] : memref<320000xi32, #tpu.memory_space<hbm>> -> memref<64xi32, #tpu.memory_space<hbm>>
        %dma_wait3A_90 = arith.constant 0 : i32
        %dma_wait3A_91 = tpu.memref_slice %arg7[%run_scoped3A, %dma_wait3A_90] : memref<3x64xi32, #tpu.memory_space<vmem>> -> memref<1x64xi32, #tpu.memory_space<vmem>>
        %dma_wait3A_92 = tpu.memref_squeeze %dma_wait3A_91 : memref<1x64xi32, #tpu.memory_space<vmem>> -> memref<64xi32, #tpu.memory_space<vmem>>
        %dma_wait3A_93 = tpu.memref_slice %arg4[%mul3A_41] : memref<320000xi32, #tpu.memory_space<hbm>> -> memref<64xi32, #tpu.memory_space<hbm>>
        tpu.wait_dma2 semaphore(%run_scoped3A_77 : memref<!tpu.dma_semaphore, #tpu.memory_space<semaphore_mem>>) src(%dma_wait3A_93 : memref<64xi32, #tpu.memory_space<hbm>>) dst(%dma_wait3A_92 : memref<64xi32, #tpu.memory_space<vmem>>)
        tpu.yield
      }) : () -> ()
      %run_scoped3A_42 = arith.constant 0 : i32
      "tpu.region"() ({
        %run_scoped3A_77 = tpu.sem_alloc : memref<!tpu.dma_semaphore, #tpu.memory_space<semaphore_mem>>
        %dma_start3A_78 = arith.constant 0 : i32
        %dma_start3A_79 = tpu.memref_slice %arg8[%run_scoped3A_42, %dma_start3A_78] : memref<3x64xi32, #tpu.memory_space<vmem>> -> memref<1x64xi32, #tpu.memory_space<vmem>>
        %dma_start3A_80 = tpu.memref_squeeze %dma_start3A_79 : memref<1x64xi32, #tpu.memory_space<vmem>> -> memref<64xi32, #tpu.memory_space<vmem>>
        %dma_start3A_81 = tpu.memref_slice %arg5[%mul3A_41] : memref<320000xi32, #tpu.memory_space<hbm>> -> memref<64xi32, #tpu.memory_space<hbm>>
        %dma_start3A_82 = arith.constant 0 : i32
        %dma_start3A_83 = tpu.memref_slice %arg8[%run_scoped3A_42, %dma_start3A_82] : memref<3x64xi32, #tpu.memory_space<vmem>> -> memref<1x64xi32, #tpu.memory_space<vmem>>
        %dma_start3A_84 = tpu.memref_squeeze %dma_start3A_83 : memref<1x64xi32, #tpu.memory_space<vmem>> -> memref<64xi32, #tpu.memory_space<vmem>>
        %dma_start3A_85 = tpu.memref_slice %arg5[%mul3A_41] : memref<320000xi32, #tpu.memory_space<hbm>> -> memref<64xi32, #tpu.memory_space<hbm>>
        tpu.enqueue_dma source(%dma_start3A_85 : memref<64xi32, #tpu.memory_space<hbm>>) target(%dma_start3A_84 : memref<64xi32, #tpu.memory_space<vmem>>) target_semaphore(%run_scoped3A_77 : memref<!tpu.dma_semaphore, #tpu.memory_space<semaphore_mem>>)
        %dma_wait3A_86 = arith.constant 0 : i32
        %dma_wait3A_87 = tpu.memref_slice %arg8[%run_scoped3A_42, %dma_wait3A_86] : memref<3x64xi32, #tpu.memory_space<vmem>> -> memref<1x64xi32, #tpu.memory_space<vmem>>
        %dma_wait3A_88 = tpu.memref_squeeze %dma_wait3A_87 : memref<1x64xi32, #tpu.memory_space<vmem>> -> memref<64xi32, #tpu.memory_space<vmem>>
        %dma_wait3A_89 = tpu.memref_slice %arg5[%mul3A_41] : memref<320000xi32, #tpu.memory_space<hbm>> -> memref<64xi32, #tpu.memory_space<hbm>>
        %dma_wait3A_90 = arith.constant 0 : i32
        %dma_wait3A_91 = tpu.memref_slice %arg8[%run_scoped3A_42, %dma_wait3A_90] : memref<3x64xi32, #tpu.memory_space<vmem>> -> memref<1x64xi32, #tpu.memory_space<vmem>>
        %dma_wait3A_92 = tpu.memref_squeeze %dma_wait3A_91 : memref<1x64xi32, #tpu.memory_space<vmem>> -> memref<64xi32, #tpu.memory_space<vmem>>
        %dma_wait3A_93 = tpu.memref_slice %arg5[%mul3A_41] : memref<320000xi32, #tpu.memory_space<hbm>> -> memref<64xi32, #tpu.memory_space<hbm>>
        tpu.wait_dma2 semaphore(%run_scoped3A_77 : memref<!tpu.dma_semaphore, #tpu.memory_space<semaphore_mem>>) src(%dma_wait3A_93 : memref<64xi32, #tpu.memory_space<hbm>>) dst(%dma_wait3A_92 : memref<64xi32, #tpu.memory_space<vmem>>)
        tpu.yield
      }) : () -> ()
      %dma_start3A = arith.constant 0 : i32
      %dma_start3A_43 = arith.constant 0 : i32
      %dma_start3A_44 = arith.constant 0 : i32
      %dma_start3A_45 = arith.constant 0 : i32
      %dma_start3A_46 = tpu.memref_slice %arg9[%dma_start3A_43, %dma_start3A_44, %dma_start3A_45] : memref<3x64x128xf32, #tpu.memory_space<vmem>> -> memref<1x64x128xf32, #tpu.memory_space<vmem>>
      %dma_start3A_47 = tpu.memref_squeeze %dma_start3A_46 : memref<1x64x128xf32, #tpu.memory_space<vmem>> -> memref<64x128xf32, #tpu.memory_space<vmem>>
      %dma_start3A_48 = arith.constant 0 : i32
      %dma_start3A_49 = tpu.memref_slice %arg7[%dma_start3A, %dma_start3A_48] : memref<3x64xi32, #tpu.memory_space<vmem>> -> memref<1x64xi32, #tpu.memory_space<vmem>>
      %dma_start3A_50 = tpu.memref_squeeze %dma_start3A_49 : memref<1x64xi32, #tpu.memory_space<vmem>> -> memref<64xi32, #tpu.memory_space<vmem>>
      %dma_start3A_51 = arith.constant 0 : i32
      %dma_start3A_52 = arith.constant 0 : i32
      %dma_start3A_53 = tpu.memref_slice %arg11[%dma_start3A_51, %dma_start3A_52] : memref<10000x128xf32, #tpu.memory_space<vmem_shared>> -> memref<10000x128xf32, #tpu.memory_space<vmem_shared>>
      tpu.enqueue_indirect_dma source(%dma_start3A_53 : memref<10000x128xf32, #tpu.memory_space<vmem_shared>>) target(%dma_start3A_47 : memref<64x128xf32, #tpu.memory_space<vmem>>) offsets(%dma_start3A_50 : memref<64xi32, #tpu.memory_space<vmem>>) semaphore(%arg13 : memref<!tpu.dma_semaphore, #tpu.memory_space<semaphore_mem>>)
      %dma_wait3A = arith.constant 0 : i32
      %dma_wait3A_54 = arith.constant 0 : i32
      %dma_wait3A_55 = arith.constant 0 : i32
      %dma_wait3A_56 = arith.constant 0 : i32
      %dma_wait3A_57 = tpu.memref_slice %arg9[%dma_wait3A_54, %dma_wait3A_55, %dma_wait3A_56] : memref<3x64x128xf32, #tpu.memory_space<vmem>> -> memref<1x64x128xf32, #tpu.memory_space<vmem>>
      %dma_wait3A_58 = tpu.memref_squeeze %dma_wait3A_57 : memref<1x64x128xf32, #tpu.memory_space<vmem>> -> memref<64x128xf32, #tpu.memory_space<vmem>>
      %dma_wait3A_59 = arith.constant 0 : i32
      %dma_wait3A_60 = tpu.memref_slice %arg7[%dma_wait3A, %dma_wait3A_59] : memref<3x64xi32, #tpu.memory_space<vmem>> -> memref<1x64xi32, #tpu.memory_space<vmem>>
      %dma_wait3A_61 = tpu.memref_squeeze %dma_wait3A_60 : memref<1x64xi32, #tpu.memory_space<vmem>> -> memref<64xi32, #tpu.memory_space<vmem>>
      %dma_wait3A_62 = arith.constant 0 : i32
      %dma_wait3A_63 = arith.constant 0 : i32
      %dma_wait3A_64 = tpu.memref_slice %arg11[%dma_wait3A_62, %dma_wait3A_63] : memref<10000x128xf32, #tpu.memory_space<vmem_shared>> -> memref<10000x128xf32, #tpu.memory_space<vmem_shared>>
      tpu.wait_indirect_dma semaphore(%arg13 : memref<!tpu.dma_semaphore, #tpu.memory_space<semaphore_mem>>) src(%dma_wait3A_64 : memref<10000x128xf32, #tpu.memory_space<vmem_shared>>) dst(%dma_wait3A_58 : memref<64x128xf32, #tpu.memory_space<vmem>>)
      %dma_start3A_65 = arith.constant 0 : i32
      %dma_start3A_66 = arith.constant 0 : i32
      %dma_start3A_67 = arith.constant 0 : i32
      %dma_start3A_68 = arith.constant 0 : i32
      %dma_start3A_69 = tpu.memref_slice %arg10[%dma_start3A_66, %dma_start3A_67, %dma_start3A_68] : memref<3x64x128xf32, #tpu.memory_space<vmem>> -> memref<1x64x128xf32, #tpu.memory_space<vmem>>
      %dma_start3A_70 = tpu.memref_squeeze %dma_start3A_69 : memref<1x64x128xf32, #tpu.memory_space<vmem>> -> memref<64x128xf32, #tpu.memory_space<vmem>>
      %dma_start3A_71 = arith.constant 0 : i32
      %dma_start3A_72 = tpu.memref_slice %arg8[%dma_start3A_65, %dma_start3A_71] : memref<3x64xi32, #tpu.memory_space<vmem>> -> memref<1x64xi32, #tpu.memory_space<vmem>>
      %dma_start3A_73 = tpu.memref_squeeze %dma_start3A_72 : memref<1x64xi32, #tpu.memory_space<vmem>> -> memref<64xi32, #tpu.memory_space<vmem>>
      %dma_start3A_74 = arith.constant 0 : i32
      %dma_start3A_75 = arith.constant 0 : i32
      %dma_start3A_76 = tpu.memref_slice %arg3[%dma_start3A_74, %dma_start3A_75] : memref<10000x128xf32, #tpu.memory_space<hbm>> -> memref<10000x128xf32, #tpu.memory_space<hbm>>
      tpu.enqueue_indirect_dma source(%dma_start3A_76 : memref<10000x128xf32, #tpu.memory_space<hbm>>) target(%dma_start3A_70 : memref<64x128xf32, #tpu.memory_space<vmem>>) offsets(%dma_start3A_73 : memref<64xi32, #tpu.memory_space<vmem>>) semaphore(%arg13 : memref<!tpu.dma_semaphore, #tpu.memory_space<semaphore_mem>>)
    } else {
    }
    %add3A_7 = arith.constant 32 : i32
    %add3A_8 = arith.addi %add3A, %add3A_7 : i32
    %lt3A_9 = arith.constant 5000 : i32
    %lt3A_10 = arith.cmpi slt, %add3A_8, %lt3A_9 : i32
    %convert_element_type3A_11 = arith.extui %lt3A_10 : i1 to i32
    %cond3A_12 = arith.constant 0 : i32
    %cond3A_13 = arith.cmpi ne, %convert_element_type3A_11, %cond3A_12 : i32
    scf.if %cond3A_13 {
      %add3A_40 = arith.constant 32 : i32
      %add3A_41 = arith.addi %add3A, %add3A_40 : i32
      %mul3A_42 = arith.constant 64 : i32
      %mul3A_43 = arith.muli %add3A_41, %mul3A_42 : i32
      %dma_start3A = arith.constant 1 : i32
      %dma_start3A_44 = arith.constant 0 : i32
      %dma_start3A_45 = tpu.memref_slice %arg7[%dma_start3A, %dma_start3A_44] : memref<3x64xi32, #tpu.memory_space<vmem>> -> memref<1x64xi32, #tpu.memory_space<vmem>>
      %dma_start3A_46 = tpu.memref_squeeze %dma_start3A_45 : memref<1x64xi32, #tpu.memory_space<vmem>> -> memref<64xi32, #tpu.memory_space<vmem>>
      %dma_start3A_47 = tpu.memref_slice %arg4[%mul3A_43] : memref<320000xi32, #tpu.memory_space<hbm>> -> memref<64xi32, #tpu.memory_space<hbm>>
      %dma_start3A_48 = arith.constant 0 : i32
      %dma_start3A_49 = tpu.memref_slice %arg7[%dma_start3A, %dma_start3A_48] : memref<3x64xi32, #tpu.memory_space<vmem>> -> memref<1x64xi32, #tpu.memory_space<vmem>>
      %dma_start3A_50 = tpu.memref_squeeze %dma_start3A_49 : memref<1x64xi32, #tpu.memory_space<vmem>> -> memref<64xi32, #tpu.memory_space<vmem>>
      %dma_start3A_51 = tpu.memref_slice %arg4[%mul3A_43] : memref<320000xi32, #tpu.memory_space<hbm>> -> memref<64xi32, #tpu.memory_space<hbm>>
      tpu.enqueue_dma source(%dma_start3A_51 : memref<64xi32, #tpu.memory_space<hbm>>) target(%dma_start3A_50 : memref<64xi32, #tpu.memory_space<vmem>>) target_semaphore(%arg12 : memref<!tpu.dma_semaphore, #tpu.memory_space<semaphore_mem>>)
      %dma_start3A_52 = arith.constant 1 : i32
      %dma_start3A_53 = arith.constant 0 : i32
      %dma_start3A_54 = tpu.memref_slice %arg8[%dma_start3A_52, %dma_start3A_53] : memref<3x64xi32, #tpu.memory_space<vmem>> -> memref<1x64xi32, #tpu.memory_space<vmem>>
      %dma_start3A_55 = tpu.memref_squeeze %dma_start3A_54 : memref<1x64xi32, #tpu.memory_space<vmem>> -> memref<64xi32, #tpu.memory_space<vmem>>
      %dma_start3A_56 = tpu.memref_slice %arg5[%mul3A_43] : memref<320000xi32, #tpu.memory_space<hbm>> -> memref<64xi32, #tpu.memory_space<hbm>>
      %dma_start3A_57 = arith.constant 0 : i32
      %dma_start3A_58 = tpu.memref_slice %arg8[%dma_start3A_52, %dma_start3A_57] : memref<3x64xi32, #tpu.memory_space<vmem>> -> memref<1x64xi32, #tpu.memory_space<vmem>>
      %dma_start3A_59 = tpu.memref_squeeze %dma_start3A_58 : memref<1x64xi32, #tpu.memory_space<vmem>> -> memref<64xi32, #tpu.memory_space<vmem>>
      %dma_start3A_60 = tpu.memref_slice %arg5[%mul3A_43] : memref<320000xi32, #tpu.memory_space<hbm>> -> memref<64xi32, #tpu.memory_space<hbm>>
      tpu.enqueue_dma source(%dma_start3A_60 : memref<64xi32, #tpu.memory_space<hbm>>) target(%dma_start3A_59 : memref<64xi32, #tpu.memory_space<vmem>>) target_semaphore(%arg12 : memref<!tpu.dma_semaphore, #tpu.memory_space<semaphore_mem>>)
    } else {
    }
    %scan3A_14 = arith.constant 0 : i32
    %scan3A_15 = arith.constant 53 : i32
    %scan3A_16 = arith.addi %scan3A_14, %scan3A_15 : i32
    %scan3A_17 = arith.constant 1 : i32
    scf.for %scan3A_40 = %scan3A_14 to %scan3A_16 step %scan3A_17  : i32 {
      %mul3A_41 = arith.constant 3 : i32
      %mul3A_42 = arith.muli %mul3A_41, %scan3A_40 : i32
      %add3A_43 = arith.constant 0 : i32
      %add3A_44 = arith.addi %mul3A_42, %add3A_43 : i32
      %mul3A_45 = arith.constant 32 : i32
      %mul3A_46 = arith.muli %add3A_44, %mul3A_45 : i32
      %add3A_47 = arith.addi %add3A, %mul3A_46 : i32
      %add3A_48 = arith.constant 32 : i32
      %add3A_49 = arith.addi %add3A_47, %add3A_48 : i32
      %lt3A_50 = arith.constant 5000 : i32
      %lt3A_51 = arith.cmpi slt, %add3A_47, %lt3A_50 : i32
      %convert_element_type3A_52 = arith.extui %lt3A_51 : i1 to i32
      %cond3A_53 = arith.constant 0 : i32
      %cond3A_54 = arith.cmpi ne, %convert_element_type3A_52, %cond3A_53 : i32
      scf.if %cond3A_54 {
        %dma_wait3A = arith.constant 0 : i32
        %dma_wait3A_83 = arith.constant 0 : i32
        %dma_wait3A_84 = arith.constant 0 : i32
        %dma_wait3A_85 = tpu.memref_slice %arg10[%dma_wait3A, %dma_wait3A_83, %dma_wait3A_84] : memref<3x64x128xf32, #tpu.memory_space<vmem>> -> memref<1x64x128xf32, #tpu.memory_space<vmem>>
        %dma_wait3A_86 = tpu.memref_squeeze %dma_wait3A_85 : memref<1x64x128xf32, #tpu.memory_space<vmem>> -> memref<64x128xf32, #tpu.memory_space<vmem>>
        %dma_wait3A_87 = arith.constant 0 : i32
        %dma_wait3A_88 = arith.constant 0 : i32
        %dma_wait3A_89 = tpu.memref_slice %arg3[%dma_wait3A_87, %dma_wait3A_88] : memref<10000x128xf32, #tpu.memory_space<hbm>> -> memref<64x128xf32, #tpu.memory_space<hbm>>
        %dma_wait3A_90 = arith.constant 0 : i32
        %dma_wait3A_91 = arith.constant 0 : i32
        %dma_wait3A_92 = tpu.memref_slice %arg10[%dma_wait3A, %dma_wait3A_90, %dma_wait3A_91] : memref<3x64x128xf32, #tpu.memory_space<vmem>> -> memref<1x64x128xf32, #tpu.memory_space<vmem>>
        %dma_wait3A_93 = tpu.memref_squeeze %dma_wait3A_92 : memref<1x64x128xf32, #tpu.memory_space<vmem>> -> memref<64x128xf32, #tpu.memory_space<vmem>>
        %dma_wait3A_94 = arith.constant 0 : i32
        %dma_wait3A_95 = arith.constant 0 : i32
        %dma_wait3A_96 = tpu.memref_slice %arg3[%dma_wait3A_94, %dma_wait3A_95] : memref<10000x128xf32, #tpu.memory_space<hbm>> -> memref<64x128xf32, #tpu.memory_space<hbm>>
        tpu.wait_dma2 semaphore(%arg13 : memref<!tpu.dma_semaphore, #tpu.memory_space<semaphore_mem>>) src(%dma_wait3A_96 : memref<64x128xf32, #tpu.memory_space<hbm>>) dst(%dma_wait3A_93 : memref<64x128xf32, #tpu.memory_space<vmem>>)
        %lt3A_97 = arith.constant 5000 : i32
        %lt3A_98 = arith.cmpi slt, %add3A_49, %lt3A_97 : i32
        %convert_element_type3A_99 = arith.extui %lt3A_98 : i1 to i32
        %cond3A_100 = arith.constant 0 : i32
        %cond3A_101 = arith.cmpi ne, %convert_element_type3A_99, %cond3A_100 : i32
        scf.if %cond3A_101 {
          %dma_wait3A_128 = arith.constant 1 : i32
          %dma_wait3A_129 = arith.constant 0 : i32
          %dma_wait3A_130 = tpu.memref_slice %arg7[%dma_wait3A_128, %dma_wait3A_129] : memref<3x64xi32, #tpu.memory_space<vmem>> -> memref<1x64xi32, #tpu.memory_space<vmem>>
          %dma_wait3A_131 = tpu.memref_squeeze %dma_wait3A_130 : memref<1x64xi32, #tpu.memory_space<vmem>> -> memref<64xi32, #tpu.memory_space<vmem>>
          %dma_wait3A_132 = arith.constant 0 : i32
          %dma_wait3A_133 = tpu.memref_slice %arg4[%dma_wait3A_132] : memref<320000xi32, #tpu.memory_space<hbm>> -> memref<64xi32, #tpu.memory_space<hbm>>
          %dma_wait3A_134 = arith.constant 0 : i32
          %dma_wait3A_135 = tpu.memref_slice %arg7[%dma_wait3A_128, %dma_wait3A_134] : memref<3x64xi32, #tpu.memory_space<vmem>> -> memref<1x64xi32, #tpu.memory_space<vmem>>
          %dma_wait3A_136 = tpu.memref_squeeze %dma_wait3A_135 : memref<1x64xi32, #tpu.memory_space<vmem>> -> memref<64xi32, #tpu.memory_space<vmem>>
          %dma_wait3A_137 = arith.constant 0 : i32
          %dma_wait3A_138 = tpu.memref_slice %arg4[%dma_wait3A_137] : memref<320000xi32, #tpu.memory_space<hbm>> -> memref<64xi32, #tpu.memory_space<hbm>>
          tpu.wait_dma2 semaphore(%arg12 : memref<!tpu.dma_semaphore, #tpu.memory_space<semaphore_mem>>) src(%dma_wait3A_138 : memref<64xi32, #tpu.memory_space<hbm>>) dst(%dma_wait3A_136 : memref<64xi32, #tpu.memory_space<vmem>>)
          %dma_wait3A_139 = arith.constant 1 : i32
          %dma_wait3A_140 = arith.constant 0 : i32
          %dma_wait3A_141 = tpu.memref_slice %arg8[%dma_wait3A_139, %dma_wait3A_140] : memref<3x64xi32, #tpu.memory_space<vmem>> -> memref<1x64xi32, #tpu.memory_space<vmem>>
          %dma_wait3A_142 = tpu.memref_squeeze %dma_wait3A_141 : memref<1x64xi32, #tpu.memory_space<vmem>> -> memref<64xi32, #tpu.memory_space<vmem>>
          %dma_wait3A_143 = arith.constant 0 : i32
          %dma_wait3A_144 = tpu.memref_slice %arg5[%dma_wait3A_143] : memref<320000xi32, #tpu.memory_space<hbm>> -> memref<64xi32, #tpu.memory_space<hbm>>
          %dma_wait3A_145 = arith.constant 0 : i32
          %dma_wait3A_146 = tpu.memref_slice %arg8[%dma_wait3A_139, %dma_wait3A_145] : memref<3x64xi32, #tpu.memory_space<vmem>> -> memref<1x64xi32, #tpu.memory_space<vmem>>
          %dma_wait3A_147 = tpu.memref_squeeze %dma_wait3A_146 : memref<1x64xi32, #tpu.memory_space<vmem>> -> memref<64xi32, #tpu.memory_space<vmem>>
          %dma_wait3A_148 = arith.constant 0 : i32
          %dma_wait3A_149 = tpu.memref_slice %arg5[%dma_wait3A_148] : memref<320000xi32, #tpu.memory_space<hbm>> -> memref<64xi32, #tpu.memory_space<hbm>>
          tpu.wait_dma2 semaphore(%arg12 : memref<!tpu.dma_semaphore, #tpu.memory_space<semaphore_mem>>) src(%dma_wait3A_149 : memref<64xi32, #tpu.memory_space<hbm>>) dst(%dma_wait3A_147 : memref<64xi32, #tpu.memory_space<vmem>>)
          %add3A_150 = arith.constant 64 : i32
          %add3A_151 = arith.addi %add3A, %add3A_150 : i32
          %ge3A = arith.cmpi sge, %add3A_47, %add3A_151 : i32
          %convert_element_type3A_152 = arith.extui %ge3A : i1 to i32
          %cond3A_153 = arith.constant 0 : i32
          %cond3A_154 = arith.cmpi ne, %convert_element_type3A_152, %cond3A_153 : i32
          scf.if %cond3A_154 {
            %dma_wait3A_191 = arith.constant 1 : i32
            %dma_wait3A_192 = arith.constant 0 : i32
            %dma_wait3A_193 = arith.constant 0 : i32
            %dma_wait3A_194 = tpu.memref_slice %arg9[%dma_wait3A_191, %dma_wait3A_192, %dma_wait3A_193] : memref<3x64x128xf32, #tpu.memory_space<vmem>> -> memref<1x64x128xf32, #tpu.memory_space<vmem>>
            %dma_wait3A_195 = tpu.memref_squeeze %dma_wait3A_194 : memref<1x64x128xf32, #tpu.memory_space<vmem>> -> memref<64x128xf32, #tpu.memory_space<vmem>>
            %dma_wait3A_196 = arith.constant 0 : i32
            %dma_wait3A_197 = arith.constant 0 : i32
            %dma_wait3A_198 = tpu.memref_slice %arg6[%dma_wait3A_196, %dma_wait3A_197] : memref<320000x128xf32, #tpu.memory_space<hbm>> -> memref<64x128xf32, #tpu.memory_space<hbm>>
            %dma_wait3A_199 = arith.constant 0 : i32
            %dma_wait3A_200 = arith.constant 0 : i32
            %dma_wait3A_201 = tpu.memref_slice %arg6[%dma_wait3A_199, %dma_wait3A_200] : memref<320000x128xf32, #tpu.memory_space<hbm>> -> memref<64x128xf32, #tpu.memory_space<hbm>>
            %dma_wait3A_202 = arith.constant 0 : i32
            %dma_wait3A_203 = arith.constant 0 : i32
            %dma_wait3A_204 = tpu.memref_slice %arg9[%dma_wait3A_191, %dma_wait3A_202, %dma_wait3A_203] : memref<3x64x128xf32, #tpu.memory_space<vmem>> -> memref<1x64x128xf32, #tpu.memory_space<vmem>>
            %dma_wait3A_205 = tpu.memref_squeeze %dma_wait3A_204 : memref<1x64x128xf32, #tpu.memory_space<vmem>> -> memref<64x128xf32, #tpu.memory_space<vmem>>
            tpu.wait_dma2 semaphore(%arg14 : memref<!tpu.dma_semaphore, #tpu.memory_space<semaphore_mem>>) src(%dma_wait3A_205 : memref<64x128xf32, #tpu.memory_space<vmem>>) dst(%dma_wait3A_201 : memref<64x128xf32, #tpu.memory_space<hbm>>)
          } else {
          }
          %dma_start3A_155 = arith.constant 1 : i32
          %dma_start3A_156 = arith.constant 1 : i32
          %dma_start3A_157 = arith.constant 0 : i32
          %dma_start3A_158 = arith.constant 0 : i32
          %dma_start3A_159 = tpu.memref_slice %arg9[%dma_start3A_156, %dma_start3A_157, %dma_start3A_158] : memref<3x64x128xf32, #tpu.memory_space<vmem>> -> memref<1x64x128xf32, #tpu.memory_space<vmem>>
          %dma_start3A_160 = tpu.memref_squeeze %dma_start3A_159 : memref<1x64x128xf32, #tpu.memory_space<vmem>> -> memref<64x128xf32, #tpu.memory_space<vmem>>
          %dma_start3A_161 = arith.constant 0 : i32
          %dma_start3A_162 = tpu.memref_slice %arg7[%dma_start3A_155, %dma_start3A_161] : memref<3x64xi32, #tpu.memory_space<vmem>> -> memref<1x64xi32, #tpu.memory_space<vmem>>
          %dma_start3A_163 = tpu.memref_squeeze %dma_start3A_162 : memref<1x64xi32, #tpu.memory_space<vmem>> -> memref<64xi32, #tpu.memory_space<vmem>>
          %dma_start3A_164 = arith.constant 0 : i32
          %dma_start3A_165 = arith.constant 0 : i32
          %dma_start3A_166 = tpu.memref_slice %arg11[%dma_start3A_164, %dma_start3A_165] : memref<10000x128xf32, #tpu.memory_space<vmem_shared>> -> memref<10000x128xf32, #tpu.memory_space<vmem_shared>>
          tpu.enqueue_indirect_dma source(%dma_start3A_166 : memref<10000x128xf32, #tpu.memory_space<vmem_shared>>) target(%dma_start3A_160 : memref<64x128xf32, #tpu.memory_space<vmem>>) offsets(%dma_start3A_163 : memref<64xi32, #tpu.memory_space<vmem>>) semaphore(%arg13 : memref<!tpu.dma_semaphore, #tpu.memory_space<semaphore_mem>>)
          %dma_wait3A_167 = arith.constant 1 : i32
          %dma_wait3A_168 = arith.constant 1 : i32
          %dma_wait3A_169 = arith.constant 0 : i32
          %dma_wait3A_170 = arith.constant 0 : i32
          %dma_wait3A_171 = tpu.memref_slice %arg9[%dma_wait3A_168, %dma_wait3A_169, %dma_wait3A_170] : memref<3x64x128xf32, #tpu.memory_space<vmem>> -> memref<1x64x128xf32, #tpu.memory_space<vmem>>
          %dma_wait3A_172 = tpu.memref_squeeze %dma_wait3A_171 : memref<1x64x128xf32, #tpu.memory_space<vmem>> -> memref<64x128xf32, #tpu.memory_space<vmem>>
          %dma_wait3A_173 = arith.constant 0 : i32
          %dma_wait3A_174 = tpu.memref_slice %arg7[%dma_wait3A_167, %dma_wait3A_173] : memref<3x64xi32, #tpu.memory_space<vmem>> -> memref<1x64xi32, #tpu.memory_space<vmem>>
          %dma_wait3A_175 = tpu.memref_squeeze %dma_wait3A_174 : memref<1x64xi32, #tpu.memory_space<vmem>> -> memref<64xi32, #tpu.memory_space<vmem>>
          %dma_wait3A_176 = arith.constant 0 : i32
          %dma_wait3A_177 = arith.constant 0 : i32
          %dma_wait3A_178 = tpu.memref_slice %arg11[%dma_wait3A_176, %dma_wait3A_177] : memref<10000x128xf32, #tpu.memory_space<vmem_shared>> -> memref<10000x128xf32, #tpu.memory_space<vmem_shared>>
          tpu.wait_indirect_dma semaphore(%arg13 : memref<!tpu.dma_semaphore, #tpu.memory_space<semaphore_mem>>) src(%dma_wait3A_178 : memref<10000x128xf32, #tpu.memory_space<vmem_shared>>) dst(%dma_wait3A_172 : memref<64x128xf32, #tpu.memory_space<vmem>>)
          %dma_start3A_179 = arith.constant 1 : i32
          %dma_start3A_180 = arith.constant 1 : i32
          %dma_start3A_181 = arith.constant 0 : i32
          %dma_start3A_182 = arith.constant 0 : i32
          %dma_start3A_183 = tpu.memref_slice %arg10[%dma_start3A_180, %dma_start3A_181, %dma_start3A_182] : memref<3x64x128xf32, #tpu.memory_space<vmem>> -> memref<1x64x128xf32, #tpu.memory_space<vmem>>
          %dma_start3A_184 = tpu.memref_squeeze %dma_start3A_183 : memref<1x64x128xf32, #tpu.memory_space<vmem>> -> memref<64x128xf32, #tpu.memory_space<vmem>>
          %dma_start3A_185 = arith.constant 0 : i32
          %dma_start3A_186 = tpu.memref_slice %arg8[%dma_start3A_179, %dma_start3A_185] : memref<3x64xi32, #tpu.memory_space<vmem>> -> memref<1x64xi32, #tpu.memory_space<vmem>>
          %dma_start3A_187 = tpu.memref_squeeze %dma_start3A_186 : memref<1x64xi32, #tpu.memory_space<vmem>> -> memref<64xi32, #tpu.memory_space<vmem>>
          %dma_start3A_188 = arith.constant 0 : i32
          %dma_start3A_189 = arith.constant 0 : i32
          %dma_start3A_190 = tpu.memref_slice %arg3[%dma_start3A_188, %dma_start3A_189] : memref<10000x128xf32, #tpu.memory_space<hbm>> -> memref<10000x128xf32, #tpu.memory_space<hbm>>
          tpu.enqueue_indirect_dma source(%dma_start3A_190 : memref<10000x128xf32, #tpu.memory_space<hbm>>) target(%dma_start3A_184 : memref<64x128xf32, #tpu.memory_space<vmem>>) offsets(%dma_start3A_187 : memref<64xi32, #tpu.memory_space<vmem>>) semaphore(%arg13 : memref<!tpu.dma_semaphore, #tpu.memory_space<semaphore_mem>>)
        } else {
        }
        %add3A_102 = arith.constant 32 : i32
        %add3A_103 = arith.addi %add3A_49, %add3A_102 : i32
        %lt3A_104 = arith.constant 5000 : i32
        %lt3A_105 = arith.cmpi slt, %add3A_103, %lt3A_104 : i32
        %convert_element_type3A_106 = arith.extui %lt3A_105 : i1 to i32
        %cond3A_107 = arith.constant 0 : i32
        %cond3A_108 = arith.cmpi ne, %convert_element_type3A_106, %cond3A_107 : i32
        scf.if %cond3A_108 {
          %add3A_128 = arith.constant 32 : i32
          %add3A_129 = arith.addi %add3A_49, %add3A_128 : i32
          %mul3A_130 = arith.constant 64 : i32
          %mul3A_131 = arith.muli %add3A_129, %mul3A_130 : i32
          %dma_start3A_132 = arith.constant 2 : i32
          %dma_start3A_133 = arith.constant 0 : i32
          %dma_start3A_134 = tpu.memref_slice %arg7[%dma_start3A_132, %dma_start3A_133] : memref<3x64xi32, #tpu.memory_space<vmem>> -> memref<1x64xi32, #tpu.memory_space<vmem>>
          %dma_start3A_135 = tpu.memref_squeeze %dma_start3A_134 : memref<1x64xi32, #tpu.memory_space<vmem>> -> memref<64xi32, #tpu.memory_space<vmem>>
          %dma_start3A_136 = tpu.memref_slice %arg4[%mul3A_131] : memref<320000xi32, #tpu.memory_space<hbm>> -> memref<64xi32, #tpu.memory_space<hbm>>
          %dma_start3A_137 = arith.constant 0 : i32
          %dma_start3A_138 = tpu.memref_slice %arg7[%dma_start3A_132, %dma_start3A_137] : memref<3x64xi32, #tpu.memory_space<vmem>> -> memref<1x64xi32, #tpu.memory_space<vmem>>
          %dma_start3A_139 = tpu.memref_squeeze %dma_start3A_138 : memref<1x64xi32, #tpu.memory_space<vmem>> -> memref<64xi32, #tpu.memory_space<vmem>>
          %dma_start3A_140 = tpu.memref_slice %arg4[%mul3A_131] : memref<320000xi32, #tpu.memory_space<hbm>> -> memref<64xi32, #tpu.memory_space<hbm>>
          tpu.enqueue_dma source(%dma_start3A_140 : memref<64xi32, #tpu.memory_space<hbm>>) target(%dma_start3A_139 : memref<64xi32, #tpu.memory_space<vmem>>) target_semaphore(%arg12 : memref<!tpu.dma_semaphore, #tpu.memory_space<semaphore_mem>>)
          %dma_start3A_141 = arith.constant 2 : i32
          %dma_start3A_142 = arith.constant 0 : i32
          %dma_start3A_143 = tpu.memref_slice %arg8[%dma_start3A_141, %dma_start3A_142] : memref<3x64xi32, #tpu.memory_space<vmem>> -> memref<1x64xi32, #tpu.memory_space<vmem>>
          %dma_start3A_144 = tpu.memref_squeeze %dma_start3A_143 : memref<1x64xi32, #tpu.memory_space<vmem>> -> memref<64xi32, #tpu.memory_space<vmem>>
          %dma_start3A_145 = tpu.memref_slice %arg5[%mul3A_131] : memref<320000xi32, #tpu.memory_space<hbm>> -> memref<64xi32, #tpu.memory_space<hbm>>
          %dma_start3A_146 = arith.constant 0 : i32
          %dma_start3A_147 = tpu.memref_slice %arg8[%dma_start3A_141, %dma_start3A_146] : memref<3x64xi32, #tpu.memory_space<vmem>> -> memref<1x64xi32, #tpu.memory_space<vmem>>
          %dma_start3A_148 = tpu.memref_squeeze %dma_start3A_147 : memref<1x64xi32, #tpu.memory_space<vmem>> -> memref<64xi32, #tpu.memory_space<vmem>>
          %dma_start3A_149 = tpu.memref_slice %arg5[%mul3A_131] : memref<320000xi32, #tpu.memory_space<hbm>> -> memref<64xi32, #tpu.memory_space<hbm>>
          tpu.enqueue_dma source(%dma_start3A_149 : memref<64xi32, #tpu.memory_space<hbm>>) target(%dma_start3A_148 : memref<64xi32, #tpu.memory_space<vmem>>) target_semaphore(%arg12 : memref<!tpu.dma_semaphore, #tpu.memory_space<semaphore_mem>>)
        } else {
        }
        %scan3A_109 = arith.constant 0 : i32
        %scan3A_110 = arith.constant 64 : i32
        %scan3A_111 = arith.addi %scan3A_109, %scan3A_110 : i32
        %scan3A_112 = arith.constant 1 : i32
        scf.for %scan3A_128 = %scan3A_109 to %scan3A_111 step %scan3A_112  : i32 {
          %get3A = arith.constant 0 : i32
          %get3A_129 = arith.index_cast %get3A : i32 to index
          %get3A_130 = arith.index_cast %scan3A_128 : i32 to index
          %get3A_131 = arith.constant 0 : index
          %get3A_132 = tpu.vector_load %arg9[%get3A_129, %get3A_130, %get3A_131] {strides = array<i32>} : memref<3x64x128xf32, #tpu.memory_space<vmem>>, vector<1x1x16xf32>,
          %get3A_133 = vector.shape_cast %get3A_132 : vector<1x1x16xf32> to vector<16xf32>
          %get3A_134 = arith.constant 0 : i32
          %get3A_135 = arith.index_cast %get3A_134 : i32 to index
          %get3A_136 = arith.index_cast %scan3A_128 : i32 to index
          %get3A_137 = arith.constant 0 : index
          %get3A_138 = tpu.vector_load %arg10[%get3A_135, %get3A_136, %get3A_137] {strides = array<i32>} : memref<3x64x128xf32, #tpu.memory_space<vmem>>, vector<1x1x16xf32>,
          %get3A_139 = vector.shape_cast %get3A_138 : vector<1x1x16xf32> to vector<16xf32>
          %add3A_140 = arith.addf %get3A_133, %get3A_139 : vector<16xf32>
          %swap3A = arith.constant 0 : i32
          %swap3A_141 = arith.index_cast %swap3A : i32 to index
          %swap3A_142 = arith.index_cast %scan3A_128 : i32 to index
          %swap3A_143 = arith.constant 0 : index
          %swap3A_144 = tpu.vector_load %arg9[%swap3A_141, %swap3A_142, %swap3A_143] {strides = array<i32>} : memref<3x64x128xf32, #tpu.memory_space<vmem>>, vector<1x1x16xf32>,
          %swap3A_145 = vector.shape_cast %swap3A_144 : vector<1x1x16xf32> to vector<16xf32>
          %swap3A_146 = vector.shape_cast %add3A_140 : vector<16xf32> to vector<1x1x16xf32>
          tpu.vector_store %arg9[%swap3A_141, %swap3A_142, %swap3A_143], %swap3A_146 {strides = array<i32>} : memref<3x64x128xf32, #tpu.memory_space<vmem>>, vector<1x1x16xf32>,
          %get3A_147 = arith.constant 0 : i32
          %get3A_148 = arith.index_cast %get3A_147 : i32 to index
          %get3A_149 = arith.index_cast %scan3A_128 : i32 to index
          %get3A_150 = arith.constant 16 : index
          %get3A_151 = tpu.vector_load %arg9[%get3A_148, %get3A_149, %get3A_150] {strides = array<i32>} : memref<3x64x128xf32, #tpu.memory_space<vmem>>, vector<1x1x16xf32>,
          %get3A_152 = vector.shape_cast %get3A_151 : vector<1x1x16xf32> to vector<16xf32>
          %get3A_153 = arith.constant 0 : i32
          %get3A_154 = arith.index_cast %get3A_153 : i32 to index
          %get3A_155 = arith.index_cast %scan3A_128 : i32 to index
          %get3A_156 = arith.constant 16 : index
          %get3A_157 = tpu.vector_load %arg10[%get3A_154, %get3A_155, %get3A_156] {strides = array<i32>} : memref<3x64x128xf32, #tpu.memory_space<vmem>>, vector<1x1x16xf32>,
          %get3A_158 = vector.shape_cast %get3A_157 : vector<1x1x16xf32> to vector<16xf32>
          %add3A_159 = arith.addf %get3A_152, %get3A_158 : vector<16xf32>
          %swap3A_160 = arith.constant 0 : i32
          %swap3A_161 = arith.index_cast %swap3A_160 : i32 to index
          %swap3A_162 = arith.index_cast %scan3A_128 : i32 to index
          %swap3A_163 = arith.constant 16 : index
          %swap3A_164 = tpu.vector_load %arg9[%swap3A_161, %swap3A_162, %swap3A_163] {strides = array<i32>} : memref<3x64x128xf32, #tpu.memory_space<vmem>>, vector<1x1x16xf32>,
          %swap3A_165 = vector.shape_cast %swap3A_164 : vector<1x1x16xf32> to vector<16xf32>
          %swap3A_166 = vector.shape_cast %add3A_159 : vector<16xf32> to vector<1x1x16xf32>
          tpu.vector_store %arg9[%swap3A_161, %swap3A_162, %swap3A_163], %swap3A_166 {strides = array<i32>} : memref<3x64x128xf32, #tpu.memory_space<vmem>>, vector<1x1x16xf32>,
          %get3A_167 = arith.constant 0 : i32
          %get3A_168 = arith.index_cast %get3A_167 : i32 to index
          %get3A_169 = arith.index_cast %scan3A_128 : i32 to index
          %get3A_170 = arith.constant 32 : index
          %get3A_171 = tpu.vector_load %arg9[%get3A_168, %get3A_169, %get3A_170] {strides = array<i32>} : memref<3x64x128xf32, #tpu.memory_space<vmem>>, vector<1x1x16xf32>,
          %get3A_172 = vector.shape_cast %get3A_171 : vector<1x1x16xf32> to vector<16xf32>
          %get3A_173 = arith.constant 0 : i32
          %get3A_174 = arith.index_cast %get3A_173 : i32 to index
          %get3A_175 = arith.index_cast %scan3A_128 : i32 to index
          %get3A_176 = arith.constant 32 : index
          %get3A_177 = tpu.vector_load %arg10[%get3A_174, %get3A_175, %get3A_176] {strides = array<i32>} : memref<3x64x128xf32, #tpu.memory_space<vmem>>, vector<1x1x16xf32>,
          %get3A_178 = vector.shape_cast %get3A_177 : vector<1x1x16xf32> to vector<16xf32>
          %add3A_179 = arith.addf %get3A_172, %get3A_178 : vector<16xf32>
          %swap3A_180 = arith.constant 0 : i32
          %swap3A_181 = arith.index_cast %swap3A_180 : i32 to index
          %swap3A_182 = arith.index_cast %scan3A_128 : i32 to index
          %swap3A_183 = arith.constant 32 : index
          %swap3A_184 = tpu.vector_load %arg9[%swap3A_181, %swap3A_182, %swap3A_183] {strides = array<i32>} : memref<3x64x128xf32, #tpu.memory_space<vmem>>, vector<1x1x16xf32>,
          %swap3A_185 = vector.shape_cast %swap3A_184 : vector<1x1x16xf32> to vector<16xf32>
          %swap3A_186 = vector.shape_cast %add3A_179 : vector<16xf32> to vector<1x1x16xf32>
          tpu.vector_store %arg9[%swap3A_181, %swap3A_182, %swap3A_183], %swap3A_186 {strides = array<i32>} : memref<3x64x128xf32, #tpu.memory_space<vmem>>, vector<1x1x16xf32>,
          %get3A_187 = arith.constant 0 : i32
          %get3A_188 = arith.index_cast %get3A_187 : i32 to index
          %get3A_189 = arith.index_cast %scan3A_128 : i32 to index
          %get3A_190 = arith.constant 48 : index
          %get3A_191 = tpu.vector_load %arg9[%get3A_188, %get3A_189, %get3A_190] {strides = array<i32>} : memref<3x64x128xf32, #tpu.memory_space<vmem>>, vector<1x1x16xf32>,
          %get3A_192 = vector.shape_cast %get3A_191 : vector<1x1x16xf32> to vector<16xf32>
          %get3A_193 = arith.constant 0 : i32
          %get3A_194 = arith.index_cast %get3A_193 : i32 to index
          %get3A_195 = arith.index_cast %scan3A_128 : i32 to index
          %get3A_196 = arith.constant 48 : index
          %get3A_197 = tpu.vector_load %arg10[%get3A_194, %get3A_195, %get3A_196] {strides = array<i32>} : memref<3x64x128xf32, #tpu.memory_space<vmem>>, vector<1x1x16xf32>,
          %get3A_198 = vector.shape_cast %get3A_197 : vector<1x1x16xf32> to vector<16xf32>
          %add3A_199 = arith.addf %get3A_192, %get3A_198 : vector<16xf32>
          %swap3A_200 = arith.constant 0 : i32
          %swap3A_201 = arith.index_cast %swap3A_200 : i32 to index
          %swap3A_202 = arith.index_cast %scan3A_128 : i32 to index
          %swap3A_203 = arith.constant 48 : index
          %swap3A_204 = tpu.vector_load %arg9[%swap3A_201, %swap3A_202, %swap3A_203] {strides = array<i32>} : memref<3x64x128xf32, #tpu.memory_space<vmem>>, vector<1x1x16xf32>,
          %swap3A_205 = vector.shape_cast %swap3A_204 : vector<1x1x16xf32> to vector<16xf32>
          %swap3A_206 = vector.shape_cast %add3A_199 : vector<16xf32> to vector<1x1x16xf32>
          tpu.vector_store %arg9[%swap3A_201, %swap3A_202, %swap3A_203], %swap3A_206 {strides = array<i32>} : memref<3x64x128xf32, #tpu.memory_space<vmem>>, vector<1x1x16xf32>,
          %get3A_207 = arith.constant 0 : i32
          %get3A_208 = arith.index_cast %get3A_207 : i32 to index
          %get3A_209 = arith.index_cast %scan3A_128 : i32 to index
          %get3A_210 = arith.constant 64 : index
          %get3A_211 = tpu.vector_load %arg9[%get3A_208, %get3A_209, %get3A_210] {strides = array<i32>} : memref<3x64x128xf32, #tpu.memory_space<vmem>>, vector<1x1x16xf32>,
          %get3A_212 = vector.shape_cast %get3A_211 : vector<1x1x16xf32> to vector<16xf32>
          %get3A_213 = arith.constant 0 : i32
          %get3A_214 = arith.index_cast %get3A_213 : i32 to index
          %get3A_215 = arith.index_cast %scan3A_128 : i32 to index
          %get3A_216 = arith.constant 64 : index
          %get3A_217 = tpu.vector_load %arg10[%get3A_214, %get3A_215, %get3A_216] {strides = array<i32>} : memref<3x64x128xf32, #tpu.memory_space<vmem>>, vector<1x1x16xf32>,
          %get3A_218 = vector.shape_cast %get3A_217 : vector<1x1x16xf32> to vector<16xf32>
          %add3A_219 = arith.addf %get3A_212, %get3A_218 : vector<16xf32>
          %swap3A_220 = arith.constant 0 : i32
          %swap3A_221 = arith.index_cast %swap3A_220 : i32 to index
          %swap3A_222 = arith.index_cast %scan3A_128 : i32 to index
          %swap3A_223 = arith.constant 64 : index
          %swap3A_224 = tpu.vector_load %arg9[%swap3A_221, %swap3A_222, %swap3A_223] {strides = array<i32>} : memref<3x64x128xf32, #tpu.memory_space<vmem>>, vector<1x1x16xf32>,
          %swap3A_225 = vector.shape_cast %swap3A_224 : vector<1x1x16xf32> to vector<16xf32>
          %swap3A_226 = vector.shape_cast %add3A_219 : vector<16xf32> to vector<1x1x16xf32>
          tpu.vector_store %arg9[%swap3A_221, %swap3A_222, %swap3A_223], %swap3A_226 {strides = array<i32>} : memref<3x64x128xf32, #tpu.memory_space<vmem>>, vector<1x1x16xf32>,
          %get3A_227 = arith.constant 0 : i32
          %get3A_228 = arith.index_cast %get3A_227 : i32 to index
          %get3A_229 = arith.index_cast %scan3A_128 : i32 to index
          %get3A_230 = arith.constant 80 : index
          %get3A_231 = tpu.vector_load %arg9[%get3A_228, %get3A_229, %get3A_230] {strides = array<i32>} : memref<3x64x128xf32, #tpu.memory_space<vmem>>, vector<1x1x16xf32>,
          %get3A_232 = vector.shape_cast %get3A_231 : vector<1x1x16xf32> to vector<16xf32>
          %get3A_233 = arith.constant 0 : i32
          %get3A_234 = arith.index_cast %get3A_233 : i32 to index
          %get3A_235 = arith.index_cast %scan3A_128 : i32 to index
          %get3A_236 = arith.constant 80 : index
          %get3A_237 = tpu.vector_load %arg10[%get3A_234, %get3A_235, %get3A_236] {strides = array<i32>} : memref<3x64x128xf32, #tpu.memory_space<vmem>>, vector<1x1x16xf32>,
          %get3A_238 = vector.shape_cast %get3A_237 : vector<1x1x16xf32> to vector<16xf32>
          %add3A_239 = arith.addf %get3A_232, %get3A_238 : vector<16xf32>
          %swap3A_240 = arith.constant 0 : i32
          %swap3A_241 = arith.index_cast %swap3A_240 : i32 to index
          %swap3A_242 = arith.index_cast %scan3A_128 : i32 to index
          %swap3A_243 = arith.constant 80 : index
          %swap3A_244 = tpu.vector_load %arg9[%swap3A_241, %swap3A_242, %swap3A_243] {strides = array<i32>} : memref<3x64x128xf32, #tpu.memory_space<vmem>>, vector<1x1x16xf32>,
          %swap3A_245 = vector.shape_cast %swap3A_244 : vector<1x1x16xf32> to vector<16xf32>
          %swap3A_246 = vector.shape_cast %add3A_239 : vector<16xf32> to vector<1x1x16xf32>
          tpu.vector_store %arg9[%swap3A_241, %swap3A_242, %swap3A_243], %swap3A_246 {strides = array<i32>} : memref<3x64x128xf32, #tpu.memory_space<vmem>>, vector<1x1x16xf32>,
          %get3A_247 = arith.constant 0 : i32
          %get3A_248 = arith.index_cast %get3A_247 : i32 to index
          %get3A_249 = arith.index_cast %scan3A_128 : i32 to index
          %get3A_250 = arith.constant 96 : index
          %get3A_251 = tpu.vector_load %arg9[%get3A_248, %get3A_249, %get3A_250] {strides = array<i32>} : memref<3x64x128xf32, #tpu.memory_space<vmem>>, vector<1x1x16xf32>,
          %get3A_252 = vector.shape_cast %get3A_251 : vector<1x1x16xf32> to vector<16xf32>
          %get3A_253 = arith.constant 0 : i32
          %get3A_254 = arith.index_cast %get3A_253 : i32 to index
          %get3A_255 = arith.index_cast %scan3A_128 : i32 to index
          %get3A_256 = arith.constant 96 : index
          %get3A_257 = tpu.vector_load %arg10[%get3A_254, %get3A_255, %get3A_256] {strides = array<i32>} : memref<3x64x128xf32, #tpu.memory_space<vmem>>, vector<1x1x16xf32>,
          %get3A_258 = vector.shape_cast %get3A_257 : vector<1x1x16xf32> to vector<16xf32>
          %add3A_259 = arith.addf %get3A_252, %get3A_258 : vector<16xf32>
          %swap3A_260 = arith.constant 0 : i32
          %swap3A_261 = arith.index_cast %swap3A_260 : i32 to index
          %swap3A_262 = arith.index_cast %scan3A_128 : i32 to index
          %swap3A_263 = arith.constant 96 : index
          %swap3A_264 = tpu.vector_load %arg9[%swap3A_261, %swap3A_262, %swap3A_263] {strides = array<i32>} : memref<3x64x128xf32, #tpu.memory_space<vmem>>, vector<1x1x16xf32>,
          %swap3A_265 = vector.shape_cast %swap3A_264 : vector<1x1x16xf32> to vector<16xf32>
          %swap3A_266 = vector.shape_cast %add3A_259 : vector<16xf32> to vector<1x1x16xf32>
          tpu.vector_store %arg9[%swap3A_261, %swap3A_262, %swap3A_263], %swap3A_266 {strides = array<i32>} : memref<3x64x128xf32, #tpu.memory_space<vmem>>, vector<1x1x16xf32>,
          %get3A_267 = arith.constant 0 : i32
          %get3A_268 = arith.index_cast %get3A_267 : i32 to index
          %get3A_269 = arith.index_cast %scan3A_128 : i32 to index
          %get3A_270 = arith.constant 112 : index
          %get3A_271 = tpu.vector_load %arg9[%get3A_268, %get3A_269, %get3A_270] {strides = array<i32>} : memref<3x64x128xf32, #tpu.memory_space<vmem>>, vector<1x1x16xf32>,
          %get3A_272 = vector.shape_cast %get3A_271 : vector<1x1x16xf32> to vector<16xf32>
          %get3A_273 = arith.constant 0 : i32
          %get3A_274 = arith.index_cast %get3A_273 : i32 to index
          %get3A_275 = arith.index_cast %scan3A_128 : i32 to index
          %get3A_276 = arith.constant 112 : index
          %get3A_277 = tpu.vector_load %arg10[%get3A_274, %get3A_275, %get3A_276] {strides = array<i32>} : memref<3x64x128xf32, #tpu.memory_space<vmem>>, vector<1x1x16xf32>,
          %get3A_278 = vector.shape_cast %get3A_277 : vector<1x1x16xf32> to vector<16xf32>
          %add3A_279 = arith.addf %get3A_272, %get3A_278 : vector<16xf32>
          %swap3A_280 = arith.constant 0 : i32
          %swap3A_281 = arith.index_cast %swap3A_280 : i32 to index
          %swap3A_282 = arith.index_cast %scan3A_128 : i32 to index
          %swap3A_283 = arith.constant 112 : index
          %swap3A_284 = tpu.vector_load %arg9[%swap3A_281, %swap3A_282, %swap3A_283] {strides = array<i32>} : memref<3x64x128xf32, #tpu.memory_space<vmem>>, vector<1x1x16xf32>,
          %swap3A_285 = vector.shape_cast %swap3A_284 : vector<1x1x16xf32> to vector<16xf32>
          %swap3A_286 = vector.shape_cast %add3A_279 : vector<16xf32> to vector<1x1x16xf32>
          tpu.vector_store %arg9[%swap3A_281, %swap3A_282, %swap3A_283], %swap3A_286 {strides = array<i32>} : memref<3x64x128xf32, #tpu.memory_space<vmem>>, vector<1x1x16xf32>,
        }
        %scan3A_113 = arith.constant 64 : i32
        %mul3A_114 = arith.constant 64 : i32
        %mul3A_115 = arith.muli %add3A_47, %mul3A_114 : i32
        %dma_start3A = arith.constant 0 : i32
        %dma_start3A_116 = arith.constant 0 : i32
        %dma_start3A_117 = arith.constant 0 : i32
        %dma_start3A_118 = tpu.memref_slice %arg9[%dma_start3A, %dma_start3A_116, %dma_start3A_117] : memref<3x64x128xf32, #tpu.memory_space<vmem>> -> memref<1x64x128xf32, #tpu.memory_space<vmem>>
        %dma_start3A_119 = tpu.memref_squeeze %dma_start3A_118 : memref<1x64x128xf32, #tpu.memory_space<vmem>> -> memref<64x128xf32, #tpu.memory_space<vmem>>
        %dma_start3A_120 = arith.constant 0 : i32
        %dma_start3A_121 = tpu.memref_slice %arg6[%mul3A_115, %dma_start3A_120] : memref<320000x128xf32, #tpu.memory_space<hbm>> -> memref<64x128xf32, #tpu.memory_space<hbm>>
        %dma_start3A_122 = arith.constant 0 : i32
        %dma_start3A_123 = tpu.memref_slice %arg6[%mul3A_115, %dma_start3A_122] : memref<320000x128xf32, #tpu.memory_space<hbm>> -> memref<64x128xf32, #tpu.memory_space<hbm>>
        %dma_start3A_124 = arith.constant 0 : i32
        %dma_start3A_125 = arith.constant 0 : i32
        %dma_start3A_126 = tpu.memref_slice %arg9[%dma_start3A, %dma_start3A_124, %dma_start3A_125] : memref<3x64x128xf32, #tpu.memory_space<vmem>> -> memref<1x64x128xf32, #tpu.memory_space<vmem>>
        %dma_start3A_127 = tpu.memref_squeeze %dma_start3A_126 : memref<1x64x128xf32, #tpu.memory_space<vmem>> -> memref<64x128xf32, #tpu.memory_space<vmem>>
        tpu.enqueue_dma source(%dma_start3A_127 : memref<64x128xf32, #tpu.memory_space<vmem>>) target(%dma_start3A_123 : memref<64x128xf32, #tpu.memory_space<hbm>>) target_semaphore(%arg14 : memref<!tpu.dma_semaphore, #tpu.memory_space<semaphore_mem>>)
      } else {
      }
      %mul3A_55 = arith.constant 3 : i32
      %mul3A_56 = arith.muli %mul3A_55, %scan3A_40 : i32
      %add3A_57 = arith.constant 1 : i32
      %add3A_58 = arith.addi %mul3A_56, %add3A_57 : i32
      %mul3A_59 = arith.constant 32 : i32
      %mul3A_60 = arith.muli %add3A_58, %mul3A_59 : i32
      %add3A_61 = arith.addi %add3A, %mul3A_60 : i32
      %add3A_62 = arith.constant 32 : i32
      %add3A_63 = arith.addi %add3A_61, %add3A_62 : i32
      %lt3A_64 = arith.constant 5000 : i32
      %lt3A_65 = arith.cmpi slt, %add3A_61, %lt3A_64 : i32
      %convert_element_type3A_66 = arith.extui %lt3A_65 : i1 to i32
      %cond3A_67 = arith.constant 0 : i32
      %cond3A_68 = arith.cmpi ne, %convert_element_type3A_66, %cond3A_67 : i32
      scf.if %cond3A_68 {
        %dma_wait3A = arith.constant 1 : i32
        %dma_wait3A_83 = arith.constant 0 : i32
        %dma_wait3A_84 = arith.constant 0 : i32
        %dma_wait3A_85 = tpu.memref_slice %arg10[%dma_wait3A, %dma_wait3A_83, %dma_wait3A_84] : memref<3x64x128xf32, #tpu.memory_space<vmem>> -> memref<1x64x128xf32, #tpu.memory_space<vmem>>
        %dma_wait3A_86 = tpu.memref_squeeze %dma_wait3A_85 : memref<1x64x128xf32, #tpu.memory_space<vmem>> -> memref<64x128xf32, #tpu.memory_space<vmem>>
        %dma_wait3A_87 = arith.constant 0 : i32
        %dma_wait3A_88 = arith.constant 0 : i32
        %dma_wait3A_89 = tpu.memref_slice %arg3[%dma_wait3A_87, %dma_wait3A_88] : memref<10000x128xf32, #tpu.memory_space<hbm>> -> memref<64x128xf32, #tpu.memory_space<hbm>>
        %dma_wait3A_90 = arith.constant 0 : i32
        %dma_wait3A_91 = arith.constant 0 : i32
        %dma_wait3A_92 = tpu.memref_slice %arg10[%dma_wait3A, %dma_wait3A_90, %dma_wait3A_91] : memref<3x64x128xf32, #tpu.memory_space<vmem>> -> memref<1x64x128xf32, #tpu.memory_space<vmem>>
        %dma_wait3A_93 = tpu.memref_squeeze %dma_wait3A_92 : memref<1x64x128xf32, #tpu.memory_space<vmem>> -> memref<64x128xf32, #tpu.memory_space<vmem>>
        %dma_wait3A_94 = arith.constant 0 : i32
        %dma_wait3A_95 = arith.constant 0 : i32
        %dma_wait3A_96 = tpu.memref_slice %arg3[%dma_wait3A_94, %dma_wait3A_95] : memref<10000x128xf32, #tpu.memory_space<hbm>> -> memref<64x128xf32, #tpu.memory_space<hbm>>
        tpu.wait_dma2 semaphore(%arg13 : memref<!tpu.dma_semaphore, #tpu.memory_space<semaphore_mem>>) src(%dma_wait3A_96 : memref<64x128xf32, #tpu.memory_space<hbm>>) dst(%dma_wait3A_93 : memref<64x128xf32, #tpu.memory_space<vmem>>)
        %lt3A_97 = arith.constant 5000 : i32
        %lt3A_98 = arith.cmpi slt, %add3A_63, %lt3A_97 : i32
        %convert_element_type3A_99 = arith.extui %lt3A_98 : i1 to i32
        %cond3A_100 = arith.constant 0 : i32
        %cond3A_101 = arith.cmpi ne, %convert_element_type3A_99, %cond3A_100 : i32
        scf.if %cond3A_101 {
          %dma_wait3A_128 = arith.constant 2 : i32
          %dma_wait3A_129 = arith.constant 0 : i32
          %dma_wait3A_130 = tpu.memref_slice %arg7[%dma_wait3A_128, %dma_wait3A_129] : memref<3x64xi32, #tpu.memory_space<vmem>> -> memref<1x64xi32, #tpu.memory_space<vmem>>
          %dma_wait3A_131 = tpu.memref_squeeze %dma_wait3A_130 : memref<1x64xi32, #tpu.memory_space<vmem>> -> memref<64xi32, #tpu.memory_space<vmem>>
          %dma_wait3A_132 = arith.constant 0 : i32
          %dma_wait3A_133 = tpu.memref_slice %arg4[%dma_wait3A_132] : memref<320000xi32, #tpu.memory_space<hbm>> -> memref<64xi32, #tpu.memory_space<hbm>>
          %dma_wait3A_134 = arith.constant 0 : i32
          %dma_wait3A_135 = tpu.memref_slice %arg7[%dma_wait3A_128, %dma_wait3A_134] : memref<3x64xi32, #tpu.memory_space<vmem>> -> memref<1x64xi32, #tpu.memory_space<vmem>>
          %dma_wait3A_136 = tpu.memref_squeeze %dma_wait3A_135 : memref<1x64xi32, #tpu.memory_space<vmem>> -> memref<64xi32, #tpu.memory_space<vmem>>
          %dma_wait3A_137 = arith.constant 0 : i32
          %dma_wait3A_138 = tpu.memref_slice %arg4[%dma_wait3A_137] : memref<320000xi32, #tpu.memory_space<hbm>> -> memref<64xi32, #tpu.memory_space<hbm>>
          tpu.wait_dma2 semaphore(%arg12 : memref<!tpu.dma_semaphore, #tpu.memory_space<semaphore_mem>>) src(%dma_wait3A_138 : memref<64xi32, #tpu.memory_space<hbm>>) dst(%dma_wait3A_136 : memref<64xi32, #tpu.memory_space<vmem>>)
          %dma_wait3A_139 = arith.constant 2 : i32
          %dma_wait3A_140 = arith.constant 0 : i32
          %dma_wait3A_141 = tpu.memref_slice %arg8[%dma_wait3A_139, %dma_wait3A_140] : memref<3x64xi32, #tpu.memory_space<vmem>> -> memref<1x64xi32, #tpu.memory_space<vmem>>
          %dma_wait3A_142 = tpu.memref_squeeze %dma_wait3A_141 : memref<1x64xi32, #tpu.memory_space<vmem>> -> memref<64xi32, #tpu.memory_space<vmem>>
          %dma_wait3A_143 = arith.constant 0 : i32
          %dma_wait3A_144 = tpu.memref_slice %arg5[%dma_wait3A_143] : memref<320000xi32, #tpu.memory_space<hbm>> -> memref<64xi32, #tpu.memory_space<hbm>>
          %dma_wait3A_145 = arith.constant 0 : i32
          %dma_wait3A_146 = tpu.memref_slice %arg8[%dma_wait3A_139, %dma_wait3A_145] : memref<3x64xi32, #tpu.memory_space<vmem>> -> memref<1x64xi32, #tpu.memory_space<vmem>>
          %dma_wait3A_147 = tpu.memref_squeeze %dma_wait3A_146 : memref<1x64xi32, #tpu.memory_space<vmem>> -> memref<64xi32, #tpu.memory_space<vmem>>
          %dma_wait3A_148 = arith.constant 0 : i32
          %dma_wait3A_149 = tpu.memref_slice %arg5[%dma_wait3A_148] : memref<320000xi32, #tpu.memory_space<hbm>> -> memref<64xi32, #tpu.memory_space<hbm>>
          tpu.wait_dma2 semaphore(%arg12 : memref<!tpu.dma_semaphore, #tpu.memory_space<semaphore_mem>>) src(%dma_wait3A_149 : memref<64xi32, #tpu.memory_space<hbm>>) dst(%dma_wait3A_147 : memref<64xi32, #tpu.memory_space<vmem>>)
          %add3A_150 = arith.constant 64 : i32
          %add3A_151 = arith.addi %add3A, %add3A_150 : i32
          %ge3A = arith.cmpi sge, %add3A_61, %add3A_151 : i32
          %convert_element_type3A_152 = arith.extui %ge3A : i1 to i32
          %cond3A_153 = arith.constant 0 : i32
          %cond3A_154 = arith.cmpi ne, %convert_element_type3A_152, %cond3A_153 : i32
          scf.if %cond3A_154 {
            %dma_wait3A_191 = arith.constant 2 : i32
            %dma_wait3A_192 = arith.constant 0 : i32
            %dma_wait3A_193 = arith.constant 0 : i32
            %dma_wait3A_194 = tpu.memref_slice %arg9[%dma_wait3A_191, %dma_wait3A_192, %dma_wait3A_193] : memref<3x64x128xf32, #tpu.memory_space<vmem>> -> memref<1x64x128xf32, #tpu.memory_space<vmem>>
            %dma_wait3A_195 = tpu.memref_squeeze %dma_wait3A_194 : memref<1x64x128xf32, #tpu.memory_space<vmem>> -> memref<64x128xf32, #tpu.memory_space<vmem>>
            %dma_wait3A_196 = arith.constant 0 : i32
            %dma_wait3A_197 = arith.constant 0 : i32
            %dma_wait3A_198 = tpu.memref_slice %arg6[%dma_wait3A_196, %dma_wait3A_197] : memref<320000x128xf32, #tpu.memory_space<hbm>> -> memref<64x128xf32, #tpu.memory_space<hbm>>
            %dma_wait3A_199 = arith.constant 0 : i32
            %dma_wait3A_200 = arith.constant 0 : i32
            %dma_wait3A_201 = tpu.memref_slice %arg6[%dma_wait3A_199, %dma_wait3A_200] : memref<320000x128xf32, #tpu.memory_space<hbm>> -> memref<64x128xf32, #tpu.memory_space<hbm>>
            %dma_wait3A_202 = arith.constant 0 : i32
            %dma_wait3A_203 = arith.constant 0 : i32
            %dma_wait3A_204 = tpu.memref_slice %arg9[%dma_wait3A_191, %dma_wait3A_202, %dma_wait3A_203] : memref<3x64x128xf32, #tpu.memory_space<vmem>> -> memref<1x64x128xf32, #tpu.memory_space<vmem>>
            %dma_wait3A_205 = tpu.memref_squeeze %dma_wait3A_204 : memref<1x64x128xf32, #tpu.memory_space<vmem>> -> memref<64x128xf32, #tpu.memory_space<vmem>>
            tpu.wait_dma2 semaphore(%arg14 : memref<!tpu.dma_semaphore, #tpu.memory_space<semaphore_mem>>) src(%dma_wait3A_205 : memref<64x128xf32, #tpu.memory_space<vmem>>) dst(%dma_wait3A_201 : memref<64x128xf32, #tpu.memory_space<hbm>>)
          } else {
          }
          %dma_start3A_155 = arith.constant 2 : i32
          %dma_start3A_156 = arith.constant 2 : i32
          %dma_start3A_157 = arith.constant 0 : i32
          %dma_start3A_158 = arith.constant 0 : i32
          %dma_start3A_159 = tpu.memref_slice %arg9[%dma_start3A_156, %dma_start3A_157, %dma_start3A_158] : memref<3x64x128xf32, #tpu.memory_space<vmem>> -> memref<1x64x128xf32, #tpu.memory_space<vmem>>
          %dma_start3A_160 = tpu.memref_squeeze %dma_start3A_159 : memref<1x64x128xf32, #tpu.memory_space<vmem>> -> memref<64x128xf32, #tpu.memory_space<vmem>>
          %dma_start3A_161 = arith.constant 0 : i32
          %dma_start3A_162 = tpu.memref_slice %arg7[%dma_start3A_155, %dma_start3A_161] : memref<3x64xi32, #tpu.memory_space<vmem>> -> memref<1x64xi32, #tpu.memory_space<vmem>>
          %dma_start3A_163 = tpu.memref_squeeze %dma_start3A_162 : memref<1x64xi32, #tpu.memory_space<vmem>> -> memref<64xi32, #tpu.memory_space<vmem>>
          %dma_start3A_164 = arith.constant 0 : i32
          %dma_start3A_165 = arith.constant 0 : i32
          %dma_start3A_166 = tpu.memref_slice %arg11[%dma_start3A_164, %dma_start3A_165] : memref<10000x128xf32, #tpu.memory_space<vmem_shared>> -> memref<10000x128xf32, #tpu.memory_space<vmem_shared>>
          tpu.enqueue_indirect_dma source(%dma_start3A_166 : memref<10000x128xf32, #tpu.memory_space<vmem_shared>>) target(%dma_start3A_160 : memref<64x128xf32, #tpu.memory_space<vmem>>) offsets(%dma_start3A_163 : memref<64xi32, #tpu.memory_space<vmem>>) semaphore(%arg13 : memref<!tpu.dma_semaphore, #tpu.memory_space<semaphore_mem>>)
          %dma_wait3A_167 = arith.constant 2 : i32
          %dma_wait3A_168 = arith.constant 2 : i32
          %dma_wait3A_169 = arith.constant 0 : i32
          %dma_wait3A_170 = arith.constant 0 : i32
          %dma_wait3A_171 = tpu.memref_slice %arg9[%dma_wait3A_168, %dma_wait3A_169, %dma_wait3A_170] : memref<3x64x128xf32, #tpu.memory_space<vmem>> -> memref<1x64x128xf32, #tpu.memory_space<vmem>>
          %dma_wait3A_172 = tpu.memref_squeeze %dma_wait3A_171 : memref<1x64x128xf32, #tpu.memory_space<vmem>> -> memref<64x128xf32, #tpu.memory_space<vmem>>
          %dma_wait3A_173 = arith.constant 0 : i32
          %dma_wait3A_174 = tpu.memref_slice %arg7[%dma_wait3A_167, %dma_wait3A_173] : memref<3x64xi32, #tpu.memory_space<vmem>> -> memref<1x64xi32, #tpu.memory_space<vmem>>
          %dma_wait3A_175 = tpu.memref_squeeze %dma_wait3A_174 : memref<1x64xi32, #tpu.memory_space<vmem>> -> memref<64xi32, #tpu.memory_space<vmem>>
          %dma_wait3A_176 = arith.constant 0 : i32
          %dma_wait3A_177 = arith.constant 0 : i32
          %dma_wait3A_178 = tpu.memref_slice %arg11[%dma_wait3A_176, %dma_wait3A_177] : memref<10000x128xf32, #tpu.memory_space<vmem_shared>> -> memref<10000x128xf32, #tpu.memory_space<vmem_shared>>
          tpu.wait_indirect_dma semaphore(%arg13 : memref<!tpu.dma_semaphore, #tpu.memory_space<semaphore_mem>>) src(%dma_wait3A_178 : memref<10000x128xf32, #tpu.memory_space<vmem_shared>>) dst(%dma_wait3A_172 : memref<64x128xf32, #tpu.memory_space<vmem>>)
          %dma_start3A_179 = arith.constant 2 : i32
          %dma_start3A_180 = arith.constant 2 : i32
          %dma_start3A_181 = arith.constant 0 : i32
          %dma_start3A_182 = arith.constant 0 : i32
          %dma_start3A_183 = tpu.memref_slice %arg10[%dma_start3A_180, %dma_start3A_181, %dma_start3A_182] : memref<3x64x128xf32, #tpu.memory_space<vmem>> -> memref<1x64x128xf32, #tpu.memory_space<vmem>>
          %dma_start3A_184 = tpu.memref_squeeze %dma_start3A_183 : memref<1x64x128xf32, #tpu.memory_space<vmem>> -> memref<64x128xf32, #tpu.memory_space<vmem>>
          %dma_start3A_185 = arith.constant 0 : i32
          %dma_start3A_186 = tpu.memref_slice %arg8[%dma_start3A_179, %dma_start3A_185] : memref<3x64xi32, #tpu.memory_space<vmem>> -> memref<1x64xi32, #tpu.memory_space<vmem>>
          %dma_start3A_187 = tpu.memref_squeeze %dma_start3A_186 : memref<1x64xi32, #tpu.memory_space<vmem>> -> memref<64xi32, #tpu.memory_space<vmem>>
          %dma_start3A_188 = arith.constant 0 : i32
          %dma_start3A_189 = arith.constant 0 : i32
          %dma_start3A_190 = tpu.memref_slice %arg3[%dma_start3A_188, %dma_start3A_189] : memref<10000x128xf32, #tpu.memory_space<hbm>> -> memref<10000x128xf32, #tpu.memory_space<hbm>>
          tpu.enqueue_indirect_dma source(%dma_start3A_190 : memref<10000x128xf32, #tpu.memory_space<hbm>>) target(%dma_start3A_184 : memref<64x128xf32, #tpu.memory_space<vmem>>) offsets(%dma_start3A_187 : memref<64xi32, #tpu.memory_space<vmem>>) semaphore(%arg13 : memref<!tpu.dma_semaphore, #tpu.memory_space<semaphore_mem>>)
        } else {
        }
        %add3A_102 = arith.constant 32 : i32
        %add3A_103 = arith.addi %add3A_63, %add3A_102 : i32
        %lt3A_104 = arith.constant 5000 : i32
        %lt3A_105 = arith.cmpi slt, %add3A_103, %lt3A_104 : i32
        %convert_element_type3A_106 = arith.extui %lt3A_105 : i1 to i32
        %cond3A_107 = arith.constant 0 : i32
        %cond3A_108 = arith.cmpi ne, %convert_element_type3A_106, %cond3A_107 : i32
        scf.if %cond3A_108 {
          %add3A_128 = arith.constant 32 : i32
          %add3A_129 = arith.addi %add3A_63, %add3A_128 : i32
          %mul3A_130 = arith.constant 64 : i32
          %mul3A_131 = arith.muli %add3A_129, %mul3A_130 : i32
          %dma_start3A_132 = arith.constant 0 : i32
          %dma_start3A_133 = arith.constant 0 : i32
          %dma_start3A_134 = tpu.memref_slice %arg7[%dma_start3A_132, %dma_start3A_133] : memref<3x64xi32, #tpu.memory_space<vmem>> -> memref<1x64xi32, #tpu.memory_space<vmem>>
          %dma_start3A_135 = tpu.memref_squeeze %dma_start3A_134 : memref<1x64xi32, #tpu.memory_space<vmem>> -> memref<64xi32, #tpu.memory_space<vmem>>
          %dma_start3A_136 = tpu.memref_slice %arg4[%mul3A_131] : memref<320000xi32, #tpu.memory_space<hbm>> -> memref<64xi32, #tpu.memory_space<hbm>>
          %dma_start3A_137 = arith.constant 0 : i32
          %dma_start3A_138 = tpu.memref_slice %arg7[%dma_start3A_132, %dma_start3A_137] : memref<3x64xi32, #tpu.memory_space<vmem>> -> memref<1x64xi32, #tpu.memory_space<vmem>>
          %dma_start3A_139 = tpu.memref_squeeze %dma_start3A_138 : memref<1x64xi32, #tpu.memory_space<vmem>> -> memref<64xi32, #tpu.memory_space<vmem>>
          %dma_start3A_140 = tpu.memref_slice %arg4[%mul3A_131] : memref<320000xi32, #tpu.memory_space<hbm>> -> memref<64xi32, #tpu.memory_space<hbm>>
          tpu.enqueue_dma source(%dma_start3A_140 : memref<64xi32, #tpu.memory_space<hbm>>) target(%dma_start3A_139 : memref<64xi32, #tpu.memory_space<vmem>>) target_semaphore(%arg12 : memref<!tpu.dma_semaphore, #tpu.memory_space<semaphore_mem>>)
          %dma_start3A_141 = arith.constant 0 : i32
          %dma_start3A_142 = arith.constant 0 : i32
          %dma_start3A_143 = tpu.memref_slice %arg8[%dma_start3A_141, %dma_start3A_142] : memref<3x64xi32, #tpu.memory_space<vmem>> -> memref<1x64xi32, #tpu.memory_space<vmem>>
          %dma_start3A_144 = tpu.memref_squeeze %dma_start3A_143 : memref<1x64xi32, #tpu.memory_space<vmem>> -> memref<64xi32, #tpu.memory_space<vmem>>
          %dma_start3A_145 = tpu.memref_slice %arg5[%mul3A_131] : memref<320000xi32, #tpu.memory_space<hbm>> -> memref<64xi32, #tpu.memory_space<hbm>>
          %dma_start3A_146 = arith.constant 0 : i32
          %dma_start3A_147 = tpu.memref_slice %arg8[%dma_start3A_141, %dma_start3A_146] : memref<3x64xi32, #tpu.memory_space<vmem>> -> memref<1x64xi32, #tpu.memory_space<vmem>>
          %dma_start3A_148 = tpu.memref_squeeze %dma_start3A_147 : memref<1x64xi32, #tpu.memory_space<vmem>> -> memref<64xi32, #tpu.memory_space<vmem>>
          %dma_start3A_149 = tpu.memref_slice %arg5[%mul3A_131] : memref<320000xi32, #tpu.memory_space<hbm>> -> memref<64xi32, #tpu.memory_space<hbm>>
          tpu.enqueue_dma source(%dma_start3A_149 : memref<64xi32, #tpu.memory_space<hbm>>) target(%dma_start3A_148 : memref<64xi32, #tpu.memory_space<vmem>>) target_semaphore(%arg12 : memref<!tpu.dma_semaphore, #tpu.memory_space<semaphore_mem>>)
        } else {
        }
        %scan3A_109 = arith.constant 0 : i32
        %scan3A_110 = arith.constant 64 : i32
        %scan3A_111 = arith.addi %scan3A_109, %scan3A_110 : i32
        %scan3A_112 = arith.constant 1 : i32
        scf.for %scan3A_128 = %scan3A_109 to %scan3A_111 step %scan3A_112  : i32 {
          %get3A = arith.constant 1 : i32
          %get3A_129 = arith.index_cast %get3A : i32 to index
          %get3A_130 = arith.index_cast %scan3A_128 : i32 to index
          %get3A_131 = arith.constant 0 : index
          %get3A_132 = tpu.vector_load %arg9[%get3A_129, %get3A_130, %get3A_131] {strides = array<i32>} : memref<3x64x128xf32, #tpu.memory_space<vmem>>, vector<1x1x16xf32>,
          %get3A_133 = vector.shape_cast %get3A_132 : vector<1x1x16xf32> to vector<16xf32>
          %get3A_134 = arith.constant 1 : i32
          %get3A_135 = arith.index_cast %get3A_134 : i32 to index
          %get3A_136 = arith.index_cast %scan3A_128 : i32 to index
          %get3A_137 = arith.constant 0 : index
          %get3A_138 = tpu.vector_load %arg10[%get3A_135, %get3A_136, %get3A_137] {strides = array<i32>} : memref<3x64x128xf32, #tpu.memory_space<vmem>>, vector<1x1x16xf32>,
          %get3A_139 = vector.shape_cast %get3A_138 : vector<1x1x16xf32> to vector<16xf32>
          %add3A_140 = arith.addf %get3A_133, %get3A_139 : vector<16xf32>
          %swap3A = arith.constant 1 : i32
          %swap3A_141 = arith.index_cast %swap3A : i32 to index
          %swap3A_142 = arith.index_cast %scan3A_128 : i32 to index
          %swap3A_143 = arith.constant 0 : index
          %swap3A_144 = tpu.vector_load %arg9[%swap3A_141, %swap3A_142, %swap3A_143] {strides = array<i32>} : memref<3x64x128xf32, #tpu.memory_space<vmem>>, vector<1x1x16xf32>,
          %swap3A_145 = vector.shape_cast %swap3A_144 : vector<1x1x16xf32> to vector<16xf32>
          %swap3A_146 = vector.shape_cast %add3A_140 : vector<16xf32> to vector<1x1x16xf32>
          tpu.vector_store %arg9[%swap3A_141, %swap3A_142, %swap3A_143], %swap3A_146 {strides = array<i32>} : memref<3x64x128xf32, #tpu.memory_space<vmem>>, vector<1x1x16xf32>,
          %get3A_147 = arith.constant 1 : i32
          %get3A_148 = arith.index_cast %get3A_147 : i32 to index
          %get3A_149 = arith.index_cast %scan3A_128 : i32 to index
          %get3A_150 = arith.constant 16 : index
          %get3A_151 = tpu.vector_load %arg9[%get3A_148, %get3A_149, %get3A_150] {strides = array<i32>} : memref<3x64x128xf32, #tpu.memory_space<vmem>>, vector<1x1x16xf32>,
          %get3A_152 = vector.shape_cast %get3A_151 : vector<1x1x16xf32> to vector<16xf32>
          %get3A_153 = arith.constant 1 : i32
          %get3A_154 = arith.index_cast %get3A_153 : i32 to index
          %get3A_155 = arith.index_cast %scan3A_128 : i32 to index
          %get3A_156 = arith.constant 16 : index
          %get3A_157 = tpu.vector_load %arg10[%get3A_154, %get3A_155, %get3A_156] {strides = array<i32>} : memref<3x64x128xf32, #tpu.memory_space<vmem>>, vector<1x1x16xf32>,
          %get3A_158 = vector.shape_cast %get3A_157 : vector<1x1x16xf32> to vector<16xf32>
          %add3A_159 = arith.addf %get3A_152, %get3A_158 : vector<16xf32>
          %swap3A_160 = arith.constant 1 : i32
          %swap3A_161 = arith.index_cast %swap3A_160 : i32 to index
          %swap3A_162 = arith.index_cast %scan3A_128 : i32 to index
          %swap3A_163 = arith.constant 16 : index
          %swap3A_164 = tpu.vector_load %arg9[%swap3A_161, %swap3A_162, %swap3A_163] {strides = array<i32>} : memref<3x64x128xf32, #tpu.memory_space<vmem>>, vector<1x1x16xf32>,
          %swap3A_165 = vector.shape_cast %swap3A_164 : vector<1x1x16xf32> to vector<16xf32>
          %swap3A_166 = vector.shape_cast %add3A_159 : vector<16xf32> to vector<1x1x16xf32>
          tpu.vector_store %arg9[%swap3A_161, %swap3A_162, %swap3A_163], %swap3A_166 {strides = array<i32>} : memref<3x64x128xf32, #tpu.memory_space<vmem>>, vector<1x1x16xf32>,
          %get3A_167 = arith.constant 1 : i32
          %get3A_168 = arith.index_cast %get3A_167 : i32 to index
          %get3A_169 = arith.index_cast %scan3A_128 : i32 to index
          %get3A_170 = arith.constant 32 : index
          %get3A_171 = tpu.vector_load %arg9[%get3A_168, %get3A_169, %get3A_170] {strides = array<i32>} : memref<3x64x128xf32, #tpu.memory_space<vmem>>, vector<1x1x16xf32>,
          %get3A_172 = vector.shape_cast %get3A_171 : vector<1x1x16xf32> to vector<16xf32>
          %get3A_173 = arith.constant 1 : i32
          %get3A_174 = arith.index_cast %get3A_173 : i32 to index
          %get3A_175 = arith.index_cast %scan3A_128 : i32 to index
          %get3A_176 = arith.constant 32 : index
          %get3A_177 = tpu.vector_load %arg10[%get3A_174, %get3A_175, %get3A_176] {strides = array<i32>} : memref<3x64x128xf32, #tpu.memory_space<vmem>>, vector<1x1x16xf32>,
          %get3A_178 = vector.shape_cast %get3A_177 : vector<1x1x16xf32> to vector<16xf32>
          %add3A_179 = arith.addf %get3A_172, %get3A_178 : vector<16xf32>
          %swap3A_180 = arith.constant 1 : i32
          %swap3A_181 = arith.index_cast %swap3A_180 : i32 to index
          %swap3A_182 = arith.index_cast %scan3A_128 : i32 to index
          %swap3A_183 = arith.constant 32 : index
          %swap3A_184 = tpu.vector_load %arg9[%swap3A_181, %swap3A_182, %swap3A_183] {strides = array<i32>} : memref<3x64x128xf32, #tpu.memory_space<vmem>>, vector<1x1x16xf32>,
          %swap3A_185 = vector.shape_cast %swap3A_184 : vector<1x1x16xf32> to vector<16xf32>
          %swap3A_186 = vector.shape_cast %add3A_179 : vector<16xf32> to vector<1x1x16xf32>
          tpu.vector_store %arg9[%swap3A_181, %swap3A_182, %swap3A_183], %swap3A_186 {strides = array<i32>} : memref<3x64x128xf32, #tpu.memory_space<vmem>>, vector<1x1x16xf32>,
          %get3A_187 = arith.constant 1 : i32
          %get3A_188 = arith.index_cast %get3A_187 : i32 to index
          %get3A_189 = arith.index_cast %scan3A_128 : i32 to index
          %get3A_190 = arith.constant 48 : index
          %get3A_191 = tpu.vector_load %arg9[%get3A_188, %get3A_189, %get3A_190] {strides = array<i32>} : memref<3x64x128xf32, #tpu.memory_space<vmem>>, vector<1x1x16xf32>,
          %get3A_192 = vector.shape_cast %get3A_191 : vector<1x1x16xf32> to vector<16xf32>
          %get3A_193 = arith.constant 1 : i32
          %get3A_194 = arith.index_cast %get3A_193 : i32 to index
          %get3A_195 = arith.index_cast %scan3A_128 : i32 to index
          %get3A_196 = arith.constant 48 : index
          %get3A_197 = tpu.vector_load %arg10[%get3A_194, %get3A_195, %get3A_196] {strides = array<i32>} : memref<3x64x128xf32, #tpu.memory_space<vmem>>, vector<1x1x16xf32>,
          %get3A_198 = vector.shape_cast %get3A_197 : vector<1x1x16xf32> to vector<16xf32>
          %add3A_199 = arith.addf %get3A_192, %get3A_198 : vector<16xf32>
          %swap3A_200 = arith.constant 1 : i32
          %swap3A_201 = arith.index_cast %swap3A_200 : i32 to index
          %swap3A_202 = arith.index_cast %scan3A_128 : i32 to index
          %swap3A_203 = arith.constant 48 : index
          %swap3A_204 = tpu.vector_load %arg9[%swap3A_201, %swap3A_202, %swap3A_203] {strides = array<i32>} : memref<3x64x128xf32, #tpu.memory_space<vmem>>, vector<1x1x16xf32>,
          %swap3A_205 = vector.shape_cast %swap3A_204 : vector<1x1x16xf32> to vector<16xf32>
          %swap3A_206 = vector.shape_cast %add3A_199 : vector<16xf32> to vector<1x1x16xf32>
          tpu.vector_store %arg9[%swap3A_201, %swap3A_202, %swap3A_203], %swap3A_206 {strides = array<i32>} : memref<3x64x128xf32, #tpu.memory_space<vmem>>, vector<1x1x16xf32>,
          %get3A_207 = arith.constant 1 : i32
          %get3A_208 = arith.index_cast %get3A_207 : i32 to index
          %get3A_209 = arith.index_cast %scan3A_128 : i32 to index
          %get3A_210 = arith.constant 64 : index
          %get3A_211 = tpu.vector_load %arg9[%get3A_208, %get3A_209, %get3A_210] {strides = array<i32>} : memref<3x64x128xf32, #tpu.memory_space<vmem>>, vector<1x1x16xf32>,
          %get3A_212 = vector.shape_cast %get3A_211 : vector<1x1x16xf32> to vector<16xf32>
          %get3A_213 = arith.constant 1 : i32
          %get3A_214 = arith.index_cast %get3A_213 : i32 to index
          %get3A_215 = arith.index_cast %scan3A_128 : i32 to index
          %get3A_216 = arith.constant 64 : index
          %get3A_217 = tpu.vector_load %arg10[%get3A_214, %get3A_215, %get3A_216] {strides = array<i32>} : memref<3x64x128xf32, #tpu.memory_space<vmem>>, vector<1x1x16xf32>,
          %get3A_218 = vector.shape_cast %get3A_217 : vector<1x1x16xf32> to vector<16xf32>
          %add3A_219 = arith.addf %get3A_212, %get3A_218 : vector<16xf32>
          %swap3A_220 = arith.constant 1 : i32
          %swap3A_221 = arith.index_cast %swap3A_220 : i32 to index
          %swap3A_222 = arith.index_cast %scan3A_128 : i32 to index
          %swap3A_223 = arith.constant 64 : index
          %swap3A_224 = tpu.vector_load %arg9[%swap3A_221, %swap3A_222, %swap3A_223] {strides = array<i32>} : memref<3x64x128xf32, #tpu.memory_space<vmem>>, vector<1x1x16xf32>,
          %swap3A_225 = vector.shape_cast %swap3A_224 : vector<1x1x16xf32> to vector<16xf32>
          %swap3A_226 = vector.shape_cast %add3A_219 : vector<16xf32> to vector<1x1x16xf32>
          tpu.vector_store %arg9[%swap3A_221, %swap3A_222, %swap3A_223], %swap3A_226 {strides = array<i32>} : memref<3x64x128xf32, #tpu.memory_space<vmem>>, vector<1x1x16xf32>,
          %get3A_227 = arith.constant 1 : i32
          %get3A_228 = arith.index_cast %get3A_227 : i32 to index
          %get3A_229 = arith.index_cast %scan3A_128 : i32 to index
          %get3A_230 = arith.constant 80 : index
          %get3A_231 = tpu.vector_load %arg9[%get3A_228, %get3A_229, %get3A_230] {strides = array<i32>} : memref<3x64x128xf32, #tpu.memory_space<vmem>>, vector<1x1x16xf32>,
          %get3A_232 = vector.shape_cast %get3A_231 : vector<1x1x16xf32> to vector<16xf32>
          %get3A_233 = arith.constant 1 : i32
          %get3A_234 = arith.index_cast %get3A_233 : i32 to index
          %get3A_235 = arith.index_cast %scan3A_128 : i32 to index
          %get3A_236 = arith.constant 80 : index
          %get3A_237 = tpu.vector_load %arg10[%get3A_234, %get3A_235, %get3A_236] {strides = array<i32>} : memref<3x64x128xf32, #tpu.memory_space<vmem>>, vector<1x1x16xf32>,
          %get3A_238 = vector.shape_cast %get3A_237 : vector<1x1x16xf32> to vector<16xf32>
          %add3A_239 = arith.addf %get3A_232, %get3A_238 : vector<16xf32>
          %swap3A_240 = arith.constant 1 : i32
          %swap3A_241 = arith.index_cast %swap3A_240 : i32 to index
          %swap3A_242 = arith.index_cast %scan3A_128 : i32 to index
          %swap3A_243 = arith.constant 80 : index
          %swap3A_244 = tpu.vector_load %arg9[%swap3A_241, %swap3A_242, %swap3A_243] {strides = array<i32>} : memref<3x64x128xf32, #tpu.memory_space<vmem>>, vector<1x1x16xf32>,
          %swap3A_245 = vector.shape_cast %swap3A_244 : vector<1x1x16xf32> to vector<16xf32>
          %swap3A_246 = vector.shape_cast %add3A_239 : vector<16xf32> to vector<1x1x16xf32>
          tpu.vector_store %arg9[%swap3A_241, %swap3A_242, %swap3A_243], %swap3A_246 {strides = array<i32>} : memref<3x64x128xf32, #tpu.memory_space<vmem>>, vector<1x1x16xf32>,
          %get3A_247 = arith.constant 1 : i32
          %get3A_248 = arith.index_cast %get3A_247 : i32 to index
          %get3A_249 = arith.index_cast %scan3A_128 : i32 to index
          %get3A_250 = arith.constant 96 : index
          %get3A_251 = tpu.vector_load %arg9[%get3A_248, %get3A_249, %get3A_250] {strides = array<i32>} : memref<3x64x128xf32, #tpu.memory_space<vmem>>, vector<1x1x16xf32>,
          %get3A_252 = vector.shape_cast %get3A_251 : vector<1x1x16xf32> to vector<16xf32>
          %get3A_253 = arith.constant 1 : i32
          %get3A_254 = arith.index_cast %get3A_253 : i32 to index
          %get3A_255 = arith.index_cast %scan3A_128 : i32 to index
          %get3A_256 = arith.constant 96 : index
          %get3A_257 = tpu.vector_load %arg10[%get3A_254, %get3A_255, %get3A_256] {strides = array<i32>} : memref<3x64x128xf32, #tpu.memory_space<vmem>>, vector<1x1x16xf32>,
          %get3A_258 = vector.shape_cast %get3A_257 : vector<1x1x16xf32> to vector<16xf32>
          %add3A_259 = arith.addf %get3A_252, %get3A_258 : vector<16xf32>
          %swap3A_260 = arith.constant 1 : i32
          %swap3A_261 = arith.index_cast %swap3A_260 : i32 to index
          %swap3A_262 = arith.index_cast %scan3A_128 : i32 to index
          %swap3A_263 = arith.constant 96 : index
          %swap3A_264 = tpu.vector_load %arg9[%swap3A_261, %swap3A_262, %swap3A_263] {strides = array<i32>} : memref<3x64x128xf32, #tpu.memory_space<vmem>>, vector<1x1x16xf32>,
          %swap3A_265 = vector.shape_cast %swap3A_264 : vector<1x1x16xf32> to vector<16xf32>
          %swap3A_266 = vector.shape_cast %add3A_259 : vector<16xf32> to vector<1x1x16xf32>
          tpu.vector_store %arg9[%swap3A_261, %swap3A_262, %swap3A_263], %swap3A_266 {strides = array<i32>} : memref<3x64x128xf32, #tpu.memory_space<vmem>>, vector<1x1x16xf32>,
          %get3A_267 = arith.constant 1 : i32
          %get3A_268 = arith.index_cast %get3A_267 : i32 to index
          %get3A_269 = arith.index_cast %scan3A_128 : i32 to index
          %get3A_270 = arith.constant 112 : index
          %get3A_271 = tpu.vector_load %arg9[%get3A_268, %get3A_269, %get3A_270] {strides = array<i32>} : memref<3x64x128xf32, #tpu.memory_space<vmem>>, vector<1x1x16xf32>,
          %get3A_272 = vector.shape_cast %get3A_271 : vector<1x1x16xf32> to vector<16xf32>
          %get3A_273 = arith.constant 1 : i32
          %get3A_274 = arith.index_cast %get3A_273 : i32 to index
          %get3A_275 = arith.index_cast %scan3A_128 : i32 to index
          %get3A_276 = arith.constant 112 : index
          %get3A_277 = tpu.vector_load %arg10[%get3A_274, %get3A_275, %get3A_276] {strides = array<i32>} : memref<3x64x128xf32, #tpu.memory_space<vmem>>, vector<1x1x16xf32>,
          %get3A_278 = vector.shape_cast %get3A_277 : vector<1x1x16xf32> to vector<16xf32>
          %add3A_279 = arith.addf %get3A_272, %get3A_278 : vector<16xf32>
          %swap3A_280 = arith.constant 1 : i32
          %swap3A_281 = arith.index_cast %swap3A_280 : i32 to index
          %swap3A_282 = arith.index_cast %scan3A_128 : i32 to index
          %swap3A_283 = arith.constant 112 : index
          %swap3A_284 = tpu.vector_load %arg9[%swap3A_281, %swap3A_282, %swap3A_283] {strides = array<i32>} : memref<3x64x128xf32, #tpu.memory_space<vmem>>, vector<1x1x16xf32>,
          %swap3A_285 = vector.shape_cast %swap3A_284 : vector<1x1x16xf32> to vector<16xf32>
          %swap3A_286 = vector.shape_cast %add3A_279 : vector<16xf32> to vector<1x1x16xf32>
          tpu.vector_store %arg9[%swap3A_281, %swap3A_282, %swap3A_283], %swap3A_286 {strides = array<i32>} : memref<3x64x128xf32, #tpu.memory_space<vmem>>, vector<1x1x16xf32>,
        }
        %scan3A_113 = arith.constant 64 : i32
        %mul3A_114 = arith.constant 64 : i32
        %mul3A_115 = arith.muli %add3A_61, %mul3A_114 : i32
        %dma_start3A = arith.constant 1 : i32
        %dma_start3A_116 = arith.constant 0 : i32
        %dma_start3A_117 = arith.constant 0 : i32
        %dma_start3A_118 = tpu.memref_slice %arg9[%dma_start3A, %dma_start3A_116, %dma_start3A_117] : memref<3x64x128xf32, #tpu.memory_space<vmem>> -> memref<1x64x128xf32, #tpu.memory_space<vmem>>
        %dma_start3A_119 = tpu.memref_squeeze %dma_start3A_118 : memref<1x64x128xf32, #tpu.memory_space<vmem>> -> memref<64x128xf32, #tpu.memory_space<vmem>>
        %dma_start3A_120 = arith.constant 0 : i32
        %dma_start3A_121 = tpu.memref_slice %arg6[%mul3A_115, %dma_start3A_120] : memref<320000x128xf32, #tpu.memory_space<hbm>> -> memref<64x128xf32, #tpu.memory_space<hbm>>
        %dma_start3A_122 = arith.constant 0 : i32
        %dma_start3A_123 = tpu.memref_slice %arg6[%mul3A_115, %dma_start3A_122] : memref<320000x128xf32, #tpu.memory_space<hbm>> -> memref<64x128xf32, #tpu.memory_space<hbm>>
        %dma_start3A_124 = arith.constant 0 : i32
        %dma_start3A_125 = arith.constant 0 : i32
        %dma_start3A_126 = tpu.memref_slice %arg9[%dma_start3A, %dma_start3A_124, %dma_start3A_125] : memref<3x64x128xf32, #tpu.memory_space<vmem>> -> memref<1x64x128xf32, #tpu.memory_space<vmem>>
        %dma_start3A_127 = tpu.memref_squeeze %dma_start3A_126 : memref<1x64x128xf32, #tpu.memory_space<vmem>> -> memref<64x128xf32, #tpu.memory_space<vmem>>
        tpu.enqueue_dma source(%dma_start3A_127 : memref<64x128xf32, #tpu.memory_space<vmem>>) target(%dma_start3A_123 : memref<64x128xf32, #tpu.memory_space<hbm>>) target_semaphore(%arg14 : memref<!tpu.dma_semaphore, #tpu.memory_space<semaphore_mem>>)
      } else {
      }
      %mul3A_69 = arith.constant 3 : i32
      %mul3A_70 = arith.muli %mul3A_69, %scan3A_40 : i32
      %add3A_71 = arith.constant 2 : i32
      %add3A_72 = arith.addi %mul3A_70, %add3A_71 : i32
      %mul3A_73 = arith.constant 32 : i32
      %mul3A_74 = arith.muli %add3A_72, %mul3A_73 : i32
      %add3A_75 = arith.addi %add3A, %mul3A_74 : i32
      %add3A_76 = arith.constant 32 : i32
      %add3A_77 = arith.addi %add3A_75, %add3A_76 : i32
      %lt3A_78 = arith.constant 5000 : i32
      %lt3A_79 = arith.cmpi slt, %add3A_75, %lt3A_78 : i32
      %convert_element_type3A_80 = arith.extui %lt3A_79 : i1 to i32
      %cond3A_81 = arith.constant 0 : i32
      %cond3A_82 = arith.cmpi ne, %convert_element_type3A_80, %cond3A_81 : i32
      scf.if %cond3A_82 {
        %dma_wait3A = arith.constant 2 : i32
        %dma_wait3A_83 = arith.constant 0 : i32
        %dma_wait3A_84 = arith.constant 0 : i32
        %dma_wait3A_85 = tpu.memref_slice %arg10[%dma_wait3A, %dma_wait3A_83, %dma_wait3A_84] : memref<3x64x128xf32, #tpu.memory_space<vmem>> -> memref<1x64x128xf32, #tpu.memory_space<vmem>>
        %dma_wait3A_86 = tpu.memref_squeeze %dma_wait3A_85 : memref<1x64x128xf32, #tpu.memory_space<vmem>> -> memref<64x128xf32, #tpu.memory_space<vmem>>
        %dma_wait3A_87 = arith.constant 0 : i32
        %dma_wait3A_88 = arith.constant 0 : i32
        %dma_wait3A_89 = tpu.memref_slice %arg3[%dma_wait3A_87, %dma_wait3A_88] : memref<10000x128xf32, #tpu.memory_space<hbm>> -> memref<64x128xf32, #tpu.memory_space<hbm>>
        %dma_wait3A_90 = arith.constant 0 : i32
        %dma_wait3A_91 = arith.constant 0 : i32
        %dma_wait3A_92 = tpu.memref_slice %arg10[%dma_wait3A, %dma_wait3A_90, %dma_wait3A_91] : memref<3x64x128xf32, #tpu.memory_space<vmem>> -> memref<1x64x128xf32, #tpu.memory_space<vmem>>
        %dma_wait3A_93 = tpu.memref_squeeze %dma_wait3A_92 : memref<1x64x128xf32, #tpu.memory_space<vmem>> -> memref<64x128xf32, #tpu.memory_space<vmem>>
        %dma_wait3A_94 = arith.constant 0 : i32
        %dma_wait3A_95 = arith.constant 0 : i32
        %dma_wait3A_96 = tpu.memref_slice %arg3[%dma_wait3A_94, %dma_wait3A_95] : memref<10000x128xf32, #tpu.memory_space<hbm>> -> memref<64x128xf32, #tpu.memory_space<hbm>>
        tpu.wait_dma2 semaphore(%arg13 : memref<!tpu.dma_semaphore, #tpu.memory_space<semaphore_mem>>) src(%dma_wait3A_96 : memref<64x128xf32, #tpu.memory_space<hbm>>) dst(%dma_wait3A_93 : memref<64x128xf32, #tpu.memory_space<vmem>>)
        %lt3A_97 = arith.constant 5000 : i32
        %lt3A_98 = arith.cmpi slt, %add3A_77, %lt3A_97 : i32
        %convert_element_type3A_99 = arith.extui %lt3A_98 : i1 to i32
        %cond3A_100 = arith.constant 0 : i32
        %cond3A_101 = arith.cmpi ne, %convert_element_type3A_99, %cond3A_100 : i32
        scf.if %cond3A_101 {
          %dma_wait3A_128 = arith.constant 0 : i32
          %dma_wait3A_129 = arith.constant 0 : i32
          %dma_wait3A_130 = tpu.memref_slice %arg7[%dma_wait3A_128, %dma_wait3A_129] : memref<3x64xi32, #tpu.memory_space<vmem>> -> memref<1x64xi32, #tpu.memory_space<vmem>>
          %dma_wait3A_131 = tpu.memref_squeeze %dma_wait3A_130 : memref<1x64xi32, #tpu.memory_space<vmem>> -> memref<64xi32, #tpu.memory_space<vmem>>
          %dma_wait3A_132 = arith.constant 0 : i32
          %dma_wait3A_133 = tpu.memref_slice %arg4[%dma_wait3A_132] : memref<320000xi32, #tpu.memory_space<hbm>> -> memref<64xi32, #tpu.memory_space<hbm>>
          %dma_wait3A_134 = arith.constant 0 : i32
          %dma_wait3A_135 = tpu.memref_slice %arg7[%dma_wait3A_128, %dma_wait3A_134] : memref<3x64xi32, #tpu.memory_space<vmem>> -> memref<1x64xi32, #tpu.memory_space<vmem>>
          %dma_wait3A_136 = tpu.memref_squeeze %dma_wait3A_135 : memref<1x64xi32, #tpu.memory_space<vmem>> -> memref<64xi32, #tpu.memory_space<vmem>>
          %dma_wait3A_137 = arith.constant 0 : i32
          %dma_wait3A_138 = tpu.memref_slice %arg4[%dma_wait3A_137] : memref<320000xi32, #tpu.memory_space<hbm>> -> memref<64xi32, #tpu.memory_space<hbm>>
          tpu.wait_dma2 semaphore(%arg12 : memref<!tpu.dma_semaphore, #tpu.memory_space<semaphore_mem>>) src(%dma_wait3A_138 : memref<64xi32, #tpu.memory_space<hbm>>) dst(%dma_wait3A_136 : memref<64xi32, #tpu.memory_space<vmem>>)
          %dma_wait3A_139 = arith.constant 0 : i32
          %dma_wait3A_140 = arith.constant 0 : i32
          %dma_wait3A_141 = tpu.memref_slice %arg8[%dma_wait3A_139, %dma_wait3A_140] : memref<3x64xi32, #tpu.memory_space<vmem>> -> memref<1x64xi32, #tpu.memory_space<vmem>>
          %dma_wait3A_142 = tpu.memref_squeeze %dma_wait3A_141 : memref<1x64xi32, #tpu.memory_space<vmem>> -> memref<64xi32, #tpu.memory_space<vmem>>
          %dma_wait3A_143 = arith.constant 0 : i32
          %dma_wait3A_144 = tpu.memref_slice %arg5[%dma_wait3A_143] : memref<320000xi32, #tpu.memory_space<hbm>> -> memref<64xi32, #tpu.memory_space<hbm>>
          %dma_wait3A_145 = arith.constant 0 : i32
          %dma_wait3A_146 = tpu.memref_slice %arg8[%dma_wait3A_139, %dma_wait3A_145] : memref<3x64xi32, #tpu.memory_space<vmem>> -> memref<1x64xi32, #tpu.memory_space<vmem>>
          %dma_wait3A_147 = tpu.memref_squeeze %dma_wait3A_146 : memref<1x64xi32, #tpu.memory_space<vmem>> -> memref<64xi32, #tpu.memory_space<vmem>>
          %dma_wait3A_148 = arith.constant 0 : i32
          %dma_wait3A_149 = tpu.memref_slice %arg5[%dma_wait3A_148] : memref<320000xi32, #tpu.memory_space<hbm>> -> memref<64xi32, #tpu.memory_space<hbm>>
          tpu.wait_dma2 semaphore(%arg12 : memref<!tpu.dma_semaphore, #tpu.memory_space<semaphore_mem>>) src(%dma_wait3A_149 : memref<64xi32, #tpu.memory_space<hbm>>) dst(%dma_wait3A_147 : memref<64xi32, #tpu.memory_space<vmem>>)
          %add3A_150 = arith.constant 64 : i32
          %add3A_151 = arith.addi %add3A, %add3A_150 : i32
          %ge3A = arith.cmpi sge, %add3A_75, %add3A_151 : i32
          %convert_element_type3A_152 = arith.extui %ge3A : i1 to i32
          %cond3A_153 = arith.constant 0 : i32
          %cond3A_154 = arith.cmpi ne, %convert_element_type3A_152, %cond3A_153 : i32
          scf.if %cond3A_154 {
            %dma_wait3A_191 = arith.constant 0 : i32
            %dma_wait3A_192 = arith.constant 0 : i32
            %dma_wait3A_193 = arith.constant 0 : i32
            %dma_wait3A_194 = tpu.memref_slice %arg9[%dma_wait3A_191, %dma_wait3A_192, %dma_wait3A_193] : memref<3x64x128xf32, #tpu.memory_space<vmem>> -> memref<1x64x128xf32, #tpu.memory_space<vmem>>
            %dma_wait3A_195 = tpu.memref_squeeze %dma_wait3A_194 : memref<1x64x128xf32, #tpu.memory_space<vmem>> -> memref<64x128xf32, #tpu.memory_space<vmem>>
            %dma_wait3A_196 = arith.constant 0 : i32
            %dma_wait3A_197 = arith.constant 0 : i32
            %dma_wait3A_198 = tpu.memref_slice %arg6[%dma_wait3A_196, %dma_wait3A_197] : memref<320000x128xf32, #tpu.memory_space<hbm>> -> memref<64x128xf32, #tpu.memory_space<hbm>>
            %dma_wait3A_199 = arith.constant 0 : i32
            %dma_wait3A_200 = arith.constant 0 : i32
            %dma_wait3A_201 = tpu.memref_slice %arg6[%dma_wait3A_199, %dma_wait3A_200] : memref<320000x128xf32, #tpu.memory_space<hbm>> -> memref<64x128xf32, #tpu.memory_space<hbm>>
            %dma_wait3A_202 = arith.constant 0 : i32
            %dma_wait3A_203 = arith.constant 0 : i32
            %dma_wait3A_204 = tpu.memref_slice %arg9[%dma_wait3A_191, %dma_wait3A_202, %dma_wait3A_203] : memref<3x64x128xf32, #tpu.memory_space<vmem>> -> memref<1x64x128xf32, #tpu.memory_space<vmem>>
            %dma_wait3A_205 = tpu.memref_squeeze %dma_wait3A_204 : memref<1x64x128xf32, #tpu.memory_space<vmem>> -> memref<64x128xf32, #tpu.memory_space<vmem>>
            tpu.wait_dma2 semaphore(%arg14 : memref<!tpu.dma_semaphore, #tpu.memory_space<semaphore_mem>>) src(%dma_wait3A_205 : memref<64x128xf32, #tpu.memory_space<vmem>>) dst(%dma_wait3A_201 : memref<64x128xf32, #tpu.memory_space<hbm>>)
          } else {
          }
          %dma_start3A_155 = arith.constant 0 : i32
          %dma_start3A_156 = arith.constant 0 : i32
          %dma_start3A_157 = arith.constant 0 : i32
          %dma_start3A_158 = arith.constant 0 : i32
          %dma_start3A_159 = tpu.memref_slice %arg9[%dma_start3A_156, %dma_start3A_157, %dma_start3A_158] : memref<3x64x128xf32, #tpu.memory_space<vmem>> -> memref<1x64x128xf32, #tpu.memory_space<vmem>>
          %dma_start3A_160 = tpu.memref_squeeze %dma_start3A_159 : memref<1x64x128xf32, #tpu.memory_space<vmem>> -> memref<64x128xf32, #tpu.memory_space<vmem>>
          %dma_start3A_161 = arith.constant 0 : i32
          %dma_start3A_162 = tpu.memref_slice %arg7[%dma_start3A_155, %dma_start3A_161] : memref<3x64xi32, #tpu.memory_space<vmem>> -> memref<1x64xi32, #tpu.memory_space<vmem>>
          %dma_start3A_163 = tpu.memref_squeeze %dma_start3A_162 : memref<1x64xi32, #tpu.memory_space<vmem>> -> memref<64xi32, #tpu.memory_space<vmem>>
          %dma_start3A_164 = arith.constant 0 : i32
          %dma_start3A_165 = arith.constant 0 : i32
          %dma_start3A_166 = tpu.memref_slice %arg11[%dma_start3A_164, %dma_start3A_165] : memref<10000x128xf32, #tpu.memory_space<vmem_shared>> -> memref<10000x128xf32, #tpu.memory_space<vmem_shared>>
          tpu.enqueue_indirect_dma source(%dma_start3A_166 : memref<10000x128xf32, #tpu.memory_space<vmem_shared>>) target(%dma_start3A_160 : memref<64x128xf32, #tpu.memory_space<vmem>>) offsets(%dma_start3A_163 : memref<64xi32, #tpu.memory_space<vmem>>) semaphore(%arg13 : memref<!tpu.dma_semaphore, #tpu.memory_space<semaphore_mem>>)
          %dma_wait3A_167 = arith.constant 0 : i32
          %dma_wait3A_168 = arith.constant 0 : i32
          %dma_wait3A_169 = arith.constant 0 : i32
          %dma_wait3A_170 = arith.constant 0 : i32
          %dma_wait3A_171 = tpu.memref_slice %arg9[%dma_wait3A_168, %dma_wait3A_169, %dma_wait3A_170] : memref<3x64x128xf32, #tpu.memory_space<vmem>> -> memref<1x64x128xf32, #tpu.memory_space<vmem>>
          %dma_wait3A_172 = tpu.memref_squeeze %dma_wait3A_171 : memref<1x64x128xf32, #tpu.memory_space<vmem>> -> memref<64x128xf32, #tpu.memory_space<vmem>>
          %dma_wait3A_173 = arith.constant 0 : i32
          %dma_wait3A_174 = tpu.memref_slice %arg7[%dma_wait3A_167, %dma_wait3A_173] : memref<3x64xi32, #tpu.memory_space<vmem>> -> memref<1x64xi32, #tpu.memory_space<vmem>>
          %dma_wait3A_175 = tpu.memref_squeeze %dma_wait3A_174 : memref<1x64xi32, #tpu.memory_space<vmem>> -> memref<64xi32, #tpu.memory_space<vmem>>
          %dma_wait3A_176 = arith.constant 0 : i32
          %dma_wait3A_177 = arith.constant 0 : i32
          %dma_wait3A_178 = tpu.memref_slice %arg11[%dma_wait3A_176, %dma_wait3A_177] : memref<10000x128xf32, #tpu.memory_space<vmem_shared>> -> memref<10000x128xf32, #tpu.memory_space<vmem_shared>>
          tpu.wait_indirect_dma semaphore(%arg13 : memref<!tpu.dma_semaphore, #tpu.memory_space<semaphore_mem>>) src(%dma_wait3A_178 : memref<10000x128xf32, #tpu.memory_space<vmem_shared>>) dst(%dma_wait3A_172 : memref<64x128xf32, #tpu.memory_space<vmem>>)
          %dma_start3A_179 = arith.constant 0 : i32
          %dma_start3A_180 = arith.constant 0 : i32
          %dma_start3A_181 = arith.constant 0 : i32
          %dma_start3A_182 = arith.constant 0 : i32
          %dma_start3A_183 = tpu.memref_slice %arg10[%dma_start3A_180, %dma_start3A_181, %dma_start3A_182] : memref<3x64x128xf32, #tpu.memory_space<vmem>> -> memref<1x64x128xf32, #tpu.memory_space<vmem>>
          %dma_start3A_184 = tpu.memref_squeeze %dma_start3A_183 : memref<1x64x128xf32, #tpu.memory_space<vmem>> -> memref<64x128xf32, #tpu.memory_space<vmem>>
          %dma_start3A_185 = arith.constant 0 : i32
          %dma_start3A_186 = tpu.memref_slice %arg8[%dma_start3A_179, %dma_start3A_185] : memref<3x64xi32, #tpu.memory_space<vmem>> -> memref<1x64xi32, #tpu.memory_space<vmem>>
          %dma_start3A_187 = tpu.memref_squeeze %dma_start3A_186 : memref<1x64xi32, #tpu.memory_space<vmem>> -> memref<64xi32, #tpu.memory_space<vmem>>
          %dma_start3A_188 = arith.constant 0 : i32
          %dma_start3A_189 = arith.constant 0 : i32
          %dma_start3A_190 = tpu.memref_slice %arg3[%dma_start3A_188, %dma_start3A_189] : memref<10000x128xf32, #tpu.memory_space<hbm>> -> memref<10000x128xf32, #tpu.memory_space<hbm>>
          tpu.enqueue_indirect_dma source(%dma_start3A_190 : memref<10000x128xf32, #tpu.memory_space<hbm>>) target(%dma_start3A_184 : memref<64x128xf32, #tpu.memory_space<vmem>>) offsets(%dma_start3A_187 : memref<64xi32, #tpu.memory_space<vmem>>) semaphore(%arg13 : memref<!tpu.dma_semaphore, #tpu.memory_space<semaphore_mem>>)
        } else {
        }
        %add3A_102 = arith.constant 32 : i32
        %add3A_103 = arith.addi %add3A_77, %add3A_102 : i32
        %lt3A_104 = arith.constant 5000 : i32
        %lt3A_105 = arith.cmpi slt, %add3A_103, %lt3A_104 : i32
        %convert_element_type3A_106 = arith.extui %lt3A_105 : i1 to i32
        %cond3A_107 = arith.constant 0 : i32
        %cond3A_108 = arith.cmpi ne, %convert_element_type3A_106, %cond3A_107 : i32
        scf.if %cond3A_108 {
          %add3A_128 = arith.constant 32 : i32
          %add3A_129 = arith.addi %add3A_77, %add3A_128 : i32
          %mul3A_130 = arith.constant 64 : i32
          %mul3A_131 = arith.muli %add3A_129, %mul3A_130 : i32
          %dma_start3A_132 = arith.constant 1 : i32
          %dma_start3A_133 = arith.constant 0 : i32
          %dma_start3A_134 = tpu.memref_slice %arg7[%dma_start3A_132, %dma_start3A_133] : memref<3x64xi32, #tpu.memory_space<vmem>> -> memref<1x64xi32, #tpu.memory_space<vmem>>
          %dma_start3A_135 = tpu.memref_squeeze %dma_start3A_134 : memref<1x64xi32, #tpu.memory_space<vmem>> -> memref<64xi32, #tpu.memory_space<vmem>>
          %dma_start3A_136 = tpu.memref_slice %arg4[%mul3A_131] : memref<320000xi32, #tpu.memory_space<hbm>> -> memref<64xi32, #tpu.memory_space<hbm>>
          %dma_start3A_137 = arith.constant 0 : i32
          %dma_start3A_138 = tpu.memref_slice %arg7[%dma_start3A_132, %dma_start3A_137] : memref<3x64xi32, #tpu.memory_space<vmem>> -> memref<1x64xi32, #tpu.memory_space<vmem>>
          %dma_start3A_139 = tpu.memref_squeeze %dma_start3A_138 : memref<1x64xi32, #tpu.memory_space<vmem>> -> memref<64xi32, #tpu.memory_space<vmem>>
          %dma_start3A_140 = tpu.memref_slice %arg4[%mul3A_131] : memref<320000xi32, #tpu.memory_space<hbm>> -> memref<64xi32, #tpu.memory_space<hbm>>
          tpu.enqueue_dma source(%dma_start3A_140 : memref<64xi32, #tpu.memory_space<hbm>>) target(%dma_start3A_139 : memref<64xi32, #tpu.memory_space<vmem>>) target_semaphore(%arg12 : memref<!tpu.dma_semaphore, #tpu.memory_space<semaphore_mem>>)
          %dma_start3A_141 = arith.constant 1 : i32
          %dma_start3A_142 = arith.constant 0 : i32
          %dma_start3A_143 = tpu.memref_slice %arg8[%dma_start3A_141, %dma_start3A_142] : memref<3x64xi32, #tpu.memory_space<vmem>> -> memref<1x64xi32, #tpu.memory_space<vmem>>
          %dma_start3A_144 = tpu.memref_squeeze %dma_start3A_143 : memref<1x64xi32, #tpu.memory_space<vmem>> -> memref<64xi32, #tpu.memory_space<vmem>>
          %dma_start3A_145 = tpu.memref_slice %arg5[%mul3A_131] : memref<320000xi32, #tpu.memory_space<hbm>> -> memref<64xi32, #tpu.memory_space<hbm>>
          %dma_start3A_146 = arith.constant 0 : i32
          %dma_start3A_147 = tpu.memref_slice %arg8[%dma_start3A_141, %dma_start3A_146] : memref<3x64xi32, #tpu.memory_space<vmem>> -> memref<1x64xi32, #tpu.memory_space<vmem>>
          %dma_start3A_148 = tpu.memref_squeeze %dma_start3A_147 : memref<1x64xi32, #tpu.memory_space<vmem>> -> memref<64xi32, #tpu.memory_space<vmem>>
          %dma_start3A_149 = tpu.memref_slice %arg5[%mul3A_131] : memref<320000xi32, #tpu.memory_space<hbm>> -> memref<64xi32, #tpu.memory_space<hbm>>
          tpu.enqueue_dma source(%dma_start3A_149 : memref<64xi32, #tpu.memory_space<hbm>>) target(%dma_start3A_148 : memref<64xi32, #tpu.memory_space<vmem>>) target_semaphore(%arg12 : memref<!tpu.dma_semaphore, #tpu.memory_space<semaphore_mem>>)
        } else {
        }
        %scan3A_109 = arith.constant 0 : i32
        %scan3A_110 = arith.constant 64 : i32
        %scan3A_111 = arith.addi %scan3A_109, %scan3A_110 : i32
        %scan3A_112 = arith.constant 1 : i32
        scf.for %scan3A_128 = %scan3A_109 to %scan3A_111 step %scan3A_112  : i32 {
          %get3A = arith.constant 2 : i32
          %get3A_129 = arith.index_cast %get3A : i32 to index
          %get3A_130 = arith.index_cast %scan3A_128 : i32 to index
          %get3A_131 = arith.constant 0 : index
          %get3A_132 = tpu.vector_load %arg9[%get3A_129, %get3A_130, %get3A_131] {strides = array<i32>} : memref<3x64x128xf32, #tpu.memory_space<vmem>>, vector<1x1x16xf32>,
          %get3A_133 = vector.shape_cast %get3A_132 : vector<1x1x16xf32> to vector<16xf32>
          %get3A_134 = arith.constant 2 : i32
          %get3A_135 = arith.index_cast %get3A_134 : i32 to index
          %get3A_136 = arith.index_cast %scan3A_128 : i32 to index
          %get3A_137 = arith.constant 0 : index
          %get3A_138 = tpu.vector_load %arg10[%get3A_135, %get3A_136, %get3A_137] {strides = array<i32>} : memref<3x64x128xf32, #tpu.memory_space<vmem>>, vector<1x1x16xf32>,
          %get3A_139 = vector.shape_cast %get3A_138 : vector<1x1x16xf32> to vector<16xf32>
          %add3A_140 = arith.addf %get3A_133, %get3A_139 : vector<16xf32>
          %swap3A = arith.constant 2 : i32
          %swap3A_141 = arith.index_cast %swap3A : i32 to index
          %swap3A_142 = arith.index_cast %scan3A_128 : i32 to index
          %swap3A_143 = arith.constant 0 : index
          %swap3A_144 = tpu.vector_load %arg9[%swap3A_141, %swap3A_142, %swap3A_143] {strides = array<i32>} : memref<3x64x128xf32, #tpu.memory_space<vmem>>, vector<1x1x16xf32>,
          %swap3A_145 = vector.shape_cast %swap3A_144 : vector<1x1x16xf32> to vector<16xf32>
          %swap3A_146 = vector.shape_cast %add3A_140 : vector<16xf32> to vector<1x1x16xf32>
          tpu.vector_store %arg9[%swap3A_141, %swap3A_142, %swap3A_143], %swap3A_146 {strides = array<i32>} : memref<3x64x128xf32, #tpu.memory_space<vmem>>, vector<1x1x16xf32>,
          %get3A_147 = arith.constant 2 : i32
          %get3A_148 = arith.index_cast %get3A_147 : i32 to index
          %get3A_149 = arith.index_cast %scan3A_128 : i32 to index
          %get3A_150 = arith.constant 16 : index
          %get3A_151 = tpu.vector_load %arg9[%get3A_148, %get3A_149, %get3A_150] {strides = array<i32>} : memref<3x64x128xf32, #tpu.memory_space<vmem>>, vector<1x1x16xf32>,
          %get3A_152 = vector.shape_cast %get3A_151 : vector<1x1x16xf32> to vector<16xf32>
          %get3A_153 = arith.constant 2 : i32
          %get3A_154 = arith.index_cast %get3A_153 : i32 to index
          %get3A_155 = arith.index_cast %scan3A_128 : i32 to index
          %get3A_156 = arith.constant 16 : index
          %get3A_157 = tpu.vector_load %arg10[%get3A_154, %get3A_155, %get3A_156] {strides = array<i32>} : memref<3x64x128xf32, #tpu.memory_space<vmem>>, vector<1x1x16xf32>,
          %get3A_158 = vector.shape_cast %get3A_157 : vector<1x1x16xf32> to vector<16xf32>
          %add3A_159 = arith.addf %get3A_152, %get3A_158 : vector<16xf32>
          %swap3A_160 = arith.constant 2 : i32
          %swap3A_161 = arith.index_cast %swap3A_160 : i32 to index
          %swap3A_162 = arith.index_cast %scan3A_128 : i32 to index
          %swap3A_163 = arith.constant 16 : index
          %swap3A_164 = tpu.vector_load %arg9[%swap3A_161, %swap3A_162, %swap3A_163] {strides = array<i32>} : memref<3x64x128xf32, #tpu.memory_space<vmem>>, vector<1x1x16xf32>,
          %swap3A_165 = vector.shape_cast %swap3A_164 : vector<1x1x16xf32> to vector<16xf32>
          %swap3A_166 = vector.shape_cast %add3A_159 : vector<16xf32> to vector<1x1x16xf32>
          tpu.vector_store %arg9[%swap3A_161, %swap3A_162, %swap3A_163], %swap3A_166 {strides = array<i32>} : memref<3x64x128xf32, #tpu.memory_space<vmem>>, vector<1x1x16xf32>,
          %get3A_167 = arith.constant 2 : i32
          %get3A_168 = arith.index_cast %get3A_167 : i32 to index
          %get3A_169 = arith.index_cast %scan3A_128 : i32 to index
          %get3A_170 = arith.constant 32 : index
          %get3A_171 = tpu.vector_load %arg9[%get3A_168, %get3A_169, %get3A_170] {strides = array<i32>} : memref<3x64x128xf32, #tpu.memory_space<vmem>>, vector<1x1x16xf32>,
          %get3A_172 = vector.shape_cast %get3A_171 : vector<1x1x16xf32> to vector<16xf32>
          %get3A_173 = arith.constant 2 : i32
          %get3A_174 = arith.index_cast %get3A_173 : i32 to index
          %get3A_175 = arith.index_cast %scan3A_128 : i32 to index
          %get3A_176 = arith.constant 32 : index
          %get3A_177 = tpu.vector_load %arg10[%get3A_174, %get3A_175, %get3A_176] {strides = array<i32>} : memref<3x64x128xf32, #tpu.memory_space<vmem>>, vector<1x1x16xf32>,
          %get3A_178 = vector.shape_cast %get3A_177 : vector<1x1x16xf32> to vector<16xf32>
          %add3A_179 = arith.addf %get3A_172, %get3A_178 : vector<16xf32>
          %swap3A_180 = arith.constant 2 : i32
          %swap3A_181 = arith.index_cast %swap3A_180 : i32 to index
          %swap3A_182 = arith.index_cast %scan3A_128 : i32 to index
          %swap3A_183 = arith.constant 32 : index
          %swap3A_184 = tpu.vector_load %arg9[%swap3A_181, %swap3A_182, %swap3A_183] {strides = array<i32>} : memref<3x64x128xf32, #tpu.memory_space<vmem>>, vector<1x1x16xf32>,
          %swap3A_185 = vector.shape_cast %swap3A_184 : vector<1x1x16xf32> to vector<16xf32>
          %swap3A_186 = vector.shape_cast %add3A_179 : vector<16xf32> to vector<1x1x16xf32>
          tpu.vector_store %arg9[%swap3A_181, %swap3A_182, %swap3A_183], %swap3A_186 {strides = array<i32>} : memref<3x64x128xf32, #tpu.memory_space<vmem>>, vector<1x1x16xf32>,
          %get3A_187 = arith.constant 2 : i32
          %get3A_188 = arith.index_cast %get3A_187 : i32 to index
          %get3A_189 = arith.index_cast %scan3A_128 : i32 to index
          %get3A_190 = arith.constant 48 : index
          %get3A_191 = tpu.vector_load %arg9[%get3A_188, %get3A_189, %get3A_190] {strides = array<i32>} : memref<3x64x128xf32, #tpu.memory_space<vmem>>, vector<1x1x16xf32>,
          %get3A_192 = vector.shape_cast %get3A_191 : vector<1x1x16xf32> to vector<16xf32>
          %get3A_193 = arith.constant 2 : i32
          %get3A_194 = arith.index_cast %get3A_193 : i32 to index
          %get3A_195 = arith.index_cast %scan3A_128 : i32 to index
          %get3A_196 = arith.constant 48 : index
          %get3A_197 = tpu.vector_load %arg10[%get3A_194, %get3A_195, %get3A_196] {strides = array<i32>} : memref<3x64x128xf32, #tpu.memory_space<vmem>>, vector<1x1x16xf32>,
          %get3A_198 = vector.shape_cast %get3A_197 : vector<1x1x16xf32> to vector<16xf32>
          %add3A_199 = arith.addf %get3A_192, %get3A_198 : vector<16xf32>
          %swap3A_200 = arith.constant 2 : i32
          %swap3A_201 = arith.index_cast %swap3A_200 : i32 to index
          %swap3A_202 = arith.index_cast %scan3A_128 : i32 to index
          %swap3A_203 = arith.constant 48 : index
          %swap3A_204 = tpu.vector_load %arg9[%swap3A_201, %swap3A_202, %swap3A_203] {strides = array<i32>} : memref<3x64x128xf32, #tpu.memory_space<vmem>>, vector<1x1x16xf32>,
          %swap3A_205 = vector.shape_cast %swap3A_204 : vector<1x1x16xf32> to vector<16xf32>
          %swap3A_206 = vector.shape_cast %add3A_199 : vector<16xf32> to vector<1x1x16xf32>
          tpu.vector_store %arg9[%swap3A_201, %swap3A_202, %swap3A_203], %swap3A_206 {strides = array<i32>} : memref<3x64x128xf32, #tpu.memory_space<vmem>>, vector<1x1x16xf32>,
          %get3A_207 = arith.constant 2 : i32
          %get3A_208 = arith.index_cast %get3A_207 : i32 to index
          %get3A_209 = arith.index_cast %scan3A_128 : i32 to index
          %get3A_210 = arith.constant 64 : index
          %get3A_211 = tpu.vector_load %arg9[%get3A_208, %get3A_209, %get3A_210] {strides = array<i32>} : memref<3x64x128xf32, #tpu.memory_space<vmem>>, vector<1x1x16xf32>,
          %get3A_212 = vector.shape_cast %get3A_211 : vector<1x1x16xf32> to vector<16xf32>
          %get3A_213 = arith.constant 2 : i32
          %get3A_214 = arith.index_cast %get3A_213 : i32 to index
          %get3A_215 = arith.index_cast %scan3A_128 : i32 to index
          %get3A_216 = arith.constant 64 : index
          %get3A_217 = tpu.vector_load %arg10[%get3A_214, %get3A_215, %get3A_216] {strides = array<i32>} : memref<3x64x128xf32, #tpu.memory_space<vmem>>, vector<1x1x16xf32>,
          %get3A_218 = vector.shape_cast %get3A_217 : vector<1x1x16xf32> to vector<16xf32>
          %add3A_219 = arith.addf %get3A_212, %get3A_218 : vector<16xf32>
          %swap3A_220 = arith.constant 2 : i32
          %swap3A_221 = arith.index_cast %swap3A_220 : i32 to index
          %swap3A_222 = arith.index_cast %scan3A_128 : i32 to index
          %swap3A_223 = arith.constant 64 : index
          %swap3A_224 = tpu.vector_load %arg9[%swap3A_221, %swap3A_222, %swap3A_223] {strides = array<i32>} : memref<3x64x128xf32, #tpu.memory_space<vmem>>, vector<1x1x16xf32>,
          %swap3A_225 = vector.shape_cast %swap3A_224 : vector<1x1x16xf32> to vector<16xf32>
          %swap3A_226 = vector.shape_cast %add3A_219 : vector<16xf32> to vector<1x1x16xf32>
          tpu.vector_store %arg9[%swap3A_221, %swap3A_222, %swap3A_223], %swap3A_226 {strides = array<i32>} : memref<3x64x128xf32, #tpu.memory_space<vmem>>, vector<1x1x16xf32>,
          %get3A_227 = arith.constant 2 : i32
          %get3A_228 = arith.index_cast %get3A_227 : i32 to index
          %get3A_229 = arith.index_cast %scan3A_128 : i32 to index
          %get3A_230 = arith.constant 80 : index
          %get3A_231 = tpu.vector_load %arg9[%get3A_228, %get3A_229, %get3A_230] {strides = array<i32>} : memref<3x64x128xf32, #tpu.memory_space<vmem>>, vector<1x1x16xf32>,
          %get3A_232 = vector.shape_cast %get3A_231 : vector<1x1x16xf32> to vector<16xf32>
          %get3A_233 = arith.constant 2 : i32
          %get3A_234 = arith.index_cast %get3A_233 : i32 to index
          %get3A_235 = arith.index_cast %scan3A_128 : i32 to index
          %get3A_236 = arith.constant 80 : index
          %get3A_237 = tpu.vector_load %arg10[%get3A_234, %get3A_235, %get3A_236] {strides = array<i32>} : memref<3x64x128xf32, #tpu.memory_space<vmem>>, vector<1x1x16xf32>,
          %get3A_238 = vector.shape_cast %get3A_237 : vector<1x1x16xf32> to vector<16xf32>
          %add3A_239 = arith.addf %get3A_232, %get3A_238 : vector<16xf32>
          %swap3A_240 = arith.constant 2 : i32
          %swap3A_241 = arith.index_cast %swap3A_240 : i32 to index
          %swap3A_242 = arith.index_cast %scan3A_128 : i32 to index
          %swap3A_243 = arith.constant 80 : index
          %swap3A_244 = tpu.vector_load %arg9[%swap3A_241, %swap3A_242, %swap3A_243] {strides = array<i32>} : memref<3x64x128xf32, #tpu.memory_space<vmem>>, vector<1x1x16xf32>,
          %swap3A_245 = vector.shape_cast %swap3A_244 : vector<1x1x16xf32> to vector<16xf32>
          %swap3A_246 = vector.shape_cast %add3A_239 : vector<16xf32> to vector<1x1x16xf32>
          tpu.vector_store %arg9[%swap3A_241, %swap3A_242, %swap3A_243], %swap3A_246 {strides = array<i32>} : memref<3x64x128xf32, #tpu.memory_space<vmem>>, vector<1x1x16xf32>,
          %get3A_247 = arith.constant 2 : i32
          %get3A_248 = arith.index_cast %get3A_247 : i32 to index
          %get3A_249 = arith.index_cast %scan3A_128 : i32 to index
          %get3A_250 = arith.constant 96 : index
          %get3A_251 = tpu.vector_load %arg9[%get3A_248, %get3A_249, %get3A_250] {strides = array<i32>} : memref<3x64x128xf32, #tpu.memory_space<vmem>>, vector<1x1x16xf32>,
          %get3A_252 = vector.shape_cast %get3A_251 : vector<1x1x16xf32> to vector<16xf32>
          %get3A_253 = arith.constant 2 : i32
          %get3A_254 = arith.index_cast %get3A_253 : i32 to index
          %get3A_255 = arith.index_cast %scan3A_128 : i32 to index
          %get3A_256 = arith.constant 96 : index
          %get3A_257 = tpu.vector_load %arg10[%get3A_254, %get3A_255, %get3A_256] {strides = array<i32>} : memref<3x64x128xf32, #tpu.memory_space<vmem>>, vector<1x1x16xf32>,
          %get3A_258 = vector.shape_cast %get3A_257 : vector<1x1x16xf32> to vector<16xf32>
          %add3A_259 = arith.addf %get3A_252, %get3A_258 : vector<16xf32>
          %swap3A_260 = arith.constant 2 : i32
          %swap3A_261 = arith.index_cast %swap3A_260 : i32 to index
          %swap3A_262 = arith.index_cast %scan3A_128 : i32 to index
          %swap3A_263 = arith.constant 96 : index
          %swap3A_264 = tpu.vector_load %arg9[%swap3A_261, %swap3A_262, %swap3A_263] {strides = array<i32>} : memref<3x64x128xf32, #tpu.memory_space<vmem>>, vector<1x1x16xf32>,
          %swap3A_265 = vector.shape_cast %swap3A_264 : vector<1x1x16xf32> to vector<16xf32>
          %swap3A_266 = vector.shape_cast %add3A_259 : vector<16xf32> to vector<1x1x16xf32>
          tpu.vector_store %arg9[%swap3A_261, %swap3A_262, %swap3A_263], %swap3A_266 {strides = array<i32>} : memref<3x64x128xf32, #tpu.memory_space<vmem>>, vector<1x1x16xf32>,
          %get3A_267 = arith.constant 2 : i32
          %get3A_268 = arith.index_cast %get3A_267 : i32 to index
          %get3A_269 = arith.index_cast %scan3A_128 : i32 to index
          %get3A_270 = arith.constant 112 : index
          %get3A_271 = tpu.vector_load %arg9[%get3A_268, %get3A_269, %get3A_270] {strides = array<i32>} : memref<3x64x128xf32, #tpu.memory_space<vmem>>, vector<1x1x16xf32>,
          %get3A_272 = vector.shape_cast %get3A_271 : vector<1x1x16xf32> to vector<16xf32>
          %get3A_273 = arith.constant 2 : i32
          %get3A_274 = arith.index_cast %get3A_273 : i32 to index
          %get3A_275 = arith.index_cast %scan3A_128 : i32 to index
          %get3A_276 = arith.constant 112 : index
          %get3A_277 = tpu.vector_load %arg10[%get3A_274, %get3A_275, %get3A_276] {strides = array<i32>} : memref<3x64x128xf32, #tpu.memory_space<vmem>>, vector<1x1x16xf32>,
          %get3A_278 = vector.shape_cast %get3A_277 : vector<1x1x16xf32> to vector<16xf32>
          %add3A_279 = arith.addf %get3A_272, %get3A_278 : vector<16xf32>
          %swap3A_280 = arith.constant 2 : i32
          %swap3A_281 = arith.index_cast %swap3A_280 : i32 to index
          %swap3A_282 = arith.index_cast %scan3A_128 : i32 to index
          %swap3A_283 = arith.constant 112 : index
          %swap3A_284 = tpu.vector_load %arg9[%swap3A_281, %swap3A_282, %swap3A_283] {strides = array<i32>} : memref<3x64x128xf32, #tpu.memory_space<vmem>>, vector<1x1x16xf32>,
          %swap3A_285 = vector.shape_cast %swap3A_284 : vector<1x1x16xf32> to vector<16xf32>
          %swap3A_286 = vector.shape_cast %add3A_279 : vector<16xf32> to vector<1x1x16xf32>
          tpu.vector_store %arg9[%swap3A_281, %swap3A_282, %swap3A_283], %swap3A_286 {strides = array<i32>} : memref<3x64x128xf32, #tpu.memory_space<vmem>>, vector<1x1x16xf32>,
        }
        %scan3A_113 = arith.constant 64 : i32
        %mul3A_114 = arith.constant 64 : i32
        %mul3A_115 = arith.muli %add3A_75, %mul3A_114 : i32
        %dma_start3A = arith.constant 2 : i32
        %dma_start3A_116 = arith.constant 0 : i32
        %dma_start3A_117 = arith.constant 0 : i32
        %dma_start3A_118 = tpu.memref_slice %arg9[%dma_start3A, %dma_start3A_116, %dma_start3A_117] : memref<3x64x128xf32, #tpu.memory_space<vmem>> -> memref<1x64x128xf32, #tpu.memory_space<vmem>>
        %dma_start3A_119 = tpu.memref_squeeze %dma_start3A_118 : memref<1x64x128xf32, #tpu.memory_space<vmem>> -> memref<64x128xf32, #tpu.memory_space<vmem>>
        %dma_start3A_120 = arith.constant 0 : i32
        %dma_start3A_121 = tpu.memref_slice %arg6[%mul3A_115, %dma_start3A_120] : memref<320000x128xf32, #tpu.memory_space<hbm>> -> memref<64x128xf32, #tpu.memory_space<hbm>>
        %dma_start3A_122 = arith.constant 0 : i32
        %dma_start3A_123 = tpu.memref_slice %arg6[%mul3A_115, %dma_start3A_122] : memref<320000x128xf32, #tpu.memory_space<hbm>> -> memref<64x128xf32, #tpu.memory_space<hbm>>
        %dma_start3A_124 = arith.constant 0 : i32
        %dma_start3A_125 = arith.constant 0 : i32
        %dma_start3A_126 = tpu.memref_slice %arg9[%dma_start3A, %dma_start3A_124, %dma_start3A_125] : memref<3x64x128xf32, #tpu.memory_space<vmem>> -> memref<1x64x128xf32, #tpu.memory_space<vmem>>
        %dma_start3A_127 = tpu.memref_squeeze %dma_start3A_126 : memref<1x64x128xf32, #tpu.memory_space<vmem>> -> memref<64x128xf32, #tpu.memory_space<vmem>>
        tpu.enqueue_dma source(%dma_start3A_127 : memref<64x128xf32, #tpu.memory_space<vmem>>) target(%dma_start3A_123 : memref<64x128xf32, #tpu.memory_space<hbm>>) target_semaphore(%arg14 : memref<!tpu.dma_semaphore, #tpu.memory_space<semaphore_mem>>)
      } else {
      }
    }
    %scan3A_18 = arith.constant 53 : i32
    %add3A_19 = arith.constant 0 : i32
    %add3A_20 = arith.addi %add3A, %add3A_19 : i32
    %lt3A_21 = arith.constant 5000 : i32
    %lt3A_22 = arith.cmpi slt, %add3A_20, %lt3A_21 : i32
    %convert_element_type3A_23 = arith.extui %lt3A_22 : i1 to i32
    %cond3A_24 = arith.constant 0 : i32
    %cond3A_25 = arith.cmpi ne, %convert_element_type3A_23, %cond3A_24 : i32
    scf.if %cond3A_25 {
      %dma_wait3A = arith.constant 0 : i32
      %dma_wait3A_40 = arith.constant 0 : i32
      %dma_wait3A_41 = arith.constant 0 : i32
      %dma_wait3A_42 = tpu.memref_slice %arg9[%dma_wait3A, %dma_wait3A_40, %dma_wait3A_41] : memref<3x64x128xf32, #tpu.memory_space<vmem>> -> memref<1x64x128xf32, #tpu.memory_space<vmem>>
      %dma_wait3A_43 = tpu.memref_squeeze %dma_wait3A_42 : memref<1x64x128xf32, #tpu.memory_space<vmem>> -> memref<64x128xf32, #tpu.memory_space<vmem>>
      %dma_wait3A_44 = arith.constant 0 : i32
      %dma_wait3A_45 = arith.constant 0 : i32
      %dma_wait3A_46 = tpu.memref_slice %arg6[%dma_wait3A_44, %dma_wait3A_45] : memref<320000x128xf32, #tpu.memory_space<hbm>> -> memref<64x128xf32, #tpu.memory_space<hbm>>
      %dma_wait3A_47 = arith.constant 0 : i32
      %dma_wait3A_48 = arith.constant 0 : i32
      %dma_wait3A_49 = tpu.memref_slice %arg6[%dma_wait3A_47, %dma_wait3A_48] : memref<320000x128xf32, #tpu.memory_space<hbm>> -> memref<64x128xf32, #tpu.memory_space<hbm>>
      %dma_wait3A_50 = arith.constant 0 : i32
      %dma_wait3A_51 = arith.constant 0 : i32
      %dma_wait3A_52 = tpu.memref_slice %arg9[%dma_wait3A, %dma_wait3A_50, %dma_wait3A_51] : memref<3x64x128xf32, #tpu.memory_space<vmem>> -> memref<1x64x128xf32, #tpu.memory_space<vmem>>
      %dma_wait3A_53 = tpu.memref_squeeze %dma_wait3A_52 : memref<1x64x128xf32, #tpu.memory_space<vmem>> -> memref<64x128xf32, #tpu.memory_space<vmem>>
      tpu.wait_dma2 semaphore(%arg14 : memref<!tpu.dma_semaphore, #tpu.memory_space<semaphore_mem>>) src(%dma_wait3A_53 : memref<64x128xf32, #tpu.memory_space<vmem>>) dst(%dma_wait3A_49 : memref<64x128xf32, #tpu.memory_space<hbm>>)
    } else {
    }
    %add3A_26 = arith.constant 32 : i32
    %add3A_27 = arith.addi %add3A, %add3A_26 : i32
    %lt3A_28 = arith.constant 5000 : i32
    %lt3A_29 = arith.cmpi slt, %add3A_27, %lt3A_28 : i32
    %convert_element_type3A_30 = arith.extui %lt3A_29 : i1 to i32
    %cond3A_31 = arith.constant 0 : i32
    %cond3A_32 = arith.cmpi ne, %convert_element_type3A_30, %cond3A_31 : i32
    scf.if %cond3A_32 {
      %dma_wait3A = arith.constant 1 : i32
      %dma_wait3A_40 = arith.constant 0 : i32
      %dma_wait3A_41 = arith.constant 0 : i32
      %dma_wait3A_42 = tpu.memref_slice %arg9[%dma_wait3A, %dma_wait3A_40, %dma_wait3A_41] : memref<3x64x128xf32, #tpu.memory_space<vmem>> -> memref<1x64x128xf32, #tpu.memory_space<vmem>>
      %dma_wait3A_43 = tpu.memref_squeeze %dma_wait3A_42 : memref<1x64x128xf32, #tpu.memory_space<vmem>> -> memref<64x128xf32, #tpu.memory_space<vmem>>
      %dma_wait3A_44 = arith.constant 0 : i32
      %dma_wait3A_45 = arith.constant 0 : i32
      %dma_wait3A_46 = tpu.memref_slice %arg6[%dma_wait3A_44, %dma_wait3A_45] : memref<320000x128xf32, #tpu.memory_space<hbm>> -> memref<64x128xf32, #tpu.memory_space<hbm>>
      %dma_wait3A_47 = arith.constant 0 : i32
      %dma_wait3A_48 = arith.constant 0 : i32
      %dma_wait3A_49 = tpu.memref_slice %arg6[%dma_wait3A_47, %dma_wait3A_48] : memref<320000x128xf32, #tpu.memory_space<hbm>> -> memref<64x128xf32, #tpu.memory_space<hbm>>
      %dma_wait3A_50 = arith.constant 0 : i32
      %dma_wait3A_51 = arith.constant 0 : i32
      %dma_wait3A_52 = tpu.memref_slice %arg9[%dma_wait3A, %dma_wait3A_50, %dma_wait3A_51] : memref<3x64x128xf32, #tpu.memory_space<vmem>> -> memref<1x64x128xf32, #tpu.memory_space<vmem>>
      %dma_wait3A_53 = tpu.memref_squeeze %dma_wait3A_52 : memref<1x64x128xf32, #tpu.memory_space<vmem>> -> memref<64x128xf32, #tpu.memory_space<vmem>>
      tpu.wait_dma2 semaphore(%arg14 : memref<!tpu.dma_semaphore, #tpu.memory_space<semaphore_mem>>) src(%dma_wait3A_53 : memref<64x128xf32, #tpu.memory_space<vmem>>) dst(%dma_wait3A_49 : memref<64x128xf32, #tpu.memory_space<hbm>>)
    } else {
    }
    %add3A_33 = arith.constant 64 : i32
    %add3A_34 = arith.addi %add3A, %add3A_33 : i32
    %lt3A_35 = arith.constant 5000 : i32
    %lt3A_36 = arith.cmpi slt, %add3A_34, %lt3A_35 : i32
    %convert_element_type3A_37 = arith.extui %lt3A_36 : i1 to i32
    %cond3A_38 = arith.constant 0 : i32
    %cond3A_39 = arith.cmpi ne, %convert_element_type3A_37, %cond3A_38 : i32
    scf.if %cond3A_39 {
      %dma_wait3A = arith.constant 2 : i32
      %dma_wait3A_40 = arith.constant 0 : i32
      %dma_wait3A_41 = arith.constant 0 : i32
      %dma_wait3A_42 = tpu.memref_slice %arg9[%dma_wait3A, %dma_wait3A_40, %dma_wait3A_41] : memref<3x64x128xf32, #tpu.memory_space<vmem>> -> memref<1x64x128xf32, #tpu.memory_space<vmem>>
      %dma_wait3A_43 = tpu.memref_squeeze %dma_wait3A_42 : memref<1x64x128xf32, #tpu.memory_space<vmem>> -> memref<64x128xf32, #tpu.memory_space<vmem>>
      %dma_wait3A_44 = arith.constant 0 : i32
      %dma_wait3A_45 = arith.constant 0 : i32
      %dma_wait3A_46 = tpu.memref_slice %arg6[%dma_wait3A_44, %dma_wait3A_45] : memref<320000x128xf32, #tpu.memory_space<hbm>> -> memref<64x128xf32, #tpu.memory_space<hbm>>
      %dma_wait3A_47 = arith.constant 0 : i32
      %dma_wait3A_48 = arith.constant 0 : i32
      %dma_wait3A_49 = tpu.memref_slice %arg6[%dma_wait3A_47, %dma_wait3A_48] : memref<320000x128xf32, #tpu.memory_space<hbm>> -> memref<64x128xf32, #tpu.memory_space<hbm>>
      %dma_wait3A_50 = arith.constant 0 : i32
      %dma_wait3A_51 = arith.constant 0 : i32
      %dma_wait3A_52 = tpu.memref_slice %arg9[%dma_wait3A, %dma_wait3A_50, %dma_wait3A_51] : memref<3x64x128xf32, #tpu.memory_space<vmem>> -> memref<1x64x128xf32, #tpu.memory_space<vmem>>
      %dma_wait3A_53 = tpu.memref_squeeze %dma_wait3A_52 : memref<1x64x128xf32, #tpu.memory_space<vmem>> -> memref<64x128xf32, #tpu.memory_space<vmem>>
      tpu.wait_dma2 semaphore(%arg14 : memref<!tpu.dma_semaphore, #tpu.memory_space<semaphore_mem>>) src(%dma_wait3A_53 : memref<64x128xf32, #tpu.memory_space<vmem>>) dst(%dma_wait3A_49 : memref<64x128xf32, #tpu.memory_space<hbm>>)
    } else {
    }
    return
  }
}

#map = affine_map<(d0, d1) -> (0, 0)>
#map1 = affine_map<(d0, d1) -> (0)>
module attributes {stable_mosaic.version = 14 : i64} {
  func.func @k(%arg0: i32, %arg1: i32, %arg2: memref<10000x128xf32, #tpu.memory_space<hbm>>, %arg3: memref<10000x128xf32, #tpu.memory_space<hbm>>, %arg4: memref<160000xi32, #tpu.memory_space<hbm>>, %arg5: memref<160000xi32, #tpu.memory_space<hbm>>, %arg6: memref<160000x128xf32, #tpu.memory_space<hbm>>, %arg7: memref<3x64xi32, #tpu.memory_space<vmem>>, %arg8: memref<3x64xi32, #tpu.memory_space<vmem>>, %arg9: memref<3x64x128xf32, #tpu.memory_space<vmem>>, %arg10: memref<3x64x128xf32, #tpu.memory_space<vmem>>, %arg11: memref<10000x128xf32, #tpu.memory_space<vmem_shared>>, %arg12: memref<!tpu.dma_semaphore, #tpu.memory_space<semaphore_mem>>, %arg13: memref<!tpu.dma_semaphore, #tpu.memory_space<semaphore_mem>>, %arg14: memref<!tpu.dma_semaphore, #tpu.memory_space<semaphore_mem>>) attributes {dimension_semantics = [#tpu.dimension_semantics<core_parallel>, #tpu.dimension_semantics<subcore_parallel>], iteration_bounds = array<i64: 2, 16>, scalar_prefetch = 0 : i64, scratch_operands = 8 : i64, tpu.core_type = #tpu.core_type<sc_vector_subcore>, window_params = [{transform_indices = #map}, {transform_indices = #map}, {transform_indices = #map1}, {transform_indices = #map1}, {transform_indices = #map}]} {
    %mul3A = arith.constant 16 : i32
    %mul3A_0 = arith.muli %arg0, %mul3A : i32
    %add3A = arith.addi %mul3A_0, %arg1 : i32
    %scan3A = arith.constant 0 : i32
    %scan3A_1 = arith.constant 8 : i32
    %scan3A_2 = arith.addi %scan3A, %scan3A_1 : i32
    %scan3A_3 = arith.constant 1 : i32
    scf.for %scan3A_40 = %scan3A to %scan3A_2 step %scan3A_3  : i32 {
      %mul3A_41 = arith.constant 16 : i32
      %mul3A_42 = arith.muli %scan3A_40, %mul3A_41 : i32
      %add3A_43 = arith.addi %arg1, %mul3A_42 : i32
      %lt3A_44 = arith.constant 125 : i32
      %lt3A_45 = arith.cmpi slt, %add3A_43, %lt3A_44 : i32
      %convert_element_type3A_46 = arith.extui %lt3A_45 : i1 to i32
      %cond3A_47 = arith.constant 0 : i32
      %cond3A_48 = arith.cmpi ne, %convert_element_type3A_46, %cond3A_47 : i32
      scf.if %cond3A_48 {
        %mul3A_49 = arith.constant 80 : i32
        %mul3A_50 = arith.muli %add3A_43, %mul3A_49 : i32
        "tpu.region"() ({
          %run_scoped3A = tpu.sem_alloc : memref<!tpu.dma_semaphore, #tpu.memory_space<semaphore_mem>>
          %dma_start3A = arith.constant 0 : i32
          %dma_start3A_51 = tpu.memref_slice %arg11[%mul3A_50, %dma_start3A] : memref<10000x128xf32, #tpu.memory_space<vmem_shared>> -> memref<80x128xf32, #tpu.memory_space<vmem_shared>>
          %dma_start3A_52 = arith.constant 0 : i32
          %dma_start3A_53 = tpu.memref_slice %arg2[%mul3A_50, %dma_start3A_52] : memref<10000x128xf32, #tpu.memory_space<hbm>> -> memref<80x128xf32, #tpu.memory_space<hbm>>
          tpu.enqueue_dma source(%dma_start3A_53 : memref<80x128xf32, #tpu.memory_space<hbm>>) target(%dma_start3A_51 : memref<80x128xf32, #tpu.memory_space<vmem_shared>>) target_semaphore(%run_scoped3A : memref<!tpu.dma_semaphore, #tpu.memory_space<semaphore_mem>>)
          %dma_wait3A = arith.constant 0 : i32
          %dma_wait3A_54 = tpu.memref_slice %arg11[%mul3A_50, %dma_wait3A] : memref<10000x128xf32, #tpu.memory_space<vmem_shared>> -> memref<80x128xf32, #tpu.memory_space<vmem_shared>>
          %dma_wait3A_55 = arith.constant 0 : i32
          %dma_wait3A_56 = tpu.memref_slice %arg2[%mul3A_50, %dma_wait3A_55] : memref<10000x128xf32, #tpu.memory_space<hbm>> -> memref<80x128xf32, #tpu.memory_space<hbm>>
          tpu.wait_dma2 semaphore(%run_scoped3A : memref<!tpu.dma_semaphore, #tpu.memory_space<semaphore_mem>>) src(%dma_wait3A_56 : memref<80x128xf32, #tpu.memory_space<hbm>>) dst(%dma_wait3A_54 : memref<80x128xf32, #tpu.memory_space<vmem_shared>>)
          tpu.yield
        }) : () -> ()
      } else {
      }
    }
    %scan3A_4 = arith.constant 8 : i32
    %barrier3A = arith.constant 0 : index
    tpu.barrier barrier_id(%barrier3A)
    %lt3A = arith.constant 2500 : i32
    %lt3A_5 = arith.cmpi slt, %add3A, %lt3A : i32
    %convert_element_type3A = arith.extui %lt3A_5 : i1 to i32
    %cond3A = arith.constant 0 : i32
    %cond3A_6 = arith.cmpi ne, %convert_element_type3A, %cond3A : i32
    scf.if %cond3A_6 {
      %mul3A_40 = arith.constant 64 : i32
      %mul3A_41 = arith.muli %add3A, %mul3A_40 : i32
      %run_scoped3A = arith.constant 0 : i32
      "tpu.region"() ({
        %run_scoped3A_77 = tpu.sem_alloc : memref<!tpu.dma_semaphore, #tpu.memory_space<semaphore_mem>>
        %dma_start3A_78 = arith.constant 0 : i32
        %dma_start3A_79 = tpu.memref_slice %arg7[%run_scoped3A, %dma_start3A_78] : memref<3x64xi32, #tpu.memory_space<vmem>> -> memref<1x64xi32, #tpu.memory_space<vmem>>
        %dma_start3A_80 = tpu.memref_squeeze %dma_start3A_79 : memref<1x64xi32, #tpu.memory_space<vmem>> -> memref<64xi32, #tpu.memory_space<vmem>>
        %dma_start3A_81 = tpu.memref_slice %arg4[%mul3A_41] : memref<160000xi32, #tpu.memory_space<hbm>> -> memref<64xi32, #tpu.memory_space<hbm>>
        %dma_start3A_82 = arith.constant 0 : i32
        %dma_start3A_83 = tpu.memref_slice %arg7[%run_scoped3A, %dma_start3A_82] : memref<3x64xi32, #tpu.memory_space<vmem>> -> memref<1x64xi32, #tpu.memory_space<vmem>>
        %dma_start3A_84 = tpu.memref_squeeze %dma_start3A_83 : memref<1x64xi32, #tpu.memory_space<vmem>> -> memref<64xi32, #tpu.memory_space<vmem>>
        %dma_start3A_85 = tpu.memref_slice %arg4[%mul3A_41] : memref<160000xi32, #tpu.memory_space<hbm>> -> memref<64xi32, #tpu.memory_space<hbm>>
        tpu.enqueue_dma source(%dma_start3A_85 : memref<64xi32, #tpu.memory_space<hbm>>) target(%dma_start3A_84 : memref<64xi32, #tpu.memory_space<vmem>>) target_semaphore(%run_scoped3A_77 : memref<!tpu.dma_semaphore, #tpu.memory_space<semaphore_mem>>)
        %dma_wait3A_86 = arith.constant 0 : i32
        %dma_wait3A_87 = tpu.memref_slice %arg7[%run_scoped3A, %dma_wait3A_86] : memref<3x64xi32, #tpu.memory_space<vmem>> -> memref<1x64xi32, #tpu.memory_space<vmem>>
        %dma_wait3A_88 = tpu.memref_squeeze %dma_wait3A_87 : memref<1x64xi32, #tpu.memory_space<vmem>> -> memref<64xi32, #tpu.memory_space<vmem>>
        %dma_wait3A_89 = tpu.memref_slice %arg4[%mul3A_41] : memref<160000xi32, #tpu.memory_space<hbm>> -> memref<64xi32, #tpu.memory_space<hbm>>
        %dma_wait3A_90 = arith.constant 0 : i32
        %dma_wait3A_91 = tpu.memref_slice %arg7[%run_scoped3A, %dma_wait3A_90] : memref<3x64xi32, #tpu.memory_space<vmem>> -> memref<1x64xi32, #tpu.memory_space<vmem>>
        %dma_wait3A_92 = tpu.memref_squeeze %dma_wait3A_91 : memref<1x64xi32, #tpu.memory_space<vmem>> -> memref<64xi32, #tpu.memory_space<vmem>>
        %dma_wait3A_93 = tpu.memref_slice %arg4[%mul3A_41] : memref<160000xi32, #tpu.memory_space<hbm>> -> memref<64xi32, #tpu.memory_space<hbm>>
        tpu.wait_dma2 semaphore(%run_scoped3A_77 : memref<!tpu.dma_semaphore, #tpu.memory_space<semaphore_mem>>) src(%dma_wait3A_93 : memref<64xi32, #tpu.memory_space<hbm>>) dst(%dma_wait3A_92 : memref<64xi32, #tpu.memory_space<vmem>>)
        tpu.yield
      }) : () -> ()
      %run_scoped3A_42 = arith.constant 0 : i32
      "tpu.region"() ({
        %run_scoped3A_77 = tpu.sem_alloc : memref<!tpu.dma_semaphore, #tpu.memory_space<semaphore_mem>>
        %dma_start3A_78 = arith.constant 0 : i32
        %dma_start3A_79 = tpu.memref_slice %arg8[%run_scoped3A_42, %dma_start3A_78] : memref<3x64xi32, #tpu.memory_space<vmem>> -> memref<1x64xi32, #tpu.memory_space<vmem>>
        %dma_start3A_80 = tpu.memref_squeeze %dma_start3A_79 : memref<1x64xi32, #tpu.memory_space<vmem>> -> memref<64xi32, #tpu.memory_space<vmem>>
        %dma_start3A_81 = tpu.memref_slice %arg5[%mul3A_41] : memref<160000xi32, #tpu.memory_space<hbm>> -> memref<64xi32, #tpu.memory_space<hbm>>
        %dma_start3A_82 = arith.constant 0 : i32
        %dma_start3A_83 = tpu.memref_slice %arg8[%run_scoped3A_42, %dma_start3A_82] : memref<3x64xi32, #tpu.memory_space<vmem>> -> memref<1x64xi32, #tpu.memory_space<vmem>>
        %dma_start3A_84 = tpu.memref_squeeze %dma_start3A_83 : memref<1x64xi32, #tpu.memory_space<vmem>> -> memref<64xi32, #tpu.memory_space<vmem>>
        %dma_start3A_85 = tpu.memref_slice %arg5[%mul3A_41] : memref<160000xi32, #tpu.memory_space<hbm>> -> memref<64xi32, #tpu.memory_space<hbm>>
        tpu.enqueue_dma source(%dma_start3A_85 : memref<64xi32, #tpu.memory_space<hbm>>) target(%dma_start3A_84 : memref<64xi32, #tpu.memory_space<vmem>>) target_semaphore(%run_scoped3A_77 : memref<!tpu.dma_semaphore, #tpu.memory_space<semaphore_mem>>)
        %dma_wait3A_86 = arith.constant 0 : i32
        %dma_wait3A_87 = tpu.memref_slice %arg8[%run_scoped3A_42, %dma_wait3A_86] : memref<3x64xi32, #tpu.memory_space<vmem>> -> memref<1x64xi32, #tpu.memory_space<vmem>>
        %dma_wait3A_88 = tpu.memref_squeeze %dma_wait3A_87 : memref<1x64xi32, #tpu.memory_space<vmem>> -> memref<64xi32, #tpu.memory_space<vmem>>
        %dma_wait3A_89 = tpu.memref_slice %arg5[%mul3A_41] : memref<160000xi32, #tpu.memory_space<hbm>> -> memref<64xi32, #tpu.memory_space<hbm>>
        %dma_wait3A_90 = arith.constant 0 : i32
        %dma_wait3A_91 = tpu.memref_slice %arg8[%run_scoped3A_42, %dma_wait3A_90] : memref<3x64xi32, #tpu.memory_space<vmem>> -> memref<1x64xi32, #tpu.memory_space<vmem>>
        %dma_wait3A_92 = tpu.memref_squeeze %dma_wait3A_91 : memref<1x64xi32, #tpu.memory_space<vmem>> -> memref<64xi32, #tpu.memory_space<vmem>>
        %dma_wait3A_93 = tpu.memref_slice %arg5[%mul3A_41] : memref<160000xi32, #tpu.memory_space<hbm>> -> memref<64xi32, #tpu.memory_space<hbm>>
        tpu.wait_dma2 semaphore(%run_scoped3A_77 : memref<!tpu.dma_semaphore, #tpu.memory_space<semaphore_mem>>) src(%dma_wait3A_93 : memref<64xi32, #tpu.memory_space<hbm>>) dst(%dma_wait3A_92 : memref<64xi32, #tpu.memory_space<vmem>>)
        tpu.yield
      }) : () -> ()
      %dma_start3A = arith.constant 0 : i32
      %dma_start3A_43 = arith.constant 0 : i32
      %dma_start3A_44 = arith.constant 0 : i32
      %dma_start3A_45 = arith.constant 0 : i32
      %dma_start3A_46 = tpu.memref_slice %arg9[%dma_start3A_43, %dma_start3A_44, %dma_start3A_45] : memref<3x64x128xf32, #tpu.memory_space<vmem>> -> memref<1x64x128xf32, #tpu.memory_space<vmem>>
      %dma_start3A_47 = tpu.memref_squeeze %dma_start3A_46 : memref<1x64x128xf32, #tpu.memory_space<vmem>> -> memref<64x128xf32, #tpu.memory_space<vmem>>
      %dma_start3A_48 = arith.constant 0 : i32
      %dma_start3A_49 = tpu.memref_slice %arg7[%dma_start3A, %dma_start3A_48] : memref<3x64xi32, #tpu.memory_space<vmem>> -> memref<1x64xi32, #tpu.memory_space<vmem>>
      %dma_start3A_50 = tpu.memref_squeeze %dma_start3A_49 : memref<1x64xi32, #tpu.memory_space<vmem>> -> memref<64xi32, #tpu.memory_space<vmem>>
      %dma_start3A_51 = arith.constant 0 : i32
      %dma_start3A_52 = arith.constant 0 : i32
      %dma_start3A_53 = tpu.memref_slice %arg11[%dma_start3A_51, %dma_start3A_52] : memref<10000x128xf32, #tpu.memory_space<vmem_shared>> -> memref<10000x128xf32, #tpu.memory_space<vmem_shared>>
      tpu.enqueue_indirect_dma source(%dma_start3A_53 : memref<10000x128xf32, #tpu.memory_space<vmem_shared>>) target(%dma_start3A_47 : memref<64x128xf32, #tpu.memory_space<vmem>>) offsets(%dma_start3A_50 : memref<64xi32, #tpu.memory_space<vmem>>) semaphore(%arg13 : memref<!tpu.dma_semaphore, #tpu.memory_space<semaphore_mem>>)
      %dma_wait3A = arith.constant 0 : i32
      %dma_wait3A_54 = arith.constant 0 : i32
      %dma_wait3A_55 = arith.constant 0 : i32
      %dma_wait3A_56 = arith.constant 0 : i32
      %dma_wait3A_57 = tpu.memref_slice %arg9[%dma_wait3A_54, %dma_wait3A_55, %dma_wait3A_56] : memref<3x64x128xf32, #tpu.memory_space<vmem>> -> memref<1x64x128xf32, #tpu.memory_space<vmem>>
      %dma_wait3A_58 = tpu.memref_squeeze %dma_wait3A_57 : memref<1x64x128xf32, #tpu.memory_space<vmem>> -> memref<64x128xf32, #tpu.memory_space<vmem>>
      %dma_wait3A_59 = arith.constant 0 : i32
      %dma_wait3A_60 = tpu.memref_slice %arg7[%dma_wait3A, %dma_wait3A_59] : memref<3x64xi32, #tpu.memory_space<vmem>> -> memref<1x64xi32, #tpu.memory_space<vmem>>
      %dma_wait3A_61 = tpu.memref_squeeze %dma_wait3A_60 : memref<1x64xi32, #tpu.memory_space<vmem>> -> memref<64xi32, #tpu.memory_space<vmem>>
      %dma_wait3A_62 = arith.constant 0 : i32
      %dma_wait3A_63 = arith.constant 0 : i32
      %dma_wait3A_64 = tpu.memref_slice %arg11[%dma_wait3A_62, %dma_wait3A_63] : memref<10000x128xf32, #tpu.memory_space<vmem_shared>> -> memref<10000x128xf32, #tpu.memory_space<vmem_shared>>
      tpu.wait_indirect_dma semaphore(%arg13 : memref<!tpu.dma_semaphore, #tpu.memory_space<semaphore_mem>>) src(%dma_wait3A_64 : memref<10000x128xf32, #tpu.memory_space<vmem_shared>>) dst(%dma_wait3A_58 : memref<64x128xf32, #tpu.memory_space<vmem>>)
      %dma_start3A_65 = arith.constant 0 : i32
      %dma_start3A_66 = arith.constant 0 : i32
      %dma_start3A_67 = arith.constant 0 : i32
      %dma_start3A_68 = arith.constant 0 : i32
      %dma_start3A_69 = tpu.memref_slice %arg10[%dma_start3A_66, %dma_start3A_67, %dma_start3A_68] : memref<3x64x128xf32, #tpu.memory_space<vmem>> -> memref<1x64x128xf32, #tpu.memory_space<vmem>>
      %dma_start3A_70 = tpu.memref_squeeze %dma_start3A_69 : memref<1x64x128xf32, #tpu.memory_space<vmem>> -> memref<64x128xf32, #tpu.memory_space<vmem>>
      %dma_start3A_71 = arith.constant 0 : i32
      %dma_start3A_72 = tpu.memref_slice %arg8[%dma_start3A_65, %dma_start3A_71] : memref<3x64xi32, #tpu.memory_space<vmem>> -> memref<1x64xi32, #tpu.memory_space<vmem>>
      %dma_start3A_73 = tpu.memref_squeeze %dma_start3A_72 : memref<1x64xi32, #tpu.memory_space<vmem>> -> memref<64xi32, #tpu.memory_space<vmem>>
      %dma_start3A_74 = arith.constant 0 : i32
      %dma_start3A_75 = arith.constant 0 : i32
      %dma_start3A_76 = tpu.memref_slice %arg3[%dma_start3A_74, %dma_start3A_75] : memref<10000x128xf32, #tpu.memory_space<hbm>> -> memref<10000x128xf32, #tpu.memory_space<hbm>>
      tpu.enqueue_indirect_dma source(%dma_start3A_76 : memref<10000x128xf32, #tpu.memory_space<hbm>>) target(%dma_start3A_70 : memref<64x128xf32, #tpu.memory_space<vmem>>) offsets(%dma_start3A_73 : memref<64xi32, #tpu.memory_space<vmem>>) semaphore(%arg13 : memref<!tpu.dma_semaphore, #tpu.memory_space<semaphore_mem>>)
    } else {
    }
    %add3A_7 = arith.constant 32 : i32
    %add3A_8 = arith.addi %add3A, %add3A_7 : i32
    %lt3A_9 = arith.constant 2500 : i32
    %lt3A_10 = arith.cmpi slt, %add3A_8, %lt3A_9 : i32
    %convert_element_type3A_11 = arith.extui %lt3A_10 : i1 to i32
    %cond3A_12 = arith.constant 0 : i32
    %cond3A_13 = arith.cmpi ne, %convert_element_type3A_11, %cond3A_12 : i32
    scf.if %cond3A_13 {
      %add3A_40 = arith.constant 32 : i32
      %add3A_41 = arith.addi %add3A, %add3A_40 : i32
      %mul3A_42 = arith.constant 64 : i32
      %mul3A_43 = arith.muli %add3A_41, %mul3A_42 : i32
      %dma_start3A = arith.constant 1 : i32
      %dma_start3A_44 = arith.constant 0 : i32
      %dma_start3A_45 = tpu.memref_slice %arg7[%dma_start3A, %dma_start3A_44] : memref<3x64xi32, #tpu.memory_space<vmem>> -> memref<1x64xi32, #tpu.memory_space<vmem>>
      %dma_start3A_46 = tpu.memref_squeeze %dma_start3A_45 : memref<1x64xi32, #tpu.memory_space<vmem>> -> memref<64xi32, #tpu.memory_space<vmem>>
      %dma_start3A_47 = tpu.memref_slice %arg4[%mul3A_43] : memref<160000xi32, #tpu.memory_space<hbm>> -> memref<64xi32, #tpu.memory_space<hbm>>
      %dma_start3A_48 = arith.constant 0 : i32
      %dma_start3A_49 = tpu.memref_slice %arg7[%dma_start3A, %dma_start3A_48] : memref<3x64xi32, #tpu.memory_space<vmem>> -> memref<1x64xi32, #tpu.memory_space<vmem>>
      %dma_start3A_50 = tpu.memref_squeeze %dma_start3A_49 : memref<1x64xi32, #tpu.memory_space<vmem>> -> memref<64xi32, #tpu.memory_space<vmem>>
      %dma_start3A_51 = tpu.memref_slice %arg4[%mul3A_43] : memref<160000xi32, #tpu.memory_space<hbm>> -> memref<64xi32, #tpu.memory_space<hbm>>
      tpu.enqueue_dma source(%dma_start3A_51 : memref<64xi32, #tpu.memory_space<hbm>>) target(%dma_start3A_50 : memref<64xi32, #tpu.memory_space<vmem>>) target_semaphore(%arg12 : memref<!tpu.dma_semaphore, #tpu.memory_space<semaphore_mem>>)
      %dma_start3A_52 = arith.constant 1 : i32
      %dma_start3A_53 = arith.constant 0 : i32
      %dma_start3A_54 = tpu.memref_slice %arg8[%dma_start3A_52, %dma_start3A_53] : memref<3x64xi32, #tpu.memory_space<vmem>> -> memref<1x64xi32, #tpu.memory_space<vmem>>
      %dma_start3A_55 = tpu.memref_squeeze %dma_start3A_54 : memref<1x64xi32, #tpu.memory_space<vmem>> -> memref<64xi32, #tpu.memory_space<vmem>>
      %dma_start3A_56 = tpu.memref_slice %arg5[%mul3A_43] : memref<160000xi32, #tpu.memory_space<hbm>> -> memref<64xi32, #tpu.memory_space<hbm>>
      %dma_start3A_57 = arith.constant 0 : i32
      %dma_start3A_58 = tpu.memref_slice %arg8[%dma_start3A_52, %dma_start3A_57] : memref<3x64xi32, #tpu.memory_space<vmem>> -> memref<1x64xi32, #tpu.memory_space<vmem>>
      %dma_start3A_59 = tpu.memref_squeeze %dma_start3A_58 : memref<1x64xi32, #tpu.memory_space<vmem>> -> memref<64xi32, #tpu.memory_space<vmem>>
      %dma_start3A_60 = tpu.memref_slice %arg5[%mul3A_43] : memref<160000xi32, #tpu.memory_space<hbm>> -> memref<64xi32, #tpu.memory_space<hbm>>
      tpu.enqueue_dma source(%dma_start3A_60 : memref<64xi32, #tpu.memory_space<hbm>>) target(%dma_start3A_59 : memref<64xi32, #tpu.memory_space<vmem>>) target_semaphore(%arg12 : memref<!tpu.dma_semaphore, #tpu.memory_space<semaphore_mem>>)
    } else {
    }
    %scan3A_14 = arith.constant 0 : i32
    %scan3A_15 = arith.constant 27 : i32
    %scan3A_16 = arith.addi %scan3A_14, %scan3A_15 : i32
    %scan3A_17 = arith.constant 1 : i32
    scf.for %scan3A_40 = %scan3A_14 to %scan3A_16 step %scan3A_17  : i32 {
      %mul3A_41 = arith.constant 3 : i32
      %mul3A_42 = arith.muli %mul3A_41, %scan3A_40 : i32
      %add3A_43 = arith.constant 0 : i32
      %add3A_44 = arith.addi %mul3A_42, %add3A_43 : i32
      %mul3A_45 = arith.constant 32 : i32
      %mul3A_46 = arith.muli %add3A_44, %mul3A_45 : i32
      %add3A_47 = arith.addi %add3A, %mul3A_46 : i32
      %add3A_48 = arith.constant 32 : i32
      %add3A_49 = arith.addi %add3A_47, %add3A_48 : i32
      %lt3A_50 = arith.constant 2500 : i32
      %lt3A_51 = arith.cmpi slt, %add3A_47, %lt3A_50 : i32
      %convert_element_type3A_52 = arith.extui %lt3A_51 : i1 to i32
      %cond3A_53 = arith.constant 0 : i32
      %cond3A_54 = arith.cmpi ne, %convert_element_type3A_52, %cond3A_53 : i32
      scf.if %cond3A_54 {
        %dma_wait3A = arith.constant 0 : i32
        %dma_wait3A_83 = arith.constant 0 : i32
        %dma_wait3A_84 = arith.constant 0 : i32
        %dma_wait3A_85 = tpu.memref_slice %arg10[%dma_wait3A, %dma_wait3A_83, %dma_wait3A_84] : memref<3x64x128xf32, #tpu.memory_space<vmem>> -> memref<1x64x128xf32, #tpu.memory_space<vmem>>
        %dma_wait3A_86 = tpu.memref_squeeze %dma_wait3A_85 : memref<1x64x128xf32, #tpu.memory_space<vmem>> -> memref<64x128xf32, #tpu.memory_space<vmem>>
        %dma_wait3A_87 = arith.constant 0 : i32
        %dma_wait3A_88 = arith.constant 0 : i32
        %dma_wait3A_89 = tpu.memref_slice %arg3[%dma_wait3A_87, %dma_wait3A_88] : memref<10000x128xf32, #tpu.memory_space<hbm>> -> memref<64x128xf32, #tpu.memory_space<hbm>>
        %dma_wait3A_90 = arith.constant 0 : i32
        %dma_wait3A_91 = arith.constant 0 : i32
        %dma_wait3A_92 = tpu.memref_slice %arg10[%dma_wait3A, %dma_wait3A_90, %dma_wait3A_91] : memref<3x64x128xf32, #tpu.memory_space<vmem>> -> memref<1x64x128xf32, #tpu.memory_space<vmem>>
        %dma_wait3A_93 = tpu.memref_squeeze %dma_wait3A_92 : memref<1x64x128xf32, #tpu.memory_space<vmem>> -> memref<64x128xf32, #tpu.memory_space<vmem>>
        %dma_wait3A_94 = arith.constant 0 : i32
        %dma_wait3A_95 = arith.constant 0 : i32
        %dma_wait3A_96 = tpu.memref_slice %arg3[%dma_wait3A_94, %dma_wait3A_95] : memref<10000x128xf32, #tpu.memory_space<hbm>> -> memref<64x128xf32, #tpu.memory_space<hbm>>
        tpu.wait_dma2 semaphore(%arg13 : memref<!tpu.dma_semaphore, #tpu.memory_space<semaphore_mem>>) src(%dma_wait3A_96 : memref<64x128xf32, #tpu.memory_space<hbm>>) dst(%dma_wait3A_93 : memref<64x128xf32, #tpu.memory_space<vmem>>)
        %lt3A_97 = arith.constant 2500 : i32
        %lt3A_98 = arith.cmpi slt, %add3A_49, %lt3A_97 : i32
        %convert_element_type3A_99 = arith.extui %lt3A_98 : i1 to i32
        %cond3A_100 = arith.constant 0 : i32
        %cond3A_101 = arith.cmpi ne, %convert_element_type3A_99, %cond3A_100 : i32
        scf.if %cond3A_101 {
          %dma_wait3A_128 = arith.constant 1 : i32
          %dma_wait3A_129 = arith.constant 0 : i32
          %dma_wait3A_130 = tpu.memref_slice %arg7[%dma_wait3A_128, %dma_wait3A_129] : memref<3x64xi32, #tpu.memory_space<vmem>> -> memref<1x64xi32, #tpu.memory_space<vmem>>
          %dma_wait3A_131 = tpu.memref_squeeze %dma_wait3A_130 : memref<1x64xi32, #tpu.memory_space<vmem>> -> memref<64xi32, #tpu.memory_space<vmem>>
          %dma_wait3A_132 = arith.constant 0 : i32
          %dma_wait3A_133 = tpu.memref_slice %arg4[%dma_wait3A_132] : memref<160000xi32, #tpu.memory_space<hbm>> -> memref<64xi32, #tpu.memory_space<hbm>>
          %dma_wait3A_134 = arith.constant 0 : i32
          %dma_wait3A_135 = tpu.memref_slice %arg7[%dma_wait3A_128, %dma_wait3A_134] : memref<3x64xi32, #tpu.memory_space<vmem>> -> memref<1x64xi32, #tpu.memory_space<vmem>>
          %dma_wait3A_136 = tpu.memref_squeeze %dma_wait3A_135 : memref<1x64xi32, #tpu.memory_space<vmem>> -> memref<64xi32, #tpu.memory_space<vmem>>
          %dma_wait3A_137 = arith.constant 0 : i32
          %dma_wait3A_138 = tpu.memref_slice %arg4[%dma_wait3A_137] : memref<160000xi32, #tpu.memory_space<hbm>> -> memref<64xi32, #tpu.memory_space<hbm>>
          tpu.wait_dma2 semaphore(%arg12 : memref<!tpu.dma_semaphore, #tpu.memory_space<semaphore_mem>>) src(%dma_wait3A_138 : memref<64xi32, #tpu.memory_space<hbm>>) dst(%dma_wait3A_136 : memref<64xi32, #tpu.memory_space<vmem>>)
          %dma_wait3A_139 = arith.constant 1 : i32
          %dma_wait3A_140 = arith.constant 0 : i32
          %dma_wait3A_141 = tpu.memref_slice %arg8[%dma_wait3A_139, %dma_wait3A_140] : memref<3x64xi32, #tpu.memory_space<vmem>> -> memref<1x64xi32, #tpu.memory_space<vmem>>
          %dma_wait3A_142 = tpu.memref_squeeze %dma_wait3A_141 : memref<1x64xi32, #tpu.memory_space<vmem>> -> memref<64xi32, #tpu.memory_space<vmem>>
          %dma_wait3A_143 = arith.constant 0 : i32
          %dma_wait3A_144 = tpu.memref_slice %arg5[%dma_wait3A_143] : memref<160000xi32, #tpu.memory_space<hbm>> -> memref<64xi32, #tpu.memory_space<hbm>>
          %dma_wait3A_145 = arith.constant 0 : i32
          %dma_wait3A_146 = tpu.memref_slice %arg8[%dma_wait3A_139, %dma_wait3A_145] : memref<3x64xi32, #tpu.memory_space<vmem>> -> memref<1x64xi32, #tpu.memory_space<vmem>>
          %dma_wait3A_147 = tpu.memref_squeeze %dma_wait3A_146 : memref<1x64xi32, #tpu.memory_space<vmem>> -> memref<64xi32, #tpu.memory_space<vmem>>
          %dma_wait3A_148 = arith.constant 0 : i32
          %dma_wait3A_149 = tpu.memref_slice %arg5[%dma_wait3A_148] : memref<160000xi32, #tpu.memory_space<hbm>> -> memref<64xi32, #tpu.memory_space<hbm>>
          tpu.wait_dma2 semaphore(%arg12 : memref<!tpu.dma_semaphore, #tpu.memory_space<semaphore_mem>>) src(%dma_wait3A_149 : memref<64xi32, #tpu.memory_space<hbm>>) dst(%dma_wait3A_147 : memref<64xi32, #tpu.memory_space<vmem>>)
          %add3A_150 = arith.constant 64 : i32
          %add3A_151 = arith.addi %add3A, %add3A_150 : i32
          %ge3A = arith.cmpi sge, %add3A_47, %add3A_151 : i32
          %convert_element_type3A_152 = arith.extui %ge3A : i1 to i32
          %cond3A_153 = arith.constant 0 : i32
          %cond3A_154 = arith.cmpi ne, %convert_element_type3A_152, %cond3A_153 : i32
          scf.if %cond3A_154 {
            %dma_wait3A_191 = arith.constant 1 : i32
            %dma_wait3A_192 = arith.constant 0 : i32
            %dma_wait3A_193 = arith.constant 0 : i32
            %dma_wait3A_194 = tpu.memref_slice %arg9[%dma_wait3A_191, %dma_wait3A_192, %dma_wait3A_193] : memref<3x64x128xf32, #tpu.memory_space<vmem>> -> memref<1x64x128xf32, #tpu.memory_space<vmem>>
            %dma_wait3A_195 = tpu.memref_squeeze %dma_wait3A_194 : memref<1x64x128xf32, #tpu.memory_space<vmem>> -> memref<64x128xf32, #tpu.memory_space<vmem>>
            %dma_wait3A_196 = arith.constant 0 : i32
            %dma_wait3A_197 = arith.constant 0 : i32
            %dma_wait3A_198 = tpu.memref_slice %arg6[%dma_wait3A_196, %dma_wait3A_197] : memref<160000x128xf32, #tpu.memory_space<hbm>> -> memref<64x128xf32, #tpu.memory_space<hbm>>
            %dma_wait3A_199 = arith.constant 0 : i32
            %dma_wait3A_200 = arith.constant 0 : i32
            %dma_wait3A_201 = tpu.memref_slice %arg6[%dma_wait3A_199, %dma_wait3A_200] : memref<160000x128xf32, #tpu.memory_space<hbm>> -> memref<64x128xf32, #tpu.memory_space<hbm>>
            %dma_wait3A_202 = arith.constant 0 : i32
            %dma_wait3A_203 = arith.constant 0 : i32
            %dma_wait3A_204 = tpu.memref_slice %arg9[%dma_wait3A_191, %dma_wait3A_202, %dma_wait3A_203] : memref<3x64x128xf32, #tpu.memory_space<vmem>> -> memref<1x64x128xf32, #tpu.memory_space<vmem>>
            %dma_wait3A_205 = tpu.memref_squeeze %dma_wait3A_204 : memref<1x64x128xf32, #tpu.memory_space<vmem>> -> memref<64x128xf32, #tpu.memory_space<vmem>>
            tpu.wait_dma2 semaphore(%arg14 : memref<!tpu.dma_semaphore, #tpu.memory_space<semaphore_mem>>) src(%dma_wait3A_205 : memref<64x128xf32, #tpu.memory_space<vmem>>) dst(%dma_wait3A_201 : memref<64x128xf32, #tpu.memory_space<hbm>>)
          } else {
          }
          %dma_start3A_155 = arith.constant 1 : i32
          %dma_start3A_156 = arith.constant 1 : i32
          %dma_start3A_157 = arith.constant 0 : i32
          %dma_start3A_158 = arith.constant 0 : i32
          %dma_start3A_159 = tpu.memref_slice %arg9[%dma_start3A_156, %dma_start3A_157, %dma_start3A_158] : memref<3x64x128xf32, #tpu.memory_space<vmem>> -> memref<1x64x128xf32, #tpu.memory_space<vmem>>
          %dma_start3A_160 = tpu.memref_squeeze %dma_start3A_159 : memref<1x64x128xf32, #tpu.memory_space<vmem>> -> memref<64x128xf32, #tpu.memory_space<vmem>>
          %dma_start3A_161 = arith.constant 0 : i32
          %dma_start3A_162 = tpu.memref_slice %arg7[%dma_start3A_155, %dma_start3A_161] : memref<3x64xi32, #tpu.memory_space<vmem>> -> memref<1x64xi32, #tpu.memory_space<vmem>>
          %dma_start3A_163 = tpu.memref_squeeze %dma_start3A_162 : memref<1x64xi32, #tpu.memory_space<vmem>> -> memref<64xi32, #tpu.memory_space<vmem>>
          %dma_start3A_164 = arith.constant 0 : i32
          %dma_start3A_165 = arith.constant 0 : i32
          %dma_start3A_166 = tpu.memref_slice %arg11[%dma_start3A_164, %dma_start3A_165] : memref<10000x128xf32, #tpu.memory_space<vmem_shared>> -> memref<10000x128xf32, #tpu.memory_space<vmem_shared>>
          tpu.enqueue_indirect_dma source(%dma_start3A_166 : memref<10000x128xf32, #tpu.memory_space<vmem_shared>>) target(%dma_start3A_160 : memref<64x128xf32, #tpu.memory_space<vmem>>) offsets(%dma_start3A_163 : memref<64xi32, #tpu.memory_space<vmem>>) semaphore(%arg13 : memref<!tpu.dma_semaphore, #tpu.memory_space<semaphore_mem>>)
          %dma_wait3A_167 = arith.constant 1 : i32
          %dma_wait3A_168 = arith.constant 1 : i32
          %dma_wait3A_169 = arith.constant 0 : i32
          %dma_wait3A_170 = arith.constant 0 : i32
          %dma_wait3A_171 = tpu.memref_slice %arg9[%dma_wait3A_168, %dma_wait3A_169, %dma_wait3A_170] : memref<3x64x128xf32, #tpu.memory_space<vmem>> -> memref<1x64x128xf32, #tpu.memory_space<vmem>>
          %dma_wait3A_172 = tpu.memref_squeeze %dma_wait3A_171 : memref<1x64x128xf32, #tpu.memory_space<vmem>> -> memref<64x128xf32, #tpu.memory_space<vmem>>
          %dma_wait3A_173 = arith.constant 0 : i32
          %dma_wait3A_174 = tpu.memref_slice %arg7[%dma_wait3A_167, %dma_wait3A_173] : memref<3x64xi32, #tpu.memory_space<vmem>> -> memref<1x64xi32, #tpu.memory_space<vmem>>
          %dma_wait3A_175 = tpu.memref_squeeze %dma_wait3A_174 : memref<1x64xi32, #tpu.memory_space<vmem>> -> memref<64xi32, #tpu.memory_space<vmem>>
          %dma_wait3A_176 = arith.constant 0 : i32
          %dma_wait3A_177 = arith.constant 0 : i32
          %dma_wait3A_178 = tpu.memref_slice %arg11[%dma_wait3A_176, %dma_wait3A_177] : memref<10000x128xf32, #tpu.memory_space<vmem_shared>> -> memref<10000x128xf32, #tpu.memory_space<vmem_shared>>
          tpu.wait_indirect_dma semaphore(%arg13 : memref<!tpu.dma_semaphore, #tpu.memory_space<semaphore_mem>>) src(%dma_wait3A_178 : memref<10000x128xf32, #tpu.memory_space<vmem_shared>>) dst(%dma_wait3A_172 : memref<64x128xf32, #tpu.memory_space<vmem>>)
          %dma_start3A_179 = arith.constant 1 : i32
          %dma_start3A_180 = arith.constant 1 : i32
          %dma_start3A_181 = arith.constant 0 : i32
          %dma_start3A_182 = arith.constant 0 : i32
          %dma_start3A_183 = tpu.memref_slice %arg10[%dma_start3A_180, %dma_start3A_181, %dma_start3A_182] : memref<3x64x128xf32, #tpu.memory_space<vmem>> -> memref<1x64x128xf32, #tpu.memory_space<vmem>>
          %dma_start3A_184 = tpu.memref_squeeze %dma_start3A_183 : memref<1x64x128xf32, #tpu.memory_space<vmem>> -> memref<64x128xf32, #tpu.memory_space<vmem>>
          %dma_start3A_185 = arith.constant 0 : i32
          %dma_start3A_186 = tpu.memref_slice %arg8[%dma_start3A_179, %dma_start3A_185] : memref<3x64xi32, #tpu.memory_space<vmem>> -> memref<1x64xi32, #tpu.memory_space<vmem>>
          %dma_start3A_187 = tpu.memref_squeeze %dma_start3A_186 : memref<1x64xi32, #tpu.memory_space<vmem>> -> memref<64xi32, #tpu.memory_space<vmem>>
          %dma_start3A_188 = arith.constant 0 : i32
          %dma_start3A_189 = arith.constant 0 : i32
          %dma_start3A_190 = tpu.memref_slice %arg3[%dma_start3A_188, %dma_start3A_189] : memref<10000x128xf32, #tpu.memory_space<hbm>> -> memref<10000x128xf32, #tpu.memory_space<hbm>>
          tpu.enqueue_indirect_dma source(%dma_start3A_190 : memref<10000x128xf32, #tpu.memory_space<hbm>>) target(%dma_start3A_184 : memref<64x128xf32, #tpu.memory_space<vmem>>) offsets(%dma_start3A_187 : memref<64xi32, #tpu.memory_space<vmem>>) semaphore(%arg13 : memref<!tpu.dma_semaphore, #tpu.memory_space<semaphore_mem>>)
        } else {
        }
        %add3A_102 = arith.constant 32 : i32
        %add3A_103 = arith.addi %add3A_49, %add3A_102 : i32
        %lt3A_104 = arith.constant 2500 : i32
        %lt3A_105 = arith.cmpi slt, %add3A_103, %lt3A_104 : i32
        %convert_element_type3A_106 = arith.extui %lt3A_105 : i1 to i32
        %cond3A_107 = arith.constant 0 : i32
        %cond3A_108 = arith.cmpi ne, %convert_element_type3A_106, %cond3A_107 : i32
        scf.if %cond3A_108 {
          %add3A_128 = arith.constant 32 : i32
          %add3A_129 = arith.addi %add3A_49, %add3A_128 : i32
          %mul3A_130 = arith.constant 64 : i32
          %mul3A_131 = arith.muli %add3A_129, %mul3A_130 : i32
          %dma_start3A_132 = arith.constant 2 : i32
          %dma_start3A_133 = arith.constant 0 : i32
          %dma_start3A_134 = tpu.memref_slice %arg7[%dma_start3A_132, %dma_start3A_133] : memref<3x64xi32, #tpu.memory_space<vmem>> -> memref<1x64xi32, #tpu.memory_space<vmem>>
          %dma_start3A_135 = tpu.memref_squeeze %dma_start3A_134 : memref<1x64xi32, #tpu.memory_space<vmem>> -> memref<64xi32, #tpu.memory_space<vmem>>
          %dma_start3A_136 = tpu.memref_slice %arg4[%mul3A_131] : memref<160000xi32, #tpu.memory_space<hbm>> -> memref<64xi32, #tpu.memory_space<hbm>>
          %dma_start3A_137 = arith.constant 0 : i32
          %dma_start3A_138 = tpu.memref_slice %arg7[%dma_start3A_132, %dma_start3A_137] : memref<3x64xi32, #tpu.memory_space<vmem>> -> memref<1x64xi32, #tpu.memory_space<vmem>>
          %dma_start3A_139 = tpu.memref_squeeze %dma_start3A_138 : memref<1x64xi32, #tpu.memory_space<vmem>> -> memref<64xi32, #tpu.memory_space<vmem>>
          %dma_start3A_140 = tpu.memref_slice %arg4[%mul3A_131] : memref<160000xi32, #tpu.memory_space<hbm>> -> memref<64xi32, #tpu.memory_space<hbm>>
          tpu.enqueue_dma source(%dma_start3A_140 : memref<64xi32, #tpu.memory_space<hbm>>) target(%dma_start3A_139 : memref<64xi32, #tpu.memory_space<vmem>>) target_semaphore(%arg12 : memref<!tpu.dma_semaphore, #tpu.memory_space<semaphore_mem>>)
          %dma_start3A_141 = arith.constant 2 : i32
          %dma_start3A_142 = arith.constant 0 : i32
          %dma_start3A_143 = tpu.memref_slice %arg8[%dma_start3A_141, %dma_start3A_142] : memref<3x64xi32, #tpu.memory_space<vmem>> -> memref<1x64xi32, #tpu.memory_space<vmem>>
          %dma_start3A_144 = tpu.memref_squeeze %dma_start3A_143 : memref<1x64xi32, #tpu.memory_space<vmem>> -> memref<64xi32, #tpu.memory_space<vmem>>
          %dma_start3A_145 = tpu.memref_slice %arg5[%mul3A_131] : memref<160000xi32, #tpu.memory_space<hbm>> -> memref<64xi32, #tpu.memory_space<hbm>>
          %dma_start3A_146 = arith.constant 0 : i32
          %dma_start3A_147 = tpu.memref_slice %arg8[%dma_start3A_141, %dma_start3A_146] : memref<3x64xi32, #tpu.memory_space<vmem>> -> memref<1x64xi32, #tpu.memory_space<vmem>>
          %dma_start3A_148 = tpu.memref_squeeze %dma_start3A_147 : memref<1x64xi32, #tpu.memory_space<vmem>> -> memref<64xi32, #tpu.memory_space<vmem>>
          %dma_start3A_149 = tpu.memref_slice %arg5[%mul3A_131] : memref<160000xi32, #tpu.memory_space<hbm>> -> memref<64xi32, #tpu.memory_space<hbm>>
          tpu.enqueue_dma source(%dma_start3A_149 : memref<64xi32, #tpu.memory_space<hbm>>) target(%dma_start3A_148 : memref<64xi32, #tpu.memory_space<vmem>>) target_semaphore(%arg12 : memref<!tpu.dma_semaphore, #tpu.memory_space<semaphore_mem>>)
        } else {
        }
        %scan3A_109 = arith.constant 0 : i32
        %scan3A_110 = arith.constant 64 : i32
        %scan3A_111 = arith.addi %scan3A_109, %scan3A_110 : i32
        %scan3A_112 = arith.constant 1 : i32
        scf.for %scan3A_128 = %scan3A_109 to %scan3A_111 step %scan3A_112  : i32 {
          %get3A = arith.constant 0 : i32
          %get3A_129 = arith.index_cast %get3A : i32 to index
          %get3A_130 = arith.index_cast %scan3A_128 : i32 to index
          %get3A_131 = arith.constant 0 : index
          %get3A_132 = tpu.vector_load %arg9[%get3A_129, %get3A_130, %get3A_131] {strides = array<i32>} : memref<3x64x128xf32, #tpu.memory_space<vmem>>, vector<1x1x16xf32>,
          %get3A_133 = vector.shape_cast %get3A_132 : vector<1x1x16xf32> to vector<16xf32>
          %get3A_134 = arith.constant 0 : i32
          %get3A_135 = arith.index_cast %get3A_134 : i32 to index
          %get3A_136 = arith.index_cast %scan3A_128 : i32 to index
          %get3A_137 = arith.constant 0 : index
          %get3A_138 = tpu.vector_load %arg10[%get3A_135, %get3A_136, %get3A_137] {strides = array<i32>} : memref<3x64x128xf32, #tpu.memory_space<vmem>>, vector<1x1x16xf32>,
          %get3A_139 = vector.shape_cast %get3A_138 : vector<1x1x16xf32> to vector<16xf32>
          %add3A_140 = arith.addf %get3A_133, %get3A_139 : vector<16xf32>
          %swap3A = arith.constant 0 : i32
          %swap3A_141 = arith.index_cast %swap3A : i32 to index
          %swap3A_142 = arith.index_cast %scan3A_128 : i32 to index
          %swap3A_143 = arith.constant 0 : index
          %swap3A_144 = tpu.vector_load %arg9[%swap3A_141, %swap3A_142, %swap3A_143] {strides = array<i32>} : memref<3x64x128xf32, #tpu.memory_space<vmem>>, vector<1x1x16xf32>,
          %swap3A_145 = vector.shape_cast %swap3A_144 : vector<1x1x16xf32> to vector<16xf32>
          %swap3A_146 = vector.shape_cast %add3A_140 : vector<16xf32> to vector<1x1x16xf32>
          tpu.vector_store %arg9[%swap3A_141, %swap3A_142, %swap3A_143], %swap3A_146 {strides = array<i32>} : memref<3x64x128xf32, #tpu.memory_space<vmem>>, vector<1x1x16xf32>,
          %get3A_147 = arith.constant 0 : i32
          %get3A_148 = arith.index_cast %get3A_147 : i32 to index
          %get3A_149 = arith.index_cast %scan3A_128 : i32 to index
          %get3A_150 = arith.constant 16 : index
          %get3A_151 = tpu.vector_load %arg9[%get3A_148, %get3A_149, %get3A_150] {strides = array<i32>} : memref<3x64x128xf32, #tpu.memory_space<vmem>>, vector<1x1x16xf32>,
          %get3A_152 = vector.shape_cast %get3A_151 : vector<1x1x16xf32> to vector<16xf32>
          %get3A_153 = arith.constant 0 : i32
          %get3A_154 = arith.index_cast %get3A_153 : i32 to index
          %get3A_155 = arith.index_cast %scan3A_128 : i32 to index
          %get3A_156 = arith.constant 16 : index
          %get3A_157 = tpu.vector_load %arg10[%get3A_154, %get3A_155, %get3A_156] {strides = array<i32>} : memref<3x64x128xf32, #tpu.memory_space<vmem>>, vector<1x1x16xf32>,
          %get3A_158 = vector.shape_cast %get3A_157 : vector<1x1x16xf32> to vector<16xf32>
          %add3A_159 = arith.addf %get3A_152, %get3A_158 : vector<16xf32>
          %swap3A_160 = arith.constant 0 : i32
          %swap3A_161 = arith.index_cast %swap3A_160 : i32 to index
          %swap3A_162 = arith.index_cast %scan3A_128 : i32 to index
          %swap3A_163 = arith.constant 16 : index
          %swap3A_164 = tpu.vector_load %arg9[%swap3A_161, %swap3A_162, %swap3A_163] {strides = array<i32>} : memref<3x64x128xf32, #tpu.memory_space<vmem>>, vector<1x1x16xf32>,
          %swap3A_165 = vector.shape_cast %swap3A_164 : vector<1x1x16xf32> to vector<16xf32>
          %swap3A_166 = vector.shape_cast %add3A_159 : vector<16xf32> to vector<1x1x16xf32>
          tpu.vector_store %arg9[%swap3A_161, %swap3A_162, %swap3A_163], %swap3A_166 {strides = array<i32>} : memref<3x64x128xf32, #tpu.memory_space<vmem>>, vector<1x1x16xf32>,
          %get3A_167 = arith.constant 0 : i32
          %get3A_168 = arith.index_cast %get3A_167 : i32 to index
          %get3A_169 = arith.index_cast %scan3A_128 : i32 to index
          %get3A_170 = arith.constant 32 : index
          %get3A_171 = tpu.vector_load %arg9[%get3A_168, %get3A_169, %get3A_170] {strides = array<i32>} : memref<3x64x128xf32, #tpu.memory_space<vmem>>, vector<1x1x16xf32>,
          %get3A_172 = vector.shape_cast %get3A_171 : vector<1x1x16xf32> to vector<16xf32>
          %get3A_173 = arith.constant 0 : i32
          %get3A_174 = arith.index_cast %get3A_173 : i32 to index
          %get3A_175 = arith.index_cast %scan3A_128 : i32 to index
          %get3A_176 = arith.constant 32 : index
          %get3A_177 = tpu.vector_load %arg10[%get3A_174, %get3A_175, %get3A_176] {strides = array<i32>} : memref<3x64x128xf32, #tpu.memory_space<vmem>>, vector<1x1x16xf32>,
          %get3A_178 = vector.shape_cast %get3A_177 : vector<1x1x16xf32> to vector<16xf32>
          %add3A_179 = arith.addf %get3A_172, %get3A_178 : vector<16xf32>
          %swap3A_180 = arith.constant 0 : i32
          %swap3A_181 = arith.index_cast %swap3A_180 : i32 to index
          %swap3A_182 = arith.index_cast %scan3A_128 : i32 to index
          %swap3A_183 = arith.constant 32 : index
          %swap3A_184 = tpu.vector_load %arg9[%swap3A_181, %swap3A_182, %swap3A_183] {strides = array<i32>} : memref<3x64x128xf32, #tpu.memory_space<vmem>>, vector<1x1x16xf32>,
          %swap3A_185 = vector.shape_cast %swap3A_184 : vector<1x1x16xf32> to vector<16xf32>
          %swap3A_186 = vector.shape_cast %add3A_179 : vector<16xf32> to vector<1x1x16xf32>
          tpu.vector_store %arg9[%swap3A_181, %swap3A_182, %swap3A_183], %swap3A_186 {strides = array<i32>} : memref<3x64x128xf32, #tpu.memory_space<vmem>>, vector<1x1x16xf32>,
          %get3A_187 = arith.constant 0 : i32
          %get3A_188 = arith.index_cast %get3A_187 : i32 to index
          %get3A_189 = arith.index_cast %scan3A_128 : i32 to index
          %get3A_190 = arith.constant 48 : index
          %get3A_191 = tpu.vector_load %arg9[%get3A_188, %get3A_189, %get3A_190] {strides = array<i32>} : memref<3x64x128xf32, #tpu.memory_space<vmem>>, vector<1x1x16xf32>,
          %get3A_192 = vector.shape_cast %get3A_191 : vector<1x1x16xf32> to vector<16xf32>
          %get3A_193 = arith.constant 0 : i32
          %get3A_194 = arith.index_cast %get3A_193 : i32 to index
          %get3A_195 = arith.index_cast %scan3A_128 : i32 to index
          %get3A_196 = arith.constant 48 : index
          %get3A_197 = tpu.vector_load %arg10[%get3A_194, %get3A_195, %get3A_196] {strides = array<i32>} : memref<3x64x128xf32, #tpu.memory_space<vmem>>, vector<1x1x16xf32>,
          %get3A_198 = vector.shape_cast %get3A_197 : vector<1x1x16xf32> to vector<16xf32>
          %add3A_199 = arith.addf %get3A_192, %get3A_198 : vector<16xf32>
          %swap3A_200 = arith.constant 0 : i32
          %swap3A_201 = arith.index_cast %swap3A_200 : i32 to index
          %swap3A_202 = arith.index_cast %scan3A_128 : i32 to index
          %swap3A_203 = arith.constant 48 : index
          %swap3A_204 = tpu.vector_load %arg9[%swap3A_201, %swap3A_202, %swap3A_203] {strides = array<i32>} : memref<3x64x128xf32, #tpu.memory_space<vmem>>, vector<1x1x16xf32>,
          %swap3A_205 = vector.shape_cast %swap3A_204 : vector<1x1x16xf32> to vector<16xf32>
          %swap3A_206 = vector.shape_cast %add3A_199 : vector<16xf32> to vector<1x1x16xf32>
          tpu.vector_store %arg9[%swap3A_201, %swap3A_202, %swap3A_203], %swap3A_206 {strides = array<i32>} : memref<3x64x128xf32, #tpu.memory_space<vmem>>, vector<1x1x16xf32>,
          %get3A_207 = arith.constant 0 : i32
          %get3A_208 = arith.index_cast %get3A_207 : i32 to index
          %get3A_209 = arith.index_cast %scan3A_128 : i32 to index
          %get3A_210 = arith.constant 64 : index
          %get3A_211 = tpu.vector_load %arg9[%get3A_208, %get3A_209, %get3A_210] {strides = array<i32>} : memref<3x64x128xf32, #tpu.memory_space<vmem>>, vector<1x1x16xf32>,
          %get3A_212 = vector.shape_cast %get3A_211 : vector<1x1x16xf32> to vector<16xf32>
          %get3A_213 = arith.constant 0 : i32
          %get3A_214 = arith.index_cast %get3A_213 : i32 to index
          %get3A_215 = arith.index_cast %scan3A_128 : i32 to index
          %get3A_216 = arith.constant 64 : index
          %get3A_217 = tpu.vector_load %arg10[%get3A_214, %get3A_215, %get3A_216] {strides = array<i32>} : memref<3x64x128xf32, #tpu.memory_space<vmem>>, vector<1x1x16xf32>,
          %get3A_218 = vector.shape_cast %get3A_217 : vector<1x1x16xf32> to vector<16xf32>
          %add3A_219 = arith.addf %get3A_212, %get3A_218 : vector<16xf32>
          %swap3A_220 = arith.constant 0 : i32
          %swap3A_221 = arith.index_cast %swap3A_220 : i32 to index
          %swap3A_222 = arith.index_cast %scan3A_128 : i32 to index
          %swap3A_223 = arith.constant 64 : index
          %swap3A_224 = tpu.vector_load %arg9[%swap3A_221, %swap3A_222, %swap3A_223] {strides = array<i32>} : memref<3x64x128xf32, #tpu.memory_space<vmem>>, vector<1x1x16xf32>,
          %swap3A_225 = vector.shape_cast %swap3A_224 : vector<1x1x16xf32> to vector<16xf32>
          %swap3A_226 = vector.shape_cast %add3A_219 : vector<16xf32> to vector<1x1x16xf32>
          tpu.vector_store %arg9[%swap3A_221, %swap3A_222, %swap3A_223], %swap3A_226 {strides = array<i32>} : memref<3x64x128xf32, #tpu.memory_space<vmem>>, vector<1x1x16xf32>,
          %get3A_227 = arith.constant 0 : i32
          %get3A_228 = arith.index_cast %get3A_227 : i32 to index
          %get3A_229 = arith.index_cast %scan3A_128 : i32 to index
          %get3A_230 = arith.constant 80 : index
          %get3A_231 = tpu.vector_load %arg9[%get3A_228, %get3A_229, %get3A_230] {strides = array<i32>} : memref<3x64x128xf32, #tpu.memory_space<vmem>>, vector<1x1x16xf32>,
          %get3A_232 = vector.shape_cast %get3A_231 : vector<1x1x16xf32> to vector<16xf32>
          %get3A_233 = arith.constant 0 : i32
          %get3A_234 = arith.index_cast %get3A_233 : i32 to index
          %get3A_235 = arith.index_cast %scan3A_128 : i32 to index
          %get3A_236 = arith.constant 80 : index
          %get3A_237 = tpu.vector_load %arg10[%get3A_234, %get3A_235, %get3A_236] {strides = array<i32>} : memref<3x64x128xf32, #tpu.memory_space<vmem>>, vector<1x1x16xf32>,
          %get3A_238 = vector.shape_cast %get3A_237 : vector<1x1x16xf32> to vector<16xf32>
          %add3A_239 = arith.addf %get3A_232, %get3A_238 : vector<16xf32>
          %swap3A_240 = arith.constant 0 : i32
          %swap3A_241 = arith.index_cast %swap3A_240 : i32 to index
          %swap3A_242 = arith.index_cast %scan3A_128 : i32 to index
          %swap3A_243 = arith.constant 80 : index
          %swap3A_244 = tpu.vector_load %arg9[%swap3A_241, %swap3A_242, %swap3A_243] {strides = array<i32>} : memref<3x64x128xf32, #tpu.memory_space<vmem>>, vector<1x1x16xf32>,
          %swap3A_245 = vector.shape_cast %swap3A_244 : vector<1x1x16xf32> to vector<16xf32>
          %swap3A_246 = vector.shape_cast %add3A_239 : vector<16xf32> to vector<1x1x16xf32>
          tpu.vector_store %arg9[%swap3A_241, %swap3A_242, %swap3A_243], %swap3A_246 {strides = array<i32>} : memref<3x64x128xf32, #tpu.memory_space<vmem>>, vector<1x1x16xf32>,
          %get3A_247 = arith.constant 0 : i32
          %get3A_248 = arith.index_cast %get3A_247 : i32 to index
          %get3A_249 = arith.index_cast %scan3A_128 : i32 to index
          %get3A_250 = arith.constant 96 : index
          %get3A_251 = tpu.vector_load %arg9[%get3A_248, %get3A_249, %get3A_250] {strides = array<i32>} : memref<3x64x128xf32, #tpu.memory_space<vmem>>, vector<1x1x16xf32>,
          %get3A_252 = vector.shape_cast %get3A_251 : vector<1x1x16xf32> to vector<16xf32>
          %get3A_253 = arith.constant 0 : i32
          %get3A_254 = arith.index_cast %get3A_253 : i32 to index
          %get3A_255 = arith.index_cast %scan3A_128 : i32 to index
          %get3A_256 = arith.constant 96 : index
          %get3A_257 = tpu.vector_load %arg10[%get3A_254, %get3A_255, %get3A_256] {strides = array<i32>} : memref<3x64x128xf32, #tpu.memory_space<vmem>>, vector<1x1x16xf32>,
          %get3A_258 = vector.shape_cast %get3A_257 : vector<1x1x16xf32> to vector<16xf32>
          %add3A_259 = arith.addf %get3A_252, %get3A_258 : vector<16xf32>
          %swap3A_260 = arith.constant 0 : i32
          %swap3A_261 = arith.index_cast %swap3A_260 : i32 to index
          %swap3A_262 = arith.index_cast %scan3A_128 : i32 to index
          %swap3A_263 = arith.constant 96 : index
          %swap3A_264 = tpu.vector_load %arg9[%swap3A_261, %swap3A_262, %swap3A_263] {strides = array<i32>} : memref<3x64x128xf32, #tpu.memory_space<vmem>>, vector<1x1x16xf32>,
          %swap3A_265 = vector.shape_cast %swap3A_264 : vector<1x1x16xf32> to vector<16xf32>
          %swap3A_266 = vector.shape_cast %add3A_259 : vector<16xf32> to vector<1x1x16xf32>
          tpu.vector_store %arg9[%swap3A_261, %swap3A_262, %swap3A_263], %swap3A_266 {strides = array<i32>} : memref<3x64x128xf32, #tpu.memory_space<vmem>>, vector<1x1x16xf32>,
          %get3A_267 = arith.constant 0 : i32
          %get3A_268 = arith.index_cast %get3A_267 : i32 to index
          %get3A_269 = arith.index_cast %scan3A_128 : i32 to index
          %get3A_270 = arith.constant 112 : index
          %get3A_271 = tpu.vector_load %arg9[%get3A_268, %get3A_269, %get3A_270] {strides = array<i32>} : memref<3x64x128xf32, #tpu.memory_space<vmem>>, vector<1x1x16xf32>,
          %get3A_272 = vector.shape_cast %get3A_271 : vector<1x1x16xf32> to vector<16xf32>
          %get3A_273 = arith.constant 0 : i32
          %get3A_274 = arith.index_cast %get3A_273 : i32 to index
          %get3A_275 = arith.index_cast %scan3A_128 : i32 to index
          %get3A_276 = arith.constant 112 : index
          %get3A_277 = tpu.vector_load %arg10[%get3A_274, %get3A_275, %get3A_276] {strides = array<i32>} : memref<3x64x128xf32, #tpu.memory_space<vmem>>, vector<1x1x16xf32>,
          %get3A_278 = vector.shape_cast %get3A_277 : vector<1x1x16xf32> to vector<16xf32>
          %add3A_279 = arith.addf %get3A_272, %get3A_278 : vector<16xf32>
          %swap3A_280 = arith.constant 0 : i32
          %swap3A_281 = arith.index_cast %swap3A_280 : i32 to index
          %swap3A_282 = arith.index_cast %scan3A_128 : i32 to index
          %swap3A_283 = arith.constant 112 : index
          %swap3A_284 = tpu.vector_load %arg9[%swap3A_281, %swap3A_282, %swap3A_283] {strides = array<i32>} : memref<3x64x128xf32, #tpu.memory_space<vmem>>, vector<1x1x16xf32>,
          %swap3A_285 = vector.shape_cast %swap3A_284 : vector<1x1x16xf32> to vector<16xf32>
          %swap3A_286 = vector.shape_cast %add3A_279 : vector<16xf32> to vector<1x1x16xf32>
          tpu.vector_store %arg9[%swap3A_281, %swap3A_282, %swap3A_283], %swap3A_286 {strides = array<i32>} : memref<3x64x128xf32, #tpu.memory_space<vmem>>, vector<1x1x16xf32>,
        }
        %scan3A_113 = arith.constant 64 : i32
        %mul3A_114 = arith.constant 64 : i32
        %mul3A_115 = arith.muli %add3A_47, %mul3A_114 : i32
        %dma_start3A = arith.constant 0 : i32
        %dma_start3A_116 = arith.constant 0 : i32
        %dma_start3A_117 = arith.constant 0 : i32
        %dma_start3A_118 = tpu.memref_slice %arg9[%dma_start3A, %dma_start3A_116, %dma_start3A_117] : memref<3x64x128xf32, #tpu.memory_space<vmem>> -> memref<1x64x128xf32, #tpu.memory_space<vmem>>
        %dma_start3A_119 = tpu.memref_squeeze %dma_start3A_118 : memref<1x64x128xf32, #tpu.memory_space<vmem>> -> memref<64x128xf32, #tpu.memory_space<vmem>>
        %dma_start3A_120 = arith.constant 0 : i32
        %dma_start3A_121 = tpu.memref_slice %arg6[%mul3A_115, %dma_start3A_120] : memref<160000x128xf32, #tpu.memory_space<hbm>> -> memref<64x128xf32, #tpu.memory_space<hbm>>
        %dma_start3A_122 = arith.constant 0 : i32
        %dma_start3A_123 = tpu.memref_slice %arg6[%mul3A_115, %dma_start3A_122] : memref<160000x128xf32, #tpu.memory_space<hbm>> -> memref<64x128xf32, #tpu.memory_space<hbm>>
        %dma_start3A_124 = arith.constant 0 : i32
        %dma_start3A_125 = arith.constant 0 : i32
        %dma_start3A_126 = tpu.memref_slice %arg9[%dma_start3A, %dma_start3A_124, %dma_start3A_125] : memref<3x64x128xf32, #tpu.memory_space<vmem>> -> memref<1x64x128xf32, #tpu.memory_space<vmem>>
        %dma_start3A_127 = tpu.memref_squeeze %dma_start3A_126 : memref<1x64x128xf32, #tpu.memory_space<vmem>> -> memref<64x128xf32, #tpu.memory_space<vmem>>
        tpu.enqueue_dma source(%dma_start3A_127 : memref<64x128xf32, #tpu.memory_space<vmem>>) target(%dma_start3A_123 : memref<64x128xf32, #tpu.memory_space<hbm>>) target_semaphore(%arg14 : memref<!tpu.dma_semaphore, #tpu.memory_space<semaphore_mem>>)
      } else {
      }
      %mul3A_55 = arith.constant 3 : i32
      %mul3A_56 = arith.muli %mul3A_55, %scan3A_40 : i32
      %add3A_57 = arith.constant 1 : i32
      %add3A_58 = arith.addi %mul3A_56, %add3A_57 : i32
      %mul3A_59 = arith.constant 32 : i32
      %mul3A_60 = arith.muli %add3A_58, %mul3A_59 : i32
      %add3A_61 = arith.addi %add3A, %mul3A_60 : i32
      %add3A_62 = arith.constant 32 : i32
      %add3A_63 = arith.addi %add3A_61, %add3A_62 : i32
      %lt3A_64 = arith.constant 2500 : i32
      %lt3A_65 = arith.cmpi slt, %add3A_61, %lt3A_64 : i32
      %convert_element_type3A_66 = arith.extui %lt3A_65 : i1 to i32
      %cond3A_67 = arith.constant 0 : i32
      %cond3A_68 = arith.cmpi ne, %convert_element_type3A_66, %cond3A_67 : i32
      scf.if %cond3A_68 {
        %dma_wait3A = arith.constant 1 : i32
        %dma_wait3A_83 = arith.constant 0 : i32
        %dma_wait3A_84 = arith.constant 0 : i32
        %dma_wait3A_85 = tpu.memref_slice %arg10[%dma_wait3A, %dma_wait3A_83, %dma_wait3A_84] : memref<3x64x128xf32, #tpu.memory_space<vmem>> -> memref<1x64x128xf32, #tpu.memory_space<vmem>>
        %dma_wait3A_86 = tpu.memref_squeeze %dma_wait3A_85 : memref<1x64x128xf32, #tpu.memory_space<vmem>> -> memref<64x128xf32, #tpu.memory_space<vmem>>
        %dma_wait3A_87 = arith.constant 0 : i32
        %dma_wait3A_88 = arith.constant 0 : i32
        %dma_wait3A_89 = tpu.memref_slice %arg3[%dma_wait3A_87, %dma_wait3A_88] : memref<10000x128xf32, #tpu.memory_space<hbm>> -> memref<64x128xf32, #tpu.memory_space<hbm>>
        %dma_wait3A_90 = arith.constant 0 : i32
        %dma_wait3A_91 = arith.constant 0 : i32
        %dma_wait3A_92 = tpu.memref_slice %arg10[%dma_wait3A, %dma_wait3A_90, %dma_wait3A_91] : memref<3x64x128xf32, #tpu.memory_space<vmem>> -> memref<1x64x128xf32, #tpu.memory_space<vmem>>
        %dma_wait3A_93 = tpu.memref_squeeze %dma_wait3A_92 : memref<1x64x128xf32, #tpu.memory_space<vmem>> -> memref<64x128xf32, #tpu.memory_space<vmem>>
        %dma_wait3A_94 = arith.constant 0 : i32
        %dma_wait3A_95 = arith.constant 0 : i32
        %dma_wait3A_96 = tpu.memref_slice %arg3[%dma_wait3A_94, %dma_wait3A_95] : memref<10000x128xf32, #tpu.memory_space<hbm>> -> memref<64x128xf32, #tpu.memory_space<hbm>>
        tpu.wait_dma2 semaphore(%arg13 : memref<!tpu.dma_semaphore, #tpu.memory_space<semaphore_mem>>) src(%dma_wait3A_96 : memref<64x128xf32, #tpu.memory_space<hbm>>) dst(%dma_wait3A_93 : memref<64x128xf32, #tpu.memory_space<vmem>>)
        %lt3A_97 = arith.constant 2500 : i32
        %lt3A_98 = arith.cmpi slt, %add3A_63, %lt3A_97 : i32
        %convert_element_type3A_99 = arith.extui %lt3A_98 : i1 to i32
        %cond3A_100 = arith.constant 0 : i32
        %cond3A_101 = arith.cmpi ne, %convert_element_type3A_99, %cond3A_100 : i32
        scf.if %cond3A_101 {
          %dma_wait3A_128 = arith.constant 2 : i32
          %dma_wait3A_129 = arith.constant 0 : i32
          %dma_wait3A_130 = tpu.memref_slice %arg7[%dma_wait3A_128, %dma_wait3A_129] : memref<3x64xi32, #tpu.memory_space<vmem>> -> memref<1x64xi32, #tpu.memory_space<vmem>>
          %dma_wait3A_131 = tpu.memref_squeeze %dma_wait3A_130 : memref<1x64xi32, #tpu.memory_space<vmem>> -> memref<64xi32, #tpu.memory_space<vmem>>
          %dma_wait3A_132 = arith.constant 0 : i32
          %dma_wait3A_133 = tpu.memref_slice %arg4[%dma_wait3A_132] : memref<160000xi32, #tpu.memory_space<hbm>> -> memref<64xi32, #tpu.memory_space<hbm>>
          %dma_wait3A_134 = arith.constant 0 : i32
          %dma_wait3A_135 = tpu.memref_slice %arg7[%dma_wait3A_128, %dma_wait3A_134] : memref<3x64xi32, #tpu.memory_space<vmem>> -> memref<1x64xi32, #tpu.memory_space<vmem>>
          %dma_wait3A_136 = tpu.memref_squeeze %dma_wait3A_135 : memref<1x64xi32, #tpu.memory_space<vmem>> -> memref<64xi32, #tpu.memory_space<vmem>>
          %dma_wait3A_137 = arith.constant 0 : i32
          %dma_wait3A_138 = tpu.memref_slice %arg4[%dma_wait3A_137] : memref<160000xi32, #tpu.memory_space<hbm>> -> memref<64xi32, #tpu.memory_space<hbm>>
          tpu.wait_dma2 semaphore(%arg12 : memref<!tpu.dma_semaphore, #tpu.memory_space<semaphore_mem>>) src(%dma_wait3A_138 : memref<64xi32, #tpu.memory_space<hbm>>) dst(%dma_wait3A_136 : memref<64xi32, #tpu.memory_space<vmem>>)
          %dma_wait3A_139 = arith.constant 2 : i32
          %dma_wait3A_140 = arith.constant 0 : i32
          %dma_wait3A_141 = tpu.memref_slice %arg8[%dma_wait3A_139, %dma_wait3A_140] : memref<3x64xi32, #tpu.memory_space<vmem>> -> memref<1x64xi32, #tpu.memory_space<vmem>>
          %dma_wait3A_142 = tpu.memref_squeeze %dma_wait3A_141 : memref<1x64xi32, #tpu.memory_space<vmem>> -> memref<64xi32, #tpu.memory_space<vmem>>
          %dma_wait3A_143 = arith.constant 0 : i32
          %dma_wait3A_144 = tpu.memref_slice %arg5[%dma_wait3A_143] : memref<160000xi32, #tpu.memory_space<hbm>> -> memref<64xi32, #tpu.memory_space<hbm>>
          %dma_wait3A_145 = arith.constant 0 : i32
          %dma_wait3A_146 = tpu.memref_slice %arg8[%dma_wait3A_139, %dma_wait3A_145] : memref<3x64xi32, #tpu.memory_space<vmem>> -> memref<1x64xi32, #tpu.memory_space<vmem>>
          %dma_wait3A_147 = tpu.memref_squeeze %dma_wait3A_146 : memref<1x64xi32, #tpu.memory_space<vmem>> -> memref<64xi32, #tpu.memory_space<vmem>>
          %dma_wait3A_148 = arith.constant 0 : i32
          %dma_wait3A_149 = tpu.memref_slice %arg5[%dma_wait3A_148] : memref<160000xi32, #tpu.memory_space<hbm>> -> memref<64xi32, #tpu.memory_space<hbm>>
          tpu.wait_dma2 semaphore(%arg12 : memref<!tpu.dma_semaphore, #tpu.memory_space<semaphore_mem>>) src(%dma_wait3A_149 : memref<64xi32, #tpu.memory_space<hbm>>) dst(%dma_wait3A_147 : memref<64xi32, #tpu.memory_space<vmem>>)
          %add3A_150 = arith.constant 64 : i32
          %add3A_151 = arith.addi %add3A, %add3A_150 : i32
          %ge3A = arith.cmpi sge, %add3A_61, %add3A_151 : i32
          %convert_element_type3A_152 = arith.extui %ge3A : i1 to i32
          %cond3A_153 = arith.constant 0 : i32
          %cond3A_154 = arith.cmpi ne, %convert_element_type3A_152, %cond3A_153 : i32
          scf.if %cond3A_154 {
            %dma_wait3A_191 = arith.constant 2 : i32
            %dma_wait3A_192 = arith.constant 0 : i32
            %dma_wait3A_193 = arith.constant 0 : i32
            %dma_wait3A_194 = tpu.memref_slice %arg9[%dma_wait3A_191, %dma_wait3A_192, %dma_wait3A_193] : memref<3x64x128xf32, #tpu.memory_space<vmem>> -> memref<1x64x128xf32, #tpu.memory_space<vmem>>
            %dma_wait3A_195 = tpu.memref_squeeze %dma_wait3A_194 : memref<1x64x128xf32, #tpu.memory_space<vmem>> -> memref<64x128xf32, #tpu.memory_space<vmem>>
            %dma_wait3A_196 = arith.constant 0 : i32
            %dma_wait3A_197 = arith.constant 0 : i32
            %dma_wait3A_198 = tpu.memref_slice %arg6[%dma_wait3A_196, %dma_wait3A_197] : memref<160000x128xf32, #tpu.memory_space<hbm>> -> memref<64x128xf32, #tpu.memory_space<hbm>>
            %dma_wait3A_199 = arith.constant 0 : i32
            %dma_wait3A_200 = arith.constant 0 : i32
            %dma_wait3A_201 = tpu.memref_slice %arg6[%dma_wait3A_199, %dma_wait3A_200] : memref<160000x128xf32, #tpu.memory_space<hbm>> -> memref<64x128xf32, #tpu.memory_space<hbm>>
            %dma_wait3A_202 = arith.constant 0 : i32
            %dma_wait3A_203 = arith.constant 0 : i32
            %dma_wait3A_204 = tpu.memref_slice %arg9[%dma_wait3A_191, %dma_wait3A_202, %dma_wait3A_203] : memref<3x64x128xf32, #tpu.memory_space<vmem>> -> memref<1x64x128xf32, #tpu.memory_space<vmem>>
            %dma_wait3A_205 = tpu.memref_squeeze %dma_wait3A_204 : memref<1x64x128xf32, #tpu.memory_space<vmem>> -> memref<64x128xf32, #tpu.memory_space<vmem>>
            tpu.wait_dma2 semaphore(%arg14 : memref<!tpu.dma_semaphore, #tpu.memory_space<semaphore_mem>>) src(%dma_wait3A_205 : memref<64x128xf32, #tpu.memory_space<vmem>>) dst(%dma_wait3A_201 : memref<64x128xf32, #tpu.memory_space<hbm>>)
          } else {
          }
          %dma_start3A_155 = arith.constant 2 : i32
          %dma_start3A_156 = arith.constant 2 : i32
          %dma_start3A_157 = arith.constant 0 : i32
          %dma_start3A_158 = arith.constant 0 : i32
          %dma_start3A_159 = tpu.memref_slice %arg9[%dma_start3A_156, %dma_start3A_157, %dma_start3A_158] : memref<3x64x128xf32, #tpu.memory_space<vmem>> -> memref<1x64x128xf32, #tpu.memory_space<vmem>>
          %dma_start3A_160 = tpu.memref_squeeze %dma_start3A_159 : memref<1x64x128xf32, #tpu.memory_space<vmem>> -> memref<64x128xf32, #tpu.memory_space<vmem>>
          %dma_start3A_161 = arith.constant 0 : i32
          %dma_start3A_162 = tpu.memref_slice %arg7[%dma_start3A_155, %dma_start3A_161] : memref<3x64xi32, #tpu.memory_space<vmem>> -> memref<1x64xi32, #tpu.memory_space<vmem>>
          %dma_start3A_163 = tpu.memref_squeeze %dma_start3A_162 : memref<1x64xi32, #tpu.memory_space<vmem>> -> memref<64xi32, #tpu.memory_space<vmem>>
          %dma_start3A_164 = arith.constant 0 : i32
          %dma_start3A_165 = arith.constant 0 : i32
          %dma_start3A_166 = tpu.memref_slice %arg11[%dma_start3A_164, %dma_start3A_165] : memref<10000x128xf32, #tpu.memory_space<vmem_shared>> -> memref<10000x128xf32, #tpu.memory_space<vmem_shared>>
          tpu.enqueue_indirect_dma source(%dma_start3A_166 : memref<10000x128xf32, #tpu.memory_space<vmem_shared>>) target(%dma_start3A_160 : memref<64x128xf32, #tpu.memory_space<vmem>>) offsets(%dma_start3A_163 : memref<64xi32, #tpu.memory_space<vmem>>) semaphore(%arg13 : memref<!tpu.dma_semaphore, #tpu.memory_space<semaphore_mem>>)
          %dma_wait3A_167 = arith.constant 2 : i32
          %dma_wait3A_168 = arith.constant 2 : i32
          %dma_wait3A_169 = arith.constant 0 : i32
          %dma_wait3A_170 = arith.constant 0 : i32
          %dma_wait3A_171 = tpu.memref_slice %arg9[%dma_wait3A_168, %dma_wait3A_169, %dma_wait3A_170] : memref<3x64x128xf32, #tpu.memory_space<vmem>> -> memref<1x64x128xf32, #tpu.memory_space<vmem>>
          %dma_wait3A_172 = tpu.memref_squeeze %dma_wait3A_171 : memref<1x64x128xf32, #tpu.memory_space<vmem>> -> memref<64x128xf32, #tpu.memory_space<vmem>>
          %dma_wait3A_173 = arith.constant 0 : i32
          %dma_wait3A_174 = tpu.memref_slice %arg7[%dma_wait3A_167, %dma_wait3A_173] : memref<3x64xi32, #tpu.memory_space<vmem>> -> memref<1x64xi32, #tpu.memory_space<vmem>>
          %dma_wait3A_175 = tpu.memref_squeeze %dma_wait3A_174 : memref<1x64xi32, #tpu.memory_space<vmem>> -> memref<64xi32, #tpu.memory_space<vmem>>
          %dma_wait3A_176 = arith.constant 0 : i32
          %dma_wait3A_177 = arith.constant 0 : i32
          %dma_wait3A_178 = tpu.memref_slice %arg11[%dma_wait3A_176, %dma_wait3A_177] : memref<10000x128xf32, #tpu.memory_space<vmem_shared>> -> memref<10000x128xf32, #tpu.memory_space<vmem_shared>>
          tpu.wait_indirect_dma semaphore(%arg13 : memref<!tpu.dma_semaphore, #tpu.memory_space<semaphore_mem>>) src(%dma_wait3A_178 : memref<10000x128xf32, #tpu.memory_space<vmem_shared>>) dst(%dma_wait3A_172 : memref<64x128xf32, #tpu.memory_space<vmem>>)
          %dma_start3A_179 = arith.constant 2 : i32
          %dma_start3A_180 = arith.constant 2 : i32
          %dma_start3A_181 = arith.constant 0 : i32
          %dma_start3A_182 = arith.constant 0 : i32
          %dma_start3A_183 = tpu.memref_slice %arg10[%dma_start3A_180, %dma_start3A_181, %dma_start3A_182] : memref<3x64x128xf32, #tpu.memory_space<vmem>> -> memref<1x64x128xf32, #tpu.memory_space<vmem>>
          %dma_start3A_184 = tpu.memref_squeeze %dma_start3A_183 : memref<1x64x128xf32, #tpu.memory_space<vmem>> -> memref<64x128xf32, #tpu.memory_space<vmem>>
          %dma_start3A_185 = arith.constant 0 : i32
          %dma_start3A_186 = tpu.memref_slice %arg8[%dma_start3A_179, %dma_start3A_185] : memref<3x64xi32, #tpu.memory_space<vmem>> -> memref<1x64xi32, #tpu.memory_space<vmem>>
          %dma_start3A_187 = tpu.memref_squeeze %dma_start3A_186 : memref<1x64xi32, #tpu.memory_space<vmem>> -> memref<64xi32, #tpu.memory_space<vmem>>
          %dma_start3A_188 = arith.constant 0 : i32
          %dma_start3A_189 = arith.constant 0 : i32
          %dma_start3A_190 = tpu.memref_slice %arg3[%dma_start3A_188, %dma_start3A_189] : memref<10000x128xf32, #tpu.memory_space<hbm>> -> memref<10000x128xf32, #tpu.memory_space<hbm>>
          tpu.enqueue_indirect_dma source(%dma_start3A_190 : memref<10000x128xf32, #tpu.memory_space<hbm>>) target(%dma_start3A_184 : memref<64x128xf32, #tpu.memory_space<vmem>>) offsets(%dma_start3A_187 : memref<64xi32, #tpu.memory_space<vmem>>) semaphore(%arg13 : memref<!tpu.dma_semaphore, #tpu.memory_space<semaphore_mem>>)
        } else {
        }
        %add3A_102 = arith.constant 32 : i32
        %add3A_103 = arith.addi %add3A_63, %add3A_102 : i32
        %lt3A_104 = arith.constant 2500 : i32
        %lt3A_105 = arith.cmpi slt, %add3A_103, %lt3A_104 : i32
        %convert_element_type3A_106 = arith.extui %lt3A_105 : i1 to i32
        %cond3A_107 = arith.constant 0 : i32
        %cond3A_108 = arith.cmpi ne, %convert_element_type3A_106, %cond3A_107 : i32
        scf.if %cond3A_108 {
          %add3A_128 = arith.constant 32 : i32
          %add3A_129 = arith.addi %add3A_63, %add3A_128 : i32
          %mul3A_130 = arith.constant 64 : i32
          %mul3A_131 = arith.muli %add3A_129, %mul3A_130 : i32
          %dma_start3A_132 = arith.constant 0 : i32
          %dma_start3A_133 = arith.constant 0 : i32
          %dma_start3A_134 = tpu.memref_slice %arg7[%dma_start3A_132, %dma_start3A_133] : memref<3x64xi32, #tpu.memory_space<vmem>> -> memref<1x64xi32, #tpu.memory_space<vmem>>
          %dma_start3A_135 = tpu.memref_squeeze %dma_start3A_134 : memref<1x64xi32, #tpu.memory_space<vmem>> -> memref<64xi32, #tpu.memory_space<vmem>>
          %dma_start3A_136 = tpu.memref_slice %arg4[%mul3A_131] : memref<160000xi32, #tpu.memory_space<hbm>> -> memref<64xi32, #tpu.memory_space<hbm>>
          %dma_start3A_137 = arith.constant 0 : i32
          %dma_start3A_138 = tpu.memref_slice %arg7[%dma_start3A_132, %dma_start3A_137] : memref<3x64xi32, #tpu.memory_space<vmem>> -> memref<1x64xi32, #tpu.memory_space<vmem>>
          %dma_start3A_139 = tpu.memref_squeeze %dma_start3A_138 : memref<1x64xi32, #tpu.memory_space<vmem>> -> memref<64xi32, #tpu.memory_space<vmem>>
          %dma_start3A_140 = tpu.memref_slice %arg4[%mul3A_131] : memref<160000xi32, #tpu.memory_space<hbm>> -> memref<64xi32, #tpu.memory_space<hbm>>
          tpu.enqueue_dma source(%dma_start3A_140 : memref<64xi32, #tpu.memory_space<hbm>>) target(%dma_start3A_139 : memref<64xi32, #tpu.memory_space<vmem>>) target_semaphore(%arg12 : memref<!tpu.dma_semaphore, #tpu.memory_space<semaphore_mem>>)
          %dma_start3A_141 = arith.constant 0 : i32
          %dma_start3A_142 = arith.constant 0 : i32
          %dma_start3A_143 = tpu.memref_slice %arg8[%dma_start3A_141, %dma_start3A_142] : memref<3x64xi32, #tpu.memory_space<vmem>> -> memref<1x64xi32, #tpu.memory_space<vmem>>
          %dma_start3A_144 = tpu.memref_squeeze %dma_start3A_143 : memref<1x64xi32, #tpu.memory_space<vmem>> -> memref<64xi32, #tpu.memory_space<vmem>>
          %dma_start3A_145 = tpu.memref_slice %arg5[%mul3A_131] : memref<160000xi32, #tpu.memory_space<hbm>> -> memref<64xi32, #tpu.memory_space<hbm>>
          %dma_start3A_146 = arith.constant 0 : i32
          %dma_start3A_147 = tpu.memref_slice %arg8[%dma_start3A_141, %dma_start3A_146] : memref<3x64xi32, #tpu.memory_space<vmem>> -> memref<1x64xi32, #tpu.memory_space<vmem>>
          %dma_start3A_148 = tpu.memref_squeeze %dma_start3A_147 : memref<1x64xi32, #tpu.memory_space<vmem>> -> memref<64xi32, #tpu.memory_space<vmem>>
          %dma_start3A_149 = tpu.memref_slice %arg5[%mul3A_131] : memref<160000xi32, #tpu.memory_space<hbm>> -> memref<64xi32, #tpu.memory_space<hbm>>
          tpu.enqueue_dma source(%dma_start3A_149 : memref<64xi32, #tpu.memory_space<hbm>>) target(%dma_start3A_148 : memref<64xi32, #tpu.memory_space<vmem>>) target_semaphore(%arg12 : memref<!tpu.dma_semaphore, #tpu.memory_space<semaphore_mem>>)
        } else {
        }
        %scan3A_109 = arith.constant 0 : i32
        %scan3A_110 = arith.constant 64 : i32
        %scan3A_111 = arith.addi %scan3A_109, %scan3A_110 : i32
        %scan3A_112 = arith.constant 1 : i32
        scf.for %scan3A_128 = %scan3A_109 to %scan3A_111 step %scan3A_112  : i32 {
          %get3A = arith.constant 1 : i32
          %get3A_129 = arith.index_cast %get3A : i32 to index
          %get3A_130 = arith.index_cast %scan3A_128 : i32 to index
          %get3A_131 = arith.constant 0 : index
          %get3A_132 = tpu.vector_load %arg9[%get3A_129, %get3A_130, %get3A_131] {strides = array<i32>} : memref<3x64x128xf32, #tpu.memory_space<vmem>>, vector<1x1x16xf32>,
          %get3A_133 = vector.shape_cast %get3A_132 : vector<1x1x16xf32> to vector<16xf32>
          %get3A_134 = arith.constant 1 : i32
          %get3A_135 = arith.index_cast %get3A_134 : i32 to index
          %get3A_136 = arith.index_cast %scan3A_128 : i32 to index
          %get3A_137 = arith.constant 0 : index
          %get3A_138 = tpu.vector_load %arg10[%get3A_135, %get3A_136, %get3A_137] {strides = array<i32>} : memref<3x64x128xf32, #tpu.memory_space<vmem>>, vector<1x1x16xf32>,
          %get3A_139 = vector.shape_cast %get3A_138 : vector<1x1x16xf32> to vector<16xf32>
          %add3A_140 = arith.addf %get3A_133, %get3A_139 : vector<16xf32>
          %swap3A = arith.constant 1 : i32
          %swap3A_141 = arith.index_cast %swap3A : i32 to index
          %swap3A_142 = arith.index_cast %scan3A_128 : i32 to index
          %swap3A_143 = arith.constant 0 : index
          %swap3A_144 = tpu.vector_load %arg9[%swap3A_141, %swap3A_142, %swap3A_143] {strides = array<i32>} : memref<3x64x128xf32, #tpu.memory_space<vmem>>, vector<1x1x16xf32>,
          %swap3A_145 = vector.shape_cast %swap3A_144 : vector<1x1x16xf32> to vector<16xf32>
          %swap3A_146 = vector.shape_cast %add3A_140 : vector<16xf32> to vector<1x1x16xf32>
          tpu.vector_store %arg9[%swap3A_141, %swap3A_142, %swap3A_143], %swap3A_146 {strides = array<i32>} : memref<3x64x128xf32, #tpu.memory_space<vmem>>, vector<1x1x16xf32>,
          %get3A_147 = arith.constant 1 : i32
          %get3A_148 = arith.index_cast %get3A_147 : i32 to index
          %get3A_149 = arith.index_cast %scan3A_128 : i32 to index
          %get3A_150 = arith.constant 16 : index
          %get3A_151 = tpu.vector_load %arg9[%get3A_148, %get3A_149, %get3A_150] {strides = array<i32>} : memref<3x64x128xf32, #tpu.memory_space<vmem>>, vector<1x1x16xf32>,
          %get3A_152 = vector.shape_cast %get3A_151 : vector<1x1x16xf32> to vector<16xf32>
          %get3A_153 = arith.constant 1 : i32
          %get3A_154 = arith.index_cast %get3A_153 : i32 to index
          %get3A_155 = arith.index_cast %scan3A_128 : i32 to index
          %get3A_156 = arith.constant 16 : index
          %get3A_157 = tpu.vector_load %arg10[%get3A_154, %get3A_155, %get3A_156] {strides = array<i32>} : memref<3x64x128xf32, #tpu.memory_space<vmem>>, vector<1x1x16xf32>,
          %get3A_158 = vector.shape_cast %get3A_157 : vector<1x1x16xf32> to vector<16xf32>
          %add3A_159 = arith.addf %get3A_152, %get3A_158 : vector<16xf32>
          %swap3A_160 = arith.constant 1 : i32
          %swap3A_161 = arith.index_cast %swap3A_160 : i32 to index
          %swap3A_162 = arith.index_cast %scan3A_128 : i32 to index
          %swap3A_163 = arith.constant 16 : index
          %swap3A_164 = tpu.vector_load %arg9[%swap3A_161, %swap3A_162, %swap3A_163] {strides = array<i32>} : memref<3x64x128xf32, #tpu.memory_space<vmem>>, vector<1x1x16xf32>,
          %swap3A_165 = vector.shape_cast %swap3A_164 : vector<1x1x16xf32> to vector<16xf32>
          %swap3A_166 = vector.shape_cast %add3A_159 : vector<16xf32> to vector<1x1x16xf32>
          tpu.vector_store %arg9[%swap3A_161, %swap3A_162, %swap3A_163], %swap3A_166 {strides = array<i32>} : memref<3x64x128xf32, #tpu.memory_space<vmem>>, vector<1x1x16xf32>,
          %get3A_167 = arith.constant 1 : i32
          %get3A_168 = arith.index_cast %get3A_167 : i32 to index
          %get3A_169 = arith.index_cast %scan3A_128 : i32 to index
          %get3A_170 = arith.constant 32 : index
          %get3A_171 = tpu.vector_load %arg9[%get3A_168, %get3A_169, %get3A_170] {strides = array<i32>} : memref<3x64x128xf32, #tpu.memory_space<vmem>>, vector<1x1x16xf32>,
          %get3A_172 = vector.shape_cast %get3A_171 : vector<1x1x16xf32> to vector<16xf32>
          %get3A_173 = arith.constant 1 : i32
          %get3A_174 = arith.index_cast %get3A_173 : i32 to index
          %get3A_175 = arith.index_cast %scan3A_128 : i32 to index
          %get3A_176 = arith.constant 32 : index
          %get3A_177 = tpu.vector_load %arg10[%get3A_174, %get3A_175, %get3A_176] {strides = array<i32>} : memref<3x64x128xf32, #tpu.memory_space<vmem>>, vector<1x1x16xf32>,
          %get3A_178 = vector.shape_cast %get3A_177 : vector<1x1x16xf32> to vector<16xf32>
          %add3A_179 = arith.addf %get3A_172, %get3A_178 : vector<16xf32>
          %swap3A_180 = arith.constant 1 : i32
          %swap3A_181 = arith.index_cast %swap3A_180 : i32 to index
          %swap3A_182 = arith.index_cast %scan3A_128 : i32 to index
          %swap3A_183 = arith.constant 32 : index
          %swap3A_184 = tpu.vector_load %arg9[%swap3A_181, %swap3A_182, %swap3A_183] {strides = array<i32>} : memref<3x64x128xf32, #tpu.memory_space<vmem>>, vector<1x1x16xf32>,
          %swap3A_185 = vector.shape_cast %swap3A_184 : vector<1x1x16xf32> to vector<16xf32>
          %swap3A_186 = vector.shape_cast %add3A_179 : vector<16xf32> to vector<1x1x16xf32>
          tpu.vector_store %arg9[%swap3A_181, %swap3A_182, %swap3A_183], %swap3A_186 {strides = array<i32>} : memref<3x64x128xf32, #tpu.memory_space<vmem>>, vector<1x1x16xf32>,
          %get3A_187 = arith.constant 1 : i32
          %get3A_188 = arith.index_cast %get3A_187 : i32 to index
          %get3A_189 = arith.index_cast %scan3A_128 : i32 to index
          %get3A_190 = arith.constant 48 : index
          %get3A_191 = tpu.vector_load %arg9[%get3A_188, %get3A_189, %get3A_190] {strides = array<i32>} : memref<3x64x128xf32, #tpu.memory_space<vmem>>, vector<1x1x16xf32>,
          %get3A_192 = vector.shape_cast %get3A_191 : vector<1x1x16xf32> to vector<16xf32>
          %get3A_193 = arith.constant 1 : i32
          %get3A_194 = arith.index_cast %get3A_193 : i32 to index
          %get3A_195 = arith.index_cast %scan3A_128 : i32 to index
          %get3A_196 = arith.constant 48 : index
          %get3A_197 = tpu.vector_load %arg10[%get3A_194, %get3A_195, %get3A_196] {strides = array<i32>} : memref<3x64x128xf32, #tpu.memory_space<vmem>>, vector<1x1x16xf32>,
          %get3A_198 = vector.shape_cast %get3A_197 : vector<1x1x16xf32> to vector<16xf32>
          %add3A_199 = arith.addf %get3A_192, %get3A_198 : vector<16xf32>
          %swap3A_200 = arith.constant 1 : i32
          %swap3A_201 = arith.index_cast %swap3A_200 : i32 to index
          %swap3A_202 = arith.index_cast %scan3A_128 : i32 to index
          %swap3A_203 = arith.constant 48 : index
          %swap3A_204 = tpu.vector_load %arg9[%swap3A_201, %swap3A_202, %swap3A_203] {strides = array<i32>} : memref<3x64x128xf32, #tpu.memory_space<vmem>>, vector<1x1x16xf32>,
          %swap3A_205 = vector.shape_cast %swap3A_204 : vector<1x1x16xf32> to vector<16xf32>
          %swap3A_206 = vector.shape_cast %add3A_199 : vector<16xf32> to vector<1x1x16xf32>
          tpu.vector_store %arg9[%swap3A_201, %swap3A_202, %swap3A_203], %swap3A_206 {strides = array<i32>} : memref<3x64x128xf32, #tpu.memory_space<vmem>>, vector<1x1x16xf32>,
          %get3A_207 = arith.constant 1 : i32
          %get3A_208 = arith.index_cast %get3A_207 : i32 to index
          %get3A_209 = arith.index_cast %scan3A_128 : i32 to index
          %get3A_210 = arith.constant 64 : index
          %get3A_211 = tpu.vector_load %arg9[%get3A_208, %get3A_209, %get3A_210] {strides = array<i32>} : memref<3x64x128xf32, #tpu.memory_space<vmem>>, vector<1x1x16xf32>,
          %get3A_212 = vector.shape_cast %get3A_211 : vector<1x1x16xf32> to vector<16xf32>
          %get3A_213 = arith.constant 1 : i32
          %get3A_214 = arith.index_cast %get3A_213 : i32 to index
          %get3A_215 = arith.index_cast %scan3A_128 : i32 to index
          %get3A_216 = arith.constant 64 : index
          %get3A_217 = tpu.vector_load %arg10[%get3A_214, %get3A_215, %get3A_216] {strides = array<i32>} : memref<3x64x128xf32, #tpu.memory_space<vmem>>, vector<1x1x16xf32>,
          %get3A_218 = vector.shape_cast %get3A_217 : vector<1x1x16xf32> to vector<16xf32>
          %add3A_219 = arith.addf %get3A_212, %get3A_218 : vector<16xf32>
          %swap3A_220 = arith.constant 1 : i32
          %swap3A_221 = arith.index_cast %swap3A_220 : i32 to index
          %swap3A_222 = arith.index_cast %scan3A_128 : i32 to index
          %swap3A_223 = arith.constant 64 : index
          %swap3A_224 = tpu.vector_load %arg9[%swap3A_221, %swap3A_222, %swap3A_223] {strides = array<i32>} : memref<3x64x128xf32, #tpu.memory_space<vmem>>, vector<1x1x16xf32>,
          %swap3A_225 = vector.shape_cast %swap3A_224 : vector<1x1x16xf32> to vector<16xf32>
          %swap3A_226 = vector.shape_cast %add3A_219 : vector<16xf32> to vector<1x1x16xf32>
          tpu.vector_store %arg9[%swap3A_221, %swap3A_222, %swap3A_223], %swap3A_226 {strides = array<i32>} : memref<3x64x128xf32, #tpu.memory_space<vmem>>, vector<1x1x16xf32>,
          %get3A_227 = arith.constant 1 : i32
          %get3A_228 = arith.index_cast %get3A_227 : i32 to index
          %get3A_229 = arith.index_cast %scan3A_128 : i32 to index
          %get3A_230 = arith.constant 80 : index
          %get3A_231 = tpu.vector_load %arg9[%get3A_228, %get3A_229, %get3A_230] {strides = array<i32>} : memref<3x64x128xf32, #tpu.memory_space<vmem>>, vector<1x1x16xf32>,
          %get3A_232 = vector.shape_cast %get3A_231 : vector<1x1x16xf32> to vector<16xf32>
          %get3A_233 = arith.constant 1 : i32
          %get3A_234 = arith.index_cast %get3A_233 : i32 to index
          %get3A_235 = arith.index_cast %scan3A_128 : i32 to index
          %get3A_236 = arith.constant 80 : index
          %get3A_237 = tpu.vector_load %arg10[%get3A_234, %get3A_235, %get3A_236] {strides = array<i32>} : memref<3x64x128xf32, #tpu.memory_space<vmem>>, vector<1x1x16xf32>,
          %get3A_238 = vector.shape_cast %get3A_237 : vector<1x1x16xf32> to vector<16xf32>
          %add3A_239 = arith.addf %get3A_232, %get3A_238 : vector<16xf32>
          %swap3A_240 = arith.constant 1 : i32
          %swap3A_241 = arith.index_cast %swap3A_240 : i32 to index
          %swap3A_242 = arith.index_cast %scan3A_128 : i32 to index
          %swap3A_243 = arith.constant 80 : index
          %swap3A_244 = tpu.vector_load %arg9[%swap3A_241, %swap3A_242, %swap3A_243] {strides = array<i32>} : memref<3x64x128xf32, #tpu.memory_space<vmem>>, vector<1x1x16xf32>,
          %swap3A_245 = vector.shape_cast %swap3A_244 : vector<1x1x16xf32> to vector<16xf32>
          %swap3A_246 = vector.shape_cast %add3A_239 : vector<16xf32> to vector<1x1x16xf32>
          tpu.vector_store %arg9[%swap3A_241, %swap3A_242, %swap3A_243], %swap3A_246 {strides = array<i32>} : memref<3x64x128xf32, #tpu.memory_space<vmem>>, vector<1x1x16xf32>,
          %get3A_247 = arith.constant 1 : i32
          %get3A_248 = arith.index_cast %get3A_247 : i32 to index
          %get3A_249 = arith.index_cast %scan3A_128 : i32 to index
          %get3A_250 = arith.constant 96 : index
          %get3A_251 = tpu.vector_load %arg9[%get3A_248, %get3A_249, %get3A_250] {strides = array<i32>} : memref<3x64x128xf32, #tpu.memory_space<vmem>>, vector<1x1x16xf32>,
          %get3A_252 = vector.shape_cast %get3A_251 : vector<1x1x16xf32> to vector<16xf32>
          %get3A_253 = arith.constant 1 : i32
          %get3A_254 = arith.index_cast %get3A_253 : i32 to index
          %get3A_255 = arith.index_cast %scan3A_128 : i32 to index
          %get3A_256 = arith.constant 96 : index
          %get3A_257 = tpu.vector_load %arg10[%get3A_254, %get3A_255, %get3A_256] {strides = array<i32>} : memref<3x64x128xf32, #tpu.memory_space<vmem>>, vector<1x1x16xf32>,
          %get3A_258 = vector.shape_cast %get3A_257 : vector<1x1x16xf32> to vector<16xf32>
          %add3A_259 = arith.addf %get3A_252, %get3A_258 : vector<16xf32>
          %swap3A_260 = arith.constant 1 : i32
          %swap3A_261 = arith.index_cast %swap3A_260 : i32 to index
          %swap3A_262 = arith.index_cast %scan3A_128 : i32 to index
          %swap3A_263 = arith.constant 96 : index
          %swap3A_264 = tpu.vector_load %arg9[%swap3A_261, %swap3A_262, %swap3A_263] {strides = array<i32>} : memref<3x64x128xf32, #tpu.memory_space<vmem>>, vector<1x1x16xf32>,
          %swap3A_265 = vector.shape_cast %swap3A_264 : vector<1x1x16xf32> to vector<16xf32>
          %swap3A_266 = vector.shape_cast %add3A_259 : vector<16xf32> to vector<1x1x16xf32>
          tpu.vector_store %arg9[%swap3A_261, %swap3A_262, %swap3A_263], %swap3A_266 {strides = array<i32>} : memref<3x64x128xf32, #tpu.memory_space<vmem>>, vector<1x1x16xf32>,
          %get3A_267 = arith.constant 1 : i32
          %get3A_268 = arith.index_cast %get3A_267 : i32 to index
          %get3A_269 = arith.index_cast %scan3A_128 : i32 to index
          %get3A_270 = arith.constant 112 : index
          %get3A_271 = tpu.vector_load %arg9[%get3A_268, %get3A_269, %get3A_270] {strides = array<i32>} : memref<3x64x128xf32, #tpu.memory_space<vmem>>, vector<1x1x16xf32>,
          %get3A_272 = vector.shape_cast %get3A_271 : vector<1x1x16xf32> to vector<16xf32>
          %get3A_273 = arith.constant 1 : i32
          %get3A_274 = arith.index_cast %get3A_273 : i32 to index
          %get3A_275 = arith.index_cast %scan3A_128 : i32 to index
          %get3A_276 = arith.constant 112 : index
          %get3A_277 = tpu.vector_load %arg10[%get3A_274, %get3A_275, %get3A_276] {strides = array<i32>} : memref<3x64x128xf32, #tpu.memory_space<vmem>>, vector<1x1x16xf32>,
          %get3A_278 = vector.shape_cast %get3A_277 : vector<1x1x16xf32> to vector<16xf32>
          %add3A_279 = arith.addf %get3A_272, %get3A_278 : vector<16xf32>
          %swap3A_280 = arith.constant 1 : i32
          %swap3A_281 = arith.index_cast %swap3A_280 : i32 to index
          %swap3A_282 = arith.index_cast %scan3A_128 : i32 to index
          %swap3A_283 = arith.constant 112 : index
          %swap3A_284 = tpu.vector_load %arg9[%swap3A_281, %swap3A_282, %swap3A_283] {strides = array<i32>} : memref<3x64x128xf32, #tpu.memory_space<vmem>>, vector<1x1x16xf32>,
          %swap3A_285 = vector.shape_cast %swap3A_284 : vector<1x1x16xf32> to vector<16xf32>
          %swap3A_286 = vector.shape_cast %add3A_279 : vector<16xf32> to vector<1x1x16xf32>
          tpu.vector_store %arg9[%swap3A_281, %swap3A_282, %swap3A_283], %swap3A_286 {strides = array<i32>} : memref<3x64x128xf32, #tpu.memory_space<vmem>>, vector<1x1x16xf32>,
        }
        %scan3A_113 = arith.constant 64 : i32
        %mul3A_114 = arith.constant 64 : i32
        %mul3A_115 = arith.muli %add3A_61, %mul3A_114 : i32
        %dma_start3A = arith.constant 1 : i32
        %dma_start3A_116 = arith.constant 0 : i32
        %dma_start3A_117 = arith.constant 0 : i32
        %dma_start3A_118 = tpu.memref_slice %arg9[%dma_start3A, %dma_start3A_116, %dma_start3A_117] : memref<3x64x128xf32, #tpu.memory_space<vmem>> -> memref<1x64x128xf32, #tpu.memory_space<vmem>>
        %dma_start3A_119 = tpu.memref_squeeze %dma_start3A_118 : memref<1x64x128xf32, #tpu.memory_space<vmem>> -> memref<64x128xf32, #tpu.memory_space<vmem>>
        %dma_start3A_120 = arith.constant 0 : i32
        %dma_start3A_121 = tpu.memref_slice %arg6[%mul3A_115, %dma_start3A_120] : memref<160000x128xf32, #tpu.memory_space<hbm>> -> memref<64x128xf32, #tpu.memory_space<hbm>>
        %dma_start3A_122 = arith.constant 0 : i32
        %dma_start3A_123 = tpu.memref_slice %arg6[%mul3A_115, %dma_start3A_122] : memref<160000x128xf32, #tpu.memory_space<hbm>> -> memref<64x128xf32, #tpu.memory_space<hbm>>
        %dma_start3A_124 = arith.constant 0 : i32
        %dma_start3A_125 = arith.constant 0 : i32
        %dma_start3A_126 = tpu.memref_slice %arg9[%dma_start3A, %dma_start3A_124, %dma_start3A_125] : memref<3x64x128xf32, #tpu.memory_space<vmem>> -> memref<1x64x128xf32, #tpu.memory_space<vmem>>
        %dma_start3A_127 = tpu.memref_squeeze %dma_start3A_126 : memref<1x64x128xf32, #tpu.memory_space<vmem>> -> memref<64x128xf32, #tpu.memory_space<vmem>>
        tpu.enqueue_dma source(%dma_start3A_127 : memref<64x128xf32, #tpu.memory_space<vmem>>) target(%dma_start3A_123 : memref<64x128xf32, #tpu.memory_space<hbm>>) target_semaphore(%arg14 : memref<!tpu.dma_semaphore, #tpu.memory_space<semaphore_mem>>)
      } else {
      }
      %mul3A_69 = arith.constant 3 : i32
      %mul3A_70 = arith.muli %mul3A_69, %scan3A_40 : i32
      %add3A_71 = arith.constant 2 : i32
      %add3A_72 = arith.addi %mul3A_70, %add3A_71 : i32
      %mul3A_73 = arith.constant 32 : i32
      %mul3A_74 = arith.muli %add3A_72, %mul3A_73 : i32
      %add3A_75 = arith.addi %add3A, %mul3A_74 : i32
      %add3A_76 = arith.constant 32 : i32
      %add3A_77 = arith.addi %add3A_75, %add3A_76 : i32
      %lt3A_78 = arith.constant 2500 : i32
      %lt3A_79 = arith.cmpi slt, %add3A_75, %lt3A_78 : i32
      %convert_element_type3A_80 = arith.extui %lt3A_79 : i1 to i32
      %cond3A_81 = arith.constant 0 : i32
      %cond3A_82 = arith.cmpi ne, %convert_element_type3A_80, %cond3A_81 : i32
      scf.if %cond3A_82 {
        %dma_wait3A = arith.constant 2 : i32
        %dma_wait3A_83 = arith.constant 0 : i32
        %dma_wait3A_84 = arith.constant 0 : i32
        %dma_wait3A_85 = tpu.memref_slice %arg10[%dma_wait3A, %dma_wait3A_83, %dma_wait3A_84] : memref<3x64x128xf32, #tpu.memory_space<vmem>> -> memref<1x64x128xf32, #tpu.memory_space<vmem>>
        %dma_wait3A_86 = tpu.memref_squeeze %dma_wait3A_85 : memref<1x64x128xf32, #tpu.memory_space<vmem>> -> memref<64x128xf32, #tpu.memory_space<vmem>>
        %dma_wait3A_87 = arith.constant 0 : i32
        %dma_wait3A_88 = arith.constant 0 : i32
        %dma_wait3A_89 = tpu.memref_slice %arg3[%dma_wait3A_87, %dma_wait3A_88] : memref<10000x128xf32, #tpu.memory_space<hbm>> -> memref<64x128xf32, #tpu.memory_space<hbm>>
        %dma_wait3A_90 = arith.constant 0 : i32
        %dma_wait3A_91 = arith.constant 0 : i32
        %dma_wait3A_92 = tpu.memref_slice %arg10[%dma_wait3A, %dma_wait3A_90, %dma_wait3A_91] : memref<3x64x128xf32, #tpu.memory_space<vmem>> -> memref<1x64x128xf32, #tpu.memory_space<vmem>>
        %dma_wait3A_93 = tpu.memref_squeeze %dma_wait3A_92 : memref<1x64x128xf32, #tpu.memory_space<vmem>> -> memref<64x128xf32, #tpu.memory_space<vmem>>
        %dma_wait3A_94 = arith.constant 0 : i32
        %dma_wait3A_95 = arith.constant 0 : i32
        %dma_wait3A_96 = tpu.memref_slice %arg3[%dma_wait3A_94, %dma_wait3A_95] : memref<10000x128xf32, #tpu.memory_space<hbm>> -> memref<64x128xf32, #tpu.memory_space<hbm>>
        tpu.wait_dma2 semaphore(%arg13 : memref<!tpu.dma_semaphore, #tpu.memory_space<semaphore_mem>>) src(%dma_wait3A_96 : memref<64x128xf32, #tpu.memory_space<hbm>>) dst(%dma_wait3A_93 : memref<64x128xf32, #tpu.memory_space<vmem>>)
        %lt3A_97 = arith.constant 2500 : i32
        %lt3A_98 = arith.cmpi slt, %add3A_77, %lt3A_97 : i32
        %convert_element_type3A_99 = arith.extui %lt3A_98 : i1 to i32
        %cond3A_100 = arith.constant 0 : i32
        %cond3A_101 = arith.cmpi ne, %convert_element_type3A_99, %cond3A_100 : i32
        scf.if %cond3A_101 {
          %dma_wait3A_128 = arith.constant 0 : i32
          %dma_wait3A_129 = arith.constant 0 : i32
          %dma_wait3A_130 = tpu.memref_slice %arg7[%dma_wait3A_128, %dma_wait3A_129] : memref<3x64xi32, #tpu.memory_space<vmem>> -> memref<1x64xi32, #tpu.memory_space<vmem>>
          %dma_wait3A_131 = tpu.memref_squeeze %dma_wait3A_130 : memref<1x64xi32, #tpu.memory_space<vmem>> -> memref<64xi32, #tpu.memory_space<vmem>>
          %dma_wait3A_132 = arith.constant 0 : i32
          %dma_wait3A_133 = tpu.memref_slice %arg4[%dma_wait3A_132] : memref<160000xi32, #tpu.memory_space<hbm>> -> memref<64xi32, #tpu.memory_space<hbm>>
          %dma_wait3A_134 = arith.constant 0 : i32
          %dma_wait3A_135 = tpu.memref_slice %arg7[%dma_wait3A_128, %dma_wait3A_134] : memref<3x64xi32, #tpu.memory_space<vmem>> -> memref<1x64xi32, #tpu.memory_space<vmem>>
          %dma_wait3A_136 = tpu.memref_squeeze %dma_wait3A_135 : memref<1x64xi32, #tpu.memory_space<vmem>> -> memref<64xi32, #tpu.memory_space<vmem>>
          %dma_wait3A_137 = arith.constant 0 : i32
          %dma_wait3A_138 = tpu.memref_slice %arg4[%dma_wait3A_137] : memref<160000xi32, #tpu.memory_space<hbm>> -> memref<64xi32, #tpu.memory_space<hbm>>
          tpu.wait_dma2 semaphore(%arg12 : memref<!tpu.dma_semaphore, #tpu.memory_space<semaphore_mem>>) src(%dma_wait3A_138 : memref<64xi32, #tpu.memory_space<hbm>>) dst(%dma_wait3A_136 : memref<64xi32, #tpu.memory_space<vmem>>)
          %dma_wait3A_139 = arith.constant 0 : i32
          %dma_wait3A_140 = arith.constant 0 : i32
          %dma_wait3A_141 = tpu.memref_slice %arg8[%dma_wait3A_139, %dma_wait3A_140] : memref<3x64xi32, #tpu.memory_space<vmem>> -> memref<1x64xi32, #tpu.memory_space<vmem>>
          %dma_wait3A_142 = tpu.memref_squeeze %dma_wait3A_141 : memref<1x64xi32, #tpu.memory_space<vmem>> -> memref<64xi32, #tpu.memory_space<vmem>>
          %dma_wait3A_143 = arith.constant 0 : i32
          %dma_wait3A_144 = tpu.memref_slice %arg5[%dma_wait3A_143] : memref<160000xi32, #tpu.memory_space<hbm>> -> memref<64xi32, #tpu.memory_space<hbm>>
          %dma_wait3A_145 = arith.constant 0 : i32
          %dma_wait3A_146 = tpu.memref_slice %arg8[%dma_wait3A_139, %dma_wait3A_145] : memref<3x64xi32, #tpu.memory_space<vmem>> -> memref<1x64xi32, #tpu.memory_space<vmem>>
          %dma_wait3A_147 = tpu.memref_squeeze %dma_wait3A_146 : memref<1x64xi32, #tpu.memory_space<vmem>> -> memref<64xi32, #tpu.memory_space<vmem>>
          %dma_wait3A_148 = arith.constant 0 : i32
          %dma_wait3A_149 = tpu.memref_slice %arg5[%dma_wait3A_148] : memref<160000xi32, #tpu.memory_space<hbm>> -> memref<64xi32, #tpu.memory_space<hbm>>
          tpu.wait_dma2 semaphore(%arg12 : memref<!tpu.dma_semaphore, #tpu.memory_space<semaphore_mem>>) src(%dma_wait3A_149 : memref<64xi32, #tpu.memory_space<hbm>>) dst(%dma_wait3A_147 : memref<64xi32, #tpu.memory_space<vmem>>)
          %add3A_150 = arith.constant 64 : i32
          %add3A_151 = arith.addi %add3A, %add3A_150 : i32
          %ge3A = arith.cmpi sge, %add3A_75, %add3A_151 : i32
          %convert_element_type3A_152 = arith.extui %ge3A : i1 to i32
          %cond3A_153 = arith.constant 0 : i32
          %cond3A_154 = arith.cmpi ne, %convert_element_type3A_152, %cond3A_153 : i32
          scf.if %cond3A_154 {
            %dma_wait3A_191 = arith.constant 0 : i32
            %dma_wait3A_192 = arith.constant 0 : i32
            %dma_wait3A_193 = arith.constant 0 : i32
            %dma_wait3A_194 = tpu.memref_slice %arg9[%dma_wait3A_191, %dma_wait3A_192, %dma_wait3A_193] : memref<3x64x128xf32, #tpu.memory_space<vmem>> -> memref<1x64x128xf32, #tpu.memory_space<vmem>>
            %dma_wait3A_195 = tpu.memref_squeeze %dma_wait3A_194 : memref<1x64x128xf32, #tpu.memory_space<vmem>> -> memref<64x128xf32, #tpu.memory_space<vmem>>
            %dma_wait3A_196 = arith.constant 0 : i32
            %dma_wait3A_197 = arith.constant 0 : i32
            %dma_wait3A_198 = tpu.memref_slice %arg6[%dma_wait3A_196, %dma_wait3A_197] : memref<160000x128xf32, #tpu.memory_space<hbm>> -> memref<64x128xf32, #tpu.memory_space<hbm>>
            %dma_wait3A_199 = arith.constant 0 : i32
            %dma_wait3A_200 = arith.constant 0 : i32
            %dma_wait3A_201 = tpu.memref_slice %arg6[%dma_wait3A_199, %dma_wait3A_200] : memref<160000x128xf32, #tpu.memory_space<hbm>> -> memref<64x128xf32, #tpu.memory_space<hbm>>
            %dma_wait3A_202 = arith.constant 0 : i32
            %dma_wait3A_203 = arith.constant 0 : i32
            %dma_wait3A_204 = tpu.memref_slice %arg9[%dma_wait3A_191, %dma_wait3A_202, %dma_wait3A_203] : memref<3x64x128xf32, #tpu.memory_space<vmem>> -> memref<1x64x128xf32, #tpu.memory_space<vmem>>
            %dma_wait3A_205 = tpu.memref_squeeze %dma_wait3A_204 : memref<1x64x128xf32, #tpu.memory_space<vmem>> -> memref<64x128xf32, #tpu.memory_space<vmem>>
            tpu.wait_dma2 semaphore(%arg14 : memref<!tpu.dma_semaphore, #tpu.memory_space<semaphore_mem>>) src(%dma_wait3A_205 : memref<64x128xf32, #tpu.memory_space<vmem>>) dst(%dma_wait3A_201 : memref<64x128xf32, #tpu.memory_space<hbm>>)
          } else {
          }
          %dma_start3A_155 = arith.constant 0 : i32
          %dma_start3A_156 = arith.constant 0 : i32
          %dma_start3A_157 = arith.constant 0 : i32
          %dma_start3A_158 = arith.constant 0 : i32
          %dma_start3A_159 = tpu.memref_slice %arg9[%dma_start3A_156, %dma_start3A_157, %dma_start3A_158] : memref<3x64x128xf32, #tpu.memory_space<vmem>> -> memref<1x64x128xf32, #tpu.memory_space<vmem>>
          %dma_start3A_160 = tpu.memref_squeeze %dma_start3A_159 : memref<1x64x128xf32, #tpu.memory_space<vmem>> -> memref<64x128xf32, #tpu.memory_space<vmem>>
          %dma_start3A_161 = arith.constant 0 : i32
          %dma_start3A_162 = tpu.memref_slice %arg7[%dma_start3A_155, %dma_start3A_161] : memref<3x64xi32, #tpu.memory_space<vmem>> -> memref<1x64xi32, #tpu.memory_space<vmem>>
          %dma_start3A_163 = tpu.memref_squeeze %dma_start3A_162 : memref<1x64xi32, #tpu.memory_space<vmem>> -> memref<64xi32, #tpu.memory_space<vmem>>
          %dma_start3A_164 = arith.constant 0 : i32
          %dma_start3A_165 = arith.constant 0 : i32
          %dma_start3A_166 = tpu.memref_slice %arg11[%dma_start3A_164, %dma_start3A_165] : memref<10000x128xf32, #tpu.memory_space<vmem_shared>> -> memref<10000x128xf32, #tpu.memory_space<vmem_shared>>
          tpu.enqueue_indirect_dma source(%dma_start3A_166 : memref<10000x128xf32, #tpu.memory_space<vmem_shared>>) target(%dma_start3A_160 : memref<64x128xf32, #tpu.memory_space<vmem>>) offsets(%dma_start3A_163 : memref<64xi32, #tpu.memory_space<vmem>>) semaphore(%arg13 : memref<!tpu.dma_semaphore, #tpu.memory_space<semaphore_mem>>)
          %dma_wait3A_167 = arith.constant 0 : i32
          %dma_wait3A_168 = arith.constant 0 : i32
          %dma_wait3A_169 = arith.constant 0 : i32
          %dma_wait3A_170 = arith.constant 0 : i32
          %dma_wait3A_171 = tpu.memref_slice %arg9[%dma_wait3A_168, %dma_wait3A_169, %dma_wait3A_170] : memref<3x64x128xf32, #tpu.memory_space<vmem>> -> memref<1x64x128xf32, #tpu.memory_space<vmem>>
          %dma_wait3A_172 = tpu.memref_squeeze %dma_wait3A_171 : memref<1x64x128xf32, #tpu.memory_space<vmem>> -> memref<64x128xf32, #tpu.memory_space<vmem>>
          %dma_wait3A_173 = arith.constant 0 : i32
          %dma_wait3A_174 = tpu.memref_slice %arg7[%dma_wait3A_167, %dma_wait3A_173] : memref<3x64xi32, #tpu.memory_space<vmem>> -> memref<1x64xi32, #tpu.memory_space<vmem>>
          %dma_wait3A_175 = tpu.memref_squeeze %dma_wait3A_174 : memref<1x64xi32, #tpu.memory_space<vmem>> -> memref<64xi32, #tpu.memory_space<vmem>>
          %dma_wait3A_176 = arith.constant 0 : i32
          %dma_wait3A_177 = arith.constant 0 : i32
          %dma_wait3A_178 = tpu.memref_slice %arg11[%dma_wait3A_176, %dma_wait3A_177] : memref<10000x128xf32, #tpu.memory_space<vmem_shared>> -> memref<10000x128xf32, #tpu.memory_space<vmem_shared>>
          tpu.wait_indirect_dma semaphore(%arg13 : memref<!tpu.dma_semaphore, #tpu.memory_space<semaphore_mem>>) src(%dma_wait3A_178 : memref<10000x128xf32, #tpu.memory_space<vmem_shared>>) dst(%dma_wait3A_172 : memref<64x128xf32, #tpu.memory_space<vmem>>)
          %dma_start3A_179 = arith.constant 0 : i32
          %dma_start3A_180 = arith.constant 0 : i32
          %dma_start3A_181 = arith.constant 0 : i32
          %dma_start3A_182 = arith.constant 0 : i32
          %dma_start3A_183 = tpu.memref_slice %arg10[%dma_start3A_180, %dma_start3A_181, %dma_start3A_182] : memref<3x64x128xf32, #tpu.memory_space<vmem>> -> memref<1x64x128xf32, #tpu.memory_space<vmem>>
          %dma_start3A_184 = tpu.memref_squeeze %dma_start3A_183 : memref<1x64x128xf32, #tpu.memory_space<vmem>> -> memref<64x128xf32, #tpu.memory_space<vmem>>
          %dma_start3A_185 = arith.constant 0 : i32
          %dma_start3A_186 = tpu.memref_slice %arg8[%dma_start3A_179, %dma_start3A_185] : memref<3x64xi32, #tpu.memory_space<vmem>> -> memref<1x64xi32, #tpu.memory_space<vmem>>
          %dma_start3A_187 = tpu.memref_squeeze %dma_start3A_186 : memref<1x64xi32, #tpu.memory_space<vmem>> -> memref<64xi32, #tpu.memory_space<vmem>>
          %dma_start3A_188 = arith.constant 0 : i32
          %dma_start3A_189 = arith.constant 0 : i32
          %dma_start3A_190 = tpu.memref_slice %arg3[%dma_start3A_188, %dma_start3A_189] : memref<10000x128xf32, #tpu.memory_space<hbm>> -> memref<10000x128xf32, #tpu.memory_space<hbm>>
          tpu.enqueue_indirect_dma source(%dma_start3A_190 : memref<10000x128xf32, #tpu.memory_space<hbm>>) target(%dma_start3A_184 : memref<64x128xf32, #tpu.memory_space<vmem>>) offsets(%dma_start3A_187 : memref<64xi32, #tpu.memory_space<vmem>>) semaphore(%arg13 : memref<!tpu.dma_semaphore, #tpu.memory_space<semaphore_mem>>)
        } else {
        }
        %add3A_102 = arith.constant 32 : i32
        %add3A_103 = arith.addi %add3A_77, %add3A_102 : i32
        %lt3A_104 = arith.constant 2500 : i32
        %lt3A_105 = arith.cmpi slt, %add3A_103, %lt3A_104 : i32
        %convert_element_type3A_106 = arith.extui %lt3A_105 : i1 to i32
        %cond3A_107 = arith.constant 0 : i32
        %cond3A_108 = arith.cmpi ne, %convert_element_type3A_106, %cond3A_107 : i32
        scf.if %cond3A_108 {
          %add3A_128 = arith.constant 32 : i32
          %add3A_129 = arith.addi %add3A_77, %add3A_128 : i32
          %mul3A_130 = arith.constant 64 : i32
          %mul3A_131 = arith.muli %add3A_129, %mul3A_130 : i32
          %dma_start3A_132 = arith.constant 1 : i32
          %dma_start3A_133 = arith.constant 0 : i32
          %dma_start3A_134 = tpu.memref_slice %arg7[%dma_start3A_132, %dma_start3A_133] : memref<3x64xi32, #tpu.memory_space<vmem>> -> memref<1x64xi32, #tpu.memory_space<vmem>>
          %dma_start3A_135 = tpu.memref_squeeze %dma_start3A_134 : memref<1x64xi32, #tpu.memory_space<vmem>> -> memref<64xi32, #tpu.memory_space<vmem>>
          %dma_start3A_136 = tpu.memref_slice %arg4[%mul3A_131] : memref<160000xi32, #tpu.memory_space<hbm>> -> memref<64xi32, #tpu.memory_space<hbm>>
          %dma_start3A_137 = arith.constant 0 : i32
          %dma_start3A_138 = tpu.memref_slice %arg7[%dma_start3A_132, %dma_start3A_137] : memref<3x64xi32, #tpu.memory_space<vmem>> -> memref<1x64xi32, #tpu.memory_space<vmem>>
          %dma_start3A_139 = tpu.memref_squeeze %dma_start3A_138 : memref<1x64xi32, #tpu.memory_space<vmem>> -> memref<64xi32, #tpu.memory_space<vmem>>
          %dma_start3A_140 = tpu.memref_slice %arg4[%mul3A_131] : memref<160000xi32, #tpu.memory_space<hbm>> -> memref<64xi32, #tpu.memory_space<hbm>>
          tpu.enqueue_dma source(%dma_start3A_140 : memref<64xi32, #tpu.memory_space<hbm>>) target(%dma_start3A_139 : memref<64xi32, #tpu.memory_space<vmem>>) target_semaphore(%arg12 : memref<!tpu.dma_semaphore, #tpu.memory_space<semaphore_mem>>)
          %dma_start3A_141 = arith.constant 1 : i32
          %dma_start3A_142 = arith.constant 0 : i32
          %dma_start3A_143 = tpu.memref_slice %arg8[%dma_start3A_141, %dma_start3A_142] : memref<3x64xi32, #tpu.memory_space<vmem>> -> memref<1x64xi32, #tpu.memory_space<vmem>>
          %dma_start3A_144 = tpu.memref_squeeze %dma_start3A_143 : memref<1x64xi32, #tpu.memory_space<vmem>> -> memref<64xi32, #tpu.memory_space<vmem>>
          %dma_start3A_145 = tpu.memref_slice %arg5[%mul3A_131] : memref<160000xi32, #tpu.memory_space<hbm>> -> memref<64xi32, #tpu.memory_space<hbm>>
          %dma_start3A_146 = arith.constant 0 : i32
          %dma_start3A_147 = tpu.memref_slice %arg8[%dma_start3A_141, %dma_start3A_146] : memref<3x64xi32, #tpu.memory_space<vmem>> -> memref<1x64xi32, #tpu.memory_space<vmem>>
          %dma_start3A_148 = tpu.memref_squeeze %dma_start3A_147 : memref<1x64xi32, #tpu.memory_space<vmem>> -> memref<64xi32, #tpu.memory_space<vmem>>
          %dma_start3A_149 = tpu.memref_slice %arg5[%mul3A_131] : memref<160000xi32, #tpu.memory_space<hbm>> -> memref<64xi32, #tpu.memory_space<hbm>>
          tpu.enqueue_dma source(%dma_start3A_149 : memref<64xi32, #tpu.memory_space<hbm>>) target(%dma_start3A_148 : memref<64xi32, #tpu.memory_space<vmem>>) target_semaphore(%arg12 : memref<!tpu.dma_semaphore, #tpu.memory_space<semaphore_mem>>)
        } else {
        }
        %scan3A_109 = arith.constant 0 : i32
        %scan3A_110 = arith.constant 64 : i32
        %scan3A_111 = arith.addi %scan3A_109, %scan3A_110 : i32
        %scan3A_112 = arith.constant 1 : i32
        scf.for %scan3A_128 = %scan3A_109 to %scan3A_111 step %scan3A_112  : i32 {
          %get3A = arith.constant 2 : i32
          %get3A_129 = arith.index_cast %get3A : i32 to index
          %get3A_130 = arith.index_cast %scan3A_128 : i32 to index
          %get3A_131 = arith.constant 0 : index
          %get3A_132 = tpu.vector_load %arg9[%get3A_129, %get3A_130, %get3A_131] {strides = array<i32>} : memref<3x64x128xf32, #tpu.memory_space<vmem>>, vector<1x1x16xf32>,
          %get3A_133 = vector.shape_cast %get3A_132 : vector<1x1x16xf32> to vector<16xf32>
          %get3A_134 = arith.constant 2 : i32
          %get3A_135 = arith.index_cast %get3A_134 : i32 to index
          %get3A_136 = arith.index_cast %scan3A_128 : i32 to index
          %get3A_137 = arith.constant 0 : index
          %get3A_138 = tpu.vector_load %arg10[%get3A_135, %get3A_136, %get3A_137] {strides = array<i32>} : memref<3x64x128xf32, #tpu.memory_space<vmem>>, vector<1x1x16xf32>,
          %get3A_139 = vector.shape_cast %get3A_138 : vector<1x1x16xf32> to vector<16xf32>
          %add3A_140 = arith.addf %get3A_133, %get3A_139 : vector<16xf32>
          %swap3A = arith.constant 2 : i32
          %swap3A_141 = arith.index_cast %swap3A : i32 to index
          %swap3A_142 = arith.index_cast %scan3A_128 : i32 to index
          %swap3A_143 = arith.constant 0 : index
          %swap3A_144 = tpu.vector_load %arg9[%swap3A_141, %swap3A_142, %swap3A_143] {strides = array<i32>} : memref<3x64x128xf32, #tpu.memory_space<vmem>>, vector<1x1x16xf32>,
          %swap3A_145 = vector.shape_cast %swap3A_144 : vector<1x1x16xf32> to vector<16xf32>
          %swap3A_146 = vector.shape_cast %add3A_140 : vector<16xf32> to vector<1x1x16xf32>
          tpu.vector_store %arg9[%swap3A_141, %swap3A_142, %swap3A_143], %swap3A_146 {strides = array<i32>} : memref<3x64x128xf32, #tpu.memory_space<vmem>>, vector<1x1x16xf32>,
          %get3A_147 = arith.constant 2 : i32
          %get3A_148 = arith.index_cast %get3A_147 : i32 to index
          %get3A_149 = arith.index_cast %scan3A_128 : i32 to index
          %get3A_150 = arith.constant 16 : index
          %get3A_151 = tpu.vector_load %arg9[%get3A_148, %get3A_149, %get3A_150] {strides = array<i32>} : memref<3x64x128xf32, #tpu.memory_space<vmem>>, vector<1x1x16xf32>,
          %get3A_152 = vector.shape_cast %get3A_151 : vector<1x1x16xf32> to vector<16xf32>
          %get3A_153 = arith.constant 2 : i32
          %get3A_154 = arith.index_cast %get3A_153 : i32 to index
          %get3A_155 = arith.index_cast %scan3A_128 : i32 to index
          %get3A_156 = arith.constant 16 : index
          %get3A_157 = tpu.vector_load %arg10[%get3A_154, %get3A_155, %get3A_156] {strides = array<i32>} : memref<3x64x128xf32, #tpu.memory_space<vmem>>, vector<1x1x16xf32>,
          %get3A_158 = vector.shape_cast %get3A_157 : vector<1x1x16xf32> to vector<16xf32>
          %add3A_159 = arith.addf %get3A_152, %get3A_158 : vector<16xf32>
          %swap3A_160 = arith.constant 2 : i32
          %swap3A_161 = arith.index_cast %swap3A_160 : i32 to index
          %swap3A_162 = arith.index_cast %scan3A_128 : i32 to index
          %swap3A_163 = arith.constant 16 : index
          %swap3A_164 = tpu.vector_load %arg9[%swap3A_161, %swap3A_162, %swap3A_163] {strides = array<i32>} : memref<3x64x128xf32, #tpu.memory_space<vmem>>, vector<1x1x16xf32>,
          %swap3A_165 = vector.shape_cast %swap3A_164 : vector<1x1x16xf32> to vector<16xf32>
          %swap3A_166 = vector.shape_cast %add3A_159 : vector<16xf32> to vector<1x1x16xf32>
          tpu.vector_store %arg9[%swap3A_161, %swap3A_162, %swap3A_163], %swap3A_166 {strides = array<i32>} : memref<3x64x128xf32, #tpu.memory_space<vmem>>, vector<1x1x16xf32>,
          %get3A_167 = arith.constant 2 : i32
          %get3A_168 = arith.index_cast %get3A_167 : i32 to index
          %get3A_169 = arith.index_cast %scan3A_128 : i32 to index
          %get3A_170 = arith.constant 32 : index
          %get3A_171 = tpu.vector_load %arg9[%get3A_168, %get3A_169, %get3A_170] {strides = array<i32>} : memref<3x64x128xf32, #tpu.memory_space<vmem>>, vector<1x1x16xf32>,
          %get3A_172 = vector.shape_cast %get3A_171 : vector<1x1x16xf32> to vector<16xf32>
          %get3A_173 = arith.constant 2 : i32
          %get3A_174 = arith.index_cast %get3A_173 : i32 to index
          %get3A_175 = arith.index_cast %scan3A_128 : i32 to index
          %get3A_176 = arith.constant 32 : index
          %get3A_177 = tpu.vector_load %arg10[%get3A_174, %get3A_175, %get3A_176] {strides = array<i32>} : memref<3x64x128xf32, #tpu.memory_space<vmem>>, vector<1x1x16xf32>,
          %get3A_178 = vector.shape_cast %get3A_177 : vector<1x1x16xf32> to vector<16xf32>
          %add3A_179 = arith.addf %get3A_172, %get3A_178 : vector<16xf32>
          %swap3A_180 = arith.constant 2 : i32
          %swap3A_181 = arith.index_cast %swap3A_180 : i32 to index
          %swap3A_182 = arith.index_cast %scan3A_128 : i32 to index
          %swap3A_183 = arith.constant 32 : index
          %swap3A_184 = tpu.vector_load %arg9[%swap3A_181, %swap3A_182, %swap3A_183] {strides = array<i32>} : memref<3x64x128xf32, #tpu.memory_space<vmem>>, vector<1x1x16xf32>,
          %swap3A_185 = vector.shape_cast %swap3A_184 : vector<1x1x16xf32> to vector<16xf32>
          %swap3A_186 = vector.shape_cast %add3A_179 : vector<16xf32> to vector<1x1x16xf32>
          tpu.vector_store %arg9[%swap3A_181, %swap3A_182, %swap3A_183], %swap3A_186 {strides = array<i32>} : memref<3x64x128xf32, #tpu.memory_space<vmem>>, vector<1x1x16xf32>,
          %get3A_187 = arith.constant 2 : i32
          %get3A_188 = arith.index_cast %get3A_187 : i32 to index
          %get3A_189 = arith.index_cast %scan3A_128 : i32 to index
          %get3A_190 = arith.constant 48 : index
          %get3A_191 = tpu.vector_load %arg9[%get3A_188, %get3A_189, %get3A_190] {strides = array<i32>} : memref<3x64x128xf32, #tpu.memory_space<vmem>>, vector<1x1x16xf32>,
          %get3A_192 = vector.shape_cast %get3A_191 : vector<1x1x16xf32> to vector<16xf32>
          %get3A_193 = arith.constant 2 : i32
          %get3A_194 = arith.index_cast %get3A_193 : i32 to index
          %get3A_195 = arith.index_cast %scan3A_128 : i32 to index
          %get3A_196 = arith.constant 48 : index
          %get3A_197 = tpu.vector_load %arg10[%get3A_194, %get3A_195, %get3A_196] {strides = array<i32>} : memref<3x64x128xf32, #tpu.memory_space<vmem>>, vector<1x1x16xf32>,
          %get3A_198 = vector.shape_cast %get3A_197 : vector<1x1x16xf32> to vector<16xf32>
          %add3A_199 = arith.addf %get3A_192, %get3A_198 : vector<16xf32>
          %swap3A_200 = arith.constant 2 : i32
          %swap3A_201 = arith.index_cast %swap3A_200 : i32 to index
          %swap3A_202 = arith.index_cast %scan3A_128 : i32 to index
          %swap3A_203 = arith.constant 48 : index
          %swap3A_204 = tpu.vector_load %arg9[%swap3A_201, %swap3A_202, %swap3A_203] {strides = array<i32>} : memref<3x64x128xf32, #tpu.memory_space<vmem>>, vector<1x1x16xf32>,
          %swap3A_205 = vector.shape_cast %swap3A_204 : vector<1x1x16xf32> to vector<16xf32>
          %swap3A_206 = vector.shape_cast %add3A_199 : vector<16xf32> to vector<1x1x16xf32>
          tpu.vector_store %arg9[%swap3A_201, %swap3A_202, %swap3A_203], %swap3A_206 {strides = array<i32>} : memref<3x64x128xf32, #tpu.memory_space<vmem>>, vector<1x1x16xf32>,
          %get3A_207 = arith.constant 2 : i32
          %get3A_208 = arith.index_cast %get3A_207 : i32 to index
          %get3A_209 = arith.index_cast %scan3A_128 : i32 to index
          %get3A_210 = arith.constant 64 : index
          %get3A_211 = tpu.vector_load %arg9[%get3A_208, %get3A_209, %get3A_210] {strides = array<i32>} : memref<3x64x128xf32, #tpu.memory_space<vmem>>, vector<1x1x16xf32>,
          %get3A_212 = vector.shape_cast %get3A_211 : vector<1x1x16xf32> to vector<16xf32>
          %get3A_213 = arith.constant 2 : i32
          %get3A_214 = arith.index_cast %get3A_213 : i32 to index
          %get3A_215 = arith.index_cast %scan3A_128 : i32 to index
          %get3A_216 = arith.constant 64 : index
          %get3A_217 = tpu.vector_load %arg10[%get3A_214, %get3A_215, %get3A_216] {strides = array<i32>} : memref<3x64x128xf32, #tpu.memory_space<vmem>>, vector<1x1x16xf32>,
          %get3A_218 = vector.shape_cast %get3A_217 : vector<1x1x16xf32> to vector<16xf32>
          %add3A_219 = arith.addf %get3A_212, %get3A_218 : vector<16xf32>
          %swap3A_220 = arith.constant 2 : i32
          %swap3A_221 = arith.index_cast %swap3A_220 : i32 to index
          %swap3A_222 = arith.index_cast %scan3A_128 : i32 to index
          %swap3A_223 = arith.constant 64 : index
          %swap3A_224 = tpu.vector_load %arg9[%swap3A_221, %swap3A_222, %swap3A_223] {strides = array<i32>} : memref<3x64x128xf32, #tpu.memory_space<vmem>>, vector<1x1x16xf32>,
          %swap3A_225 = vector.shape_cast %swap3A_224 : vector<1x1x16xf32> to vector<16xf32>
          %swap3A_226 = vector.shape_cast %add3A_219 : vector<16xf32> to vector<1x1x16xf32>
          tpu.vector_store %arg9[%swap3A_221, %swap3A_222, %swap3A_223], %swap3A_226 {strides = array<i32>} : memref<3x64x128xf32, #tpu.memory_space<vmem>>, vector<1x1x16xf32>,
          %get3A_227 = arith.constant 2 : i32
          %get3A_228 = arith.index_cast %get3A_227 : i32 to index
          %get3A_229 = arith.index_cast %scan3A_128 : i32 to index
          %get3A_230 = arith.constant 80 : index
          %get3A_231 = tpu.vector_load %arg9[%get3A_228, %get3A_229, %get3A_230] {strides = array<i32>} : memref<3x64x128xf32, #tpu.memory_space<vmem>>, vector<1x1x16xf32>,
          %get3A_232 = vector.shape_cast %get3A_231 : vector<1x1x16xf32> to vector<16xf32>
          %get3A_233 = arith.constant 2 : i32
          %get3A_234 = arith.index_cast %get3A_233 : i32 to index
          %get3A_235 = arith.index_cast %scan3A_128 : i32 to index
          %get3A_236 = arith.constant 80 : index
          %get3A_237 = tpu.vector_load %arg10[%get3A_234, %get3A_235, %get3A_236] {strides = array<i32>} : memref<3x64x128xf32, #tpu.memory_space<vmem>>, vector<1x1x16xf32>,
          %get3A_238 = vector.shape_cast %get3A_237 : vector<1x1x16xf32> to vector<16xf32>
          %add3A_239 = arith.addf %get3A_232, %get3A_238 : vector<16xf32>
          %swap3A_240 = arith.constant 2 : i32
          %swap3A_241 = arith.index_cast %swap3A_240 : i32 to index
          %swap3A_242 = arith.index_cast %scan3A_128 : i32 to index
          %swap3A_243 = arith.constant 80 : index
          %swap3A_244 = tpu.vector_load %arg9[%swap3A_241, %swap3A_242, %swap3A_243] {strides = array<i32>} : memref<3x64x128xf32, #tpu.memory_space<vmem>>, vector<1x1x16xf32>,
          %swap3A_245 = vector.shape_cast %swap3A_244 : vector<1x1x16xf32> to vector<16xf32>
          %swap3A_246 = vector.shape_cast %add3A_239 : vector<16xf32> to vector<1x1x16xf32>
          tpu.vector_store %arg9[%swap3A_241, %swap3A_242, %swap3A_243], %swap3A_246 {strides = array<i32>} : memref<3x64x128xf32, #tpu.memory_space<vmem>>, vector<1x1x16xf32>,
          %get3A_247 = arith.constant 2 : i32
          %get3A_248 = arith.index_cast %get3A_247 : i32 to index
          %get3A_249 = arith.index_cast %scan3A_128 : i32 to index
          %get3A_250 = arith.constant 96 : index
          %get3A_251 = tpu.vector_load %arg9[%get3A_248, %get3A_249, %get3A_250] {strides = array<i32>} : memref<3x64x128xf32, #tpu.memory_space<vmem>>, vector<1x1x16xf32>,
          %get3A_252 = vector.shape_cast %get3A_251 : vector<1x1x16xf32> to vector<16xf32>
          %get3A_253 = arith.constant 2 : i32
          %get3A_254 = arith.index_cast %get3A_253 : i32 to index
          %get3A_255 = arith.index_cast %scan3A_128 : i32 to index
          %get3A_256 = arith.constant 96 : index
          %get3A_257 = tpu.vector_load %arg10[%get3A_254, %get3A_255, %get3A_256] {strides = array<i32>} : memref<3x64x128xf32, #tpu.memory_space<vmem>>, vector<1x1x16xf32>,
          %get3A_258 = vector.shape_cast %get3A_257 : vector<1x1x16xf32> to vector<16xf32>
          %add3A_259 = arith.addf %get3A_252, %get3A_258 : vector<16xf32>
          %swap3A_260 = arith.constant 2 : i32
          %swap3A_261 = arith.index_cast %swap3A_260 : i32 to index
          %swap3A_262 = arith.index_cast %scan3A_128 : i32 to index
          %swap3A_263 = arith.constant 96 : index
          %swap3A_264 = tpu.vector_load %arg9[%swap3A_261, %swap3A_262, %swap3A_263] {strides = array<i32>} : memref<3x64x128xf32, #tpu.memory_space<vmem>>, vector<1x1x16xf32>,
          %swap3A_265 = vector.shape_cast %swap3A_264 : vector<1x1x16xf32> to vector<16xf32>
          %swap3A_266 = vector.shape_cast %add3A_259 : vector<16xf32> to vector<1x1x16xf32>
          tpu.vector_store %arg9[%swap3A_261, %swap3A_262, %swap3A_263], %swap3A_266 {strides = array<i32>} : memref<3x64x128xf32, #tpu.memory_space<vmem>>, vector<1x1x16xf32>,
          %get3A_267 = arith.constant 2 : i32
          %get3A_268 = arith.index_cast %get3A_267 : i32 to index
          %get3A_269 = arith.index_cast %scan3A_128 : i32 to index
          %get3A_270 = arith.constant 112 : index
          %get3A_271 = tpu.vector_load %arg9[%get3A_268, %get3A_269, %get3A_270] {strides = array<i32>} : memref<3x64x128xf32, #tpu.memory_space<vmem>>, vector<1x1x16xf32>,
          %get3A_272 = vector.shape_cast %get3A_271 : vector<1x1x16xf32> to vector<16xf32>
          %get3A_273 = arith.constant 2 : i32
          %get3A_274 = arith.index_cast %get3A_273 : i32 to index
          %get3A_275 = arith.index_cast %scan3A_128 : i32 to index
          %get3A_276 = arith.constant 112 : index
          %get3A_277 = tpu.vector_load %arg10[%get3A_274, %get3A_275, %get3A_276] {strides = array<i32>} : memref<3x64x128xf32, #tpu.memory_space<vmem>>, vector<1x1x16xf32>,
          %get3A_278 = vector.shape_cast %get3A_277 : vector<1x1x16xf32> to vector<16xf32>
          %add3A_279 = arith.addf %get3A_272, %get3A_278 : vector<16xf32>
          %swap3A_280 = arith.constant 2 : i32
          %swap3A_281 = arith.index_cast %swap3A_280 : i32 to index
          %swap3A_282 = arith.index_cast %scan3A_128 : i32 to index
          %swap3A_283 = arith.constant 112 : index
          %swap3A_284 = tpu.vector_load %arg9[%swap3A_281, %swap3A_282, %swap3A_283] {strides = array<i32>} : memref<3x64x128xf32, #tpu.memory_space<vmem>>, vector<1x1x16xf32>,
          %swap3A_285 = vector.shape_cast %swap3A_284 : vector<1x1x16xf32> to vector<16xf32>
          %swap3A_286 = vector.shape_cast %add3A_279 : vector<16xf32> to vector<1x1x16xf32>
          tpu.vector_store %arg9[%swap3A_281, %swap3A_282, %swap3A_283], %swap3A_286 {strides = array<i32>} : memref<3x64x128xf32, #tpu.memory_space<vmem>>, vector<1x1x16xf32>,
        }
        %scan3A_113 = arith.constant 64 : i32
        %mul3A_114 = arith.constant 64 : i32
        %mul3A_115 = arith.muli %add3A_75, %mul3A_114 : i32
        %dma_start3A = arith.constant 2 : i32
        %dma_start3A_116 = arith.constant 0 : i32
        %dma_start3A_117 = arith.constant 0 : i32
        %dma_start3A_118 = tpu.memref_slice %arg9[%dma_start3A, %dma_start3A_116, %dma_start3A_117] : memref<3x64x128xf32, #tpu.memory_space<vmem>> -> memref<1x64x128xf32, #tpu.memory_space<vmem>>
        %dma_start3A_119 = tpu.memref_squeeze %dma_start3A_118 : memref<1x64x128xf32, #tpu.memory_space<vmem>> -> memref<64x128xf32, #tpu.memory_space<vmem>>
        %dma_start3A_120 = arith.constant 0 : i32
        %dma_start3A_121 = tpu.memref_slice %arg6[%mul3A_115, %dma_start3A_120] : memref<160000x128xf32, #tpu.memory_space<hbm>> -> memref<64x128xf32, #tpu.memory_space<hbm>>
        %dma_start3A_122 = arith.constant 0 : i32
        %dma_start3A_123 = tpu.memref_slice %arg6[%mul3A_115, %dma_start3A_122] : memref<160000x128xf32, #tpu.memory_space<hbm>> -> memref<64x128xf32, #tpu.memory_space<hbm>>
        %dma_start3A_124 = arith.constant 0 : i32
        %dma_start3A_125 = arith.constant 0 : i32
        %dma_start3A_126 = tpu.memref_slice %arg9[%dma_start3A, %dma_start3A_124, %dma_start3A_125] : memref<3x64x128xf32, #tpu.memory_space<vmem>> -> memref<1x64x128xf32, #tpu.memory_space<vmem>>
        %dma_start3A_127 = tpu.memref_squeeze %dma_start3A_126 : memref<1x64x128xf32, #tpu.memory_space<vmem>> -> memref<64x128xf32, #tpu.memory_space<vmem>>
        tpu.enqueue_dma source(%dma_start3A_127 : memref<64x128xf32, #tpu.memory_space<vmem>>) target(%dma_start3A_123 : memref<64x128xf32, #tpu.memory_space<hbm>>) target_semaphore(%arg14 : memref<!tpu.dma_semaphore, #tpu.memory_space<semaphore_mem>>)
      } else {
      }
    }
    %scan3A_18 = arith.constant 27 : i32
    %add3A_19 = arith.constant 0 : i32
    %add3A_20 = arith.addi %add3A, %add3A_19 : i32
    %lt3A_21 = arith.constant 2500 : i32
    %lt3A_22 = arith.cmpi slt, %add3A_20, %lt3A_21 : i32
    %convert_element_type3A_23 = arith.extui %lt3A_22 : i1 to i32
    %cond3A_24 = arith.constant 0 : i32
    %cond3A_25 = arith.cmpi ne, %convert_element_type3A_23, %cond3A_24 : i32
    scf.if %cond3A_25 {
      %dma_wait3A = arith.constant 0 : i32
      %dma_wait3A_40 = arith.constant 0 : i32
      %dma_wait3A_41 = arith.constant 0 : i32
      %dma_wait3A_42 = tpu.memref_slice %arg9[%dma_wait3A, %dma_wait3A_40, %dma_wait3A_41] : memref<3x64x128xf32, #tpu.memory_space<vmem>> -> memref<1x64x128xf32, #tpu.memory_space<vmem>>
      %dma_wait3A_43 = tpu.memref_squeeze %dma_wait3A_42 : memref<1x64x128xf32, #tpu.memory_space<vmem>> -> memref<64x128xf32, #tpu.memory_space<vmem>>
      %dma_wait3A_44 = arith.constant 0 : i32
      %dma_wait3A_45 = arith.constant 0 : i32
      %dma_wait3A_46 = tpu.memref_slice %arg6[%dma_wait3A_44, %dma_wait3A_45] : memref<160000x128xf32, #tpu.memory_space<hbm>> -> memref<64x128xf32, #tpu.memory_space<hbm>>
      %dma_wait3A_47 = arith.constant 0 : i32
      %dma_wait3A_48 = arith.constant 0 : i32
      %dma_wait3A_49 = tpu.memref_slice %arg6[%dma_wait3A_47, %dma_wait3A_48] : memref<160000x128xf32, #tpu.memory_space<hbm>> -> memref<64x128xf32, #tpu.memory_space<hbm>>
      %dma_wait3A_50 = arith.constant 0 : i32
      %dma_wait3A_51 = arith.constant 0 : i32
      %dma_wait3A_52 = tpu.memref_slice %arg9[%dma_wait3A, %dma_wait3A_50, %dma_wait3A_51] : memref<3x64x128xf32, #tpu.memory_space<vmem>> -> memref<1x64x128xf32, #tpu.memory_space<vmem>>
      %dma_wait3A_53 = tpu.memref_squeeze %dma_wait3A_52 : memref<1x64x128xf32, #tpu.memory_space<vmem>> -> memref<64x128xf32, #tpu.memory_space<vmem>>
      tpu.wait_dma2 semaphore(%arg14 : memref<!tpu.dma_semaphore, #tpu.memory_space<semaphore_mem>>) src(%dma_wait3A_53 : memref<64x128xf32, #tpu.memory_space<vmem>>) dst(%dma_wait3A_49 : memref<64x128xf32, #tpu.memory_space<hbm>>)
    } else {
    }
    %add3A_26 = arith.constant 32 : i32
    %add3A_27 = arith.addi %add3A, %add3A_26 : i32
    %lt3A_28 = arith.constant 2500 : i32
    %lt3A_29 = arith.cmpi slt, %add3A_27, %lt3A_28 : i32
    %convert_element_type3A_30 = arith.extui %lt3A_29 : i1 to i32
    %cond3A_31 = arith.constant 0 : i32
    %cond3A_32 = arith.cmpi ne, %convert_element_type3A_30, %cond3A_31 : i32
    scf.if %cond3A_32 {
      %dma_wait3A = arith.constant 1 : i32
      %dma_wait3A_40 = arith.constant 0 : i32
      %dma_wait3A_41 = arith.constant 0 : i32
      %dma_wait3A_42 = tpu.memref_slice %arg9[%dma_wait3A, %dma_wait3A_40, %dma_wait3A_41] : memref<3x64x128xf32, #tpu.memory_space<vmem>> -> memref<1x64x128xf32, #tpu.memory_space<vmem>>
      %dma_wait3A_43 = tpu.memref_squeeze %dma_wait3A_42 : memref<1x64x128xf32, #tpu.memory_space<vmem>> -> memref<64x128xf32, #tpu.memory_space<vmem>>
      %dma_wait3A_44 = arith.constant 0 : i32
      %dma_wait3A_45 = arith.constant 0 : i32
      %dma_wait3A_46 = tpu.memref_slice %arg6[%dma_wait3A_44, %dma_wait3A_45] : memref<160000x128xf32, #tpu.memory_space<hbm>> -> memref<64x128xf32, #tpu.memory_space<hbm>>
      %dma_wait3A_47 = arith.constant 0 : i32
      %dma_wait3A_48 = arith.constant 0 : i32
      %dma_wait3A_49 = tpu.memref_slice %arg6[%dma_wait3A_47, %dma_wait3A_48] : memref<160000x128xf32, #tpu.memory_space<hbm>> -> memref<64x128xf32, #tpu.memory_space<hbm>>
      %dma_wait3A_50 = arith.constant 0 : i32
      %dma_wait3A_51 = arith.constant 0 : i32
      %dma_wait3A_52 = tpu.memref_slice %arg9[%dma_wait3A, %dma_wait3A_50, %dma_wait3A_51] : memref<3x64x128xf32, #tpu.memory_space<vmem>> -> memref<1x64x128xf32, #tpu.memory_space<vmem>>
      %dma_wait3A_53 = tpu.memref_squeeze %dma_wait3A_52 : memref<1x64x128xf32, #tpu.memory_space<vmem>> -> memref<64x128xf32, #tpu.memory_space<vmem>>
      tpu.wait_dma2 semaphore(%arg14 : memref<!tpu.dma_semaphore, #tpu.memory_space<semaphore_mem>>) src(%dma_wait3A_53 : memref<64x128xf32, #tpu.memory_space<vmem>>) dst(%dma_wait3A_49 : memref<64x128xf32, #tpu.memory_space<hbm>>)
    } else {
    }
    %add3A_33 = arith.constant 64 : i32
    %add3A_34 = arith.addi %add3A, %add3A_33 : i32
    %lt3A_35 = arith.constant 2500 : i32
    %lt3A_36 = arith.cmpi slt, %add3A_34, %lt3A_35 : i32
    %convert_element_type3A_37 = arith.extui %lt3A_36 : i1 to i32
    %cond3A_38 = arith.constant 0 : i32
    %cond3A_39 = arith.cmpi ne, %convert_element_type3A_37, %cond3A_38 : i32
    scf.if %cond3A_39 {
      %dma_wait3A = arith.constant 2 : i32
      %dma_wait3A_40 = arith.constant 0 : i32
      %dma_wait3A_41 = arith.constant 0 : i32
      %dma_wait3A_42 = tpu.memref_slice %arg9[%dma_wait3A, %dma_wait3A_40, %dma_wait3A_41] : memref<3x64x128xf32, #tpu.memory_space<vmem>> -> memref<1x64x128xf32, #tpu.memory_space<vmem>>
      %dma_wait3A_43 = tpu.memref_squeeze %dma_wait3A_42 : memref<1x64x128xf32, #tpu.memory_space<vmem>> -> memref<64x128xf32, #tpu.memory_space<vmem>>
      %dma_wait3A_44 = arith.constant 0 : i32
      %dma_wait3A_45 = arith.constant 0 : i32
      %dma_wait3A_46 = tpu.memref_slice %arg6[%dma_wait3A_44, %dma_wait3A_45] : memref<160000x128xf32, #tpu.memory_space<hbm>> -> memref<64x128xf32, #tpu.memory_space<hbm>>
      %dma_wait3A_47 = arith.constant 0 : i32
      %dma_wait3A_48 = arith.constant 0 : i32
      %dma_wait3A_49 = tpu.memref_slice %arg6[%dma_wait3A_47, %dma_wait3A_48] : memref<160000x128xf32, #tpu.memory_space<hbm>> -> memref<64x128xf32, #tpu.memory_space<hbm>>
      %dma_wait3A_50 = arith.constant 0 : i32
      %dma_wait3A_51 = arith.constant 0 : i32
      %dma_wait3A_52 = tpu.memref_slice %arg9[%dma_wait3A, %dma_wait3A_50, %dma_wait3A_51] : memref<3x64x128xf32, #tpu.memory_space<vmem>> -> memref<1x64x128xf32, #tpu.memory_space<vmem>>
      %dma_wait3A_53 = tpu.memref_squeeze %dma_wait3A_52 : memref<1x64x128xf32, #tpu.memory_space<vmem>> -> memref<64x128xf32, #tpu.memory_space<vmem>>
      tpu.wait_dma2 semaphore(%arg14 : memref<!tpu.dma_semaphore, #tpu.memory_space<semaphore_mem>>) src(%dma_wait3A_53 : memref<64x128xf32, #tpu.memory_space<vmem>>) dst(%dma_wait3A_49 : memref<64x128xf32, #tpu.memory_space<hbm>>)
    } else {
    }
    return
  }
}

module attributes {stable_mosaic.version = 14 : i64} {
  func.func @body(%arg0: i32, %arg1: memref<2000x128xf32, #tpu.memory_space<vmem>>, %arg2: memref<2000x128xf32, #tpu.memory_space<vmem>>, %arg3: memref<128x128xf32, #tpu.memory_space<vmem>>, %arg4: memref<1x128xf32, #tpu.memory_space<vmem>>, %arg5: memref<128x128xf32, #tpu.memory_space<vmem>>, %arg6: memref<1x128xf32, #tpu.memory_space<vmem>>, %arg7: memref<1x128xf32, #tpu.memory_space<vmem>>, %arg8: memref<1x128xf32, #tpu.memory_space<vmem>>, %arg9: memref<2000x128xf32, #tpu.memory_space<vmem>>, %arg10: memref<2000x128xf32, #tpu.memory_space<vmem>>) attributes {dimension_semantics = [#tpu.dimension_semantics<arbitrary>], iteration_bounds = array<i64: 160>, scalar_prefetch = 0 : i64, scratch_operands = 0 : i64, tpu.core_type = #tpu.core_type<tc>, window_params = [{transform_indices = @transform_0, window_bounds = array<i64: 2000, 128>}, {transform_indices = @transform_1, window_bounds = array<i64: 2000, 128>}, {pipeline_mode = #tpu.pipeline_mode<synchronous>, transform_indices = @transform_2, window_bounds = array<i64: 128, 128>}, {pipeline_mode = #tpu.pipeline_mode<synchronous>, transform_indices = @transform_3, window_bounds = array<i64: 1, 128>}, {pipeline_mode = #tpu.pipeline_mode<synchronous>, transform_indices = @transform_4, window_bounds = array<i64: 128, 128>}, {pipeline_mode = #tpu.pipeline_mode<synchronous>, transform_indices = @transform_5, window_bounds = array<i64: 1, 128>}, {pipeline_mode = #tpu.pipeline_mode<synchronous>, transform_indices = @transform_6, window_bounds = array<i64: 1, 128>}, {pipeline_mode = #tpu.pipeline_mode<synchronous>, transform_indices = @transform_7, window_bounds = array<i64: 1, 128>}, {transform_indices = @transform_8, window_bounds = array<i64: 2000, 128>}, {transform_indices = @transform_9, window_bounds = array<i64: 2000, 128>}]} {
    %get3A = arith.constant 0 : index
    %get3A_0 = arith.constant 0 : index
    %get3A_1 = vector.load %arg2[%get3A, %get3A_0] : memref<2000x128xf32, #tpu.memory_space<vmem>>, vector<2000x128xf32>
    %get3A_2 = arith.constant 0 : index
    %get3A_3 = arith.constant 0 : index
    %get3A_4 = vector.load %arg1[%get3A_2, %get3A_3] : memref<2000x128xf32, #tpu.memory_space<vmem>>, vector<2000x128xf32>
    %convert_element_type3A = arith.truncf %get3A_1 : vector<2000x128xf32> to vector<2000x128xbf16>
    %get3A_5 = arith.constant 0 : index
    %get3A_6 = arith.constant 0 : index
    %get3A_7 = vector.load %arg3[%get3A_5, %get3A_6] : memref<128x128xf32, #tpu.memory_space<vmem>>, vector<128x128xf32>
    %convert_element_type3A_8 = arith.truncf %get3A_7 : vector<128x128xf32> to vector<128x128xbf16>
    %dot_general3A = arith.constant dense<0.000000e+00> : vector<2000x128xf32>
    %dot_general3A_9 = tpu.matmul %convert_element_type3A, %convert_element_type3A_8, %dot_general3A {dimension_numbers = #tpu.dot_dimension_numbers<[1], [0], [0], [1], [0, 0, 1, 1], [], []>, transpose_lhs_hint = false} : vector<2000x128xbf16>, vector<128x128xbf16>, vector<2000x128xf32> -> vector<2000x128xf32>
    %add3A = arith.addf %get3A_4, %dot_general3A_9 : vector<2000x128xf32>
    %get3A_10 = arith.constant 0 : index
    %get3A_11 = arith.constant 0 : index
    %get3A_12 = vector.load %arg4[%get3A_10, %get3A_11] : memref<1x128xf32, #tpu.memory_space<vmem>>, vector<1x128xf32>
    %add3A_13 = vector.broadcast %get3A_12 : vector<1x128xf32> to vector<2000x128xf32>
    %add3A_14 = arith.addf %add3A, %add3A_13 : vector<2000x128xf32>
    %max3A = arith.constant 0.000000e+00 : f32
    %max3A_15 = vector.broadcast %max3A : f32 to vector<2000x128xf32>
    %max3A_16 = arith.maximumf %add3A_14, %max3A_15 : vector<2000x128xf32>
    %convert_element_type3A_17 = arith.truncf %max3A_16 : vector<2000x128xf32> to vector<2000x128xbf16>
    %get3A_18 = arith.constant 0 : index
    %get3A_19 = arith.constant 0 : index
    %get3A_20 = vector.load %arg5[%get3A_18, %get3A_19] : memref<128x128xf32, #tpu.memory_space<vmem>>, vector<128x128xf32>
    %convert_element_type3A_21 = arith.truncf %get3A_20 : vector<128x128xf32> to vector<128x128xbf16>
    %dot_general3A_22 = arith.constant dense<0.000000e+00> : vector<2000x128xf32>
    %dot_general3A_23 = tpu.matmul %convert_element_type3A_17, %convert_element_type3A_21, %dot_general3A_22 {dimension_numbers = #tpu.dot_dimension_numbers<[1], [0], [0], [1], [0, 0, 1, 1], [], []>, transpose_lhs_hint = false} : vector<2000x128xbf16>, vector<128x128xbf16>, vector<2000x128xf32> -> vector<2000x128xf32>
    %get3A_24 = arith.constant 0 : index
    %get3A_25 = arith.constant 0 : index
    %get3A_26 = vector.load %arg6[%get3A_24, %get3A_25] : memref<1x128xf32, #tpu.memory_space<vmem>>, vector<1x128xf32>
    %add3A_27 = vector.broadcast %get3A_26 : vector<1x128xf32> to vector<2000x128xf32>
    %add3A_28 = arith.addf %dot_general3A_23, %add3A_27 : vector<2000x128xf32>
    %reduce_sum3A = arith.constant dense<0.000000e+00> : vector<2000xf32>
    %reduce_sum3A_29 = vector.multi_reduction <add>, %add3A_28, %reduce_sum3A [1] : vector<2000x128xf32> to vector<2000xf32>
    %broadcast_in_dim3A = vector.shape_cast %reduce_sum3A_29 : vector<2000xf32> to vector<2000x1xf32>
    %div3A = arith.constant 1.280000e+02 : f32
    %div3A_30 = vector.broadcast %div3A : f32 to vector<2000x1xf32>
    %div3A_31 = arith.divf %broadcast_in_dim3A, %div3A_30 : vector<2000x1xf32>
    %sub3A = vector.broadcast %div3A_31 : vector<2000x1xf32> to vector<2000x128xf32>
    %sub3A_32 = arith.subf %add3A_28, %sub3A : vector<2000x128xf32>
    %integer_pow3A = arith.mulf %sub3A_32, %sub3A_32 : vector<2000x128xf32>
    %reduce_sum3A_33 = arith.constant dense<0.000000e+00> : vector<2000xf32>
    %reduce_sum3A_34 = vector.multi_reduction <add>, %integer_pow3A, %reduce_sum3A_33 [1] : vector<2000x128xf32> to vector<2000xf32>
    %broadcast_in_dim3A_35 = vector.shape_cast %reduce_sum3A_34 : vector<2000xf32> to vector<2000x1xf32>
    %div3A_36 = arith.constant 1.280000e+02 : f32
    %div3A_37 = vector.broadcast %div3A_36 : f32 to vector<2000x1xf32>
    %div3A_38 = arith.divf %broadcast_in_dim3A_35, %div3A_37 : vector<2000x1xf32>
    %sub3A_39 = vector.broadcast %div3A_31 : vector<2000x1xf32> to vector<2000x128xf32>
    %sub3A_40 = arith.subf %add3A_28, %sub3A_39 : vector<2000x128xf32>
    %add3A_41 = arith.constant 9.99999974E-6 : f32
    %add3A_42 = vector.broadcast %add3A_41 : f32 to vector<2000x1xf32>
    %add3A_43 = arith.addf %div3A_38, %add3A_42 : vector<2000x1xf32>
    %rsqrt3A = math.rsqrt %add3A_43 : vector<2000x1xf32>
    %mul3A = vector.broadcast %rsqrt3A : vector<2000x1xf32> to vector<2000x128xf32>
    %mul3A_44 = arith.mulf %sub3A_40, %mul3A : vector<2000x128xf32>
    %get3A_45 = arith.constant 0 : index
    %get3A_46 = arith.constant 0 : index
    %get3A_47 = vector.load %arg7[%get3A_45, %get3A_46] : memref<1x128xf32, #tpu.memory_space<vmem>>, vector<1x128xf32>
    %mul3A_48 = vector.broadcast %get3A_47 : vector<1x128xf32> to vector<2000x128xf32>
    %mul3A_49 = arith.mulf %mul3A_44, %mul3A_48 : vector<2000x128xf32>
    %get3A_50 = arith.constant 0 : index
    %get3A_51 = arith.constant 0 : index
    %get3A_52 = vector.load %arg8[%get3A_50, %get3A_51] : memref<1x128xf32, #tpu.memory_space<vmem>>, vector<1x128xf32>
    %add3A_53 = vector.broadcast %get3A_52 : vector<1x128xf32> to vector<2000x128xf32>
    %add3A_54 = arith.addf %mul3A_49, %add3A_53 : vector<2000x128xf32>
    %swap3A = arith.constant 0 : index
    %swap3A_55 = arith.constant 0 : index
    %swap3A_56 = vector.load %arg9[%swap3A, %swap3A_55] : memref<2000x128xf32, #tpu.memory_space<vmem>>, vector<2000x128xf32>
    tpu.vector_store %arg9[%swap3A, %swap3A_55], %add3A_54 {strides = array<i32>} : memref<2000x128xf32, #tpu.memory_space<vmem>>, vector<2000x128xf32>,
    %add3A_57 = arith.addf %add3A_54, %get3A_1 : vector<2000x128xf32>
    %swap3A_58 = arith.constant 0 : index
    %swap3A_59 = arith.constant 0 : index
    %swap3A_60 = vector.load %arg10[%swap3A_58, %swap3A_59] : memref<2000x128xf32, #tpu.memory_space<vmem>>, vector<2000x128xf32>
    tpu.vector_store %arg10[%swap3A_58, %swap3A_59], %add3A_57 {strides = array<i32>} : memref<2000x128xf32, #tpu.memory_space<vmem>>, vector<2000x128xf32>,
    return
  }
  func.func @transform_0(%arg0: i32) -> (i32, i32) {
    %c0_i32 = arith.constant 0 : i32
    %c0_i32_0 = arith.constant 0 : i32
    return %arg0, %c0_i32 : i32, i32
  }
  func.func @transform_1(%arg0: i32) -> (i32, i32) {
    %c0_i32 = arith.constant 0 : i32
    %c0_i32_0 = arith.constant 0 : i32
    return %arg0, %c0_i32 : i32, i32
  }
  func.func @transform_2(%arg0: i32) -> (i32, i32) {
    %c0_i32 = arith.constant 0 : i32
    %c0_i32_0 = arith.constant 0 : i32
    %c0_i32_1 = arith.constant 0 : i32
    return %c0_i32, %c0_i32_0 : i32, i32
  }
  func.func @transform_3(%arg0: i32) -> (i32, i32) {
    %c0_i32 = arith.constant 0 : i32
    %c0_i32_0 = arith.constant 0 : i32
    %c0_i32_1 = arith.constant 0 : i32
    return %c0_i32, %c0_i32_0 : i32, i32
  }
  func.func @transform_4(%arg0: i32) -> (i32, i32) {
    %c0_i32 = arith.constant 0 : i32
    %c0_i32_0 = arith.constant 0 : i32
    %c0_i32_1 = arith.constant 0 : i32
    return %c0_i32, %c0_i32_0 : i32, i32
  }
  func.func @transform_5(%arg0: i32) -> (i32, i32) {
    %c0_i32 = arith.constant 0 : i32
    %c0_i32_0 = arith.constant 0 : i32
    %c0_i32_1 = arith.constant 0 : i32
    return %c0_i32, %c0_i32_0 : i32, i32
  }
  func.func @transform_6(%arg0: i32) -> (i32, i32) {
    %c0_i32 = arith.constant 0 : i32
    %c0_i32_0 = arith.constant 0 : i32
    %c0_i32_1 = arith.constant 0 : i32
    return %c0_i32, %c0_i32_0 : i32, i32
  }
  func.func @transform_7(%arg0: i32) -> (i32, i32) {
    %c0_i32 = arith.constant 0 : i32
    %c0_i32_0 = arith.constant 0 : i32
    %c0_i32_1 = arith.constant 0 : i32
    return %c0_i32, %c0_i32_0 : i32, i32
  }
  func.func @transform_8(%arg0: i32) -> (i32, i32) {
    %c0_i32 = arith.constant 0 : i32
    %c0_i32_0 = arith.constant 0 : i32
    return %arg0, %c0_i32 : i32, i32
  }
  func.func @transform_9(%arg0: i32) -> (i32, i32) {
    %c0_i32 = arith.constant 0 : i32
    %c0_i32_0 = arith.constant 0 : i32
    return %arg0, %c0_i32 : i32, i32
  }
}

module attributes {stable_mosaic.version = 14 : i64} {
  func.func @body(%arg0: i32, %arg1: memref<2000x128xf32, #tpu.memory_space<vmem>>, %arg2: memref<4x128x128xf32, #tpu.memory_space<vmem>>, %arg3: memref<2000x128xf32, #tpu.memory_space<vmem>>, %arg4: memref<2000x128xf32, #tpu.memory_space<vmem>>, %arg5: memref<2000x128xf32, #tpu.memory_space<vmem>>, %arg6: memref<2000x128xf32, #tpu.memory_space<vmem>>) attributes {dimension_semantics = [#tpu.dimension_semantics<arbitrary>], iteration_bounds = array<i64: 5>, scalar_prefetch = 0 : i64, scratch_operands = 0 : i64, tpu.core_type = #tpu.core_type<tc>, window_params = [{transform_indices = @transform_0, window_bounds = array<i64: 2000, 128>}, {pipeline_mode = #tpu.pipeline_mode<synchronous>, transform_indices = @transform_1, window_bounds = array<i64: 4, 128, 128>}, {transform_indices = @transform_2, window_bounds = array<i64: 2000, 128>}, {transform_indices = @transform_3, window_bounds = array<i64: 2000, 128>}, {transform_indices = @transform_4, window_bounds = array<i64: 2000, 128>}, {transform_indices = @transform_5, window_bounds = array<i64: 2000, 128>}]} {
    %get3A = arith.constant 0 : index
    %get3A_0 = arith.constant 0 : index
    %get3A_1 = vector.load %arg1[%get3A, %get3A_0] : memref<2000x128xf32, #tpu.memory_space<vmem>>, vector<2000x128xf32>
    %convert_element_type3A = arith.truncf %get3A_1 : vector<2000x128xf32> to vector<2000x128xbf16>
    %get3A_2 = arith.constant 0 : index
    %get3A_3 = arith.constant 0 : index
    %get3A_4 = arith.constant 0 : index
    %get3A_5 = vector.load %arg2[%get3A_2, %get3A_3, %get3A_4] : memref<4x128x128xf32, #tpu.memory_space<vmem>>, vector<1x128x128xf32>
    %get3A_6 = vector.shape_cast %get3A_5 : vector<1x128x128xf32> to vector<128x128xf32>
    %convert_element_type3A_7 = arith.truncf %get3A_6 : vector<128x128xf32> to vector<128x128xbf16>
    %dot_general3A = arith.constant dense<0.000000e+00> : vector<2000x128xf32>
    %dot_general3A_8 = tpu.matmul %convert_element_type3A, %convert_element_type3A_7, %dot_general3A {dimension_numbers = #tpu.dot_dimension_numbers<[1], [0], [0], [1], [0, 0, 1, 1], [], []>, transpose_lhs_hint = false} : vector<2000x128xbf16>, vector<128x128xbf16>, vector<2000x128xf32> -> vector<2000x128xf32>
    %swap3A = arith.constant 0 : index
    %swap3A_9 = arith.constant 0 : index
    %swap3A_10 = vector.load %arg3[%swap3A, %swap3A_9] : memref<2000x128xf32, #tpu.memory_space<vmem>>, vector<2000x128xf32>
    tpu.vector_store %arg3[%swap3A, %swap3A_9], %dot_general3A_8 {strides = array<i32>} : memref<2000x128xf32, #tpu.memory_space<vmem>>, vector<2000x128xf32>,
    %get3A_11 = arith.constant 1 : index
    %get3A_12 = arith.constant 0 : index
    %get3A_13 = arith.constant 0 : index
    %get3A_14 = vector.load %arg2[%get3A_11, %get3A_12, %get3A_13] : memref<4x128x128xf32, #tpu.memory_space<vmem>>, vector<1x128x128xf32>
    %get3A_15 = vector.shape_cast %get3A_14 : vector<1x128x128xf32> to vector<128x128xf32>
    %convert_element_type3A_16 = arith.truncf %get3A_15 : vector<128x128xf32> to vector<128x128xbf16>
    %dot_general3A_17 = arith.constant dense<0.000000e+00> : vector<2000x128xf32>
    %dot_general3A_18 = tpu.matmul %convert_element_type3A, %convert_element_type3A_16, %dot_general3A_17 {dimension_numbers = #tpu.dot_dimension_numbers<[1], [0], [0], [1], [0, 0, 1, 1], [], []>, transpose_lhs_hint = false} : vector<2000x128xbf16>, vector<128x128xbf16>, vector<2000x128xf32> -> vector<2000x128xf32>
    %swap3A_19 = arith.constant 0 : index
    %swap3A_20 = arith.constant 0 : index
    %swap3A_21 = vector.load %arg4[%swap3A_19, %swap3A_20] : memref<2000x128xf32, #tpu.memory_space<vmem>>, vector<2000x128xf32>
    tpu.vector_store %arg4[%swap3A_19, %swap3A_20], %dot_general3A_18 {strides = array<i32>} : memref<2000x128xf32, #tpu.memory_space<vmem>>, vector<2000x128xf32>,
    %get3A_22 = arith.constant 2 : index
    %get3A_23 = arith.constant 0 : index
    %get3A_24 = arith.constant 0 : index
    %get3A_25 = vector.load %arg2[%get3A_22, %get3A_23, %get3A_24] : memref<4x128x128xf32, #tpu.memory_space<vmem>>, vector<1x128x128xf32>
    %get3A_26 = vector.shape_cast %get3A_25 : vector<1x128x128xf32> to vector<128x128xf32>
    %convert_element_type3A_27 = arith.truncf %get3A_26 : vector<128x128xf32> to vector<128x128xbf16>
    %dot_general3A_28 = arith.constant dense<0.000000e+00> : vector<2000x128xf32>
    %dot_general3A_29 = tpu.matmul %convert_element_type3A, %convert_element_type3A_27, %dot_general3A_28 {dimension_numbers = #tpu.dot_dimension_numbers<[1], [0], [0], [1], [0, 0, 1, 1], [], []>, transpose_lhs_hint = false} : vector<2000x128xbf16>, vector<128x128xbf16>, vector<2000x128xf32> -> vector<2000x128xf32>
    %swap3A_30 = arith.constant 0 : index
    %swap3A_31 = arith.constant 0 : index
    %swap3A_32 = vector.load %arg5[%swap3A_30, %swap3A_31] : memref<2000x128xf32, #tpu.memory_space<vmem>>, vector<2000x128xf32>
    tpu.vector_store %arg5[%swap3A_30, %swap3A_31], %dot_general3A_29 {strides = array<i32>} : memref<2000x128xf32, #tpu.memory_space<vmem>>, vector<2000x128xf32>,
    %get3A_33 = arith.constant 3 : index
    %get3A_34 = arith.constant 0 : index
    %get3A_35 = arith.constant 0 : index
    %get3A_36 = vector.load %arg2[%get3A_33, %get3A_34, %get3A_35] : memref<4x128x128xf32, #tpu.memory_space<vmem>>, vector<1x128x128xf32>
    %get3A_37 = vector.shape_cast %get3A_36 : vector<1x128x128xf32> to vector<128x128xf32>
    %convert_element_type3A_38 = arith.truncf %get3A_37 : vector<128x128xf32> to vector<128x128xbf16>
    %dot_general3A_39 = arith.constant dense<0.000000e+00> : vector<2000x128xf32>
    %dot_general3A_40 = tpu.matmul %convert_element_type3A, %convert_element_type3A_38, %dot_general3A_39 {dimension_numbers = #tpu.dot_dimension_numbers<[1], [0], [0], [1], [0, 0, 1, 1], [], []>, transpose_lhs_hint = false} : vector<2000x128xbf16>, vector<128x128xbf16>, vector<2000x128xf32> -> vector<2000x128xf32>
    %swap3A_41 = arith.constant 0 : index
    %swap3A_42 = arith.constant 0 : index
    %swap3A_43 = vector.load %arg6[%swap3A_41, %swap3A_42] : memref<2000x128xf32, #tpu.memory_space<vmem>>, vector<2000x128xf32>
    tpu.vector_store %arg6[%swap3A_41, %swap3A_42], %dot_general3A_40 {strides = array<i32>} : memref<2000x128xf32, #tpu.memory_space<vmem>>, vector<2000x128xf32>,
    return
  }
  func.func @transform_0(%arg0: i32) -> (i32, i32) {
    %c0_i32 = arith.constant 0 : i32
    %c0_i32_0 = arith.constant 0 : i32
    return %arg0, %c0_i32 : i32, i32
  }
  func.func @transform_1(%arg0: i32) -> (i32, i32, i32) {
    %c0_i32 = arith.constant 0 : i32
    %c0_i32_0 = arith.constant 0 : i32
    %c0_i32_1 = arith.constant 0 : i32
    %c0_i32_2 = arith.constant 0 : i32
    return %c0_i32, %c0_i32_0, %c0_i32_1 : i32, i32, i32
  }
  func.func @transform_2(%arg0: i32) -> (i32, i32) {
    %c0_i32 = arith.constant 0 : i32
    %c0_i32_0 = arith.constant 0 : i32
    return %arg0, %c0_i32 : i32, i32
  }
  func.func @transform_3(%arg0: i32) -> (i32, i32) {
    %c0_i32 = arith.constant 0 : i32
    %c0_i32_0 = arith.constant 0 : i32
    return %arg0, %c0_i32 : i32, i32
  }
  func.func @transform_4(%arg0: i32) -> (i32, i32) {
    %c0_i32 = arith.constant 0 : i32
    %c0_i32_0 = arith.constant 0 : i32
    return %arg0, %c0_i32 : i32, i32
  }
  func.func @transform_5(%arg0: i32) -> (i32, i32) {
    %c0_i32 = arith.constant 0 : i32
    %c0_i32_0 = arith.constant 0 : i32
    return %arg0, %c0_i32 : i32, i32
  }
}

module attributes {stable_mosaic.version = 14 : i64} {
  func.func @body(%arg0: i32, %arg1: memref<2000x128xf32, #tpu.memory_space<vmem>>, %arg2: memref<2000x128xf32, #tpu.memory_space<vmem>>, %arg3: memref<128x128xf32, #tpu.memory_space<vmem>>, %arg4: memref<1x128xf32, #tpu.memory_space<vmem>>, %arg5: memref<128x128xf32, #tpu.memory_space<vmem>>, %arg6: memref<1x128xf32, #tpu.memory_space<vmem>>, %arg7: memref<1x128xf32, #tpu.memory_space<vmem>>, %arg8: memref<1x128xf32, #tpu.memory_space<vmem>>, %arg9: memref<2000x128xf32, #tpu.memory_space<vmem>>, %arg10: memref<2000x128xf32, #tpu.memory_space<vmem>>) attributes {dimension_semantics = [#tpu.dimension_semantics<arbitrary>], iteration_bounds = array<i64: 80>, scalar_prefetch = 0 : i64, scratch_operands = 0 : i64, tpu.core_type = #tpu.core_type<tc>, window_params = [{transform_indices = @transform_0, window_bounds = array<i64: 2000, 128>}, {transform_indices = @transform_1, window_bounds = array<i64: 2000, 128>}, {pipeline_mode = #tpu.pipeline_mode<synchronous>, transform_indices = @transform_2, window_bounds = array<i64: 128, 128>}, {pipeline_mode = #tpu.pipeline_mode<synchronous>, transform_indices = @transform_3, window_bounds = array<i64: 1, 128>}, {pipeline_mode = #tpu.pipeline_mode<synchronous>, transform_indices = @transform_4, window_bounds = array<i64: 128, 128>}, {pipeline_mode = #tpu.pipeline_mode<synchronous>, transform_indices = @transform_5, window_bounds = array<i64: 1, 128>}, {pipeline_mode = #tpu.pipeline_mode<synchronous>, transform_indices = @transform_6, window_bounds = array<i64: 1, 128>}, {pipeline_mode = #tpu.pipeline_mode<synchronous>, transform_indices = @transform_7, window_bounds = array<i64: 1, 128>}, {transform_indices = @transform_8, window_bounds = array<i64: 2000, 128>}, {transform_indices = @transform_9, window_bounds = array<i64: 2000, 128>}]} {
    %get3A = arith.constant 0 : index
    %get3A_0 = arith.constant 0 : index
    %get3A_1 = vector.load %arg2[%get3A, %get3A_0] : memref<2000x128xf32, #tpu.memory_space<vmem>>, vector<2000x128xf32>
    %get3A_2 = arith.constant 0 : index
    %get3A_3 = arith.constant 0 : index
    %get3A_4 = vector.load %arg1[%get3A_2, %get3A_3] : memref<2000x128xf32, #tpu.memory_space<vmem>>, vector<2000x128xf32>
    %convert_element_type3A = arith.truncf %get3A_1 : vector<2000x128xf32> to vector<2000x128xbf16>
    %get3A_5 = arith.constant 0 : index
    %get3A_6 = arith.constant 0 : index
    %get3A_7 = vector.load %arg3[%get3A_5, %get3A_6] : memref<128x128xf32, #tpu.memory_space<vmem>>, vector<128x128xf32>
    %convert_element_type3A_8 = arith.truncf %get3A_7 : vector<128x128xf32> to vector<128x128xbf16>
    %dot_general3A = arith.constant dense<0.000000e+00> : vector<2000x128xf32>
    %dot_general3A_9 = tpu.matmul %convert_element_type3A, %convert_element_type3A_8, %dot_general3A {dimension_numbers = #tpu.dot_dimension_numbers<[1], [0], [0], [1], [0, 0, 1, 1], [], []>, transpose_lhs_hint = false} : vector<2000x128xbf16>, vector<128x128xbf16>, vector<2000x128xf32> -> vector<2000x128xf32>
    %add3A = arith.addf %get3A_4, %dot_general3A_9 : vector<2000x128xf32>
    %get3A_10 = arith.constant 0 : index
    %get3A_11 = arith.constant 0 : index
    %get3A_12 = vector.load %arg4[%get3A_10, %get3A_11] : memref<1x128xf32, #tpu.memory_space<vmem>>, vector<1x128xf32>
    %add3A_13 = vector.broadcast %get3A_12 : vector<1x128xf32> to vector<2000x128xf32>
    %add3A_14 = arith.addf %add3A, %add3A_13 : vector<2000x128xf32>
    %max3A = arith.constant 0.000000e+00 : f32
    %max3A_15 = vector.broadcast %max3A : f32 to vector<2000x128xf32>
    %max3A_16 = arith.maximumf %add3A_14, %max3A_15 : vector<2000x128xf32>
    %convert_element_type3A_17 = arith.truncf %max3A_16 : vector<2000x128xf32> to vector<2000x128xbf16>
    %get3A_18 = arith.constant 0 : index
    %get3A_19 = arith.constant 0 : index
    %get3A_20 = vector.load %arg5[%get3A_18, %get3A_19] : memref<128x128xf32, #tpu.memory_space<vmem>>, vector<128x128xf32>
    %convert_element_type3A_21 = arith.truncf %get3A_20 : vector<128x128xf32> to vector<128x128xbf16>
    %dot_general3A_22 = arith.constant dense<0.000000e+00> : vector<2000x128xf32>
    %dot_general3A_23 = tpu.matmul %convert_element_type3A_17, %convert_element_type3A_21, %dot_general3A_22 {dimension_numbers = #tpu.dot_dimension_numbers<[1], [0], [0], [1], [0, 0, 1, 1], [], []>, transpose_lhs_hint = false} : vector<2000x128xbf16>, vector<128x128xbf16>, vector<2000x128xf32> -> vector<2000x128xf32>
    %get3A_24 = arith.constant 0 : index
    %get3A_25 = arith.constant 0 : index
    %get3A_26 = vector.load %arg6[%get3A_24, %get3A_25] : memref<1x128xf32, #tpu.memory_space<vmem>>, vector<1x128xf32>
    %add3A_27 = vector.broadcast %get3A_26 : vector<1x128xf32> to vector<2000x128xf32>
    %add3A_28 = arith.addf %dot_general3A_23, %add3A_27 : vector<2000x128xf32>
    %reduce_sum3A = arith.constant dense<0.000000e+00> : vector<2000xf32>
    %reduce_sum3A_29 = vector.multi_reduction <add>, %add3A_28, %reduce_sum3A [1] : vector<2000x128xf32> to vector<2000xf32>
    %broadcast_in_dim3A = vector.shape_cast %reduce_sum3A_29 : vector<2000xf32> to vector<2000x1xf32>
    %div3A = arith.constant 1.280000e+02 : f32
    %div3A_30 = vector.broadcast %div3A : f32 to vector<2000x1xf32>
    %div3A_31 = arith.divf %broadcast_in_dim3A, %div3A_30 : vector<2000x1xf32>
    %sub3A = vector.broadcast %div3A_31 : vector<2000x1xf32> to vector<2000x128xf32>
    %sub3A_32 = arith.subf %add3A_28, %sub3A : vector<2000x128xf32>
    %integer_pow3A = arith.mulf %sub3A_32, %sub3A_32 : vector<2000x128xf32>
    %reduce_sum3A_33 = arith.constant dense<0.000000e+00> : vector<2000xf32>
    %reduce_sum3A_34 = vector.multi_reduction <add>, %integer_pow3A, %reduce_sum3A_33 [1] : vector<2000x128xf32> to vector<2000xf32>
    %broadcast_in_dim3A_35 = vector.shape_cast %reduce_sum3A_34 : vector<2000xf32> to vector<2000x1xf32>
    %div3A_36 = arith.constant 1.280000e+02 : f32
    %div3A_37 = vector.broadcast %div3A_36 : f32 to vector<2000x1xf32>
    %div3A_38 = arith.divf %broadcast_in_dim3A_35, %div3A_37 : vector<2000x1xf32>
    %sub3A_39 = vector.broadcast %div3A_31 : vector<2000x1xf32> to vector<2000x128xf32>
    %sub3A_40 = arith.subf %add3A_28, %sub3A_39 : vector<2000x128xf32>
    %add3A_41 = arith.constant 9.99999974E-6 : f32
    %add3A_42 = vector.broadcast %add3A_41 : f32 to vector<2000x1xf32>
    %add3A_43 = arith.addf %div3A_38, %add3A_42 : vector<2000x1xf32>
    %rsqrt3A = math.rsqrt %add3A_43 : vector<2000x1xf32>
    %mul3A = vector.broadcast %rsqrt3A : vector<2000x1xf32> to vector<2000x128xf32>
    %mul3A_44 = arith.mulf %sub3A_40, %mul3A : vector<2000x128xf32>
    %get3A_45 = arith.constant 0 : index
    %get3A_46 = arith.constant 0 : index
    %get3A_47 = vector.load %arg7[%get3A_45, %get3A_46] : memref<1x128xf32, #tpu.memory_space<vmem>>, vector<1x128xf32>
    %mul3A_48 = vector.broadcast %get3A_47 : vector<1x128xf32> to vector<2000x128xf32>
    %mul3A_49 = arith.mulf %mul3A_44, %mul3A_48 : vector<2000x128xf32>
    %get3A_50 = arith.constant 0 : index
    %get3A_51 = arith.constant 0 : index
    %get3A_52 = vector.load %arg8[%get3A_50, %get3A_51] : memref<1x128xf32, #tpu.memory_space<vmem>>, vector<1x128xf32>
    %add3A_53 = vector.broadcast %get3A_52 : vector<1x128xf32> to vector<2000x128xf32>
    %add3A_54 = arith.addf %mul3A_49, %add3A_53 : vector<2000x128xf32>
    %swap3A = arith.constant 0 : index
    %swap3A_55 = arith.constant 0 : index
    %swap3A_56 = vector.load %arg9[%swap3A, %swap3A_55] : memref<2000x128xf32, #tpu.memory_space<vmem>>, vector<2000x128xf32>
    tpu.vector_store %arg9[%swap3A, %swap3A_55], %add3A_54 {strides = array<i32>} : memref<2000x128xf32, #tpu.memory_space<vmem>>, vector<2000x128xf32>,
    %add3A_57 = arith.addf %add3A_54, %get3A_1 : vector<2000x128xf32>
    %swap3A_58 = arith.constant 0 : index
    %swap3A_59 = arith.constant 0 : index
    %swap3A_60 = vector.load %arg10[%swap3A_58, %swap3A_59] : memref<2000x128xf32, #tpu.memory_space<vmem>>, vector<2000x128xf32>
    tpu.vector_store %arg10[%swap3A_58, %swap3A_59], %add3A_57 {strides = array<i32>} : memref<2000x128xf32, #tpu.memory_space<vmem>>, vector<2000x128xf32>,
    return
  }
  func.func @transform_0(%arg0: i32) -> (i32, i32) {
    %c0_i32 = arith.constant 0 : i32
    %c0_i32_0 = arith.constant 0 : i32
    return %arg0, %c0_i32 : i32, i32
  }
  func.func @transform_1(%arg0: i32) -> (i32, i32) {
    %c0_i32 = arith.constant 0 : i32
    %c0_i32_0 = arith.constant 0 : i32
    return %arg0, %c0_i32 : i32, i32
  }
  func.func @transform_2(%arg0: i32) -> (i32, i32) {
    %c0_i32 = arith.constant 0 : i32
    %c0_i32_0 = arith.constant 0 : i32
    %c0_i32_1 = arith.constant 0 : i32
    return %c0_i32, %c0_i32_0 : i32, i32
  }
  func.func @transform_3(%arg0: i32) -> (i32, i32) {
    %c0_i32 = arith.constant 0 : i32
    %c0_i32_0 = arith.constant 0 : i32
    %c0_i32_1 = arith.constant 0 : i32
    return %c0_i32, %c0_i32_0 : i32, i32
  }
  func.func @transform_4(%arg0: i32) -> (i32, i32) {
    %c0_i32 = arith.constant 0 : i32
    %c0_i32_0 = arith.constant 0 : i32
    %c0_i32_1 = arith.constant 0 : i32
    return %c0_i32, %c0_i32_0 : i32, i32
  }
  func.func @transform_5(%arg0: i32) -> (i32, i32) {
    %c0_i32 = arith.constant 0 : i32
    %c0_i32_0 = arith.constant 0 : i32
    %c0_i32_1 = arith.constant 0 : i32
    return %c0_i32, %c0_i32_0 : i32, i32
  }
  func.func @transform_6(%arg0: i32) -> (i32, i32) {
    %c0_i32 = arith.constant 0 : i32
    %c0_i32_0 = arith.constant 0 : i32
    %c0_i32_1 = arith.constant 0 : i32
    return %c0_i32, %c0_i32_0 : i32, i32
  }
  func.func @transform_7(%arg0: i32) -> (i32, i32) {
    %c0_i32 = arith.constant 0 : i32
    %c0_i32_0 = arith.constant 0 : i32
    %c0_i32_1 = arith.constant 0 : i32
    return %c0_i32, %c0_i32_0 : i32, i32
  }
  func.func @transform_8(%arg0: i32) -> (i32, i32) {
    %c0_i32 = arith.constant 0 : i32
    %c0_i32_0 = arith.constant 0 : i32
    return %arg0, %c0_i32 : i32, i32
  }
  func.func @transform_9(%arg0: i32) -> (i32, i32) {
    %c0_i32 = arith.constant 0 : i32
    %c0_i32_0 = arith.constant 0 : i32
    return %arg0, %c0_i32 : i32, i32
  }
}

module attributes {stable_mosaic.version = 14 : i64} {
  func.func @body(%arg0: i32, %arg1: memref<1000x128xf32, #tpu.memory_space<vmem>>, %arg2: memref<1000x128xf32, #tpu.memory_space<vmem>>, %arg3: memref<1000x128xf32, #tpu.memory_space<vmem>>, %arg4: memref<1000x128xf32, #tpu.memory_space<vmem>>, %arg5: memref<1000x128xf32, #tpu.memory_space<vmem>>, %arg6: memref<3x128x128xf32, #tpu.memory_space<vmem>>, %arg7: memref<1x128xf32, #tpu.memory_space<vmem>>, %arg8: memref<128x128xf32, #tpu.memory_space<vmem>>, %arg9: memref<1x128xf32, #tpu.memory_space<vmem>>, %arg10: memref<1x128xf32, #tpu.memory_space<vmem>>, %arg11: memref<1x128xf32, #tpu.memory_space<vmem>>, %arg12: memref<1000x128xf32, #tpu.memory_space<vmem>>) attributes {dimension_semantics = [#tpu.dimension_semantics<arbitrary>], iteration_bounds = array<i64: 10>, scalar_prefetch = 0 : i64, scratch_operands = 0 : i64, tpu.core_type = #tpu.core_type<tc>, window_params = [{transform_indices = @transform_0, window_bounds = array<i64: 1000, 128>}, {transform_indices = @transform_1, window_bounds = array<i64: 1000, 128>}, {transform_indices = @transform_2, window_bounds = array<i64: 1000, 128>}, {transform_indices = @transform_3, window_bounds = array<i64: 1000, 128>}, {transform_indices = @transform_4, window_bounds = array<i64: 1000, 128>}, {pipeline_mode = #tpu.pipeline_mode<synchronous>, transform_indices = @transform_5, window_bounds = array<i64: 3, 128, 128>}, {pipeline_mode = #tpu.pipeline_mode<synchronous>, transform_indices = @transform_6, window_bounds = array<i64: 1, 128>}, {pipeline_mode = #tpu.pipeline_mode<synchronous>, transform_indices = @transform_7, window_bounds = array<i64: 128, 128>}, {pipeline_mode = #tpu.pipeline_mode<synchronous>, transform_indices = @transform_8, window_bounds = array<i64: 1, 128>}, {pipeline_mode = #tpu.pipeline_mode<synchronous>, transform_indices = @transform_9, window_bounds = array<i64: 1, 128>}, {pipeline_mode = #tpu.pipeline_mode<synchronous>, transform_indices = @transform_10, window_bounds = array<i64: 1, 128>}, {transform_indices = @transform_11, window_bounds = array<i64: 1000, 128>}]} {
    %get3A = arith.constant 0 : index
    %get3A_0 = arith.constant 0 : index
    %get3A_1 = vector.load %arg1[%get3A, %get3A_0] : memref<1000x128xf32, #tpu.memory_space<vmem>>, vector<1000x128xf32>
    %get3A_2 = arith.constant 0 : index
    %get3A_3 = arith.constant 0 : index
    %get3A_4 = vector.load %arg2[%get3A_2, %get3A_3] : memref<1000x128xf32, #tpu.memory_space<vmem>>, vector<1000x128xf32>
    %get3A_5 = arith.constant 0 : index
    %get3A_6 = arith.constant 0 : index
    %get3A_7 = vector.load %arg3[%get3A_5, %get3A_6] : memref<1000x128xf32, #tpu.memory_space<vmem>>, vector<1000x128xf32>
    %add3A = arith.addf %get3A_4, %get3A_7 : vector<1000x128xf32>
    %get3A_8 = arith.constant 0 : index
    %get3A_9 = arith.constant 0 : index
    %get3A_10 = vector.load %arg4[%get3A_8, %get3A_9] : memref<1000x128xf32, #tpu.memory_space<vmem>>, vector<1000x128xf32>
    %get3A_11 = arith.constant 0 : index
    %get3A_12 = arith.constant 0 : index
    %get3A_13 = vector.load %arg5[%get3A_11, %get3A_12] : memref<1000x128xf32, #tpu.memory_space<vmem>>, vector<1000x128xf32>
    %add3A_14 = arith.addf %get3A_10, %get3A_13 : vector<1000x128xf32>
    %get3A_15 = arith.constant 0 : index
    %get3A_16 = arith.constant 0 : index
    %get3A_17 = arith.constant 0 : index
    %get3A_18 = vector.load %arg6[%get3A_15, %get3A_16, %get3A_17] : memref<3x128x128xf32, #tpu.memory_space<vmem>>, vector<3x128x128xf32>
    %convert_element_type3A = arith.truncf %get3A_18 : vector<3x128x128xf32> to vector<3x128x128xbf16>
    %convert_element_type3A_19 = arith.truncf %get3A_1 : vector<1000x128xf32> to vector<1000x128xbf16>
    %slice3A = vector.extract_strided_slice %convert_element_type3A {offsets = [0, 0, 0], sizes = [1, 128, 128], strides = [1, 1, 1]} : vector<3x128x128xbf16> to vector<1x128x128xbf16>
    %squeeze3A = vector.shape_cast %slice3A : vector<1x128x128xbf16> to vector<128x128xbf16>
    %dot_general3A = arith.constant dense<0.000000e+00> : vector<1000x128xf32>
    %dot_general3A_20 = tpu.matmul %convert_element_type3A_19, %squeeze3A, %dot_general3A {dimension_numbers = #tpu.dot_dimension_numbers<[1], [0], [0], [1], [0, 0, 1, 1], [], []>, transpose_lhs_hint = false} : vector<1000x128xbf16>, vector<128x128xbf16>, vector<1000x128xf32> -> vector<1000x128xf32>
    %convert_element_type3A_21 = arith.truncf %add3A : vector<1000x128xf32> to vector<1000x128xbf16>
    %slice3A_22 = vector.extract_strided_slice %convert_element_type3A {offsets = [1, 0, 0], sizes = [1, 128, 128], strides = [1, 1, 1]} : vector<3x128x128xbf16> to vector<1x128x128xbf16>
    %squeeze3A_23 = vector.shape_cast %slice3A_22 : vector<1x128x128xbf16> to vector<128x128xbf16>
    %dot_general3A_24 = arith.constant dense<0.000000e+00> : vector<1000x128xf32>
    %dot_general3A_25 = tpu.matmul %convert_element_type3A_21, %squeeze3A_23, %dot_general3A_24 {dimension_numbers = #tpu.dot_dimension_numbers<[1], [0], [0], [1], [0, 0, 1, 1], [], []>, transpose_lhs_hint = false} : vector<1000x128xbf16>, vector<128x128xbf16>, vector<1000x128xf32> -> vector<1000x128xf32>
    %add3A_26 = arith.addf %dot_general3A_20, %dot_general3A_25 : vector<1000x128xf32>
    %convert_element_type3A_27 = arith.truncf %add3A_14 : vector<1000x128xf32> to vector<1000x128xbf16>
    %slice3A_28 = vector.extract_strided_slice %convert_element_type3A {offsets = [2, 0, 0], sizes = [1, 128, 128], strides = [1, 1, 1]} : vector<3x128x128xbf16> to vector<1x128x128xbf16>
    %squeeze3A_29 = vector.shape_cast %slice3A_28 : vector<1x128x128xbf16> to vector<128x128xbf16>
    %dot_general3A_30 = arith.constant dense<0.000000e+00> : vector<1000x128xf32>
    %dot_general3A_31 = tpu.matmul %convert_element_type3A_27, %squeeze3A_29, %dot_general3A_30 {dimension_numbers = #tpu.dot_dimension_numbers<[1], [0], [0], [1], [0, 0, 1, 1], [], []>, transpose_lhs_hint = false} : vector<1000x128xbf16>, vector<128x128xbf16>, vector<1000x128xf32> -> vector<1000x128xf32>
    %add3A_32 = arith.addf %add3A_26, %dot_general3A_31 : vector<1000x128xf32>
    %get3A_33 = arith.constant 0 : index
    %get3A_34 = arith.constant 0 : index
    %get3A_35 = vector.load %arg7[%get3A_33, %get3A_34] : memref<1x128xf32, #tpu.memory_space<vmem>>, vector<1x128xf32>
    %add3A_36 = vector.broadcast %get3A_35 : vector<1x128xf32> to vector<1000x128xf32>
    %add3A_37 = arith.addf %add3A_32, %add3A_36 : vector<1000x128xf32>
    %max3A = arith.constant 0.000000e+00 : f32
    %max3A_38 = vector.broadcast %max3A : f32 to vector<1000x128xf32>
    %max3A_39 = arith.maximumf %add3A_37, %max3A_38 : vector<1000x128xf32>
    %convert_element_type3A_40 = arith.truncf %max3A_39 : vector<1000x128xf32> to vector<1000x128xbf16>
    %get3A_41 = arith.constant 0 : index
    %get3A_42 = arith.constant 0 : index
    %get3A_43 = vector.load %arg8[%get3A_41, %get3A_42] : memref<128x128xf32, #tpu.memory_space<vmem>>, vector<128x128xf32>
    %convert_element_type3A_44 = arith.truncf %get3A_43 : vector<128x128xf32> to vector<128x128xbf16>
    %dot_general3A_45 = arith.constant dense<0.000000e+00> : vector<1000x128xf32>
    %dot_general3A_46 = tpu.matmul %convert_element_type3A_40, %convert_element_type3A_44, %dot_general3A_45 {dimension_numbers = #tpu.dot_dimension_numbers<[1], [0], [0], [1], [0, 0, 1, 1], [], []>, transpose_lhs_hint = false} : vector<1000x128xbf16>, vector<128x128xbf16>, vector<1000x128xf32> -> vector<1000x128xf32>
    %get3A_47 = arith.constant 0 : index
    %get3A_48 = arith.constant 0 : index
    %get3A_49 = vector.load %arg9[%get3A_47, %get3A_48] : memref<1x128xf32, #tpu.memory_space<vmem>>, vector<1x128xf32>
    %add3A_50 = vector.broadcast %get3A_49 : vector<1x128xf32> to vector<1000x128xf32>
    %add3A_51 = arith.addf %dot_general3A_46, %add3A_50 : vector<1000x128xf32>
    %reduce_sum3A = arith.constant dense<0.000000e+00> : vector<1000xf32>
    %reduce_sum3A_52 = vector.multi_reduction <add>, %add3A_51, %reduce_sum3A [1] : vector<1000x128xf32> to vector<1000xf32>
    %broadcast_in_dim3A = vector.shape_cast %reduce_sum3A_52 : vector<1000xf32> to vector<1000x1xf32>
    %div3A = arith.constant 1.280000e+02 : f32
    %div3A_53 = vector.broadcast %div3A : f32 to vector<1000x1xf32>
    %div3A_54 = arith.divf %broadcast_in_dim3A, %div3A_53 : vector<1000x1xf32>
    %sub3A = vector.broadcast %div3A_54 : vector<1000x1xf32> to vector<1000x128xf32>
    %sub3A_55 = arith.subf %add3A_51, %sub3A : vector<1000x128xf32>
    %integer_pow3A = arith.mulf %sub3A_55, %sub3A_55 : vector<1000x128xf32>
    %reduce_sum3A_56 = arith.constant dense<0.000000e+00> : vector<1000xf32>
    %reduce_sum3A_57 = vector.multi_reduction <add>, %integer_pow3A, %reduce_sum3A_56 [1] : vector<1000x128xf32> to vector<1000xf32>
    %broadcast_in_dim3A_58 = vector.shape_cast %reduce_sum3A_57 : vector<1000xf32> to vector<1000x1xf32>
    %div3A_59 = arith.constant 1.280000e+02 : f32
    %div3A_60 = vector.broadcast %div3A_59 : f32 to vector<1000x1xf32>
    %div3A_61 = arith.divf %broadcast_in_dim3A_58, %div3A_60 : vector<1000x1xf32>
    %sub3A_62 = vector.broadcast %div3A_54 : vector<1000x1xf32> to vector<1000x128xf32>
    %sub3A_63 = arith.subf %add3A_51, %sub3A_62 : vector<1000x128xf32>
    %add3A_64 = arith.constant 9.99999974E-6 : f32
    %add3A_65 = vector.broadcast %add3A_64 : f32 to vector<1000x1xf32>
    %add3A_66 = arith.addf %div3A_61, %add3A_65 : vector<1000x1xf32>
    %rsqrt3A = math.rsqrt %add3A_66 : vector<1000x1xf32>
    %mul3A = vector.broadcast %rsqrt3A : vector<1000x1xf32> to vector<1000x128xf32>
    %mul3A_67 = arith.mulf %sub3A_63, %mul3A : vector<1000x128xf32>
    %get3A_68 = arith.constant 0 : index
    %get3A_69 = arith.constant 0 : index
    %get3A_70 = vector.load %arg10[%get3A_68, %get3A_69] : memref<1x128xf32, #tpu.memory_space<vmem>>, vector<1x128xf32>
    %mul3A_71 = vector.broadcast %get3A_70 : vector<1x128xf32> to vector<1000x128xf32>
    %mul3A_72 = arith.mulf %mul3A_67, %mul3A_71 : vector<1000x128xf32>
    %get3A_73 = arith.constant 0 : index
    %get3A_74 = arith.constant 0 : index
    %get3A_75 = vector.load %arg11[%get3A_73, %get3A_74] : memref<1x128xf32, #tpu.memory_space<vmem>>, vector<1x128xf32>
    %add3A_76 = vector.broadcast %get3A_75 : vector<1x128xf32> to vector<1000x128xf32>
    %add3A_77 = arith.addf %mul3A_72, %add3A_76 : vector<1000x128xf32>
    %add3A_78 = arith.addf %add3A_77, %get3A_1 : vector<1000x128xf32>
    %swap3A = arith.constant 0 : index
    %swap3A_79 = arith.constant 0 : index
    %swap3A_80 = vector.load %arg12[%swap3A, %swap3A_79] : memref<1000x128xf32, #tpu.memory_space<vmem>>, vector<1000x128xf32>
    tpu.vector_store %arg12[%swap3A, %swap3A_79], %add3A_78 {strides = array<i32>} : memref<1000x128xf32, #tpu.memory_space<vmem>>, vector<1000x128xf32>,
    return
  }
  func.func @transform_0(%arg0: i32) -> (i32, i32) {
    %c0_i32 = arith.constant 0 : i32
    %c0_i32_0 = arith.constant 0 : i32
    return %arg0, %c0_i32 : i32, i32
  }
  func.func @transform_1(%arg0: i32) -> (i32, i32) {
    %c0_i32 = arith.constant 0 : i32
    %c0_i32_0 = arith.constant 0 : i32
    return %arg0, %c0_i32 : i32, i32
  }
  func.func @transform_2(%arg0: i32) -> (i32, i32) {
    %c0_i32 = arith.constant 0 : i32
    %c0_i32_0 = arith.constant 0 : i32
    return %arg0, %c0_i32 : i32, i32
  }
  func.func @transform_3(%arg0: i32) -> (i32, i32) {
    %c0_i32 = arith.constant 0 : i32
    %c0_i32_0 = arith.constant 0 : i32
    return %arg0, %c0_i32 : i32, i32
  }
  func.func @transform_4(%arg0: i32) -> (i32, i32) {
    %c0_i32 = arith.constant 0 : i32
    %c0_i32_0 = arith.constant 0 : i32
    return %arg0, %c0_i32 : i32, i32
  }
  func.func @transform_5(%arg0: i32) -> (i32, i32, i32) {
    %c0_i32 = arith.constant 0 : i32
    %c0_i32_0 = arith.constant 0 : i32
    %c0_i32_1 = arith.constant 0 : i32
    %c0_i32_2 = arith.constant 0 : i32
    return %c0_i32, %c0_i32_0, %c0_i32_1 : i32, i32, i32
  }
  func.func @transform_6(%arg0: i32) -> (i32, i32) {
    %c0_i32 = arith.constant 0 : i32
    %c0_i32_0 = arith.constant 0 : i32
    %c0_i32_1 = arith.constant 0 : i32
    return %c0_i32, %c0_i32_0 : i32, i32
  }
  func.func @transform_7(%arg0: i32) -> (i32, i32) {
    %c0_i32 = arith.constant 0 : i32
    %c0_i32_0 = arith.constant 0 : i32
    %c0_i32_1 = arith.constant 0 : i32
    return %c0_i32, %c0_i32_0 : i32, i32
  }
  func.func @transform_8(%arg0: i32) -> (i32, i32) {
    %c0_i32 = arith.constant 0 : i32
    %c0_i32_0 = arith.constant 0 : i32
    %c0_i32_1 = arith.constant 0 : i32
    return %c0_i32, %c0_i32_0 : i32, i32
  }
  func.func @transform_9(%arg0: i32) -> (i32, i32) {
    %c0_i32 = arith.constant 0 : i32
    %c0_i32_0 = arith.constant 0 : i32
    %c0_i32_1 = arith.constant 0 : i32
    return %c0_i32, %c0_i32_0 : i32, i32
  }
  func.func @transform_10(%arg0: i32) -> (i32, i32) {
    %c0_i32 = arith.constant 0 : i32
    %c0_i32_0 = arith.constant 0 : i32
    %c0_i32_1 = arith.constant 0 : i32
    return %c0_i32, %c0_i32_0 : i32, i32
  }
  func.func @transform_11(%arg0: i32) -> (i32, i32) {
    %c0_i32 = arith.constant 0 : i32
    %c0_i32_0 = arith.constant 0 : i32
    return %arg0, %c0_i32 : i32, i32
  }
}

</mosaic_0001>

<sc_bundles>
// kernel: kernel.10.cloned.1.call-start
scs
__scs_entry_jumppad:
0x0: {  	(pc) =	sbr.rel $0x88, $3  }
0x1: {  	(tag) =	ssettag $0x0;
	lr =	simm.s32 $0x1  }
0x2: {  	[smem:$0x3F88] =	sst lr;
	_ =	strace $0xD0000000  }
0x3: {  	_ = 	snop  }
0x4: {  	_ = 	snop  }
0x5: {  	_ = 	snop  }
0x6: {  	_ = 	snop  }
0x7: {  	_ = 	snop  }
__scs_overlays_trampoline_lowered:
0x8: {  	[smem:$0x3F97] =	sst s0  }
0x9: {  	[smem:$0x3F98] =	sst s1  }
0xa: {  	[smem:$0x3F99] =	sst s2  }
0xb: {  	[smem:$0x3F9A] =	sst s3  }
0xc: {  	[smem:$0x3F9B] =	sst s4  }
0xd: {  	[smem:$0x3F9C] =	sst s5  }
0xe: {  	[smem:$0x3F9D] =	sst s6  }
0xf: {  	[smem:$0x3F9E] =	sst s7  }
0x10: {  	[smem:$0x3F9F] =	sst s8  }
0x11: {  	[smem:$0x3FA0] =	sst s9;
	s0 =	simm.s32 @!p0 $0x0  }
0x12: {  	s1 =	sld [smem:$0x3F86];
	s0 =	simm.s32 @p0 $0x1  }
0x13: {  	[smem:$0x3FA1] =	sst s0;
	s0 =	simm.s32 @!p1 $0x0  }
0x14: {  	s2 =	sld [smem:$0x3F85];
	s0 =	simm.s32 @p1 $0x1  }
0x15: {  	[smem:$0x3FA2] =	sst s0;
	s0 =	simm.s32 @!p2 $0x0  }
0x16: {  	s3 =	sld [smem:$0x3FDB];
	s0 =	simm.s32 @p2 $0x1  }
0x17: {  	s4 =	simm.s32 $0x1BF5;
	[smem:$0x3FA4] =	sst s0  }
0x18: {  	s0 =	sld [smem:$0x3F87];
	_ =	swait.ge [sflag:s4], $0x0  }
0x19: {  	s7 =	sld [smem:$0x3F88]  }
0x1a: {  	s8 =	sadd.s32 $0xFFFFE003, lr  }
0x1b: {  	s9 =	sadd.s32 $0xFFFFFEF7, lr;
	s5 =	simm.s32 $0xFFFFFFFF;
	p2 =	slt.u32 s8, $0xFFFFF086  }
0x1c: {  	p1 =	slt.u32 s9, $0xF7A;
	s5 =	simm.s32 @!p2 $0x0  }
0x1d: {  	s5 =	simm.s32 @p1 $0x1;
	p0 =	seq.s32 s7, s2  }
0x1e: {  	s7 =	smul.u32 @!p0 $0xF7A, s2;
	p2 =	seq.s32 @!p0 s5, $0x0  }
0x1f: {  	s9 =	smul.u32 $0xF7A, s1;
	s8 =	simm.s32 @!p0 $0x1BF5;
	p2 =	por !p2, p0  }
0x20: {  	[sflag:s8] =	ssyncset.s32 @!p0 $0xFFFFF086;
	s6 =	sadd.s32 @!p0 s3, s7;
	s7 =	simm.s32 @!p0 $0x108  }
0x21: {  	s3 =	sadd.s32 s3, s9;
	s6 =	sadd.s32 @!p0 $0x88, s6;
	s7 =	simm.s32 @p2 $0x1082  }
0x22: {  	[simem:s7], [sflag:s8] =	dma.local @!p0 [hbm:s6], $0xF7A  }
0x23: {  	s9 =	sor.u32 $0xD0000000, s2;
	s6 =	simm.s32 $0x108;
	_ =	swait.ge @!p0 [sflag:s8], $0x0  }
0x24: {  	s3 =	sadd.s32 $0x88, s3;
	s6 =	simm.s32 @!p1 $0x1082;
	[sflag:s4] =	ssyncset.s32 $0xFFFFF086  }
0x25: {  	[simem:s6], [sflag:s4] =	dma.local [hbm:s3], $0xF7A  }
0x26: {  	[smem:$0x3F88] =	sst s1;
	(tag) =	ssettag s2;
	_ =	strace s9  }
0x27: {  	s1 =	sld [smem:$0x3F98]  }
0x28: {  	s2 =	sld [smem:$0x3F99]  }
0x29: {  	s4 =	sld [smem:$0x3F9B]  }
0x2a: {  	p0 =	seq.s32 s5, $0x0;
	s5 =	sld [smem:$0x3F9C]  }
0x2b: {  	s6 =	sld [smem:$0x3F9D]  }
0x2c: {  	s7 =	sld [smem:$0x3F9E]  }
0x2d: {  	s3 =	simm.s32 $0x108;
	s8 =	sld [smem:$0x3F9F]  }
0x2e: {  	s3 =	simm.s32 @!p0 $0x1082;
	s9 =	sld [smem:$0x3FA0]  }
0x2f: {  	lr =	sadd.s32 s0, s3;
	s0 =	sld [smem:$0x3F97]  }
0x30: {  	s3 =	sld [smem:$0x3F9A]  }
0x31: {  	[smem:$0x3FA3] =	sst s10  }
0x32: {  	s10 =	sld [smem:$0x3FA1];
	_ =	sdelay $0x3  }
0x33: {  	p0 =	seq.s32 s10, $0x1;
	s10 =	sld [smem:$0x3FA3];
	_ =	sdelay $0x3  }
0x34: {  	[smem:$0x3FA3] =	sst s10  }
0x35: {  	s10 =	sld [smem:$0x3FA2];
	_ =	sdelay $0x3  }
0x36: {  	p1 =	seq.s32 s10, $0x1;
	s10 =	sld [smem:$0x3FA3];
	_ =	sdelay $0x3  }
0x37: {  	[smem:$0x3FA3] =	sst s10  }
0x38: {  	s10 =	sld [smem:$0x3FA4]  }
0x39: {  	_ = 	snop;
	(pc) =	sbr.ind lr, $3  }
0x3a: {  	_ = 	snop  }
0x3b: {  	_ = 	snop  }
0x3c: {  	p2 =	seq.s32 s10, $0x1;
	s10 =	sld [smem:$0x3FA3]  }
0x3d: {  	_ =	shalt  }
0x3e: {  	_ =	shalt  }
0x3f: {  	_ =	shalt  }
0x40: {  	_ =	shalt  }
0x41: {  	_ =	shalt  }
0x42: {  	_ =	shalt  }
0x43: {  	_ =	shalt  }
0x44: {  	_ =	shalt  }
0x45: {  	_ =	shalt  }
0x46: {  	_ =	shalt  }
0x47: {  	_ =	shalt  }
0x48: {  	_ =	shalt  }
0x49: {  	_ =	shalt  }
0x4a: {  	_ =	shalt  }
0x4b: {  	_ =	shalt  }
0x4c: {  	_ =	shalt  }
0x4d: {  	_ =	shalt  }
0x4e: {  	_ =	shalt  }
0x4f: {  	_ =	shalt  }
0x50: {  	_ =	shalt  }
0x51: {  	_ =	shalt  }
0x52: {  	_ =	shalt  }
0x53: {  	_ =	shalt  }
0x54: {  	_ =	shalt  }
0x55: {  	_ =	shalt  }
0x56: {  	_ =	shalt  }
0x57: {  	_ =	shalt  }
0x58: {  	_ =	shalt  }
0x59: {  	_ =	shalt  }
0x5a: {  	_ =	shalt  }
0x5b: {  	_ =	shalt  }
0x5c: {  	_ =	shalt  }
0x5d: {  	_ =	shalt  }
0x5e: {  	_ =	shalt  }
0x5f: {  	_ =	shalt  }
0x60: {  	_ =	shalt  }
0x61: {  	_ =	shalt  }
0x62: {  	_ =	shalt  }
0x63: {  	_ =	shalt  }
0x64: {  	_ =	shalt  }
0x65: {  	_ =	shalt  }
0x66: {  	_ =	shalt  }
0x67: {  	_ =	shalt  }
0x68: {  	_ =	shalt  }
0x69: {  	_ =	shalt  }
0x6a: {  	_ =	shalt  }
0x6b: {  	_ =	shalt  }
0x6c: {  	_ =	shalt  }
0x6d: {  	_ =	shalt  }
0x6e: {  	_ =	shalt  }
0x6f: {  	_ =	shalt  }
0x70: {  	_ =	shalt  }
0x71: {  	_ =	shalt  }
0x72: {  	_ =	shalt  }
0x73: {  	_ =	shalt  }
0x74: {  	_ =	shalt  }
0x75: {  	_ =	shalt  }
0x76: {  	_ =	shalt  }
0x77: {  	_ =	shalt  }
0x78: {  	_ =	shalt  }
0x79: {  	_ =	shalt  }
0x7a: {  	_ =	shalt  }
0x7b: {  	_ =	shalt  }
0x7c: {  	_ =	shalt  }
0x7d: {  	_ =	shalt  }
0x7e: {  	_ =	shalt  }
0x7f: {  	_ =	shalt  }
0x80: {  	_ =	shalt  }
0x81: {  	_ =	shalt  }
0x82: {  	_ =	shalt  }
0x83: {  	_ =	shalt  }
0x84: {  	_ =	shalt  }
0x85: {  	_ =	shalt  }
0x86: {  	_ =	shalt  }
0x87: {  	_ =	shalt  }
.Lfunc_end0:
.L_simem_size_0:
called_computation_lowered:
.L_overlay_start_0:
0x88: {  	s2 =	sld [smem:$0x3FD9]  }
0x89: {  	s3 =	sld [smem:$0x3FFE];
	_ =	sdelay $0x1  }
0x8a: {  	s1 =	srdreg.scid  }
0x8b: {  	s0 =	sand.u32 $0x1, s1  }
0x8c: {  	s14 =	sshll.u32 s0, $0xA;
	s2 =	sadd.s32 s3, s2  }
0x8d: {  	s2 =	sadd.s32 s2, s14  }
0x8e: {  	[smem:$0x3FAF] =	sst s2  }
0x8f: {  	_ = 	snop  }
0x90: {  	s2 =	sld [smem:$0x3FD0];
	_ =	sdelay $0x1  }
0x91: {  	s15 =	sld [smem:$0x3FC7]  }
0x92: {  	s5 =	simm.s32 $0xB;
	s6 =	simm.s32 $0x10;
	s4 =	sld [smem:$0x3FC6]  }
0x93: {  	[smem:s6], [sflag:s5] =	dma.local [hbm:s2], $0x1  }
0x94: {  	_ =	swait.eq [sflag:s5], $0x1  }
0x95: {  	[sflag:s5] =	ssyncset.done $0x0  }
0x96: {  	s16 =	sld [smem:$0x10];
	[sflag:s5] =	ssyncadd.s32 $0xFFFFFFFF  }
0x97: {  	s17 =	sld [smem:$0x12];
	(tm) =	ssettm $0x1  }
0x98: {  	s18 =	sld [smem:$0x3FFB];
	_ =	sdelay $0x3  }
0x99: {  	_ =	strace s18  }
0x9a: {  	s6 =	sld [smem:$0x3FFC];
	_ =	sdelay $0x3  }
0x9b: {  	_ =	strace s6  }
0x9c: {  	s6 =	sld [smem:$0x3FFD];
	_ =	sdelay $0x3  }
0x9d: {  	_ =	strace s6  }
0x9e: {  	_ =	strace $0x8FFFFFFF  }
0x9f: {  	s19 =	sld [smem:$0x3FDB];
	_ =	sdelay $0x1  }
0xa0: {  	s7 =	simm.s32 $_scs_section_size  }
0xa1: {  	s8 =	simm.s32 $_size__tile_overlayer_lowered;
	s9 =	simm.s32 $_tile_overlayer_lowered  }
0xa2: {  	s22 =	simm.s32 $0x1BFF;
	s21 =	sshll.u32 s9, $0x1;
	s6 =	sadd.s32 s7, s19  }
0xa3: {  	s10 =	simm.s32 $0x0;
	s20 =	sshll.u32 s8, $0x1;
	s8 =	sadd.s32 s21, s6  }
0xa4: {  	[timem:s10], [sflag:s22] =	dma.local [hbm:s8], s20  }
0xa5: {  	_ =	swait.ge [sflag:s22], s20  }
0xa6: {  	s7 =	ssub.s32 $0x0, s20;
	[sflag:s22] =	ssyncset.done $0x0  }
0xa7: {  	[sflag:s22] =	ssyncadd.s32 s7;
	_ =	sdelay $0x1  }
0xa8: {  	s23 =	simm.s32 $0x1B8B  }
0xa9: {  	_ =	swait.ge [sflag:s23], $0x1  }
0xaa: {  	[sflag:s23] =	ssyncset.done $0x0  }
0xab: {  	s25 =	simm.s32 $0x1B8E;
	s24 =	sld [smem:$0x3FFE];
	[sflag:s23] =	ssyncadd.s32 $0xFFFFFFFF  }
0xac: {  	s26 =	simm.s32 $execute0_lowered;
	[smem:$0x3FD2] =	sst s25  }
0xad: {  	s8 =	sshll.u32 s26, $0x1;
	_ =	strace $0x80000046;
	[dreg:$0x1] =	wrdreg $0xFFFFFFFF  }
0xae: {  	s28 =	simm.s32 $_size_execute0_lowered;
	s6 =	sadd.s32 s6, s8;
	[dreg:$0x0] =	wrdreg $0x0  }
0xaf: {  	s8 =	sshll.u32 s28, $0x1;
	[dreg:$0x2] =	wrdreg s6  }
0xb0: {  	[dreg:$0x3] =	wrdreg s8  }
0xb1: {  	[dreg:$0x4] =	wrdreg $0xC0  }
0xb2: {  	_ =	task [dreg:s10], $0x5FFFF  }
0xb3: {  	[dreg:$0x1] =	wrdreg $0xFFFFFFFF  }
0xb4: {  	[dreg:$0x0] =	wrdreg $0x60  }
0xb5: {  	[dreg:$0x2] =	wrdreg s16  }
0xb6: {  	[dreg:$0x3] =	wrdreg s17  }
0xb7: {  	[dreg:$0x4] =	wrdreg s15  }
0xb8: {  	[dreg:$0x5] =	wrdreg s4  }
0xb9: {  	[dreg:$0x6] =	wrdreg s24  }
0xba: {  	[dreg:$0x7] =	wrdreg $0xC4000  }
0xbb: {  	[dreg:$0x8] =	wrdreg $0xA  }
0xbc: {  	_ =	task.clear_ibuf [dreg:s10], $0x9FFFF;
	_ =	strace $0x90000046  }
0xbd: {  	s29 =	simm.s32 $0xA;
	_ =	strace $0x80000048  }
0xbe: {  	_ =	swait.ge [sflag:s29], $0x1  }
0xbf: {  	[sflag:s29] =	ssyncadd.s32 $0xFFFFFFFF  }
0xc0: {  	_ =	strace $0x90000048  }
0xc1: {  	_ =	sfence  }
0xc2: {  	s30 =	sld [smem:$0x0];
	_ =	sdelay $0x2  }
0xc3: {  	s31 =	sshll.u32 s1, $0xD;
	s1 =	sshrl.u32 s1, $0x2  }
0xc4: {  	s3 =	sand.u32 $0x4000, s31;
	s1 =	sadd.s32 s1, s30  }
0xc5: {  	s0 =	sor.u32 s3, s0;
	s1 =	sshll.u32 s1, $0x11  }
0xc6: {  	s0 =	sor.u32 s1, s0  }
0xc7: {  	s0 =	sadd.s32 $0x8F2B, s0  }
0xc8: {  	[sflag:s0] =	ssyncadd.remote.s32 $0x1  }
0xc9: {  	_ =	sfence.sel $0xFFFF  }
0xca: {  	[dreg:$0x0] =	wrdreg $0xFFFFFFFF;
	(pc) =	sbr.abs _section_cstart, $3  }
0xcb: {  	[dreg:$0x1] =	wrdreg $0xFFFFFFFF  }
0xcc: {  	_ =	task.clear_ibuf [dreg:s10], $0x2FFFF;
	_ =	strace $0x9FFFFFFF  }
0xcd: {  	(tm) =	ssettm $0x7FFFFFFF  }
tec
execute0_lowered:
.L_overlay_start_1:
0x0: {  	(tag) =	ssettag $0x1  }
0x1: {  	s0 =	rddreg [dreg:$0x0]  }
0x2: {  	s1 =	rddreg [dreg:$0x1]  }
0x3: {  	s2 =	rddreg [dreg:$0x2]  }
0x4: {  	s3 =	rddreg [dreg:$0x3]  }
0x5: {  	s5 =	rddreg [dreg:$0x4]  }
0x6: {  	s4 =	rddreg [dreg:$0x5]  }
0x7: {  	s6 =	simm.s32 $0x0;
	s7 =	srdreg.scid;
	s22 =	stileid.u32  }
0x8: {  	[smem:$0x7FF] =	sst s6;
	s8 =	smul.u32 $0x500, s22;
	s9 =	sor.u32 $0x10, s22  }
0x9: {  	s7 =	sand.u32 $0x1, s7;
	s12 =	sor.u32 $0x20, s22;
	s11 =	smul.u32 $0x500, s9  }
0xa: {  	s15 =	sor.u32 $0x30, s22;
	s17 =	sor.u32 $0x40, s22;
	s14 =	smul.u32 $0x500, s12  }
0xb: {  	s18 =	sor.u32 $0x50, s22;
	s20 =	sor.u32 $0x60, s22;
	s23 =	smul.u32 $0x500, s15  }
0xc: {  	s21 =	sor.u32 $0x70, s22;
	s10 =	ssub.s32 $0x2, s7;
	s16 =	smul.u32 $0x500, s17  }
0xd: {  	s7 =	sshll.u32 s7, $0x4;
	s19 =	smul.u32 $0x500, s18;
	s8 =	sadd.s32 s0, s8  }
0xe: {  	s24 =	smul.u32 $0x500, s20;
	[dreg:$0x7] =	wrdreg s8;
	s11 =	sadd.s32 s0, s11  }
0xf: {  	s13 =	sshrl.u32 s10, $0x1;
	s25 =	sadd.s32 s0, s14;
	[dreg:$0x8] =	wrdreg s11  }
0x10: {  	s10 =	ssub.s32 s10, s13;
	s13 =	sadd.s32 s0, s23;
	[dreg:$0x9] =	wrdreg s25  }
0x11: {  	s26 =	smul.u32 $0x500, s21;
	s14 =	sadd.s32 s0, s16;
	[dreg:$0xa] =	wrdreg s13  }
0x12: {  	s9 =	smul.u32 $0xA000, s9;
	s16 =	sadd.s32 s0, s19;
	[dreg:$0xb] =	wrdreg s14  }
0x13: {  	p0 =	sgt.u32 s21, $0x7C;
	s8 =	sadd.s32 s0, s24;
	[dreg:$0xc] =	wrdreg s16  }
0x14: {  	s7 =	sor.u32 s22, s7;
	s0 =	sadd.s32 s0, s26;
	[dreg:$0xd] =	wrdreg s8  }
0x15: {  	s19 =	sshll.u32 s7, $0x3;
	[dreg:$0xe] =	wrdreg s0;
	s25 =	smul.u32 $0xA000, s22  }
0x16: {  	s16 =	sadd.s32 $0x53E00, s5;
	s23 =	sadd.s32 s2, s19;
	s13 =	smul.u32 $0xA000, s12  }
0x17: {  	s24 =	sadd.s32 s3, s19;
	s0 =	sor.u32 $0x100, s19;
	s14 =	smul.u32 $0xA000, s15  }
0x18: {  	s11 =	smax.u32 s10, $0x1;
	s15 =	sshll.u32 s22, $0x6;
	s19 =	smul.u32 $0xA000, s17  }
0x19: {  	s17 =	simm.s32 $0x0;
	_ =	strace $0x80000047;
	[dreg:$0xf] =	wrdreg s23  }
0x1a: {  	[dreg:$0x10] =	wrdreg s24;
	s26 =	sadd.s32 s2, s0;
	s0 =	sadd.s32 s3, s0  }
0x1b: {  	[dreg:$0x13] =	wrdreg s11;
	s22 =	sor.u32 $0x1C04, s15;
	s23 =	smul.u32 $0xA000, s18  }
0x1c: {  	s24 =	smul.u32 $0xA000, s20;
	s15 =	simm.s32 $0x3;
	[dreg:$0x11] =	wrdreg s26  }
0x1d: {  	[dreg:$0x12] =	wrdreg s0;
	s5 =	sshrl.u32 s25, $0x2;
	s0 =	sshrl.u32 s9, $0x2  }
0x1e: {  	s8 =	sshrl.u32 s13, $0x2;
	s9 =	sshrl.u32 s14, $0x2;
	s10 =	sshrl.u32 s19, $0x2  }
0x1f: {  	s25 =	smul.u32 $0xA000, s21;
	s14 =	simm.s32 $0x4400;
	s5 =	sadd.s32 s5, s4  }
0x20: {  	s0 =	sadd.s32 s0, s4;
	s8 =	sadd.s32 s8, s4;
	s9 =	sadd.s32 s9, s4  }
0x21: {  	s10 =	sadd.s32 s10, s4;
	s11 =	sshrl.u32 s23, $0x2;
	s12 =	sshrl.u32 s24, $0x2  }
0x22: {  	s11 =	sadd.s32 s11, s4;
	s13 =	sshrl.u32 s25, $0x2;
	s12 =	sadd.s32 s12, s4  }
0x23: {  	s5 =	sshrl.u32 s5, $0x3;
	s0 =	sshrl.u32 s0, $0x3;
	s26 =	sshrl.u32 s8, $0x3  }
0x24: {  	s28 =	sshrl.u32 s10, $0x3;
	s8 =	simm.s32 $0x4;
	[dreg:$0x14] =	wrdreg s5  }
.Ltmp0:
0x25: {  	s10 =	simm.s32 $0x40;
	[dreg:$0x15] =	wrdreg s0;
	(pc) =	sbr.rel .LBB2_1-.Ltmp0, $4  }
0x26: {  	s13 =	sadd.s32 s13, s4;
	[dreg:$0x16] =	wrdreg s26;
	s26 =	sshrl.u32 s9, $0x3  }
0x27: {  	s29 =	sshrl.u32 s11, $0x3;
	s30 =	sshrl.u32 s12, $0x3;
	s0 =	sor.u32 $0x20, s7  }
0x28: {  	s5 =	sor.u32 $0x40, s7;
	s9 =	simm.s32 $0x200;
	s11 =	simm.s32 $0x400  }
0x29: {  	s12 =	simm.s32 $0x2;
	s31 =	sshrl.u32 @!p0 s13, $0x3;
	s13 =	simm.s32 $0x2400  }
.LBB2_15:
0x2a: {  	_ =	swait.ge [sflag:s15], $0x2000  }
0x2b: {  	[sflag:s15] =	ssyncset.done $0x0  }
0x2c: {  	[sflag:s15] =	ssyncadd.s32 $0xFFFFE000  }
0x2d: {  	_ =	swait.ge [sflag:s15], $0x2000  }
0x2e: {  	[sflag:s15] =	ssyncset.done $0x0  }
0x2f: {  	[sflag:s15] =	ssyncadd.s32 $0xFFFFE000  }
0x30: {  	_ =	swait.ge [sflag:s15], $0x2000  }
0x31: {  	s17 =	sadd.s32 $0x1, s17;
	s18 =	rddreg [dreg:$0x13]  }
0x32: {  	p1 =	sne.s32 s17, s18  }
.Ltmp1:
0x33: {  	_ = 	snop;
	(pc) =	sbr.rel @!p1 .LBB2_16-.Ltmp1, $3  }
0x34: {  	_ =	sdelay $0x1  }
0x35: {  	[sflag:s15] =	ssyncset.done $0x0  }
0x36: {  	[sflag:s15] =	ssyncadd.s32 $0xFFFFE000  }
.LBB2_1:
0x37: {  	s18 =	rddreg [dreg:$0x7]  }
0x38: {  	s19 =	rddreg [dreg:$0x14]  }
0x39: {  	[spmem:s19], [sflag:s22] =	dma.local [hbm:s18], $0x500  }
0x3a: {  	_ =	swait.ge [sflag:s8], $0x500  }
0x3b: {  	[sflag:s8] =	ssyncset.done $0x0;
	s21 =	rddreg [dreg:$0x8]  }
0x3c: {  	s23 =	rddreg [dreg:$0x15];
	[sflag:s8] =	ssyncadd.s32 $0xFFFFFB00  }
0x3d: {  	[spmem:s23], [sflag:s22] =	dma.local [hbm:s21], $0x500  }
0x3e: {  	_ =	swait.ge [sflag:s8], $0x500  }
0x3f: {  	[sflag:s8] =	ssyncset.done $0x0;
	s24 =	rddreg [dreg:$0x9]  }
0x40: {  	s25 =	rddreg [dreg:$0x16];
	[sflag:s8] =	ssyncadd.s32 $0xFFFFFB00  }
0x41: {  	[spmem:s25], [sflag:s22] =	dma.local [hbm:s24], $0x500  }
0x42: {  	_ =	swait.ge [sflag:s8], $0x500  }
0x43: {  	[sflag:s8] =	ssyncset.done $0x0  }
0x44: {  	s20 =	rddreg [dreg:$0xa];
	[sflag:s8] =	ssyncadd.s32 $0xFFFFFB00  }
0x45: {  	[spmem:s26], [sflag:s22] =	dma.local [hbm:s20], $0x500  }
0x46: {  	_ =	swait.ge [sflag:s8], $0x500  }
0x47: {  	[sflag:s8] =	ssyncset.done $0x0  }
0x48: {  	s21 =	rddreg [dreg:$0xb];
	[sflag:s8] =	ssyncadd.s32 $0xFFFFFB00  }
0x49: {  	[spmem:s28], [sflag:s22] =	dma.local [hbm:s21], $0x500  }
0x4a: {  	_ =	swait.ge [sflag:s8], $0x500  }
0x4b: {  	[sflag:s8] =	ssyncset.done $0x0  }
0x4c: {  	s23 =	rddreg [dreg:$0xc];
	[sflag:s8] =	ssyncadd.s32 $0xFFFFFB00  }
0x4d: {  	[spmem:s29], [sflag:s22] =	dma.local [hbm:s23], $0x500  }
0x4e: {  	_ =	swait.ge [sflag:s8], $0x500  }
0x4f: {  	[sflag:s8] =	ssyncset.done $0x0  }
0x50: {  	s24 =	rddreg [dreg:$0xd];
	[sflag:s8] =	ssyncadd.s32 $0xFFFFFB00  }
0x51: {  	[spmem:s30], [sflag:s22] =	dma.local [hbm:s24], $0x500  }
0x52: {  	_ =	swait.ge [sflag:s8], $0x500  }
0x53: {  	[sflag:s8] =	ssyncset.done $0x0  }
0x54: {  	s18 =	rddreg [dreg:$0xe];
	[sflag:s8] =	ssyncadd.s32 $0xFFFFFB00  }
0x55: {  	[spmem:s31], [sflag:s22] =	dma.local @!p0 [hbm:s18], $0x500  }
0x56: {  	s18 =	simm.s32 @!p0 $0x4  }
0x57: {  	_ =	swait.ge @!p0 [sflag:s18], $0x500  }
0x58: {  	[sflag:s18] =	ssyncset.done @!p0 $0x0  }
0x59: {  	[sflag:s18] =	ssyncadd.s32 @!p0 $0xFFFFFB00  }
0x5a: {  	[bflag:$0x0] =	sbarrier.arrive $0xFFFF  }
0x5b: {  	s25 =	rddreg [dreg:$0xf]  }
0x5c: {  	[tilespmem:s6], [sflag:$0x4] =	stream.linear.gather [hbm4b:s25+s6], $0x40, $0x38;
	[tilespmem:$0x1FC80] =	vst v63  }
0x5d: {  	_ =	swait.ge [sflag:s8], $0x40  }
0x5e: {  	[sflag:s8] =	ssyncset.done $0x0  }
0x5f: {  	s19 =	rddreg [dreg:$0x10];
	[sflag:s8] =	ssyncadd.s32 $0xFFFFFFC0  }
0x60: {  	[tilespmem:s9], [sflag:$0x4] =	stream.linear.gather [hbm4b:s19+s6], $0x40, $0x38;
	[tilespmem:$0x1FC80] =	vst v63  }
0x61: {  	_ =	swait.ge [sflag:s8], $0x40  }
0x62: {  	[sflag:s8] =	ssyncset.done $0x0  }
0x63: {  	[sflag:s8] =	ssyncadd.s32 $0xFFFFFFC0  }
0x64: {  	[tilespmem:s11], [sflag:$0x2] =	stream.indirect.gather [spmem:s4], $0x80, s6, s10, $0xb8;
	[tilespmem:$0x1FC80] =	vst v63  }
0x65: {  	_ =	swait.ge [sflag:s12], $0x2000  }
0x66: {  	[sflag:s12] =	ssyncset.done $0x0  }
0x67: {  	s20 =	simm.s32 $0x6400;
	[sflag:s12] =	ssyncadd.s32 $0xFFFFE000  }
0x68: {  	[tilespmem:s20], [sflag:$0x2] =	stream.indirect.gather [hbm4b:s1+s10], $0x80, s9, s10, $0xb8;
	[tilespmem:$0x1FC80] =	vst v63  }
.Ltmp2:
0x69: {  	_ = 	snop;
	(pc) =	sbr.rel .LBB2_2-.Ltmp2, $4  }
0x6a: {  	s23 =	simm.s32 $0x80;
	s21 =	rddreg [dreg:$0x11]  }
0x6b: {  	[tilespmem:s23], [sflag:$0x1] =	stream.linear.gather [hbm4b:s21+s6], $0x40, $0x38;
	[tilespmem:$0x1FC80] =	vst v63  }
0x6c: {  	s18 =	simm.s32 $0x0;
	s25 =	simm.s32 $0x280;
	s24 =	rddreg [dreg:$0x12]  }
0x6d: {  	[tilespmem:s25], [sflag:$0x1] =	stream.linear.gather [hbm4b:s24+s6], $0x40, $0x38;
	[tilespmem:$0x1FC80] =	vst v63  }
.LBB2_14:
0x6e: {  	s18 =	sadd.s32 $0x1, s18  }
0x6f: {  	p1 =	sne.s32 s18, $0x35  }
.Ltmp3:
0x70: {  	_ = 	snop;
	(pc) =	sbr.rel @!p1 .LBB2_15-.Ltmp3, $1  }
0x71: {  	_ =	sdelay $0x3  }
.LBB2_2:
0x72: {  	s19 =	smul.u32 $0x60, s18;
	_ =	sdelay $0x1  }
0x73: {  	s20 =	sor.u32 s7, s19  }
0x74: {  	p1 =	sgt.u32 s20, $0x1387  }
.Ltmp4:
0x75: {  	_ = 	snop;
	(pc) =	sbr.rel @p1 .LBB2_6-.Ltmp4, $1  }
0x76: {  	_ =	sdelay $0x3  }
0x77: {  	_ =	swait.ge [sflag:s12], $0x2000  }
0x78: {  	p1 =	sgt.u32 s20, $0x1367;
	[sflag:s12] =	ssyncset.done $0x0  }
0x79: {  	s21 =	simm.s32 @!p1 $0x1;
	[sflag:s12] =	ssyncadd.s32 $0xFFFFE000  }
0x7a: {  	_ =	swait.ge @!p1 [sflag:s21], $0x40  }
0x7b: {  	[sflag:s21] =	ssyncset.done @!p1 $0x0  }
0x7c: {  	[sflag:s21] =	ssyncadd.s32 @!p1 $0xFFFFFFC0  }
0x7d: {  	p2 =	seq.s32 @!p1 s18, $0x0;
	_ =	swait.ge @!p1 [sflag:s21], $0x40  }
0x7e: {  	p2 =	por p2, p1;
	[sflag:s21] =	ssyncset.done @!p1 $0x0  }
0x7f: {  	[sflag:s21] =	ssyncadd.s32 @!p1 $0xFFFFFFC0;
	s21 =	simm.s32 @!p2 $0x3  }
0x80: {  	_ =	swait.ge @!p2 [sflag:s21], $0x2000  }
0x81: {  	s23 =	simm.s32 @!p1 $0x80;
	[sflag:s21] =	ssyncset.done @!p2 $0x0  }
0x82: {  	s24 =	simm.s32 @!p1 $0x2400;
	[sflag:s21] =	ssyncadd.s32 @!p2 $0xFFFFE000;
	s21 =	simm.s32 @!p1 $0x40  }
0x83: {  	[tilespmem:s24], [sflag:$0x2] =	stream.indirect.gather @!p1 [spmem:s4], $0x80, s23, s21, $0xb8;
	[tilespmem:$0x1FC80] =	vst v63  }
0x84: {  	s23 =	simm.s32 @!p1 $0x2  }
0x85: {  	_ =	swait.ge @!p1 [sflag:s23], $0x2000  }
0x86: {  	p2 =	sgt.u32 @!p1 s20, $0x1347;
	[sflag:s23] =	ssyncset.done @!p1 $0x0  }
0x87: {  	s24 =	simm.s32 @!p1 $0x8400;
	[sflag:s23] =	ssyncadd.s32 @!p1 $0xFFFFE000;
	s23 =	simm.s32 @!p1 $0x280  }
0x88: {  	[tilespmem:s24], [sflag:$0x2] =	stream.indirect.gather @!p1 [hbm4b:s1+s21], $0x80, s23, s21, $0xb8;
	[tilespmem:$0x1FC80] =	vst v63  }
0x89: {  	p1 =	por p2, p1  }
0x8a: {  	s21 =	sshll.u32 @!p1 s20, $0x3  }
0x8b: {  	s21 =	sadd.s32 @!p1 $0x200, s21  }
0x8c: {  	s24 =	simm.s32 @!p1 $0x0;
	s25 =	simm.s32 @!p1 $0x100;
	s23 =	sadd.s32 @!p1 s2, s21  }
0x8d: {  	[tilespmem:s25], [sflag:$0x1] =	stream.linear.gather @!p1 [hbm4b:s23+s24], $0x40, $0x38;
	[tilespmem:$0x1FC80] =	vst v63  }
0x8e: {  	s21 =	sadd.s32 @!p1 s3, s21;
	s23 =	simm.s32 @!p1 $0x300  }
0x8f: {  	[tilespmem:s23], [sflag:$0x1] =	stream.linear.gather @!p1 [hbm4b:s21+s24], $0x40, $0x38;
	[tilespmem:$0x1FC80] =	vst v63  }
0x90: {  	s21 =	simm.s32 $0x0  }
0x91: {  	v7 =	vld [tilespmem:s21+$0x6400]  }
0x92: {  	v11 =	vld [tilespmem:s21+$0x6410]  }
0x93: {  	v5 =	vld [tilespmem:s21+$0x6420]  }
0x94: {  	v4 =	vld [tilespmem:s21+$0x6430]  }
0x95: {  	v3 =	vld [tilespmem:s21+$0x6440]  }
0x96: {  	v2 =	vld [tilespmem:s21+$0x6450]  }
0x97: {  	v1 =	vld [tilespmem:s21+$0x6460]  }
0x98: {  	v0 =	vld [tilespmem:s21+$0x6470]  }
0x99: {  	v12 =	vld [tilespmem:s21+$0x400]  }
0x9a: {  	v13 =	vld [tilespmem:s21+$0x410]  }
0x9b: {  	v10 =	vld [tilespmem:s21+$0x420]  }
0x9c: {  	v9 =	vld [tilespmem:s21+$0x430]  }
0x9d: {  	v8 =	vld [tilespmem:s21+$0x440]  }
0x9e: {  	v6 =	vld [tilespmem:s21+$0x450];
	v12 =	vadd.f32 v7, v12  }
0x9f: {  	s23 =	simm.s32 $0x200;
	v11 =	vadd.f32 v11, v13;
	v7 =	vld [tilespmem:s21+$0x460]  }
.LBB2_4:
0xa0: {  	s24 =	sshra.s32 s23, $0x2;
	p1 =	sne.s32 s23, $0x7E00;
	[tilespmem:s21+$0x400] =	vst v12;
	v5 =	vadd.f32 v5, v10;
	v10 =	vld [tilespmem:s21+$0x470]  }
0xa1: {  	v12 =	vld [tilespmem:s24+$0x6400];
	[tilespmem:s21+$0x410] =	vst v11;
	v4 =	vadd.f32 v4, v9  }
0xa2: {  	v11 =	vld [tilespmem:s24+$0x6410];
	[tilespmem:s21+$0x420] =	vst v5;
	v3 =	vadd.f32 v3, v8  }
0xa3: {  	v5 =	vld [tilespmem:s24+$0x6420];
	[tilespmem:s21+$0x430] =	vst v4;
	v2 =	vadd.f32 v2, v6  }
0xa4: {  	v4 =	vld [tilespmem:s24+$0x6430];
	[tilespmem:s21+$0x440] =	vst v3;
	v1 =	vadd.f32 v1, v7  }
0xa5: {  	v3 =	vld [tilespmem:s24+$0x6440];
	[tilespmem:s21+$0x450] =	vst v2;
	v0 =	vadd.f32 v0, v10  }
0xa6: {  	v2 =	vld [tilespmem:s24+$0x6450];
	[tilespmem:s21+$0x460] =	vst v1  }
0xa7: {  	v1 =	vld [tilespmem:s24+$0x6460];
	[tilespmem:s21+$0x470] =	vst v0;
	s21 =	smov.u32 s24  }
0xa8: {  	v0 =	vld [tilespmem:s21+$0x6470]  }
0xa9: {  	v6 =	vld [tilespmem:s21+$0x400]  }
0xaa: {  	v7 =	vld [tilespmem:s21+$0x410]  }
.Ltmp5:
0xab: {  	v10 =	vld [tilespmem:s21+$0x420];
	(pc) =	sbr.rel @p1 .LBB2_4-.Ltmp5, $4  }
0xac: {  	v9 =	vld [tilespmem:s21+$0x430]  }
0xad: {  	v8 =	vld [tilespmem:s21+$0x440]  }
0xae: {  	v12 =	vadd.f32 v12, v6;
	v6 =	vld [tilespmem:s21+$0x450]  }
0xaf: {  	s23 =	sadd.s32 $0x200, s23;
	v11 =	vadd.f32 v11, v7;
	v7 =	vld [tilespmem:s21+$0x460]  }
0xb0: {  	[tilespmem:s21+$0x400] =	vst v12;
	v5 =	vadd.f32 v5, v10;
	v63 =	vld [tilespmem:s21+$0x470]  }
0xb1: {  	[tilespmem:s21+$0x410] =	vst v11;
	v4 =	vadd.f32 v4, v9  }
0xb2: {  	[tilespmem:s21+$0x420] =	vst v5;
	v3 =	vadd.f32 v3, v8  }
0xb3: {  	[tilespmem:s21+$0x430] =	vst v4;
	v2 =	vadd.f32 v2, v6  }
0xb4: {  	[tilespmem:s21+$0x440] =	vst v3;
	v1 =	vadd.f32 v1, v7  }
0xb5: {  	[tilespmem:s21+$0x450] =	vst v2;
	v0 =	vadd.f32 v0, v63  }
0xb6: {  	s20 =	sshll.u32 s20, $0xA;
	[tilespmem:s21+$0x460] =	vst v1  }
0xb7: {  	s20 =	sadd.s32 s16, s20;
	[tilespmem:s21+$0x470] =	vst v0  }
0xb8: {  	[hbm4b:s20+s6] =	stream.linear.scatter [tilespmem:s11], [sflag:$0x3], $0x2000, $0x38;
	[tilespmem:$0x1FC80] =	vst v63  }
.LBB2_6:
0xb9: {  	s20 =	sadd.s32 s0, s19  }
0xba: {  	p1 =	sgt.u32 s20, $0x1387  }
.Ltmp6:
0xbb: {  	_ = 	snop;
	(pc) =	sbr.rel @p1 .LBB2_10-.Ltmp6, $1  }
0xbc: {  	_ =	sdelay $0x3  }
0xbd: {  	_ =	swait.ge [sflag:s12], $0x2000  }
0xbe: {  	p1 =	sgt.u32 s20, $0x1367;
	[sflag:s12] =	ssyncset.done $0x0  }
0xbf: {  	s21 =	simm.s32 @!p1 $0x1;
	[sflag:s12] =	ssyncadd.s32 $0xFFFFE000  }
0xc0: {  	_ =	swait.ge @!p1 [sflag:s21], $0x40  }
0xc1: {  	[sflag:s21] =	ssyncset.done @!p1 $0x0  }
0xc2: {  	[sflag:s21] =	ssyncadd.s32 @!p1 $0xFFFFFFC0  }
0xc3: {  	p2 =	seq.s32 @!p1 s18, $0x0;
	_ =	swait.ge @!p1 [sflag:s21], $0x40  }
0xc4: {  	p2 =	por p2, p1;
	[sflag:s21] =	ssyncset.done @!p1 $0x0  }
0xc5: {  	[sflag:s21] =	ssyncadd.s32 @!p1 $0xFFFFFFC0;
	s21 =	simm.s32 @!p2 $0x3  }
0xc6: {  	_ =	swait.ge @!p2 [sflag:s21], $0x2000  }
0xc7: {  	s23 =	simm.s32 @!p1 $0x100;
	[sflag:s21] =	ssyncset.done @!p2 $0x0  }
0xc8: {  	s24 =	simm.s32 @!p1 $0x4400;
	[sflag:s21] =	ssyncadd.s32 @!p2 $0xFFFFE000;
	s21 =	simm.s32 @!p1 $0x40  }
0xc9: {  	[tilespmem:s24], [sflag:$0x2] =	stream.indirect.gather @!p1 [spmem:s4], $0x80, s23, s21, $0xb8;
	[tilespmem:$0x1FC80] =	vst v63  }
0xca: {  	s23 =	simm.s32 @!p1 $0x2  }
0xcb: {  	_ =	swait.ge @!p1 [sflag:s23], $0x2000  }
0xcc: {  	p2 =	sgt.u32 @!p1 s20, $0x1347;
	[sflag:s23] =	ssyncset.done @!p1 $0x0  }
0xcd: {  	s24 =	simm.s32 @!p1 $0xA400;
	[sflag:s23] =	ssyncadd.s32 @!p1 $0xFFFFE000;
	s23 =	simm.s32 @!p1 $0x300  }
0xce: {  	[tilespmem:s24], [sflag:$0x2] =	stream.indirect.gather @!p1 [hbm4b:s1+s21], $0x80, s23, s21, $0xb8;
	[tilespmem:$0x1FC80] =	vst v63  }
0xcf: {  	p1 =	por p2, p1  }
0xd0: {  	s21 =	sshll.u32 @!p1 s20, $0x3  }
0xd1: {  	s21 =	sadd.s32 @!p1 $0x200, s21  }
0xd2: {  	s24 =	simm.s32 @!p1 $0x0;
	s23 =	sadd.s32 @!p1 s2, s21  }
0xd3: {  	[tilespmem:s24], [sflag:$0x1] =	stream.linear.gather @!p1 [hbm4b:s23+s24], $0x40, $0x38;
	[tilespmem:$0x1FC80] =	vst v63  }
0xd4: {  	s21 =	sadd.s32 @!p1 s3, s21;
	s23 =	simm.s32 @!p1 $0x200  }
0xd5: {  	[tilespmem:s23], [sflag:$0x1] =	stream.linear.gather @!p1 [hbm4b:s21+s24], $0x40, $0x38;
	[tilespmem:$0x1FC80] =	vst v63  }
0xd6: {  	s21 =	simm.s32 $0x0  }
0xd7: {  	v7 =	vld [tilespmem:s21+$0x8400]  }
0xd8: {  	v11 =	vld [tilespmem:s21+$0x8410]  }
0xd9: {  	v5 =	vld [tilespmem:s21+$0x8420]  }
0xda: {  	v4 =	vld [tilespmem:s21+$0x8430]  }
0xdb: {  	v3 =	vld [tilespmem:s21+$0x8440]  }
0xdc: {  	v2 =	vld [tilespmem:s21+$0x8450]  }
0xdd: {  	v1 =	vld [tilespmem:s21+$0x8460]  }
0xde: {  	v0 =	vld [tilespmem:s21+$0x8470]  }
0xdf: {  	v12 =	vld [tilespmem:s21+$0x2400]  }
0xe0: {  	v13 =	vld [tilespmem:s21+$0x2410]  }
0xe1: {  	v10 =	vld [tilespmem:s21+$0x2420]  }
0xe2: {  	v9 =	vld [tilespmem:s21+$0x2430]  }
0xe3: {  	v8 =	vld [tilespmem:s21+$0x2440]  }
0xe4: {  	v6 =	vld [tilespmem:s21+$0x2450];
	v12 =	vadd.f32 v7, v12  }
0xe5: {  	s23 =	simm.s32 $0x200;
	v11 =	vadd.f32 v11, v13;
	v7 =	vld [tilespmem:s21+$0x2460]  }
.LBB2_8:
0xe6: {  	s24 =	sshra.s32 s23, $0x2;
	p1 =	sne.s32 s23, $0x7E00;
	[tilespmem:s21+$0x2400] =	vst v12;
	v5 =	vadd.f32 v5, v10;
	v10 =	vld [tilespmem:s21+$0x2470]  }
0xe7: {  	v12 =	vld [tilespmem:s24+$0x8400];
	[tilespmem:s21+$0x2410] =	vst v11;
	v4 =	vadd.f32 v4, v9  }
0xe8: {  	v11 =	vld [tilespmem:s24+$0x8410];
	[tilespmem:s21+$0x2420] =	vst v5;
	v3 =	vadd.f32 v3, v8  }
0xe9: {  	v5 =	vld [tilespmem:s24+$0x8420];
	[tilespmem:s21+$0x2430] =	vst v4;
	v2 =	vadd.f32 v2, v6  }
0xea: {  	v4 =	vld [tilespmem:s24+$0x8430];
	[tilespmem:s21+$0x2440] =	vst v3;
	v1 =	vadd.f32 v1, v7  }
0xeb: {  	v3 =	vld [tilespmem:s24+$0x8440];
	[tilespmem:s21+$0x2450] =	vst v2;
	v0 =	vadd.f32 v0, v10  }
0xec: {  	v2 =	vld [tilespmem:s24+$0x8450];
	[tilespmem:s21+$0x2460] =	vst v1  }
0xed: {  	v1 =	vld [tilespmem:s24+$0x8460];
	[tilespmem:s21+$0x2470] =	vst v0;
	s21 =	smov.u32 s24  }
0xee: {  	v0 =	vld [tilespmem:s21+$0x8470]  }
0xef: {  	v6 =	vld [tilespmem:s21+$0x2400]  }
0xf0: {  	v7 =	vld [tilespmem:s21+$0x2410]  }
.Ltmp7:
0xf1: {  	v10 =	vld [tilespmem:s21+$0x2420];
	(pc) =	sbr.rel @p1 .LBB2_8-.Ltmp7, $4  }
0xf2: {  	v9 =	vld [tilespmem:s21+$0x2430]  }
0xf3: {  	v8 =	vld [tilespmem:s21+$0x2440]  }
0xf4: {  	v12 =	vadd.f32 v12, v6;
	v6 =	vld [tilespmem:s21+$0x2450]  }
0xf5: {  	s23 =	sadd.s32 $0x200, s23;
	v11 =	vadd.f32 v11, v7;
	v7 =	vld [tilespmem:s21+$0x2460]  }
0xf6: {  	[tilespmem:s21+$0x2400] =	vst v12;
	v5 =	vadd.f32 v5, v10;
	v63 =	vld [tilespmem:s21+$0x2470]  }
0xf7: {  	[tilespmem:s21+$0x2410] =	vst v11;
	v4 =	vadd.f32 v4, v9  }
0xf8: {  	[tilespmem:s21+$0x2420] =	vst v5;
	v3 =	vadd.f32 v3, v8  }
0xf9: {  	[tilespmem:s21+$0x2430] =	vst v4;
	v2 =	vadd.f32 v2, v6  }
0xfa: {  	[tilespmem:s21+$0x2440] =	vst v3;
	v1 =	vadd.f32 v1, v7  }
0xfb: {  	[tilespmem:s21+$0x2450] =	vst v2;
	v0 =	vadd.f32 v0, v63  }
0xfc: {  	s20 =	sshll.u32 s20, $0xA;
	[tilespmem:s21+$0x2460] =	vst v1  }
0xfd: {  	s20 =	sadd.s32 s16, s20;
	[tilespmem:s21+$0x2470] =	vst v0  }
0xfe: {  	[hbm4b:s20+s6] =	stream.linear.scatter [tilespmem:s13], [sflag:$0x3], $0x2000, $0x38;
	[tilespmem:$0x1FC80] =	vst v63  }
.LBB2_10:
0xff: {  	s19 =	sadd.s32 s5, s19  }
0x100: {  	p1 =	sgt.u32 s19, $0x1387  }
.Ltmp8:
0x101: {  	_ = 	snop;
	(pc) =	sbr.rel @p1 .LBB2_14-.Ltmp8, $1  }
0x102: {  	_ =	sdelay $0x3  }
0x103: {  	_ =	swait.ge [sflag:s12], $0x2000  }
0x104: {  	p1 =	sgt.u32 s19, $0x1367;
	[sflag:s12] =	ssyncset.done $0x0  }
0x105: {  	s20 =	simm.s32 @!p1 $0x1;
	[sflag:s12] =	ssyncadd.s32 $0xFFFFE000  }
0x106: {  	_ =	swait.ge @!p1 [sflag:s20], $0x40  }
0x107: {  	[sflag:s20] =	ssyncset.done @!p1 $0x0  }
0x108: {  	[sflag:s20] =	ssyncadd.s32 @!p1 $0xFFFFFFC0  }
0x109: {  	_ =	swait.ge @!p1 [sflag:s20], $0x40  }
0x10a: {  	[sflag:s20] =	ssyncset.done @!p1 $0x0  }
0x10b: {  	[sflag:s20] =	ssyncadd.s32 @!p1 $0xFFFFFFC0;
	s20 =	simm.s32 @!p1 $0x3  }
0x10c: {  	_ =	swait.ge @!p1 [sflag:s20], $0x2000  }
0x10d: {  	s21 =	simm.s32 @!p1 $0x0;
	[sflag:s20] =	ssyncset.done @!p1 $0x0  }
0x10e: {  	s23 =	simm.s32 @!p1 $0x400;
	[sflag:s20] =	ssyncadd.s32 @!p1 $0xFFFFE000;
	s20 =	simm.s32 @!p1 $0x40  }
0x10f: {  	[tilespmem:s23], [sflag:$0x2] =	stream.indirect.gather @!p1 [spmem:s4], $0x80, s21, s20, $0xb8;
	[tilespmem:$0x1FC80] =	vst v63  }
0x110: {  	s21 =	simm.s32 @!p1 $0x2  }
0x111: {  	_ =	swait.ge @!p1 [sflag:s21], $0x2000  }
0x112: {  	p2 =	sgt.u32 @!p1 s19, $0x1347;
	[sflag:s21] =	ssyncset.done @!p1 $0x0  }
0x113: {  	s23 =	simm.s32 @!p1 $0x6400;
	[sflag:s21] =	ssyncadd.s32 @!p1 $0xFFFFE000;
	s21 =	simm.s32 @!p1 $0x200  }
0x114: {  	[tilespmem:s23], [sflag:$0x2] =	stream.indirect.gather @!p1 [hbm4b:s1+s20], $0x80, s21, s20, $0xb8;
	[tilespmem:$0x1FC80] =	vst v63  }
0x115: {  	p1 =	por p2, p1  }
0x116: {  	s20 =	sshll.u32 @!p1 s19, $0x3  }
0x117: {  	s20 =	sadd.s32 @!p1 $0x200, s20  }
0x118: {  	s23 =	simm.s32 @!p1 $0x0;
	s24 =	simm.s32 @!p1 $0x80;
	s21 =	sadd.s32 @!p1 s2, s20  }
0x119: {  	[tilespmem:s24], [sflag:$0x1] =	stream.linear.gather @!p1 [hbm4b:s21+s23], $0x40, $0x38;
	[tilespmem:$0x1FC80] =	vst v63  }
0x11a: {  	s20 =	sadd.s32 @!p1 s3, s20;
	s21 =	simm.s32 @!p1 $0x280  }
0x11b: {  	[tilespmem:s21], [sflag:$0x1] =	stream.linear.gather @!p1 [hbm4b:s20+s23], $0x40, $0x38;
	[tilespmem:$0x1FC80] =	vst v63  }
0x11c: {  	s20 =	simm.s32 $0x0  }
0x11d: {  	v7 =	vld [tilespmem:s20+$0xA400]  }
0x11e: {  	v11 =	vld [tilespmem:s20+$0xA410]  }
0x11f: {  	v5 =	vld [tilespmem:s20+$0xA420]  }
0x120: {  	v4 =	vld [tilespmem:s20+$0xA430]  }
0x121: {  	v3 =	vld [tilespmem:s20+$0xA440]  }
0x122: {  	v2 =	vld [tilespmem:s20+$0xA450]  }
0x123: {  	v1 =	vld [tilespmem:s20+$0xA460]  }
0x124: {  	v0 =	vld [tilespmem:s20+$0xA470]  }
0x125: {  	v12 =	vld [tilespmem:s20+$0x4400]  }
0x126: {  	v13 =	vld [tilespmem:s20+$0x4410]  }
0x127: {  	v10 =	vld [tilespmem:s20+$0x4420]  }
0x128: {  	v9 =	vld [tilespmem:s20+$0x4430]  }
0x129: {  	v8 =	vld [tilespmem:s20+$0x4440]  }
0x12a: {  	v6 =	vld [tilespmem:s20+$0x4450];
	v12 =	vadd.f32 v7, v12  }
0x12b: {  	s21 =	simm.s32 $0x200;
	v11 =	vadd.f32 v11, v13;
	v7 =	vld [tilespmem:s20+$0x4460]  }
.LBB2_12:
0x12c: {  	s23 =	sshra.s32 s21, $0x2;
	p1 =	sne.s32 s21, $0x7E00;
	[tilespmem:s20+$0x4400] =	vst v12;
	v5 =	vadd.f32 v5, v10;
	v10 =	vld [tilespmem:s20+$0x4470]  }
0x12d: {  	v12 =	vld [tilespmem:s23+$0xA400];
	[tilespmem:s20+$0x4410] =	vst v11;
	v4 =	vadd.f32 v4, v9  }
0x12e: {  	v11 =	vld [tilespmem:s23+$0xA410];
	[tilespmem:s20+$0x4420] =	vst v5;
	v3 =	vadd.f32 v3, v8  }
0x12f: {  	v5 =	vld [tilespmem:s23+$0xA420];
	[tilespmem:s20+$0x4430] =	vst v4;
	v2 =	vadd.f32 v2, v6  }
0x130: {  	v4 =	vld [tilespmem:s23+$0xA430];
	[tilespmem:s20+$0x4440] =	vst v3;
	v1 =	vadd.f32 v1, v7  }
0x131: {  	v3 =	vld [tilespmem:s23+$0xA440];
	[tilespmem:s20+$0x4450] =	vst v2;
	v0 =	vadd.f32 v0, v10  }
0x132: {  	v2 =	vld [tilespmem:s23+$0xA450];
	[tilespmem:s20+$0x4460] =	vst v1  }
0x133: {  	v1 =	vld [tilespmem:s23+$0xA460];
	[tilespmem:s20+$0x4470] =	vst v0;
	s20 =	smov.u32 s23  }
0x134: {  	v0 =	vld [tilespmem:s20+$0xA470]  }
0x135: {  	v6 =	vld [tilespmem:s20+$0x4400]  }
0x136: {  	v7 =	vld [tilespmem:s20+$0x4410]  }
.Ltmp9:
0x137: {  	v10 =	vld [tilespmem:s20+$0x4420];
	(pc) =	sbr.rel @p1 .LBB2_12-.Ltmp9, $4  }
0x138: {  	v9 =	vld [tilespmem:s20+$0x4430]  }
0x139: {  	v8 =	vld [tilespmem:s20+$0x4440]  }
0x13a: {  	v12 =	vadd.f32 v12, v6;
	v6 =	vld [tilespmem:s20+$0x4450]  }
0x13b: {  	s21 =	sadd.s32 $0x200, s21;
	v11 =	vadd.f32 v11, v7;
	v7 =	vld [tilespmem:s20+$0x4460]  }
0x13c: {  	[tilespmem:s20+$0x4400] =	vst v12;
	v5 =	vadd.f32 v5, v10;
	v63 =	vld [tilespmem:s20+$0x4470]  }
0x13d: {  	[tilespmem:s20+$0x4410] =	vst v11;
	v4 =	vadd.f32 v4, v9  }
0x13e: {  	[tilespmem:s20+$0x4420] =	vst v5;
	v3 =	vadd.f32 v3, v8  }
0x13f: {  	[tilespmem:s20+$0x4430] =	vst v4;
	v2 =	vadd.f32 v2, v6  }
.Ltmp10:
0x140: {  	[tilespmem:s20+$0x4440] =	vst v3;
	v1 =	vadd.f32 v1, v7;
	(pc) =	sbr.rel .LBB2_14-.Ltmp10, $4  }
0x141: {  	[tilespmem:s20+$0x4450] =	vst v2;
	v0 =	vadd.f32 v0, v63  }
0x142: {  	s19 =	sshll.u32 s19, $0xA;
	[tilespmem:s20+$0x4460] =	vst v1  }
0x143: {  	s19 =	sadd.s32 s16, s19;
	[tilespmem:s20+$0x4470] =	vst v0  }
0x144: {  	[hbm4b:s19+s6] =	stream.linear.scatter [tilespmem:s14], [sflag:$0x3], $0x2000, $0x38;
	[tilespmem:$0x1FC80] =	vst v63  }
.LBB2_16:
0x145: {  	_ =	sfence.sel $0x180000  }
0x146: {  	[bflag:$0x0] =	sbarrier.arrive $0xFFFF  }
0x147: {  	_ =	strace $0x90000047  }
0x148: {  	s0 =	stileid.u32;
	[bflag:$0x2] =	sbarrier.arrive $0xFFFF  }
0x149: {  	p0 =	sne.s32 s0, $0x0;
	s0 =	rddreg [dreg:$0x6]  }
0x14a: {  	s0 =	sadd.s32 @!p0 $0x100000, s0  }
0x14b: {  	[sflag:s0] =	ssyncadd.tile.s32 @!p0 $0x1;
	_ =	shalt  }
.Lfunc_end2:
_tile_overlayer_lowered:
.L_overlay_start_2:
0x14c: {  	(tag) =	ssettag $0x2  }
0x14d: {  	s0 =	rddreg [dreg:$0x0];
	s2 =	stileid.u32  }
0x14e: {  	s1 =	rddreg [dreg:$0x1];
	p0 =	sne.s32 s2, $0x0  }
0x14f: {  	s3 =	rddreg [dreg:$0x2];
	[bflag:$0x3] =	sbarrier.arrive $0xFFFF;
	s2 =	simm.s32 @!p0 $0x1C04  }
0x150: {  	[timem:s3], [sflag:s2] =	dma.local @!p0 [hbm:s0], s1  }
0x151: {  	s0 =	simm.s32 @!p0 $0x4  }
0x152: {  	_ =	swait.ge @!p0 [sflag:s0], s1  }
0x153: {  	s1 =	ssub.s32 @!p0 $0x0, s1;
	[sflag:s0] =	ssyncset.done @!p0 $0x0  }
0x154: {  	[sflag:s0] =	ssyncadd.s32 @!p0 s1  }
0x155: {  	[bflag:$0x3] =	sbarrier.arrive $0xFFFF  }
0x156: {  	_ =	shalt  }

// kernel: kernel.13.cloned.1.call-start
scs
__scs_entry_jumppad:
0x0: {  	(pc) =	sbr.rel $0x88, $3  }
0x1: {  	(tag) =	ssettag $0x0;
	lr =	simm.s32 $0x1  }
0x2: {  	[smem:$0x3F88] =	sst lr;
	_ =	strace $0xD0000000  }
0x3: {  	_ = 	snop  }
0x4: {  	_ = 	snop  }
0x5: {  	_ = 	snop  }
0x6: {  	_ = 	snop  }
0x7: {  	_ = 	snop  }
__scs_overlays_trampoline_lowered:
0x8: {  	[smem:$0x3F97] =	sst s0  }
0x9: {  	[smem:$0x3F98] =	sst s1  }
0xa: {  	[smem:$0x3F99] =	sst s2  }
0xb: {  	[smem:$0x3F9A] =	sst s3  }
0xc: {  	[smem:$0x3F9B] =	sst s4  }
0xd: {  	[smem:$0x3F9C] =	sst s5  }
0xe: {  	[smem:$0x3F9D] =	sst s6  }
0xf: {  	[smem:$0x3F9E] =	sst s7  }
0x10: {  	[smem:$0x3F9F] =	sst s8  }
0x11: {  	[smem:$0x3FA0] =	sst s9;
	s0 =	simm.s32 @!p0 $0x0  }
0x12: {  	s1 =	sld [smem:$0x3F86];
	s0 =	simm.s32 @p0 $0x1  }
0x13: {  	[smem:$0x3FA1] =	sst s0;
	s0 =	simm.s32 @!p1 $0x0  }
0x14: {  	s2 =	sld [smem:$0x3F85];
	s0 =	simm.s32 @p1 $0x1  }
0x15: {  	[smem:$0x3FA2] =	sst s0;
	s0 =	simm.s32 @!p2 $0x0  }
0x16: {  	s3 =	sld [smem:$0x3FDB];
	s0 =	simm.s32 @p2 $0x1  }
0x17: {  	s4 =	simm.s32 $0x1BF5;
	[smem:$0x3FA4] =	sst s0  }
0x18: {  	s0 =	sld [smem:$0x3F87];
	_ =	swait.ge [sflag:s4], $0x0  }
0x19: {  	s7 =	sld [smem:$0x3F88]  }
0x1a: {  	s8 =	sadd.s32 $0xFFFFE003, lr  }
0x1b: {  	s9 =	sadd.s32 $0xFFFFFEF7, lr;
	s5 =	simm.s32 $0xFFFFFFFF;
	p2 =	slt.u32 s8, $0xFFFFF086  }
0x1c: {  	p1 =	slt.u32 s9, $0xF7A;
	s5 =	simm.s32 @!p2 $0x0  }
0x1d: {  	s5 =	simm.s32 @p1 $0x1;
	p0 =	seq.s32 s7, s2  }
0x1e: {  	s7 =	smul.u32 @!p0 $0xF7A, s2;
	p2 =	seq.s32 @!p0 s5, $0x0  }
0x1f: {  	s9 =	smul.u32 $0xF7A, s1;
	s8 =	simm.s32 @!p0 $0x1BF5;
	p2 =	por !p2, p0  }
0x20: {  	[sflag:s8] =	ssyncset.s32 @!p0 $0xFFFFF086;
	s6 =	sadd.s32 @!p0 s3, s7;
	s7 =	simm.s32 @!p0 $0x108  }
0x21: {  	s3 =	sadd.s32 s3, s9;
	s6 =	sadd.s32 @!p0 $0x88, s6;
	s7 =	simm.s32 @p2 $0x1082  }
0x22: {  	[simem:s7], [sflag:s8] =	dma.local @!p0 [hbm:s6], $0xF7A  }
0x23: {  	s9 =	sor.u32 $0xD0000000, s2;
	s6 =	simm.s32 $0x108;
	_ =	swait.ge @!p0 [sflag:s8], $0x0  }
0x24: {  	s3 =	sadd.s32 $0x88, s3;
	s6 =	simm.s32 @!p1 $0x1082;
	[sflag:s4] =	ssyncset.s32 $0xFFFFF086  }
0x25: {  	[simem:s6], [sflag:s4] =	dma.local [hbm:s3], $0xF7A  }
0x26: {  	[smem:$0x3F88] =	sst s1;
	(tag) =	ssettag s2;
	_ =	strace s9  }
0x27: {  	s1 =	sld [smem:$0x3F98]  }
0x28: {  	s2 =	sld [smem:$0x3F99]  }
0x29: {  	s4 =	sld [smem:$0x3F9B]  }
0x2a: {  	p0 =	seq.s32 s5, $0x0;
	s5 =	sld [smem:$0x3F9C]  }
0x2b: {  	s6 =	sld [smem:$0x3F9D]  }
0x2c: {  	s7 =	sld [smem:$0x3F9E]  }
0x2d: {  	s3 =	simm.s32 $0x108;
	s8 =	sld [smem:$0x3F9F]  }
0x2e: {  	s3 =	simm.s32 @!p0 $0x1082;
	s9 =	sld [smem:$0x3FA0]  }
0x2f: {  	lr =	sadd.s32 s0, s3;
	s0 =	sld [smem:$0x3F97]  }
0x30: {  	s3 =	sld [smem:$0x3F9A]  }
0x31: {  	[smem:$0x3FA3] =	sst s10  }
0x32: {  	s10 =	sld [smem:$0x3FA1];
	_ =	sdelay $0x3  }
0x33: {  	p0 =	seq.s32 s10, $0x1;
	s10 =	sld [smem:$0x3FA3];
	_ =	sdelay $0x3  }
0x34: {  	[smem:$0x3FA3] =	sst s10  }
0x35: {  	s10 =	sld [smem:$0x3FA2];
	_ =	sdelay $0x3  }
0x36: {  	p1 =	seq.s32 s10, $0x1;
	s10 =	sld [smem:$0x3FA3];
	_ =	sdelay $0x3  }
0x37: {  	[smem:$0x3FA3] =	sst s10  }
0x38: {  	s10 =	sld [smem:$0x3FA4]  }
0x39: {  	_ = 	snop;
	(pc) =	sbr.ind lr, $3  }
0x3a: {  	_ = 	snop  }
0x3b: {  	_ = 	snop  }
0x3c: {  	p2 =	seq.s32 s10, $0x1;
	s10 =	sld [smem:$0x3FA3]  }
0x3d: {  	_ =	shalt  }
0x3e: {  	_ =	shalt  }
0x3f: {  	_ =	shalt  }
0x40: {  	_ =	shalt  }
0x41: {  	_ =	shalt  }
0x42: {  	_ =	shalt  }
0x43: {  	_ =	shalt  }
0x44: {  	_ =	shalt  }
0x45: {  	_ =	shalt  }
0x46: {  	_ =	shalt  }
0x47: {  	_ =	shalt  }
0x48: {  	_ =	shalt  }
0x49: {  	_ =	shalt  }
0x4a: {  	_ =	shalt  }
0x4b: {  	_ =	shalt  }
0x4c: {  	_ =	shalt  }
0x4d: {  	_ =	shalt  }
0x4e: {  	_ =	shalt  }
0x4f: {  	_ =	shalt  }
0x50: {  	_ =	shalt  }
0x51: {  	_ =	shalt  }
0x52: {  	_ =	shalt  }
0x53: {  	_ =	shalt  }
0x54: {  	_ =	shalt  }
0x55: {  	_ =	shalt  }
0x56: {  	_ =	shalt  }
0x57: {  	_ =	shalt  }
0x58: {  	_ =	shalt  }
0x59: {  	_ =	shalt  }
0x5a: {  	_ =	shalt  }
0x5b: {  	_ =	shalt  }
0x5c: {  	_ =	shalt  }
0x5d: {  	_ =	shalt  }
0x5e: {  	_ =	shalt  }
0x5f: {  	_ =	shalt  }
0x60: {  	_ =	shalt  }
0x61: {  	_ =	shalt  }
0x62: {  	_ =	shalt  }
0x63: {  	_ =	shalt  }
0x64: {  	_ =	shalt  }
0x65: {  	_ =	shalt  }
0x66: {  	_ =	shalt  }
0x67: {  	_ =	shalt  }
0x68: {  	_ =	shalt  }
0x69: {  	_ =	shalt  }
0x6a: {  	_ =	shalt  }
0x6b: {  	_ =	shalt  }
0x6c: {  	_ =	shalt  }
0x6d: {  	_ =	shalt  }
0x6e: {  	_ =	shalt  }
0x6f: {  	_ =	shalt  }
0x70: {  	_ =	shalt  }
0x71: {  	_ =	shalt  }
0x72: {  	_ =	shalt  }
0x73: {  	_ =	shalt  }
0x74: {  	_ =	shalt  }
0x75: {  	_ =	shalt  }
0x76: {  	_ =	shalt  }
0x77: {  	_ =	shalt  }
0x78: {  	_ =	shalt  }
0x79: {  	_ =	shalt  }
0x7a: {  	_ =	shalt  }
0x7b: {  	_ =	shalt  }
0x7c: {  	_ =	shalt  }
0x7d: {  	_ =	shalt  }
0x7e: {  	_ =	shalt  }
0x7f: {  	_ =	shalt  }
0x80: {  	_ =	shalt  }
0x81: {  	_ =	shalt  }
0x82: {  	_ =	shalt  }
0x83: {  	_ =	shalt  }
0x84: {  	_ =	shalt  }
0x85: {  	_ =	shalt  }
0x86: {  	_ =	shalt  }
0x87: {  	_ =	shalt  }
.Lfunc_end0:
.L_simem_size_0:
called_computation.1_lowered:
.L_overlay_start_0:
0x88: {  	s2 =	sld [smem:$0x3FD9]  }
0x89: {  	s3 =	sld [smem:$0x3FFE];
	_ =	sdelay $0x1  }
0x8a: {  	s1 =	srdreg.scid  }
0x8b: {  	s0 =	sand.u32 $0x1, s1  }
0x8c: {  	s17 =	sshll.u32 s0, $0xA;
	s2 =	sadd.s32 s3, s2  }
0x8d: {  	s2 =	sadd.s32 s2, s17  }
0x8e: {  	[smem:$0x3FAF] =	sst s2  }
0x8f: {  	_ = 	snop  }
0x90: {  	s18 =	sld [smem:$0x3FC4]  }
0x91: {  	s4 =	sld [smem:$0x3FC3];
	(tm) =	ssettm $0x1  }
0x92: {  	s19 =	sld [smem:$0x3FFB];
	_ =	sdelay $0x3  }
0x93: {  	_ =	strace s19  }
0x94: {  	s2 =	sld [smem:$0x3FFC];
	_ =	sdelay $0x3  }
0x95: {  	_ =	strace s2  }
0x96: {  	s2 =	sld [smem:$0x3FFD];
	_ =	sdelay $0x3  }
0x97: {  	_ =	strace s2  }
0x98: {  	_ =	strace $0x8FFFFFFF  }
0x99: {  	s20 =	sld [smem:$0x3FDB];
	_ =	sdelay $0x1  }
0x9a: {  	s5 =	simm.s32 $_scs_section_size  }
0x9b: {  	s6 =	simm.s32 $_size__tile_overlayer_lowered;
	s7 =	simm.s32 $_tile_overlayer_lowered  }
0x9c: {  	s8 =	simm.s32 $0x1BFF;
	s21 =	sshll.u32 s7, $0x1;
	s5 =	sadd.s32 s5, s20  }
0x9d: {  	s22 =	simm.s32 $0x0;
	s6 =	sshll.u32 s6, $0x1;
	s7 =	sadd.s32 s21, s5  }
0x9e: {  	[timem:s22], [sflag:s8] =	dma.local [hbm:s7], s6  }
0x9f: {  	_ =	swait.ge [sflag:s8], s6  }
0xa0: {  	s6 =	ssub.s32 $0x0, s6;
	[sflag:s8] =	ssyncset.done $0x0  }
0xa1: {  	[sflag:s8] =	ssyncadd.s32 s6;
	_ =	sdelay $0x1  }
0xa2: {  	s23 =	simm.s32 $0x1B8B  }
0xa3: {  	_ =	swait.ge [sflag:s23], $0x1  }
0xa4: {  	[sflag:s23] =	ssyncset.done $0x0  }
0xa5: {  	[sflag:s23] =	ssyncadd.s32 $0xFFFFFFFF  }
0xa6: {  	s6 =	sld [smem:$0x0]  }
0xa7: {  	s7 =	sand.u32 $0xFFFFFFFE, s1  }
0xa8: {  	p0 =	sne.s32 s1, s7  }
0xa9: {  	s7 =	sshll.u32 @p0 s7, $0xE  }
0xaa: {  	s7 =	sadd.s32 @p0 $0x11B8D, s7;
	s8 =	sshll.u32 @p0 s6, $0x11  }
0xab: {  	s7 =	sor.u32 @p0 s8, s7  }
0xac: {  	[sflag:s7] =	ssyncadd.remote.s32 @p0 $0x1;
	_ =	sdelay $0x1  }
0xad: {  	s7 =	simm.s32 @p0 $0x1B8D  }
0xae: {  	_ =	swait.eq @p0 [sflag:s7], $0x1  }
0xaf: {  	[sflag:s7] =	ssyncadd.s32 @p0 $0xFFFFFFFF  }
0xb0: {  	s8 =	sshll.u32 @!p0 s1, $0xE  }
0xb1: {  	s8 =	sor.u32 @!p0 $0x4000, s8;
	s7 =	simm.s32 @!p0 $0x1B8D  }
0xb2: {  	s6 =	sshll.u32 @!p0 s6, $0x11;
	s8 =	sadd.s32 @!p0 $0x11B8D, s8;
	_ =	swait.eq @!p0 [sflag:s7], $0x1  }
0xb3: {  	s6 =	sor.u32 @!p0 s6, s8;
	[sflag:s7] =	ssyncadd.s32 @!p0 $0xFFFFFFFF  }
0xb4: {  	s25 =	simm.s32 $0x1B8E;
	s24 =	sld [smem:$0x3FFE];
	[sflag:s6] =	ssyncadd.remote.s32 @!p0 $0x1  }
0xb5: {  	s26 =	simm.s32 $execute0_lowered;
	[smem:$0x3FD2] =	sst s25  }
0xb6: {  	s7 =	sshll.u32 s26, $0x1;
	_ =	strace $0x80000049;
	[dreg:$0x1] =	wrdreg $0xFFFFFFFF  }
0xb7: {  	s28 =	simm.s32 $_size_execute0_lowered;
	s5 =	sadd.s32 s5, s7;
	[dreg:$0x0] =	wrdreg $0x0  }
0xb8: {  	s7 =	sshll.u32 s28, $0x1;
	[dreg:$0x2] =	wrdreg s5  }
0xb9: {  	[dreg:$0x3] =	wrdreg s7  }
0xba: {  	[dreg:$0x4] =	wrdreg $0xC0  }
0xbb: {  	_ =	task [dreg:s22], $0x5FFFF  }
0xbc: {  	[dreg:$0x1] =	wrdreg $0xFFFFFFFF  }
0xbd: {  	[dreg:$0x0] =	wrdreg $0x60  }
0xbe: {  	[dreg:$0x2] =	wrdreg s24  }
0xbf: {  	[dreg:$0x3] =	wrdreg s18  }
0xc0: {  	[dreg:$0x4] =	wrdreg s4  }
0xc1: {  	[dreg:$0x5] =	wrdreg $0xC4000  }
0xc2: {  	[dreg:$0x6] =	wrdreg $0x9  }
0xc3: {  	_ =	task.clear_ibuf [dreg:s22], $0x7FFFF;
	_ =	strace $0x90000049  }
0xc4: {  	s29 =	simm.s32 $0x9;
	_ =	strace $0x8000004B  }
0xc5: {  	_ =	swait.ge [sflag:s29], $0x1  }
0xc6: {  	[sflag:s29] =	ssyncadd.s32 $0xFFFFFFFF  }
0xc7: {  	_ =	strace $0x9000004B  }
0xc8: {  	_ =	sfence  }
0xc9: {  	s30 =	sld [smem:$0x0];
	_ =	sdelay $0x2  }
0xca: {  	s31 =	sshll.u32 s1, $0xD;
	s1 =	sshrl.u32 s1, $0x2  }
0xcb: {  	s4 =	sand.u32 $0x4000, s31;
	s1 =	sadd.s32 s1, s30  }
0xcc: {  	s0 =	sor.u32 s4, s0;
	s1 =	sshll.u32 s1, $0x11  }
0xcd: {  	s0 =	sor.u32 s1, s0  }
0xce: {  	s0 =	sadd.s32 $0x8F2B, s0  }
0xcf: {  	[sflag:s0] =	ssyncadd.remote.s32 $0x1  }
0xd0: {  	_ =	sfence.sel $0xFFFF  }
0xd1: {  	[dreg:$0x0] =	wrdreg $0xFFFFFFFF;
	(pc) =	sbr.abs _section_cstart, $3  }
0xd2: {  	[dreg:$0x1] =	wrdreg $0xFFFFFFFF  }
0xd3: {  	_ =	task.clear_ibuf [dreg:s22], $0x2FFFF;
	_ =	strace $0x9FFFFFFF  }
0xd4: {  	(tm) =	ssettm $0x7FFFFFFF  }
0xd5: {  	_ =	shalt  }
tec
execute0_lowered:
.L_overlay_start_1:
0x0: {  	(tag) =	ssettag $0x1  }
0x1: {  	s0 =	rddreg [dreg:$0x0]  }
0x2: {  	s1 =	rddreg [dreg:$0x1]  }
0x3: {  	s2 =	rddreg [dreg:$0x2]  }
0x4: {  	s3 =	rddreg [dreg:$0x3];
	s4 =	simm.s32 $0x0;
	s22 =	stileid.u32  }
0x5: {  	s6 =	srdreg.scid;
	s7 =	smul.u32 $0x500, s22;
	s8 =	sor.u32 $0x10, s22  }
0x6: {  	[smem:$0x7FF] =	sst s4;
	s11 =	sor.u32 $0x20, s22;
	s10 =	smul.u32 $0x500, s8  }
0x7: {  	s5 =	sadd.s32 $0x5A00, s0;
	s14 =	sor.u32 $0x30, s22;
	s13 =	smul.u32 $0x500, s11  }
0x8: {  	s6 =	sand.u32 $0x1, s6;
	s17 =	sor.u32 $0x40, s22;
	s26 =	smul.u32 $0x500, s14  }
0x9: {  	s18 =	sor.u32 $0x50, s22;
	s19 =	sor.u32 $0x60, s22;
	s15 =	smul.u32 $0x500, s17  }
0xa: {  	s23 =	sor.u32 $0x70, s22;
	_ =	strace $0x8000004A;
	s16 =	smul.u32 $0x500, s18  }
0xb: {  	s9 =	ssub.s32 $0x2, s6;
	s6 =	sshll.u32 s6, $0x4;
	s21 =	smul.u32 $0x500, s19  }
0xc: {  	s8 =	smul.u32 $0xA000, s8;
	p0 =	sgt.u32 s23, $0x7C;
	s7 =	sadd.s32 s5, s7  }
0xd: {  	s12 =	sshrl.u32 s9, $0x1;
	[dreg:$0x5] =	wrdreg s7;
	s10 =	sadd.s32 s5, s10  }
0xe: {  	s6 =	sor.u32 s22, s6;
	s13 =	sadd.s32 s5, s13;
	[dreg:$0x6] =	wrdreg s10  }
0xf: {  	s9 =	ssub.s32 s9, s12;
	s24 =	sadd.s32 s5, s26;
	[dreg:$0x7] =	wrdreg s13  }
0x10: {  	s20 =	sshll.u32 s6, $0x3;
	s25 =	sadd.s32 s5, s15;
	[dreg:$0x8] =	wrdreg s24  }
0x11: {  	s7 =	smul.u32 $0x500, s23;
	s26 =	sadd.s32 s5, s16;
	[dreg:$0x9] =	wrdreg s25  }
0x12: {  	s12 =	sadd.s32 s5, s21;
	s15 =	sadd.s32 $0x2CC00, s0;
	[dreg:$0xa] =	wrdreg s26  }
0x13: {  	s16 =	sadd.s32 $0x535E00, s0;
	[dreg:$0xb] =	wrdreg s12;
	s13 =	sadd.s32 s1, s20  }
0x14: {  	s21 =	sadd.s32 s2, s20;
	s24 =	sor.u32 $0x100, s20;
	s25 =	smul.u32 $0xA000, s22  }
0x15: {  	s10 =	smax.u32 s9, $0x1;
	s12 =	smul.u32 $0xA000, s11;
	[dreg:$0xd] =	wrdreg s13  }
0x16: {  	s20 =	smul.u32 $0xA000, s17;
	s17 =	simm.s32 $0x0;
	[dreg:$0xe] =	wrdreg s21  }
0x17: {  	s5 =	sadd.s32 s5, s7;
	s26 =	sadd.s32 s1, s24;
	[dreg:$0x11] =	wrdreg s10  }
0x18: {  	s0 =	sadd.s32 s2, s24;
	s13 =	smul.u32 $0xA000, s14;
	[dreg:$0xc] =	wrdreg s5  }
0x19: {  	s14 =	sshll.u32 s22, $0x6;
	s21 =	smul.u32 $0xA000, s18;
	[dreg:$0xf] =	wrdreg s26  }
0x1a: {  	s24 =	smul.u32 $0xA000, s19;
	[dreg:$0x10] =	wrdreg s0;
	s5 =	sshrl.u32 s25, $0x2  }
0x1b: {  	s22 =	sor.u32 $0x1C04, s14;
	s0 =	sshrl.u32 s8, $0x2;
	s7 =	sshrl.u32 s12, $0x2  }
0x1c: {  	s9 =	sshrl.u32 s20, $0x2;
	s25 =	smul.u32 $0xA000, s23;
	s14 =	simm.s32 $0x3  }
0x1d: {  	s5 =	sadd.s32 s5, s3;
	s0 =	sadd.s32 s0, s3;
	s7 =	sadd.s32 s7, s3  }
0x1e: {  	s8 =	sshrl.u32 s13, $0x2;
	s9 =	sadd.s32 s9, s3;
	s10 =	sshrl.u32 s21, $0x2  }
0x1f: {  	s11 =	sshrl.u32 s24, $0x2;
	s13 =	simm.s32 $0x4400;
	s8 =	sadd.s32 s8, s3  }
0x20: {  	s10 =	sadd.s32 s10, s3;
	s12 =	sshrl.u32 s25, $0x2;
	s11 =	sadd.s32 s11, s3  }
0x21: {  	s5 =	sshrl.u32 s5, $0x3;
	s0 =	sshrl.u32 s0, $0x3;
	s26 =	sshrl.u32 s7, $0x3  }
0x22: {  	s28 =	sshrl.u32 s9, $0x3;
	s7 =	simm.s32 $0x4;
	[dreg:$0x12] =	wrdreg s5  }
.Ltmp0:
0x23: {  	s9 =	simm.s32 $0x40;
	[dreg:$0x13] =	wrdreg s0;
	(pc) =	sbr.rel .LBB2_1-.Ltmp0, $4  }
0x24: {  	s12 =	sadd.s32 s12, s3;
	[dreg:$0x14] =	wrdreg s26;
	s26 =	sshrl.u32 s8, $0x3  }
0x25: {  	s29 =	sshrl.u32 s10, $0x3;
	s30 =	sshrl.u32 s11, $0x3;
	s0 =	sor.u32 $0x20, s6  }
0x26: {  	s5 =	sor.u32 $0x40, s6;
	s8 =	simm.s32 $0x200;
	s10 =	simm.s32 $0x400  }
0x27: {  	s11 =	simm.s32 $0x2;
	s31 =	sshrl.u32 @!p0 s12, $0x3;
	s12 =	simm.s32 $0x2400  }
.LBB2_15:
0x28: {  	_ =	swait.ge [sflag:s14], $0x2000  }
0x29: {  	[sflag:s14] =	ssyncset.done $0x0  }
0x2a: {  	[sflag:s14] =	ssyncadd.s32 $0xFFFFE000  }
0x2b: {  	_ =	swait.ge [sflag:s14], $0x2000  }
0x2c: {  	[sflag:s14] =	ssyncset.done $0x0  }
0x2d: {  	[sflag:s14] =	ssyncadd.s32 $0xFFFFE000  }
0x2e: {  	_ =	swait.ge [sflag:s14], $0x2000  }
0x2f: {  	s17 =	sadd.s32 $0x1, s17;
	s18 =	rddreg [dreg:$0x11]  }
0x30: {  	p1 =	sne.s32 s17, s18  }
.Ltmp1:
0x31: {  	_ = 	snop;
	(pc) =	sbr.rel @!p1 .LBB2_16-.Ltmp1, $3  }
0x32: {  	_ =	sdelay $0x1  }
0x33: {  	[sflag:s14] =	ssyncset.done $0x0  }
0x34: {  	[sflag:s14] =	ssyncadd.s32 $0xFFFFE000  }
.LBB2_1:
0x35: {  	s18 =	rddreg [dreg:$0x5]  }
0x36: {  	s19 =	rddreg [dreg:$0x12]  }
0x37: {  	[spmem:s19], [sflag:s22] =	dma.local [hbm:s18], $0x500  }
0x38: {  	_ =	swait.ge [sflag:s7], $0x500  }
0x39: {  	[sflag:s7] =	ssyncset.done $0x0;
	s21 =	rddreg [dreg:$0x6]  }
0x3a: {  	s23 =	rddreg [dreg:$0x13];
	[sflag:s7] =	ssyncadd.s32 $0xFFFFFB00  }
0x3b: {  	[spmem:s23], [sflag:s22] =	dma.local [hbm:s21], $0x500  }
0x3c: {  	_ =	swait.ge [sflag:s7], $0x500  }
0x3d: {  	[sflag:s7] =	ssyncset.done $0x0;
	s24 =	rddreg [dreg:$0x7]  }
0x3e: {  	s25 =	rddreg [dreg:$0x14];
	[sflag:s7] =	ssyncadd.s32 $0xFFFFFB00  }
0x3f: {  	[spmem:s25], [sflag:s22] =	dma.local [hbm:s24], $0x500  }
0x40: {  	_ =	swait.ge [sflag:s7], $0x500  }
0x41: {  	[sflag:s7] =	ssyncset.done $0x0  }
0x42: {  	s20 =	rddreg [dreg:$0x8];
	[sflag:s7] =	ssyncadd.s32 $0xFFFFFB00  }
0x43: {  	[spmem:s26], [sflag:s22] =	dma.local [hbm:s20], $0x500  }
0x44: {  	_ =	swait.ge [sflag:s7], $0x500  }
0x45: {  	[sflag:s7] =	ssyncset.done $0x0  }
0x46: {  	s21 =	rddreg [dreg:$0x9];
	[sflag:s7] =	ssyncadd.s32 $0xFFFFFB00  }
0x47: {  	[spmem:s28], [sflag:s22] =	dma.local [hbm:s21], $0x500  }
0x48: {  	_ =	swait.ge [sflag:s7], $0x500  }
0x49: {  	[sflag:s7] =	ssyncset.done $0x0  }
0x4a: {  	s23 =	rddreg [dreg:$0xa];
	[sflag:s7] =	ssyncadd.s32 $0xFFFFFB00  }
0x4b: {  	[spmem:s29], [sflag:s22] =	dma.local [hbm:s23], $0x500  }
0x4c: {  	_ =	swait.ge [sflag:s7], $0x500  }
0x4d: {  	[sflag:s7] =	ssyncset.done $0x0  }
0x4e: {  	s24 =	rddreg [dreg:$0xb];
	[sflag:s7] =	ssyncadd.s32 $0xFFFFFB00  }
0x4f: {  	[spmem:s30], [sflag:s22] =	dma.local [hbm:s24], $0x500  }
0x50: {  	_ =	swait.ge [sflag:s7], $0x500  }
0x51: {  	[sflag:s7] =	ssyncset.done $0x0  }
0x52: {  	s18 =	rddreg [dreg:$0xc];
	[sflag:s7] =	ssyncadd.s32 $0xFFFFFB00  }
0x53: {  	[spmem:s31], [sflag:s22] =	dma.local @!p0 [hbm:s18], $0x500  }
0x54: {  	s18 =	simm.s32 @!p0 $0x4  }
0x55: {  	_ =	swait.ge @!p0 [sflag:s18], $0x500  }
0x56: {  	[sflag:s18] =	ssyncset.done @!p0 $0x0  }
0x57: {  	[sflag:s18] =	ssyncadd.s32 @!p0 $0xFFFFFB00  }
0x58: {  	[bflag:$0x0] =	sbarrier.arrive $0xFFFF  }
0x59: {  	s25 =	rddreg [dreg:$0xd]  }
0x5a: {  	[tilespmem:s4], [sflag:$0x4] =	stream.linear.gather [hbm4b:s25+s4], $0x40, $0x38;
	[tilespmem:$0x1FC80] =	vst v63  }
0x5b: {  	_ =	swait.ge [sflag:s7], $0x40  }
0x5c: {  	[sflag:s7] =	ssyncset.done $0x0  }
0x5d: {  	s19 =	rddreg [dreg:$0xe];
	[sflag:s7] =	ssyncadd.s32 $0xFFFFFFC0  }
0x5e: {  	[tilespmem:s8], [sflag:$0x4] =	stream.linear.gather [hbm4b:s19+s4], $0x40, $0x38;
	[tilespmem:$0x1FC80] =	vst v63  }
0x5f: {  	_ =	swait.ge [sflag:s7], $0x40  }
0x60: {  	[sflag:s7] =	ssyncset.done $0x0  }
0x61: {  	[sflag:s7] =	ssyncadd.s32 $0xFFFFFFC0  }
0x62: {  	[tilespmem:s10], [sflag:$0x2] =	stream.indirect.gather [spmem:s3], $0x80, s4, s9, $0xb8;
	[tilespmem:$0x1FC80] =	vst v63  }
0x63: {  	_ =	swait.ge [sflag:s11], $0x2000  }
0x64: {  	[sflag:s11] =	ssyncset.done $0x0  }
0x65: {  	s20 =	simm.s32 $0x6400;
	[sflag:s11] =	ssyncadd.s32 $0xFFFFE000  }
0x66: {  	[tilespmem:s20], [sflag:$0x2] =	stream.indirect.gather [hbm4b:s15+s9], $0x80, s8, s9, $0xb8;
	[tilespmem:$0x1FC80] =	vst v63  }
.Ltmp2:
0x67: {  	_ = 	snop;
	(pc) =	sbr.rel .LBB2_2-.Ltmp2, $4  }
0x68: {  	s23 =	simm.s32 $0x80;
	s21 =	rddreg [dreg:$0xf]  }
0x69: {  	[tilespmem:s23], [sflag:$0x1] =	stream.linear.gather [hbm4b:s21+s4], $0x40, $0x38;
	[tilespmem:$0x1FC80] =	vst v63  }
0x6a: {  	s18 =	simm.s32 $0x0;
	s25 =	simm.s32 $0x280;
	s24 =	rddreg [dreg:$0x10]  }
0x6b: {  	[tilespmem:s25], [sflag:$0x1] =	stream.linear.gather [hbm4b:s24+s4], $0x40, $0x38;
	[tilespmem:$0x1FC80] =	vst v63  }
.LBB2_14:
0x6c: {  	s18 =	sadd.s32 $0x1, s18  }
0x6d: {  	p1 =	sne.s32 s18, $0x1B  }
.Ltmp3:
0x6e: {  	_ = 	snop;
	(pc) =	sbr.rel @!p1 .LBB2_15-.Ltmp3, $1  }
0x6f: {  	_ =	sdelay $0x3  }
.LBB2_2:
0x70: {  	s19 =	smul.u32 $0x60, s18;
	_ =	sdelay $0x1  }
0x71: {  	s20 =	sor.u32 s6, s19  }
0x72: {  	p1 =	sgt.u32 s20, $0x9C3  }
.Ltmp4:
0x73: {  	_ = 	snop;
	(pc) =	sbr.rel @p1 .LBB2_6-.Ltmp4, $1  }
0x74: {  	_ =	sdelay $0x3  }
0x75: {  	_ =	swait.ge [sflag:s11], $0x2000  }
0x76: {  	p1 =	sgt.u32 s20, $0x9A3;
	[sflag:s11] =	ssyncset.done $0x0  }
0x77: {  	s21 =	simm.s32 @!p1 $0x1;
	[sflag:s11] =	ssyncadd.s32 $0xFFFFE000  }
0x78: {  	_ =	swait.ge @!p1 [sflag:s21], $0x40  }
0x79: {  	[sflag:s21] =	ssyncset.done @!p1 $0x0  }
0x7a: {  	[sflag:s21] =	ssyncadd.s32 @!p1 $0xFFFFFFC0  }
0x7b: {  	p2 =	seq.s32 @!p1 s18, $0x0;
	_ =	swait.ge @!p1 [sflag:s21], $0x40  }
0x7c: {  	p2 =	por p2, p1;
	[sflag:s21] =	ssyncset.done @!p1 $0x0  }
0x7d: {  	[sflag:s21] =	ssyncadd.s32 @!p1 $0xFFFFFFC0;
	s21 =	simm.s32 @!p2 $0x3  }
0x7e: {  	_ =	swait.ge @!p2 [sflag:s21], $0x2000  }
0x7f: {  	s23 =	simm.s32 @!p1 $0x80;
	[sflag:s21] =	ssyncset.done @!p2 $0x0  }
0x80: {  	s24 =	simm.s32 @!p1 $0x2400;
	[sflag:s21] =	ssyncadd.s32 @!p2 $0xFFFFE000;
	s21 =	simm.s32 @!p1 $0x40  }
0x81: {  	[tilespmem:s24], [sflag:$0x2] =	stream.indirect.gather @!p1 [spmem:s3], $0x80, s23, s21, $0xb8;
	[tilespmem:$0x1FC80] =	vst v63  }
0x82: {  	s23 =	simm.s32 @!p1 $0x2  }
0x83: {  	_ =	swait.ge @!p1 [sflag:s23], $0x2000  }
0x84: {  	p2 =	sgt.u32 @!p1 s20, $0x983;
	[sflag:s23] =	ssyncset.done @!p1 $0x0  }
0x85: {  	s24 =	simm.s32 @!p1 $0x8400;
	[sflag:s23] =	ssyncadd.s32 @!p1 $0xFFFFE000;
	s23 =	simm.s32 @!p1 $0x280  }
0x86: {  	[tilespmem:s24], [sflag:$0x2] =	stream.indirect.gather @!p1 [hbm4b:s15+s21], $0x80, s23, s21, $0xb8;
	[tilespmem:$0x1FC80] =	vst v63  }
0x87: {  	p1 =	por p2, p1  }
0x88: {  	s21 =	sshll.u32 @!p1 s20, $0x3  }
0x89: {  	s21 =	sadd.s32 @!p1 $0x200, s21  }
0x8a: {  	s24 =	simm.s32 @!p1 $0x0;
	s25 =	simm.s32 @!p1 $0x100;
	s23 =	sadd.s32 @!p1 s1, s21  }
0x8b: {  	[tilespmem:s25], [sflag:$0x1] =	stream.linear.gather @!p1 [hbm4b:s23+s24], $0x40, $0x38;
	[tilespmem:$0x1FC80] =	vst v63  }
0x8c: {  	s21 =	sadd.s32 @!p1 s2, s21;
	s23 =	simm.s32 @!p1 $0x300  }
0x8d: {  	[tilespmem:s23], [sflag:$0x1] =	stream.linear.gather @!p1 [hbm4b:s21+s24], $0x40, $0x38;
	[tilespmem:$0x1FC80] =	vst v63  }
0x8e: {  	s21 =	simm.s32 $0x0  }
0x8f: {  	v7 =	vld [tilespmem:s21+$0x6400]  }
0x90: {  	v11 =	vld [tilespmem:s21+$0x6410]  }
0x91: {  	v5 =	vld [tilespmem:s21+$0x6420]  }
0x92: {  	v4 =	vld [tilespmem:s21+$0x6430]  }
0x93: {  	v3 =	vld [tilespmem:s21+$0x6440]  }
0x94: {  	v2 =	vld [tilespmem:s21+$0x6450]  }
0x95: {  	v1 =	vld [tilespmem:s21+$0x6460]  }
0x96: {  	v0 =	vld [tilespmem:s21+$0x6470]  }
0x97: {  	v12 =	vld [tilespmem:s21+$0x400]  }
0x98: {  	v13 =	vld [tilespmem:s21+$0x410]  }
0x99: {  	v10 =	vld [tilespmem:s21+$0x420]  }
0x9a: {  	v9 =	vld [tilespmem:s21+$0x430]  }
0x9b: {  	v8 =	vld [tilespmem:s21+$0x440]  }
0x9c: {  	v6 =	vld [tilespmem:s21+$0x450];
	v12 =	vadd.f32 v7, v12  }
0x9d: {  	s23 =	simm.s32 $0x200;
	v11 =	vadd.f32 v11, v13;
	v7 =	vld [tilespmem:s21+$0x460]  }
.LBB2_4:
0x9e: {  	s24 =	sshra.s32 s23, $0x2;
	p1 =	sne.s32 s23, $0x7E00;
	[tilespmem:s21+$0x400] =	vst v12;
	v5 =	vadd.f32 v5, v10;
	v10 =	vld [tilespmem:s21+$0x470]  }
0x9f: {  	v12 =	vld [tilespmem:s24+$0x6400];
	[tilespmem:s21+$0x410] =	vst v11;
	v4 =	vadd.f32 v4, v9  }
0xa0: {  	v11 =	vld [tilespmem:s24+$0x6410];
	[tilespmem:s21+$0x420] =	vst v5;
	v3 =	vadd.f32 v3, v8  }
0xa1: {  	v5 =	vld [tilespmem:s24+$0x6420];
	[tilespmem:s21+$0x430] =	vst v4;
	v2 =	vadd.f32 v2, v6  }
0xa2: {  	v4 =	vld [tilespmem:s24+$0x6430];
	[tilespmem:s21+$0x440] =	vst v3;
	v1 =	vadd.f32 v1, v7  }
0xa3: {  	v3 =	vld [tilespmem:s24+$0x6440];
	[tilespmem:s21+$0x450] =	vst v2;
	v0 =	vadd.f32 v0, v10  }
0xa4: {  	v2 =	vld [tilespmem:s24+$0x6450];
	[tilespmem:s21+$0x460] =	vst v1  }
0xa5: {  	v1 =	vld [tilespmem:s24+$0x6460];
	[tilespmem:s21+$0x470] =	vst v0;
	s21 =	smov.u32 s24  }
0xa6: {  	v0 =	vld [tilespmem:s21+$0x6470]  }
0xa7: {  	v6 =	vld [tilespmem:s21+$0x400]  }
0xa8: {  	v7 =	vld [tilespmem:s21+$0x410]  }
.Ltmp5:
0xa9: {  	v10 =	vld [tilespmem:s21+$0x420];
	(pc) =	sbr.rel @p1 .LBB2_4-.Ltmp5, $4  }
0xaa: {  	v9 =	vld [tilespmem:s21+$0x430]  }
0xab: {  	v8 =	vld [tilespmem:s21+$0x440]  }
0xac: {  	v12 =	vadd.f32 v12, v6;
	v6 =	vld [tilespmem:s21+$0x450]  }
0xad: {  	s23 =	sadd.s32 $0x200, s23;
	v11 =	vadd.f32 v11, v7;
	v7 =	vld [tilespmem:s21+$0x460]  }
0xae: {  	[tilespmem:s21+$0x400] =	vst v12;
	v5 =	vadd.f32 v5, v10;
	v63 =	vld [tilespmem:s21+$0x470]  }
0xaf: {  	[tilespmem:s21+$0x410] =	vst v11;
	v4 =	vadd.f32 v4, v9  }
0xb0: {  	[tilespmem:s21+$0x420] =	vst v5;
	v3 =	vadd.f32 v3, v8  }
0xb1: {  	[tilespmem:s21+$0x430] =	vst v4;
	v2 =	vadd.f32 v2, v6  }
0xb2: {  	[tilespmem:s21+$0x440] =	vst v3;
	v1 =	vadd.f32 v1, v7  }
0xb3: {  	[tilespmem:s21+$0x450] =	vst v2;
	v0 =	vadd.f32 v0, v63  }
0xb4: {  	s20 =	sshll.u32 s20, $0xA;
	[tilespmem:s21+$0x460] =	vst v1  }
0xb5: {  	s20 =	sadd.s32 s16, s20;
	[tilespmem:s21+$0x470] =	vst v0  }
0xb6: {  	[hbm4b:s20+s4] =	stream.linear.scatter [tilespmem:s10], [sflag:$0x3], $0x2000, $0x38;
	[tilespmem:$0x1FC80] =	vst v63  }
.LBB2_6:
0xb7: {  	s20 =	sadd.s32 s0, s19  }
0xb8: {  	p1 =	sgt.u32 s20, $0x9C3  }
.Ltmp6:
0xb9: {  	_ = 	snop;
	(pc) =	sbr.rel @p1 .LBB2_10-.Ltmp6, $1  }
0xba: {  	_ =	sdelay $0x3  }
0xbb: {  	_ =	swait.ge [sflag:s11], $0x2000  }
0xbc: {  	p1 =	sgt.u32 s20, $0x9A3;
	[sflag:s11] =	ssyncset.done $0x0  }
0xbd: {  	s21 =	simm.s32 @!p1 $0x1;
	[sflag:s11] =	ssyncadd.s32 $0xFFFFE000  }
0xbe: {  	_ =	swait.ge @!p1 [sflag:s21], $0x40  }
0xbf: {  	[sflag:s21] =	ssyncset.done @!p1 $0x0  }
0xc0: {  	[sflag:s21] =	ssyncadd.s32 @!p1 $0xFFFFFFC0  }
0xc1: {  	p2 =	seq.s32 @!p1 s18, $0x0;
	_ =	swait.ge @!p1 [sflag:s21], $0x40  }
0xc2: {  	p2 =	por p2, p1;
	[sflag:s21] =	ssyncset.done @!p1 $0x0  }
0xc3: {  	[sflag:s21] =	ssyncadd.s32 @!p1 $0xFFFFFFC0;
	s21 =	simm.s32 @!p2 $0x3  }
0xc4: {  	_ =	swait.ge @!p2 [sflag:s21], $0x2000  }
0xc5: {  	s23 =	simm.s32 @!p1 $0x100;
	[sflag:s21] =	ssyncset.done @!p2 $0x0  }
0xc6: {  	s24 =	simm.s32 @!p1 $0x4400;
	[sflag:s21] =	ssyncadd.s32 @!p2 $0xFFFFE000;
	s21 =	simm.s32 @!p1 $0x40  }
0xc7: {  	[tilespmem:s24], [sflag:$0x2] =	stream.indirect.gather @!p1 [spmem:s3], $0x80, s23, s21, $0xb8;
	[tilespmem:$0x1FC80] =	vst v63  }
0xc8: {  	s23 =	simm.s32 @!p1 $0x2  }
0xc9: {  	_ =	swait.ge @!p1 [sflag:s23], $0x2000  }
0xca: {  	p2 =	sgt.u32 @!p1 s20, $0x983;
	[sflag:s23] =	ssyncset.done @!p1 $0x0  }
0xcb: {  	s24 =	simm.s32 @!p1 $0xA400;
	[sflag:s23] =	ssyncadd.s32 @!p1 $0xFFFFE000;
	s23 =	simm.s32 @!p1 $0x300  }
0xcc: {  	[tilespmem:s24], [sflag:$0x2] =	stream.indirect.gather @!p1 [hbm4b:s15+s21], $0x80, s23, s21, $0xb8;
	[tilespmem:$0x1FC80] =	vst v63  }
0xcd: {  	p1 =	por p2, p1  }
0xce: {  	s21 =	sshll.u32 @!p1 s20, $0x3  }
0xcf: {  	s21 =	sadd.s32 @!p1 $0x200, s21  }
0xd0: {  	s24 =	simm.s32 @!p1 $0x0;
	s23 =	sadd.s32 @!p1 s1, s21  }
0xd1: {  	[tilespmem:s24], [sflag:$0x1] =	stream.linear.gather @!p1 [hbm4b:s23+s24], $0x40, $0x38;
	[tilespmem:$0x1FC80] =	vst v63  }
0xd2: {  	s21 =	sadd.s32 @!p1 s2, s21;
	s23 =	simm.s32 @!p1 $0x200  }
0xd3: {  	[tilespmem:s23], [sflag:$0x1] =	stream.linear.gather @!p1 [hbm4b:s21+s24], $0x40, $0x38;
	[tilespmem:$0x1FC80] =	vst v63  }
0xd4: {  	s21 =	simm.s32 $0x0  }
0xd5: {  	v7 =	vld [tilespmem:s21+$0x8400]  }
0xd6: {  	v11 =	vld [tilespmem:s21+$0x8410]  }
0xd7: {  	v5 =	vld [tilespmem:s21+$0x8420]  }
0xd8: {  	v4 =	vld [tilespmem:s21+$0x8430]  }
0xd9: {  	v3 =	vld [tilespmem:s21+$0x8440]  }
0xda: {  	v2 =	vld [tilespmem:s21+$0x8450]  }
0xdb: {  	v1 =	vld [tilespmem:s21+$0x8460]  }
0xdc: {  	v0 =	vld [tilespmem:s21+$0x8470]  }
0xdd: {  	v12 =	vld [tilespmem:s21+$0x2400]  }
0xde: {  	v13 =	vld [tilespmem:s21+$0x2410]  }
0xdf: {  	v10 =	vld [tilespmem:s21+$0x2420]  }
0xe0: {  	v9 =	vld [tilespmem:s21+$0x2430]  }
0xe1: {  	v8 =	vld [tilespmem:s21+$0x2440]  }
0xe2: {  	v6 =	vld [tilespmem:s21+$0x2450];
	v12 =	vadd.f32 v7, v12  }
0xe3: {  	s23 =	simm.s32 $0x200;
	v11 =	vadd.f32 v11, v13;
	v7 =	vld [tilespmem:s21+$0x2460]  }
.LBB2_8:
0xe4: {  	s24 =	sshra.s32 s23, $0x2;
	p1 =	sne.s32 s23, $0x7E00;
	[tilespmem:s21+$0x2400] =	vst v12;
	v5 =	vadd.f32 v5, v10;
	v10 =	vld [tilespmem:s21+$0x2470]  }
0xe5: {  	v12 =	vld [tilespmem:s24+$0x8400];
	[tilespmem:s21+$0x2410] =	vst v11;
	v4 =	vadd.f32 v4, v9  }
0xe6: {  	v11 =	vld [tilespmem:s24+$0x8410];
	[tilespmem:s21+$0x2420] =	vst v5;
	v3 =	vadd.f32 v3, v8  }
0xe7: {  	v5 =	vld [tilespmem:s24+$0x8420];
	[tilespmem:s21+$0x2430] =	vst v4;
	v2 =	vadd.f32 v2, v6  }
0xe8: {  	v4 =	vld [tilespmem:s24+$0x8430];
	[tilespmem:s21+$0x2440] =	vst v3;
	v1 =	vadd.f32 v1, v7  }
0xe9: {  	v3 =	vld [tilespmem:s24+$0x8440];
	[tilespmem:s21+$0x2450] =	vst v2;
	v0 =	vadd.f32 v0, v10  }
0xea: {  	v2 =	vld [tilespmem:s24+$0x8450];
	[tilespmem:s21+$0x2460] =	vst v1  }
0xeb: {  	v1 =	vld [tilespmem:s24+$0x8460];
	[tilespmem:s21+$0x2470] =	vst v0;
	s21 =	smov.u32 s24  }
0xec: {  	v0 =	vld [tilespmem:s21+$0x8470]  }
0xed: {  	v6 =	vld [tilespmem:s21+$0x2400]  }
0xee: {  	v7 =	vld [tilespmem:s21+$0x2410]  }
.Ltmp7:
0xef: {  	v10 =	vld [tilespmem:s21+$0x2420];
	(pc) =	sbr.rel @p1 .LBB2_8-.Ltmp7, $4  }
0xf0: {  	v9 =	vld [tilespmem:s21+$0x2430]  }
0xf1: {  	v8 =	vld [tilespmem:s21+$0x2440]  }
0xf2: {  	v12 =	vadd.f32 v12, v6;
	v6 =	vld [tilespmem:s21+$0x2450]  }
0xf3: {  	s23 =	sadd.s32 $0x200, s23;
	v11 =	vadd.f32 v11, v7;
	v7 =	vld [tilespmem:s21+$0x2460]  }
0xf4: {  	[tilespmem:s21+$0x2400] =	vst v12;
	v5 =	vadd.f32 v5, v10;
	v63 =	vld [tilespmem:s21+$0x2470]  }
0xf5: {  	[tilespmem:s21+$0x2410] =	vst v11;
	v4 =	vadd.f32 v4, v9  }
0xf6: {  	[tilespmem:s21+$0x2420] =	vst v5;
	v3 =	vadd.f32 v3, v8  }
0xf7: {  	[tilespmem:s21+$0x2430] =	vst v4;
	v2 =	vadd.f32 v2, v6  }
0xf8: {  	[tilespmem:s21+$0x2440] =	vst v3;
	v1 =	vadd.f32 v1, v7  }
0xf9: {  	[tilespmem:s21+$0x2450] =	vst v2;
	v0 =	vadd.f32 v0, v63  }
0xfa: {  	s20 =	sshll.u32 s20, $0xA;
	[tilespmem:s21+$0x2460] =	vst v1  }
0xfb: {  	s20 =	sadd.s32 s16, s20;
	[tilespmem:s21+$0x2470] =	vst v0  }
0xfc: {  	[hbm4b:s20+s4] =	stream.linear.scatter [tilespmem:s12], [sflag:$0x3], $0x2000, $0x38;
	[tilespmem:$0x1FC80] =	vst v63  }
.LBB2_10:
0xfd: {  	s19 =	sadd.s32 s5, s19  }
0xfe: {  	p1 =	sgt.u32 s19, $0x9C3  }
.Ltmp8:
0xff: {  	_ = 	snop;
	(pc) =	sbr.rel @p1 .LBB2_14-.Ltmp8, $1  }
0x100: {  	_ =	sdelay $0x3  }
0x101: {  	_ =	swait.ge [sflag:s11], $0x2000  }
0x102: {  	p1 =	sgt.u32 s19, $0x9A3;
	[sflag:s11] =	ssyncset.done $0x0  }
0x103: {  	s20 =	simm.s32 @!p1 $0x1;
	[sflag:s11] =	ssyncadd.s32 $0xFFFFE000  }
0x104: {  	_ =	swait.ge @!p1 [sflag:s20], $0x40  }
0x105: {  	[sflag:s20] =	ssyncset.done @!p1 $0x0  }
0x106: {  	[sflag:s20] =	ssyncadd.s32 @!p1 $0xFFFFFFC0  }
0x107: {  	_ =	swait.ge @!p1 [sflag:s20], $0x40  }
0x108: {  	[sflag:s20] =	ssyncset.done @!p1 $0x0  }
0x109: {  	[sflag:s20] =	ssyncadd.s32 @!p1 $0xFFFFFFC0;
	s20 =	simm.s32 @!p1 $0x3  }
0x10a: {  	_ =	swait.ge @!p1 [sflag:s20], $0x2000  }
0x10b: {  	s21 =	simm.s32 @!p1 $0x0;
	[sflag:s20] =	ssyncset.done @!p1 $0x0  }
0x10c: {  	s23 =	simm.s32 @!p1 $0x400;
	[sflag:s20] =	ssyncadd.s32 @!p1 $0xFFFFE000;
	s20 =	simm.s32 @!p1 $0x40  }
0x10d: {  	[tilespmem:s23], [sflag:$0x2] =	stream.indirect.gather @!p1 [spmem:s3], $0x80, s21, s20, $0xb8;
	[tilespmem:$0x1FC80] =	vst v63  }
0x10e: {  	s21 =	simm.s32 @!p1 $0x2  }
0x10f: {  	_ =	swait.ge @!p1 [sflag:s21], $0x2000  }
0x110: {  	p2 =	sgt.u32 @!p1 s19, $0x983;
	[sflag:s21] =	ssyncset.done @!p1 $0x0  }
0x111: {  	s23 =	simm.s32 @!p1 $0x6400;
	[sflag:s21] =	ssyncadd.s32 @!p1 $0xFFFFE000;
	s21 =	simm.s32 @!p1 $0x200  }
0x112: {  	[tilespmem:s23], [sflag:$0x2] =	stream.indirect.gather @!p1 [hbm4b:s15+s20], $0x80, s21, s20, $0xb8;
	[tilespmem:$0x1FC80] =	vst v63  }
0x113: {  	p1 =	por p2, p1  }
0x114: {  	s20 =	sshll.u32 @!p1 s19, $0x3  }
0x115: {  	s20 =	sadd.s32 @!p1 $0x200, s20  }
0x116: {  	s23 =	simm.s32 @!p1 $0x0;
	s24 =	simm.s32 @!p1 $0x80;
	s21 =	sadd.s32 @!p1 s1, s20  }
0x117: {  	[tilespmem:s24], [sflag:$0x1] =	stream.linear.gather @!p1 [hbm4b:s21+s23], $0x40, $0x38;
	[tilespmem:$0x1FC80] =	vst v63  }
0x118: {  	s20 =	sadd.s32 @!p1 s2, s20;
	s21 =	simm.s32 @!p1 $0x280  }
0x119: {  	[tilespmem:s21], [sflag:$0x1] =	stream.linear.gather @!p1 [hbm4b:s20+s23], $0x40, $0x38;
	[tilespmem:$0x1FC80] =	vst v63  }
0x11a: {  	s20 =	simm.s32 $0x0  }
0x11b: {  	v7 =	vld [tilespmem:s20+$0xA400]  }
0x11c: {  	v11 =	vld [tilespmem:s20+$0xA410]  }
0x11d: {  	v5 =	vld [tilespmem:s20+$0xA420]  }
0x11e: {  	v4 =	vld [tilespmem:s20+$0xA430]  }
0x11f: {  	v3 =	vld [tilespmem:s20+$0xA440]  }
0x120: {  	v2 =	vld [tilespmem:s20+$0xA450]  }
0x121: {  	v1 =	vld [tilespmem:s20+$0xA460]  }
0x122: {  	v0 =	vld [tilespmem:s20+$0xA470]  }
0x123: {  	v12 =	vld [tilespmem:s20+$0x4400]  }
0x124: {  	v13 =	vld [tilespmem:s20+$0x4410]  }
0x125: {  	v10 =	vld [tilespmem:s20+$0x4420]  }
0x126: {  	v9 =	vld [tilespmem:s20+$0x4430]  }
0x127: {  	v8 =	vld [tilespmem:s20+$0x4440]  }
0x128: {  	v6 =	vld [tilespmem:s20+$0x4450];
	v12 =	vadd.f32 v7, v12  }
0x129: {  	s21 =	simm.s32 $0x200;
	v11 =	vadd.f32 v11, v13;
	v7 =	vld [tilespmem:s20+$0x4460]  }
.LBB2_12:
0x12a: {  	s23 =	sshra.s32 s21, $0x2;
	p1 =	sne.s32 s21, $0x7E00;
	[tilespmem:s20+$0x4400] =	vst v12;
	v5 =	vadd.f32 v5, v10;
	v10 =	vld [tilespmem:s20+$0x4470]  }
0x12b: {  	v12 =	vld [tilespmem:s23+$0xA400];
	[tilespmem:s20+$0x4410] =	vst v11;
	v4 =	vadd.f32 v4, v9  }
0x12c: {  	v11 =	vld [tilespmem:s23+$0xA410];
	[tilespmem:s20+$0x4420] =	vst v5;
	v3 =	vadd.f32 v3, v8  }
0x12d: {  	v5 =	vld [tilespmem:s23+$0xA420];
	[tilespmem:s20+$0x4430] =	vst v4;
	v2 =	vadd.f32 v2, v6  }
0x12e: {  	v4 =	vld [tilespmem:s23+$0xA430];
	[tilespmem:s20+$0x4440] =	vst v3;
	v1 =	vadd.f32 v1, v7  }
0x12f: {  	v3 =	vld [tilespmem:s23+$0xA440];
	[tilespmem:s20+$0x4450] =	vst v2;
	v0 =	vadd.f32 v0, v10  }
0x130: {  	v2 =	vld [tilespmem:s23+$0xA450];
	[tilespmem:s20+$0x4460] =	vst v1  }
0x131: {  	v1 =	vld [tilespmem:s23+$0xA460];
	[tilespmem:s20+$0x4470] =	vst v0;
	s20 =	smov.u32 s23  }
0x132: {  	v0 =	vld [tilespmem:s20+$0xA470]  }
0x133: {  	v6 =	vld [tilespmem:s20+$0x4400]  }
0x134: {  	v7 =	vld [tilespmem:s20+$0x4410]  }
.Ltmp9:
0x135: {  	v10 =	vld [tilespmem:s20+$0x4420];
	(pc) =	sbr.rel @p1 .LBB2_12-.Ltmp9, $4  }
0x136: {  	v9 =	vld [tilespmem:s20+$0x4430]  }
0x137: {  	v8 =	vld [tilespmem:s20+$0x4440]  }
0x138: {  	v12 =	vadd.f32 v12, v6;
	v6 =	vld [tilespmem:s20+$0x4450]  }
0x139: {  	s21 =	sadd.s32 $0x200, s21;
	v11 =	vadd.f32 v11, v7;
	v7 =	vld [tilespmem:s20+$0x4460]  }
0x13a: {  	[tilespmem:s20+$0x4400] =	vst v12;
	v5 =	vadd.f32 v5, v10;
	v63 =	vld [tilespmem:s20+$0x4470]  }
0x13b: {  	[tilespmem:s20+$0x4410] =	vst v11;
	v4 =	vadd.f32 v4, v9  }
0x13c: {  	[tilespmem:s20+$0x4420] =	vst v5;
	v3 =	vadd.f32 v3, v8  }
0x13d: {  	[tilespmem:s20+$0x4430] =	vst v4;
	v2 =	vadd.f32 v2, v6  }
.Ltmp10:
0x13e: {  	[tilespmem:s20+$0x4440] =	vst v3;
	v1 =	vadd.f32 v1, v7;
	(pc) =	sbr.rel .LBB2_14-.Ltmp10, $4  }
0x13f: {  	[tilespmem:s20+$0x4450] =	vst v2;
	v0 =	vadd.f32 v0, v63  }
0x140: {  	s19 =	sshll.u32 s19, $0xA;
	[tilespmem:s20+$0x4460] =	vst v1  }
0x141: {  	s19 =	sadd.s32 s16, s19;
	[tilespmem:s20+$0x4470] =	vst v0  }
0x142: {  	[hbm4b:s19+s4] =	stream.linear.scatter [tilespmem:s13], [sflag:$0x3], $0x2000, $0x38;
	[tilespmem:$0x1FC80] =	vst v63  }
.LBB2_16:
0x143: {  	_ =	sfence.sel $0x180000  }
0x144: {  	[bflag:$0x0] =	sbarrier.arrive $0xFFFF  }
0x145: {  	_ =	strace $0x9000004A  }
0x146: {  	s0 =	stileid.u32;
	[bflag:$0x2] =	sbarrier.arrive $0xFFFF  }
0x147: {  	p0 =	sne.s32 s0, $0x0;
	s0 =	rddreg [dreg:$0x4]  }
0x148: {  	s0 =	sadd.s32 @!p0 $0x100000, s0  }
0x149: {  	[sflag:s0] =	ssyncadd.tile.s32 @!p0 $0x1;
	_ =	shalt  }
.Lfunc_end2:
_tile_overlayer_lowered:
.L_overlay_start_2:
0x14a: {  	(tag) =	ssettag $0x2  }
0x14b: {  	s0 =	rddreg [dreg:$0x0];
	s2 =	stileid.u32  }
0x14c: {  	s1 =	rddreg [dreg:$0x1];
	p0 =	sne.s32 s2, $0x0  }
0x14d: {  	s3 =	rddreg [dreg:$0x2];
	[bflag:$0x3] =	sbarrier.arrive $0xFFFF;
	s2 =	simm.s32 @!p0 $0x1C04  }
0x14e: {  	[timem:s3], [sflag:s2] =	dma.local @!p0 [hbm:s0], s1  }
0x14f: {  	s0 =	simm.s32 @!p0 $0x4  }
0x150: {  	_ =	swait.ge @!p0 [sflag:s0], s1  }
0x151: {  	s1 =	ssub.s32 @!p0 $0x0, s1;
	[sflag:s0] =	ssyncset.done @!p0 $0x0  }
0x152: {  	[sflag:s0] =	ssyncadd.s32 @!p0 s1  }
0x153: {  	[bflag:$0x3] =	sbarrier.arrive $0xFFFF  }
0x154: {  	_ =	shalt  }

// kernel: kernel.16.cloned.1.call-start
scs
__scs_entry_jumppad:
0x0: {  	(pc) =	sbr.rel $0x88, $3  }
0x1: {  	(tag) =	ssettag $0x0;
	lr =	simm.s32 $0x1  }
0x2: {  	[smem:$0x3F88] =	sst lr;
	_ =	strace $0xD0000000  }
0x3: {  	_ = 	snop  }
0x4: {  	_ = 	snop  }
0x5: {  	_ = 	snop  }
0x6: {  	_ = 	snop  }
0x7: {  	_ = 	snop  }
__scs_overlays_trampoline_lowered:
0x8: {  	[smem:$0x3F97] =	sst s0  }
0x9: {  	[smem:$0x3F98] =	sst s1  }
0xa: {  	[smem:$0x3F99] =	sst s2  }
0xb: {  	[smem:$0x3F9A] =	sst s3  }
0xc: {  	[smem:$0x3F9B] =	sst s4  }
0xd: {  	[smem:$0x3F9C] =	sst s5  }
0xe: {  	[smem:$0x3F9D] =	sst s6  }
0xf: {  	[smem:$0x3F9E] =	sst s7  }
0x10: {  	[smem:$0x3F9F] =	sst s8  }
0x11: {  	[smem:$0x3FA0] =	sst s9;
	s0 =	simm.s32 @!p0 $0x0  }
0x12: {  	s1 =	sld [smem:$0x3F86];
	s0 =	simm.s32 @p0 $0x1  }
0x13: {  	[smem:$0x3FA1] =	sst s0;
	s0 =	simm.s32 @!p1 $0x0  }
0x14: {  	s2 =	sld [smem:$0x3F85];
	s0 =	simm.s32 @p1 $0x1  }
0x15: {  	[smem:$0x3FA2] =	sst s0;
	s0 =	simm.s32 @!p2 $0x0  }
0x16: {  	s3 =	sld [smem:$0x3FDB];
	s0 =	simm.s32 @p2 $0x1  }
0x17: {  	s4 =	simm.s32 $0x1BF5;
	[smem:$0x3FA4] =	sst s0  }
0x18: {  	s0 =	sld [smem:$0x3F87];
	_ =	swait.ge [sflag:s4], $0x0  }
0x19: {  	s7 =	sld [smem:$0x3F88]  }
0x1a: {  	s8 =	sadd.s32 $0xFFFFE003, lr  }
0x1b: {  	s9 =	sadd.s32 $0xFFFFFEF7, lr;
	s5 =	simm.s32 $0xFFFFFFFF;
	p2 =	slt.u32 s8, $0xFFFFF086  }
0x1c: {  	p1 =	slt.u32 s9, $0xF7A;
	s5 =	simm.s32 @!p2 $0x0  }
0x1d: {  	s5 =	simm.s32 @p1 $0x1;
	p0 =	seq.s32 s7, s2  }
0x1e: {  	s7 =	smul.u32 @!p0 $0xF7A, s2;
	p2 =	seq.s32 @!p0 s5, $0x0  }
0x1f: {  	s9 =	smul.u32 $0xF7A, s1;
	s8 =	simm.s32 @!p0 $0x1BF5;
	p2 =	por !p2, p0  }
0x20: {  	[sflag:s8] =	ssyncset.s32 @!p0 $0xFFFFF086;
	s6 =	sadd.s32 @!p0 s3, s7;
	s7 =	simm.s32 @!p0 $0x108  }
0x21: {  	s3 =	sadd.s32 s3, s9;
	s6 =	sadd.s32 @!p0 $0x88, s6;
	s7 =	simm.s32 @p2 $0x1082  }
0x22: {  	[simem:s7], [sflag:s8] =	dma.local @!p0 [hbm:s6], $0xF7A  }
0x23: {  	s9 =	sor.u32 $0xD0000000, s2;
	s6 =	simm.s32 $0x108;
	_ =	swait.ge @!p0 [sflag:s8], $0x0  }
0x24: {  	s3 =	sadd.s32 $0x88, s3;
	s6 =	simm.s32 @!p1 $0x1082;
	[sflag:s4] =	ssyncset.s32 $0xFFFFF086  }
0x25: {  	[simem:s6], [sflag:s4] =	dma.local [hbm:s3], $0xF7A  }
0x26: {  	[smem:$0x3F88] =	sst s1;
	(tag) =	ssettag s2;
	_ =	strace s9  }
0x27: {  	s1 =	sld [smem:$0x3F98]  }
0x28: {  	s2 =	sld [smem:$0x3F99]  }
0x29: {  	s4 =	sld [smem:$0x3F9B]  }
0x2a: {  	p0 =	seq.s32 s5, $0x0;
	s5 =	sld [smem:$0x3F9C]  }
0x2b: {  	s6 =	sld [smem:$0x3F9D]  }
0x2c: {  	s7 =	sld [smem:$0x3F9E]  }
0x2d: {  	s3 =	simm.s32 $0x108;
	s8 =	sld [smem:$0x3F9F]  }
0x2e: {  	s3 =	simm.s32 @!p0 $0x1082;
	s9 =	sld [smem:$0x3FA0]  }
0x2f: {  	lr =	sadd.s32 s0, s3;
	s0 =	sld [smem:$0x3F97]  }
0x30: {  	s3 =	sld [smem:$0x3F9A]  }
0x31: {  	[smem:$0x3FA3] =	sst s10  }
0x32: {  	s10 =	sld [smem:$0x3FA1];
	_ =	sdelay $0x3  }
0x33: {  	p0 =	seq.s32 s10, $0x1;
	s10 =	sld [smem:$0x3FA3];
	_ =	sdelay $0x3  }
0x34: {  	[smem:$0x3FA3] =	sst s10  }
0x35: {  	s10 =	sld [smem:$0x3FA2];
	_ =	sdelay $0x3  }
0x36: {  	p1 =	seq.s32 s10, $0x1;
	s10 =	sld [smem:$0x3FA3];
	_ =	sdelay $0x3  }
0x37: {  	[smem:$0x3FA3] =	sst s10  }
0x38: {  	s10 =	sld [smem:$0x3FA4]  }
0x39: {  	_ = 	snop;
	(pc) =	sbr.ind lr, $3  }
0x3a: {  	_ = 	snop  }
0x3b: {  	_ = 	snop  }
0x3c: {  	p2 =	seq.s32 s10, $0x1;
	s10 =	sld [smem:$0x3FA3]  }
0x3d: {  	_ =	shalt  }
0x3e: {  	_ =	shalt  }
0x3f: {  	_ =	shalt  }
0x40: {  	_ =	shalt  }
0x41: {  	_ =	shalt  }
0x42: {  	_ =	shalt  }
0x43: {  	_ =	shalt  }
0x44: {  	_ =	shalt  }
0x45: {  	_ =	shalt  }
0x46: {  	_ =	shalt  }
0x47: {  	_ =	shalt  }
0x48: {  	_ =	shalt  }
0x49: {  	_ =	shalt  }
0x4a: {  	_ =	shalt  }
0x4b: {  	_ =	shalt  }
0x4c: {  	_ =	shalt  }
0x4d: {  	_ =	shalt  }
0x4e: {  	_ =	shalt  }
0x4f: {  	_ =	shalt  }
0x50: {  	_ =	shalt  }
0x51: {  	_ =	shalt  }
0x52: {  	_ =	shalt  }
0x53: {  	_ =	shalt  }
0x54: {  	_ =	shalt  }
0x55: {  	_ =	shalt  }
0x56: {  	_ =	shalt  }
0x57: {  	_ =	shalt  }
0x58: {  	_ =	shalt  }
0x59: {  	_ =	shalt  }
0x5a: {  	_ =	shalt  }
0x5b: {  	_ =	shalt  }
0x5c: {  	_ =	shalt  }
0x5d: {  	_ =	shalt  }
0x5e: {  	_ =	shalt  }
0x5f: {  	_ =	shalt  }
0x60: {  	_ =	shalt  }
0x61: {  	_ =	shalt  }
0x62: {  	_ =	shalt  }
0x63: {  	_ =	shalt  }
0x64: {  	_ =	shalt  }
0x65: {  	_ =	shalt  }
0x66: {  	_ =	shalt  }
0x67: {  	_ =	shalt  }
0x68: {  	_ =	shalt  }
0x69: {  	_ =	shalt  }
0x6a: {  	_ =	shalt  }
0x6b: {  	_ =	shalt  }
0x6c: {  	_ =	shalt  }
0x6d: {  	_ =	shalt  }
0x6e: {  	_ =	shalt  }
0x6f: {  	_ =	shalt  }
0x70: {  	_ =	shalt  }
0x71: {  	_ =	shalt  }
0x72: {  	_ =	shalt  }
0x73: {  	_ =	shalt  }
0x74: {  	_ =	shalt  }
0x75: {  	_ =	shalt  }
0x76: {  	_ =	shalt  }
0x77: {  	_ =	shalt  }
0x78: {  	_ =	shalt  }
0x79: {  	_ =	shalt  }
0x7a: {  	_ =	shalt  }
0x7b: {  	_ =	shalt  }
0x7c: {  	_ =	shalt  }
0x7d: {  	_ =	shalt  }
0x7e: {  	_ =	shalt  }
0x7f: {  	_ =	shalt  }
0x80: {  	_ =	shalt  }
0x81: {  	_ =	shalt  }
0x82: {  	_ =	shalt  }
0x83: {  	_ =	shalt  }
0x84: {  	_ =	shalt  }
0x85: {  	_ =	shalt  }
0x86: {  	_ =	shalt  }
0x87: {  	_ =	shalt  }
.Lfunc_end0:
.L_simem_size_0:
called_computation.2_lowered:
.L_overlay_start_0:
0x88: {  	s2 =	sld [smem:$0x3FD9]  }
0x89: {  	s3 =	sld [smem:$0x3FFE];
	_ =	sdelay $0x1  }
0x8a: {  	s1 =	srdreg.scid  }
0x8b: {  	s0 =	sand.u32 $0x1, s1  }
0x8c: {  	s17 =	sshll.u32 s0, $0xA;
	s2 =	sadd.s32 s3, s2  }
0x8d: {  	s2 =	sadd.s32 s2, s17  }
0x8e: {  	[smem:$0x3FAF] =	sst s2  }
0x8f: {  	_ = 	snop  }
0x90: {  	s18 =	sld [smem:$0x3FC6];
	(tm) =	ssettm $0x1  }
0x91: {  	s19 =	sld [smem:$0x3FFB];
	_ =	sdelay $0x3  }
0x92: {  	_ =	strace s19  }
0x93: {  	s2 =	sld [smem:$0x3FFC];
	_ =	sdelay $0x3  }
0x94: {  	_ =	strace s2  }
0x95: {  	s2 =	sld [smem:$0x3FFD];
	_ =	sdelay $0x3  }
0x96: {  	_ =	strace s2  }
0x97: {  	_ =	strace $0x8FFFFFFF  }
0x98: {  	s20 =	sld [smem:$0x3FDB];
	_ =	sdelay $0x1  }
0x99: {  	s4 =	simm.s32 $_scs_section_size  }
0x9a: {  	s5 =	simm.s32 $_size__tile_overlayer_lowered;
	s6 =	simm.s32 $_tile_overlayer_lowered  }
0x9b: {  	s7 =	simm.s32 $0x1BFF;
	s21 =	sshll.u32 s6, $0x1;
	s4 =	sadd.s32 s4, s20  }
0x9c: {  	s22 =	simm.s32 $0x0;
	s5 =	sshll.u32 s5, $0x1;
	s6 =	sadd.s32 s21, s4  }
0x9d: {  	[timem:s22], [sflag:s7] =	dma.local [hbm:s6], s5  }
0x9e: {  	_ =	swait.ge [sflag:s7], s5  }
0x9f: {  	s5 =	ssub.s32 $0x0, s5;
	[sflag:s7] =	ssyncset.done $0x0  }
0xa0: {  	[sflag:s7] =	ssyncadd.s32 s5;
	_ =	sdelay $0x1  }
0xa1: {  	s23 =	simm.s32 $0x1B8B  }
0xa2: {  	_ =	swait.ge [sflag:s23], $0x1  }
0xa3: {  	[sflag:s23] =	ssyncset.done $0x0  }
0xa4: {  	[sflag:s23] =	ssyncadd.s32 $0xFFFFFFFF  }
0xa5: {  	s5 =	sld [smem:$0x0]  }
0xa6: {  	s6 =	sand.u32 $0xFFFFFFFE, s1  }
0xa7: {  	p0 =	sne.s32 s1, s6  }
0xa8: {  	s6 =	sshll.u32 @p0 s6, $0xE  }
0xa9: {  	s6 =	sadd.s32 @p0 $0x11B8D, s6;
	s7 =	sshll.u32 @p0 s5, $0x11  }
0xaa: {  	s6 =	sor.u32 @p0 s7, s6  }
0xab: {  	[sflag:s6] =	ssyncadd.remote.s32 @p0 $0x1;
	_ =	sdelay $0x1  }
0xac: {  	s6 =	simm.s32 @p0 $0x1B8D  }
0xad: {  	_ =	swait.eq @p0 [sflag:s6], $0x1  }
0xae: {  	[sflag:s6] =	ssyncadd.s32 @p0 $0xFFFFFFFF  }
0xaf: {  	s7 =	sshll.u32 @!p0 s1, $0xE  }
0xb0: {  	s7 =	sor.u32 @!p0 $0x4000, s7;
	s6 =	simm.s32 @!p0 $0x1B8D  }
0xb1: {  	s5 =	sshll.u32 @!p0 s5, $0x11;
	s7 =	sadd.s32 @!p0 $0x11B8D, s7;
	_ =	swait.eq @!p0 [sflag:s6], $0x1  }
0xb2: {  	s5 =	sor.u32 @!p0 s5, s7;
	[sflag:s6] =	ssyncadd.s32 @!p0 $0xFFFFFFFF  }
0xb3: {  	s25 =	simm.s32 $0x1B8E;
	s24 =	sld [smem:$0x3FFE];
	[sflag:s5] =	ssyncadd.remote.s32 @!p0 $0x1  }
0xb4: {  	s26 =	simm.s32 $execute0_lowered;
	[smem:$0x3FD2] =	sst s25  }
0xb5: {  	s6 =	sshll.u32 s26, $0x1;
	_ =	strace $0x8000004C;
	[dreg:$0x1] =	wrdreg $0xFFFFFFFF  }
0xb6: {  	s28 =	simm.s32 $_size_execute0_lowered;
	s4 =	sadd.s32 s4, s6;
	[dreg:$0x0] =	wrdreg $0x0  }
0xb7: {  	s6 =	sshll.u32 s28, $0x1;
	[dreg:$0x2] =	wrdreg s4  }
0xb8: {  	[dreg:$0x3] =	wrdreg s6  }
0xb9: {  	[dreg:$0x4] =	wrdreg $0xC0  }
0xba: {  	_ =	task [dreg:s22], $0x5FFFF  }
0xbb: {  	[dreg:$0x1] =	wrdreg $0xFFFFFFFF  }
0xbc: {  	[dreg:$0x0] =	wrdreg $0x60  }
0xbd: {  	[dreg:$0x2] =	wrdreg s24  }
0xbe: {  	[dreg:$0x3] =	wrdreg s18  }
0xbf: {  	[dreg:$0x4] =	wrdreg $0xA9000  }
0xc0: {  	[dreg:$0x5] =	wrdreg $0xA  }
0xc1: {  	_ =	task.clear_ibuf [dreg:s22], $0x6FFFF;
	_ =	strace $0x9000004C  }
0xc2: {  	s29 =	simm.s32 $0xA;
	_ =	strace $0x8000004E  }
0xc3: {  	_ =	swait.ge [sflag:s29], $0x1  }
0xc4: {  	[sflag:s29] =	ssyncadd.s32 $0xFFFFFFFF  }
0xc5: {  	_ =	strace $0x9000004E  }
0xc6: {  	_ =	sfence  }
0xc7: {  	s30 =	sld [smem:$0x0];
	_ =	sdelay $0x2  }
0xc8: {  	s31 =	sshll.u32 s1, $0xD;
	s1 =	sshrl.u32 s1, $0x2  }
0xc9: {  	s4 =	sand.u32 $0x4000, s31;
	s1 =	sadd.s32 s1, s30  }
0xca: {  	s0 =	sor.u32 s4, s0;
	s1 =	sshll.u32 s1, $0x11  }
0xcb: {  	s0 =	sor.u32 s1, s0  }
0xcc: {  	s0 =	sadd.s32 $0x8F2B, s0  }
0xcd: {  	[sflag:s0] =	ssyncadd.remote.s32 $0x1  }
0xce: {  	_ =	sfence.sel $0xFFFF  }
0xcf: {  	[dreg:$0x0] =	wrdreg $0xFFFFFFFF;
	(pc) =	sbr.abs _section_cstart, $3  }
0xd0: {  	[dreg:$0x1] =	wrdreg $0xFFFFFFFF  }
0xd1: {  	_ =	task.clear_ibuf [dreg:s22], $0x2FFFF;
	_ =	strace $0x9FFFFFFF  }
0xd2: {  	(tm) =	ssettm $0x7FFFFFFF  }
0xd3: {  	_ =	shalt  }
tec
execute0_lowered:
.L_overlay_start_1:
0x0: {  	(tag) =	ssettag $0x1  }
0x1: {  	s0 =	rddreg [dreg:$0x0]  }
0x2: {  	s1 =	srdreg.scid;
	s21 =	stileid.u32  }
0x3: {  	s2 =	rddreg [dreg:$0x1];
	s3 =	sand.u32 $0x1, s1;
	s8 =	smul.u32 $0x500, s21  }
0x4: {  	s28 =	simm.s32 $0x2800;
	s15 =	sor.u32 $0x20, s21;
	s4 =	smul.u32 $0x27100, s3  }
0x5: {  	s29 =	simm.s32 $0x2900;
	s16 =	sor.u32 $0x30, s21;
	s11 =	smul.u32 $0x500, s15  }
0x6: {  	s30 =	simm.s32 $0x1;
	s17 =	sor.u32 $0x40, s21;
	s23 =	smul.u32 $0x500, s16  }
0x7: {  	s31 =	simm.s32 $0x2;
	s18 =	sor.u32 $0x50, s21;
	s13 =	smul.u32 $0x500, s17  }
0x8: {  	s1 =	rddreg [dreg:$0x2];
	s19 =	sor.u32 $0x60, s21;
	s14 =	smul.u32 $0x500, s18  }
0x9: {  	s6 =	sadd.s32 $0x7A6E00, s0;
	s20 =	sor.u32 $0x70, s21;
	s24 =	smul.u32 $0x500, s19  }
0xa: {  	s5 =	ssub.s32 $0x2, s3;
	s22 =	sshll.u32 s3, $0x4;
	s26 =	smul.u32 $0x500, s20  }
0xb: {  	s7 =	sshrl.u32 s5, $0x1;
	s4 =	sadd.s32 s4, s0;
	s0 =	sor.u32 s21, s22  }
0xc: {  	p1 =	sgt.u32 s20, $0x7C;
	s5 =	ssub.s32 s5, s7;
	s10 =	sshll.u32 s0, $0x4  }
0xd: {  	s7 =	sor.u32 $0x10, s21;
	s4 =	sadd.s32 $0x53E00, s4;
	s10 =	sadd.s32 s2, s10  }
0xe: {  	s9 =	smul.u32 $0x500, s7;
	s8 =	sadd.s32 s4, s8;
	[dreg:$0x4] =	wrdreg s10  }
0xf: {  	s12 =	sshll.u32 s0, $0xB;
	s25 =	sadd.s32 s4, s11;
	[dreg:$0x5] =	wrdreg s8  }
0x10: {  	s7 =	smul.u32 $0xA000, s7;
	s13 =	sadd.s32 s4, s13;
	[dreg:$0x7] =	wrdreg s25  }
0x11: {  	s22 =	sadd.s32 s4, s14;
	s12 =	sadd.s32 s6, s12;
	[dreg:$0x9] =	wrdreg s13  }
0x12: {  	s14 =	simm.s32 $0x0;
	s11 =	smul.u32 $0xA000, s17;
	[dreg:$0xa] =	wrdreg s22  }
0x13: {  	s9 =	sadd.s32 s4, s9;
	s10 =	sadd.s32 s4, s23;
	[smem:$0x7FF] =	sst s14  }
0x14: {  	s8 =	sadd.s32 s4, s24;
	s4 =	sadd.s32 s4, s26;
	[dreg:$0x6] =	wrdreg s9  }
0x15: {  	s23 =	sshll.u32 s3, $0xF;
	s3 =	sshll.u32 s3, $0x8;
	[dreg:$0x8] =	wrdreg s10  }
0x16: {  	s24 =	sshll.u32 s21, $0xB;
	s26 =	smul.u32 $0xA000, s21;
	[dreg:$0xb] =	wrdreg s8  }
0x17: {  	s25 =	sshll.u32 s21, $0x4;
	s21 =	smul.u32 $0xA000, s18;
	[dreg:$0xc] =	wrdreg s4  }
0x18: {  	s4 =	sadd.s32 s23, s6;
	s2 =	sadd.s32 s3, s2;
	s9 =	smul.u32 $0xA000, s15  }
0x19: {  	s8 =	sor.u32 $0x9C0, s0;
	s15 =	smax.u32 s5, $0x1;
	s10 =	smul.u32 $0xA000, s16  }
0x1a: {  	s3 =	sshrl.u32 s7, $0x2;
	s23 =	smul.u32 $0xA000, s19;
	s7 =	sshrl.u32 s11, $0x2  }
0x1b: {  	s13 =	sadd.s32 s24, s4;
	s2 =	sadd.s32 s25, s2;
	p0 =	sgt.u32 s8, $0x9C3  }
0x1c: {  	_ =	strace $0x8000004D;
	s4 =	sshrl.u32 s26, $0x2;
	s17 =	sadd.s32 s3, s1  }
0x1d: {  	s24 =	smul.u32 $0xA000, s20;
	s20 =	sadd.s32 s7, s1;
	s3 =	sshrl.u32 s21, $0x2  }
0x1e: {  	s16 =	sadd.s32 s4, s1;
	s22 =	sshrl.u32 s9, $0x2;
	s5 =	sshrl.u32 s10, $0x2  }
0x1f: {  	s25 =	sshrl.u32 s23, $0x2;
	s21 =	sadd.s32 s3, s1;
	s8 =	sadd.s32 $0x400, s2  }
0x20: {  	s2 =	simm.s32 $0x6900;
	s3 =	simm.s32 $0x80;
	s4 =	simm.s32 $0x4  }
0x21: {  	s18 =	sadd.s32 s22, s1;
	s19 =	sadd.s32 s5, s1;
	s26 =	sshrl.u32 s24, $0x2  }
0x22: {  	s22 =	sadd.s32 s25, s1;
	s25 =	sor.u32 $0x20, s0;
	s0 =	simm.s32 $0x2880  }
0x23: {  	v0 =	vimm.f32 $0.0e+00;
	s5 =	simm.s32 $0x0;
	s23 =	sadd.s32 s26, s1;
	s26 =	simm.s32 $0x3  }
.LBB2_1:
0x24: {  	s6 =	simm.s32 $0x0;
	s7 =	simm.s32 $0x200  }
.LBB2_2:
0x25: {  	p2 =	sne.s32 s7, $0x9E00;
	[tilespmem:s6+$0x70] =	vst v0  }
0x26: {  	[tilespmem:s6+$0x0] =	vst v0  }
0x27: {  	[tilespmem:s6+$0x10] =	vst v0  }
.Ltmp0:
0x28: {  	[tilespmem:s6+$0x20] =	vst v0;
	(pc) =	sbr.rel @p2 .LBB2_2-.Ltmp0, $4  }
0x29: {  	[tilespmem:s6+$0x30] =	vst v0  }
0x2a: {  	[tilespmem:s6+$0x40] =	vst v0  }
0x2b: {  	[tilespmem:s6+$0x50] =	vst v0  }
0x2c: {  	[tilespmem:s6+$0x60] =	vst v0;
	s6 =	sshra.s32 s7, $0x2;
	s7 =	sadd.s32 $0x200, s7  }
0x2d: {  	[tilespmem:s6+$0x70] =	vst v0  }
0x2e: {  	[tilespmem:s6+$0x0] =	vst v0  }
0x2f: {  	[tilespmem:s6+$0x10] =	vst v0  }
0x30: {  	[tilespmem:s6+$0x20] =	vst v0  }
0x31: {  	[tilespmem:s6+$0x30] =	vst v0  }
0x32: {  	[tilespmem:s6+$0x40] =	vst v0  }
0x33: {  	[tilespmem:s6+$0x50] =	vst v0  }
0x34: {  	[tilespmem:s6+$0x60] =	vst v0  }
0x35: {  	[spmem:s16] =	stream.linear.scatter [tilespmem:s14], [sflag:$0x3], $0x2800, $0x38;
	[tilespmem:$0x1E180] =	vst v63  }
0x36: {  	_ =	swait.ge [sflag:s26], $0x2800  }
0x37: {  	[sflag:s26] =	ssyncset.done $0x0  }
0x38: {  	[sflag:s26] =	ssyncadd.s32 $0xFFFFD800  }
0x39: {  	[spmem:s17] =	stream.linear.scatter [tilespmem:s14], [sflag:$0x3], $0x2800, $0x38;
	[tilespmem:$0x1E180] =	vst v63  }
0x3a: {  	_ =	swait.ge [sflag:s26], $0x2800  }
0x3b: {  	[sflag:s26] =	ssyncset.done $0x0  }
0x3c: {  	[sflag:s26] =	ssyncadd.s32 $0xFFFFD800  }
0x3d: {  	[spmem:s18] =	stream.linear.scatter [tilespmem:s14], [sflag:$0x3], $0x2800, $0x38;
	[tilespmem:$0x1E180] =	vst v63  }
0x3e: {  	_ =	swait.ge [sflag:s26], $0x2800  }
0x3f: {  	[sflag:s26] =	ssyncset.done $0x0  }
0x40: {  	[sflag:s26] =	ssyncadd.s32 $0xFFFFD800  }
0x41: {  	[spmem:s19] =	stream.linear.scatter [tilespmem:s14], [sflag:$0x3], $0x2800, $0x38;
	[tilespmem:$0x1E180] =	vst v63  }
0x42: {  	_ =	swait.ge [sflag:s26], $0x2800  }
0x43: {  	[sflag:s26] =	ssyncset.done $0x0  }
0x44: {  	[sflag:s26] =	ssyncadd.s32 $0xFFFFD800  }
0x45: {  	[spmem:s20] =	stream.linear.scatter [tilespmem:s14], [sflag:$0x3], $0x2800, $0x38;
	[tilespmem:$0x1E180] =	vst v63  }
0x46: {  	_ =	swait.ge [sflag:s26], $0x2800  }
0x47: {  	[sflag:s26] =	ssyncset.done $0x0  }
0x48: {  	[sflag:s26] =	ssyncadd.s32 $0xFFFFD800  }
0x49: {  	[spmem:s21] =	stream.linear.scatter [tilespmem:s14], [sflag:$0x3], $0x2800, $0x38;
	[tilespmem:$0x1E180] =	vst v63  }
0x4a: {  	_ =	swait.ge [sflag:s26], $0x2800  }
0x4b: {  	[sflag:s26] =	ssyncset.done $0x0  }
0x4c: {  	[sflag:s26] =	ssyncadd.s32 $0xFFFFD800  }
0x4d: {  	[spmem:s22] =	stream.linear.scatter [tilespmem:s14], [sflag:$0x3], $0x2800, $0x38;
	[tilespmem:$0x1E180] =	vst v63  }
0x4e: {  	_ =	swait.ge [sflag:s26], $0x2800  }
0x4f: {  	[sflag:s26] =	ssyncset.done $0x0  }
0x50: {  	s6 =	simm.s32 @!p1 $0x0;
	[sflag:s26] =	ssyncadd.s32 $0xFFFFD800  }
0x51: {  	[spmem:s23] =	stream.linear.scatter @!p1 [tilespmem:s6], [sflag:$0x3], $0x2800, $0x38;
	[tilespmem:$0x1E180] =	vst v63  }
0x52: {  	s6 =	simm.s32 @!p1 $0x3  }
0x53: {  	_ =	swait.ge @!p1 [sflag:s6], $0x2800  }
0x54: {  	[sflag:s6] =	ssyncset.done @!p1 $0x0  }
0x55: {  	[sflag:s6] =	ssyncadd.s32 @!p1 $0xFFFFD800  }
0x56: {  	[bflag:$0x0] =	sbarrier.arrive $0xFFFF  }
0x57: {  	s9 =	simm.s32 $0x0;
	s7 =	rddreg [dreg:$0x4]  }
0x58: {  	[tilespmem:s28], [sflag:$0x1] =	stream.linear.gather [hbm4b:s7+s9], $0x80, $0x38;
	[tilespmem:$0x1E180] =	vst v63  }
0x59: {  	_ = 	snop  }
0x5a: {  	[tilespmem:s29], [sflag:$0x2] =	stream.linear.gather [hbm4b:s12+s9], $0x4000, $0x38;
	[tilespmem:$0x1E180] =	vst v63  }
0x5b: {  	_ =	swait.ge [sflag:s30], $0x80  }
0x5c: {  	[sflag:s30] =	ssyncset.done $0x0  }
0x5d: {  	[sflag:s30] =	ssyncadd.s32 $0xFFFFFF80  }
0x5e: {  	_ =	swait.ge [sflag:s31], $0x4000  }
0x5f: {  	[sflag:s31] =	ssyncset.done $0x0  }
0x60: {  	s10 =	sadd.s32 $0xFFFFFE00, s8;
	s11 =	sadd.s32 $0x0, s13;
	[sflag:s31] =	ssyncadd.s32 $0xFFFFC000  }
0x61: {  	[tilespmem:s0], [sflag:$0x1] =	stream.linear.gather [hbm4b:s10+s14], $0x80, $0x38;
	[tilespmem:$0x1E180] =	vst v63  }
0x62: {  	s24 =	sadd.s32 $0x10000, s11  }
0x63: {  	[tilespmem:s2], [sflag:$0x2] =	stream.linear.gather [hbm4b:s24+s14], $0x4000, $0x38;
	[tilespmem:$0x1E180] =	vst v63  }
0x64: {  	_ = 	snop  }
0x65: {  	[spmem:s1] =	stream.indirect.scatter.add.f32 [tilespmem:s29], [sflag:$0x4], $0x80, s28, s3, $0xb8;
	[tilespmem:$0x1E180] =	vst v63  }
0x66: {  	_ =	swait.ge [sflag:s4], $0x4000  }
0x67: {  	[sflag:s4] =	ssyncset.done $0x0  }
0x68: {  	[sflag:s4] =	ssyncadd.s32 $0xFFFFC000  }
0x69: {  	_ =	swait.ge [sflag:s30], $0x80  }
0x6a: {  	[sflag:s30] =	ssyncset.done $0x0  }
0x6b: {  	[sflag:s30] =	ssyncadd.s32 $0xFFFFFF80  }
0x6c: {  	_ =	swait.ge [sflag:s31], $0x4000  }
0x6d: {  	p2 =	sgt.u32 s25, $0x9A3;
	[sflag:s31] =	ssyncset.done $0x0  }
0x6e: {  	s6 =	simm.s32 @!p2 $0x0;
	s7 =	simm.s32 @!p2 $0x2800;
	[sflag:s31] =	ssyncadd.s32 $0xFFFFC000  }
0x6f: {  	[tilespmem:s7], [sflag:$0x1] =	stream.linear.gather @!p2 [hbm4b:s8+s6], $0x80, $0x38;
	[tilespmem:$0x1E180] =	vst v63  }
0x70: {  	s7 =	sadd.s32 @!p2 $0x0, s13  }
0x71: {  	s24 =	simm.s32 @!p2 $0x2900;
	s7 =	sadd.s32 @!p2 $0x20000, s7  }
0x72: {  	[tilespmem:s24], [sflag:$0x2] =	stream.linear.gather @!p2 [hbm4b:s7+s6], $0x4000, $0x38;
	[tilespmem:$0x1E180] =	vst v63  }
0x73: {  	s6 =	simm.s32 $0x20000  }
0x74: {  	[spmem:s1] =	stream.indirect.scatter.add.f32 [tilespmem:s2], [sflag:$0x3], $0x80, s0, s3, $0xb8;
	[tilespmem:$0x1E180] =	vst v63  }
0x75: {  	s7 =	sadd.s32 $0x40, s25;
	s24 =	smov.u32 s8;
	_ =	swait.ge [sflag:s26], $0x4000  }
.LBB2_4:
0x76: {  	[sflag:s26] =	ssyncset.done $0x0  }
0x77: {  	s24 =	sadd.s32 $0x400, s24;
	s9 =	smov.u32 s6;
	s6 =	sadd.s32 $0x20000, s6  }
0x78: {  	p2 =	sne.s32 s6, $0x4E0000;
	[sflag:s26] =	ssyncadd.s32 $0xFFFFC000  }
0x79: {  	_ =	swait.ge [sflag:s30], $0x80  }
0x7a: {  	[sflag:s30] =	ssyncset.done $0x0  }
0x7b: {  	[sflag:s30] =	ssyncadd.s32 $0xFFFFFF80  }
0x7c: {  	_ =	swait.ge [sflag:s31], $0x4000  }
0x7d: {  	[sflag:s31] =	ssyncset.done $0x0  }
0x7e: {  	s10 =	sadd.s32 $0xFFFFFE00, s24;
	s11 =	sadd.s32 s9, s13;
	[sflag:s31] =	ssyncadd.s32 $0xFFFFC000  }
0x7f: {  	[tilespmem:s0], [sflag:$0x1] =	stream.linear.gather [hbm4b:s10+s14], $0x80, $0x38;
	[tilespmem:$0x1E180] =	vst v63  }
0x80: {  	s10 =	sadd.s32 $0x10000, s11  }
0x81: {  	[tilespmem:s2], [sflag:$0x2] =	stream.linear.gather [hbm4b:s10+s14], $0x4000, $0x38;
	[tilespmem:$0x1E180] =	vst v63  }
0x82: {  	_ = 	snop  }
0x83: {  	[spmem:s1] =	stream.indirect.scatter.add.f32 [tilespmem:s29], [sflag:$0x4], $0x80, s28, s3, $0xb8;
	[tilespmem:$0x1E180] =	vst v63  }
0x84: {  	_ =	swait.ge [sflag:s4], $0x4000  }
0x85: {  	[sflag:s4] =	ssyncset.done $0x0  }
0x86: {  	[sflag:s4] =	ssyncadd.s32 $0xFFFFC000  }
0x87: {  	_ =	swait.ge [sflag:s30], $0x80  }
0x88: {  	[sflag:s30] =	ssyncset.done $0x0  }
0x89: {  	[sflag:s30] =	ssyncadd.s32 $0xFFFFFF80  }
0x8a: {  	_ =	swait.ge [sflag:s31], $0x4000  }
0x8b: {  	p3 =	sgt.u32 s7, $0x9A3;
	[sflag:s31] =	ssyncset.done $0x0  }
0x8c: {  	s11 =	simm.s32 @!p3 $0x2800;
	s10 =	simm.s32 @!p3 $0x0;
	[sflag:s31] =	ssyncadd.s32 $0xFFFFC000  }
0x8d: {  	[tilespmem:s11], [sflag:$0x1] =	stream.linear.gather @!p3 [hbm4b:s24+s10], $0x80, $0x38;
	[tilespmem:$0x1E180] =	vst v63  }
0x8e: {  	s9 =	sadd.s32 @!p3 s9, s13;
	s11 =	simm.s32 @!p3 $0x2900  }
.Ltmp1:
0x8f: {  	s9 =	sadd.s32 @!p3 $0x20000, s9;
	(pc) =	sbr.rel @p2 .LBB2_4-.Ltmp1, $4  }
0x90: {  	[tilespmem:s11], [sflag:$0x2] =	stream.linear.gather @!p3 [hbm4b:s9+s10], $0x4000, $0x38;
	[tilespmem:$0x1E180] =	vst v63  }
0x91: {  	_ = 	snop  }
0x92: {  	[spmem:s1] =	stream.indirect.scatter.add.f32 [tilespmem:s2], [sflag:$0x3], $0x80, s0, s3, $0xb8;
	[tilespmem:$0x1E180] =	vst v63  }
0x93: {  	s7 =	sadd.s32 $0x40, s7;
	_ =	swait.ge [sflag:s26], $0x4000  }
0x94: {  	[sflag:s26] =	ssyncset.done $0x0  }
0x95: {  	s6 =	simm.s32 @!p0 $0x1;
	[sflag:s26] =	ssyncadd.s32 $0xFFFFC000  }
0x96: {  	_ =	swait.ge @!p0 [sflag:s6], $0x80  }
0x97: {  	[sflag:s6] =	ssyncset.done @!p0 $0x0  }
0x98: {  	[sflag:s6] =	ssyncadd.s32 @!p0 $0xFFFFFF80;
	s6 =	simm.s32 @!p0 $0x2  }
0x99: {  	_ =	swait.ge @!p0 [sflag:s6], $0x4000  }
0x9a: {  	s7 =	simm.s32 @!p0 $0x2800;
	[sflag:s6] =	ssyncset.done @!p0 $0x0  }
0x9b: {  	s9 =	simm.s32 @!p0 $0x2900;
	[sflag:s6] =	ssyncadd.s32 @!p0 $0xFFFFC000;
	s6 =	simm.s32 @!p0 $0x80  }
0x9c: {  	[spmem:s1] =	stream.indirect.scatter.add.f32 @!p0 [tilespmem:s9], [sflag:$0x4], $0x80, s7, s6, $0xb8;
	[tilespmem:$0x1E180] =	vst v63  }
0x9d: {  	s6 =	simm.s32 @!p0 $0x4  }
0x9e: {  	_ =	swait.ge @!p0 [sflag:s6], $0x4000  }
0x9f: {  	[sflag:s6] =	ssyncset.done @!p0 $0x0  }
0xa0: {  	s10 =	stileid.u32;
	[sflag:s6] =	ssyncadd.s32 @!p0 $0xFFFFC000  }
0xa1: {  	s6 =	sshll.u32 s10, $0x6;
	[bflag:$0x0] =	sbarrier.arrive $0xFFFF  }
0xa2: {  	s11 =	sshrl.u32 s16, $0x3;
	s6 =	sor.u32 $0x1C03, s6;
	s24 =	rddreg [dreg:$0x5]  }
0xa3: {  	[hbm:s24], [sflag:s6] =	dma.local [spmem:s11], $0x500  }
0xa4: {  	_ =	swait.ge [sflag:s26], $0x500  }
0xa5: {  	[sflag:s26] =	ssyncset.done $0x0  }
0xa6: {  	s9 =	sshrl.u32 s17, $0x3;
	s10 =	rddreg [dreg:$0x6];
	[sflag:s26] =	ssyncadd.s32 $0xFFFFFB00  }
0xa7: {  	[hbm:s10], [sflag:s6] =	dma.local [spmem:s9], $0x500  }
0xa8: {  	_ =	swait.ge [sflag:s26], $0x500  }
0xa9: {  	[sflag:s26] =	ssyncset.done $0x0  }
0xaa: {  	s11 =	sshrl.u32 s18, $0x3;
	s24 =	rddreg [dreg:$0x7];
	[sflag:s26] =	ssyncadd.s32 $0xFFFFFB00  }
0xab: {  	[hbm:s24], [sflag:s6] =	dma.local [spmem:s11], $0x500  }
0xac: {  	_ =	swait.ge [sflag:s26], $0x500  }
0xad: {  	[sflag:s26] =	ssyncset.done $0x0  }
0xae: {  	s9 =	sshrl.u32 s19, $0x3;
	s10 =	rddreg [dreg:$0x8];
	[sflag:s26] =	ssyncadd.s32 $0xFFFFFB00  }
0xaf: {  	[hbm:s10], [sflag:s6] =	dma.local [spmem:s9], $0x500  }
0xb0: {  	_ =	swait.ge [sflag:s26], $0x500  }
0xb1: {  	[sflag:s26] =	ssyncset.done $0x0  }
0xb2: {  	s11 =	sshrl.u32 s20, $0x3;
	s24 =	rddreg [dreg:$0x9];
	[sflag:s26] =	ssyncadd.s32 $0xFFFFFB00  }
0xb3: {  	[hbm:s24], [sflag:s6] =	dma.local [spmem:s11], $0x500  }
0xb4: {  	_ =	swait.ge [sflag:s26], $0x500  }
0xb5: {  	[sflag:s26] =	ssyncset.done $0x0  }
0xb6: {  	s9 =	sshrl.u32 s21, $0x3;
	s10 =	rddreg [dreg:$0xa];
	[sflag:s26] =	ssyncadd.s32 $0xFFFFFB00  }
0xb7: {  	[hbm:s10], [sflag:s6] =	dma.local [spmem:s9], $0x500  }
0xb8: {  	_ =	swait.ge [sflag:s26], $0x500  }
0xb9: {  	[sflag:s26] =	ssyncset.done $0x0  }
0xba: {  	s11 =	sshrl.u32 s22, $0x3;
	s24 =	rddreg [dreg:$0xb];
	[sflag:s26] =	ssyncadd.s32 $0xFFFFFB00  }
0xbb: {  	[hbm:s24], [sflag:s6] =	dma.local [spmem:s11], $0x500  }
0xbc: {  	_ =	swait.ge [sflag:s26], $0x500  }
0xbd: {  	s5 =	sadd.s32 $0x1, s5;
	[sflag:s26] =	ssyncset.done $0x0  }
0xbe: {  	s7 =	sshrl.u32 @!p1 s23, $0x3;
	s9 =	rddreg [dreg:$0xc];
	[sflag:s26] =	ssyncadd.s32 $0xFFFFFB00  }
0xbf: {  	[hbm:s9], [sflag:s6] =	dma.local @!p1 [spmem:s7], $0x500  }
0xc0: {  	p2 =	sne.s32 s5, s15;
	s6 =	simm.s32 @!p1 $0x3  }
.Ltmp2:
0xc1: {  	_ =	swait.ge @!p1 [sflag:s6], $0x500;
	(pc) =	sbr.rel @p2 .LBB2_1-.Ltmp2, $3  }
0xc2: {  	[sflag:s6] =	ssyncset.done @!p1 $0x0  }
0xc3: {  	[sflag:s6] =	ssyncadd.s32 @!p1 $0xFFFFFB00  }
0xc4: {  	[bflag:$0x0] =	sbarrier.arrive $0xFFFF;
	_ =	sdelay $0x1  }
0xc5: {  	_ =	sfence.sel $0x180000  }
0xc6: {  	[bflag:$0x0] =	sbarrier.arrive $0xFFFF  }
0xc7: {  	_ =	strace $0x9000004D  }
0xc8: {  	s0 =	stileid.u32;
	[bflag:$0x2] =	sbarrier.arrive $0xFFFF  }
0xc9: {  	p0 =	sne.s32 s0, $0x0;
	s0 =	rddreg [dreg:$0x3]  }
0xca: {  	s0 =	sadd.s32 @!p0 $0x100000, s0  }
0xcb: {  	[sflag:s0] =	ssyncadd.tile.s32 @!p0 $0x1;
	_ =	shalt  }
.Lfunc_end2:
_tile_overlayer_lowered:
.L_overlay_start_2:
0xcc: {  	(tag) =	ssettag $0x2  }
0xcd: {  	s0 =	rddreg [dreg:$0x0];
	s2 =	stileid.u32  }
0xce: {  	s1 =	rddreg [dreg:$0x1];
	p0 =	sne.s32 s2, $0x0  }
0xcf: {  	s3 =	rddreg [dreg:$0x2];
	[bflag:$0x3] =	sbarrier.arrive $0xFFFF;
	s2 =	simm.s32 @!p0 $0x1C03  }
0xd0: {  	[timem:s3], [sflag:s2] =	dma.local @!p0 [hbm:s0], s1  }
0xd1: {  	s0 =	simm.s32 @!p0 $0x3  }
0xd2: {  	_ =	swait.ge @!p0 [sflag:s0], s1  }
0xd3: {  	s1 =	ssub.s32 @!p0 $0x0, s1;
	[sflag:s0] =	ssyncset.done @!p0 $0x0  }
0xd4: {  	[sflag:s0] =	ssyncadd.s32 @!p0 s1  }
0xd5: {  	[bflag:$0x3] =	sbarrier.arrive $0xFFFF  }
0xd6: {  	_ =	shalt  }

// kernel: kernel.19.cloned.1.call-start
scs
__scs_entry_jumppad:
0x0: {  	(pc) =	sbr.rel $0x88, $3  }
0x1: {  	(tag) =	ssettag $0x0;
	lr =	simm.s32 $0x1  }
0x2: {  	[smem:$0x3F88] =	sst lr;
	_ =	strace $0xD0000000  }
0x3: {  	_ = 	snop  }
0x4: {  	_ = 	snop  }
0x5: {  	_ = 	snop  }
0x6: {  	_ = 	snop  }
0x7: {  	_ = 	snop  }
__scs_overlays_trampoline_lowered:
0x8: {  	[smem:$0x3F97] =	sst s0  }
0x9: {  	[smem:$0x3F98] =	sst s1  }
0xa: {  	[smem:$0x3F99] =	sst s2  }
0xb: {  	[smem:$0x3F9A] =	sst s3  }
0xc: {  	[smem:$0x3F9B] =	sst s4  }
0xd: {  	[smem:$0x3F9C] =	sst s5  }
0xe: {  	[smem:$0x3F9D] =	sst s6  }
0xf: {  	[smem:$0x3F9E] =	sst s7  }
0x10: {  	[smem:$0x3F9F] =	sst s8  }
0x11: {  	[smem:$0x3FA0] =	sst s9;
	s0 =	simm.s32 @!p0 $0x0  }
0x12: {  	s1 =	sld [smem:$0x3F86];
	s0 =	simm.s32 @p0 $0x1  }
0x13: {  	[smem:$0x3FA1] =	sst s0;
	s0 =	simm.s32 @!p1 $0x0  }
0x14: {  	s2 =	sld [smem:$0x3F85];
	s0 =	simm.s32 @p1 $0x1  }
0x15: {  	[smem:$0x3FA2] =	sst s0;
	s0 =	simm.s32 @!p2 $0x0  }
0x16: {  	s3 =	sld [smem:$0x3FDB];
	s0 =	simm.s32 @p2 $0x1  }
0x17: {  	s4 =	simm.s32 $0x1BF5;
	[smem:$0x3FA4] =	sst s0  }
0x18: {  	s0 =	sld [smem:$0x3F87];
	_ =	swait.ge [sflag:s4], $0x0  }
0x19: {  	s7 =	sld [smem:$0x3F88]  }
0x1a: {  	s8 =	sadd.s32 $0xFFFFE003, lr  }
0x1b: {  	s9 =	sadd.s32 $0xFFFFFEF7, lr;
	s5 =	simm.s32 $0xFFFFFFFF;
	p2 =	slt.u32 s8, $0xFFFFF086  }
0x1c: {  	p1 =	slt.u32 s9, $0xF7A;
	s5 =	simm.s32 @!p2 $0x0  }
0x1d: {  	s5 =	simm.s32 @p1 $0x1;
	p0 =	seq.s32 s7, s2  }
0x1e: {  	s7 =	smul.u32 @!p0 $0xF7A, s2;
	p2 =	seq.s32 @!p0 s5, $0x0  }
0x1f: {  	s9 =	smul.u32 $0xF7A, s1;
	s8 =	simm.s32 @!p0 $0x1BF5;
	p2 =	por !p2, p0  }
0x20: {  	[sflag:s8] =	ssyncset.s32 @!p0 $0xFFFFF086;
	s6 =	sadd.s32 @!p0 s3, s7;
	s7 =	simm.s32 @!p0 $0x108  }
0x21: {  	s3 =	sadd.s32 s3, s9;
	s6 =	sadd.s32 @!p0 $0x88, s6;
	s7 =	simm.s32 @p2 $0x1082  }
0x22: {  	[simem:s7], [sflag:s8] =	dma.local @!p0 [hbm:s6], $0xF7A  }
0x23: {  	s9 =	sor.u32 $0xD0000000, s2;
	s6 =	simm.s32 $0x108;
	_ =	swait.ge @!p0 [sflag:s8], $0x0  }
0x24: {  	s3 =	sadd.s32 $0x88, s3;
	s6 =	simm.s32 @!p1 $0x1082;
	[sflag:s4] =	ssyncset.s32 $0xFFFFF086  }
0x25: {  	[simem:s6], [sflag:s4] =	dma.local [hbm:s3], $0xF7A  }
0x26: {  	[smem:$0x3F88] =	sst s1;
	(tag) =	ssettag s2;
	_ =	strace s9  }
0x27: {  	s1 =	sld [smem:$0x3F98]  }
0x28: {  	s2 =	sld [smem:$0x3F99]  }
0x29: {  	s4 =	sld [smem:$0x3F9B]  }
0x2a: {  	p0 =	seq.s32 s5, $0x0;
	s5 =	sld [smem:$0x3F9C]  }
0x2b: {  	s6 =	sld [smem:$0x3F9D]  }
0x2c: {  	s7 =	sld [smem:$0x3F9E]  }
0x2d: {  	s3 =	simm.s32 $0x108;
	s8 =	sld [smem:$0x3F9F]  }
0x2e: {  	s3 =	simm.s32 @!p0 $0x1082;
	s9 =	sld [smem:$0x3FA0]  }
0x2f: {  	lr =	sadd.s32 s0, s3;
	s0 =	sld [smem:$0x3F97]  }
0x30: {  	s3 =	sld [smem:$0x3F9A]  }
0x31: {  	[smem:$0x3FA3] =	sst s10  }
0x32: {  	s10 =	sld [smem:$0x3FA1];
	_ =	sdelay $0x3  }
0x33: {  	p0 =	seq.s32 s10, $0x1;
	s10 =	sld [smem:$0x3FA3];
	_ =	sdelay $0x3  }
0x34: {  	[smem:$0x3FA3] =	sst s10  }
0x35: {  	s10 =	sld [smem:$0x3FA2];
	_ =	sdelay $0x3  }
0x36: {  	p1 =	seq.s32 s10, $0x1;
	s10 =	sld [smem:$0x3FA3];
	_ =	sdelay $0x3  }
0x37: {  	[smem:$0x3FA3] =	sst s10  }
0x38: {  	s10 =	sld [smem:$0x3FA4]  }
0x39: {  	_ = 	snop;
	(pc) =	sbr.ind lr, $3  }
0x3a: {  	_ = 	snop  }
0x3b: {  	_ = 	snop  }
0x3c: {  	p2 =	seq.s32 s10, $0x1;
	s10 =	sld [smem:$0x3FA3]  }
0x3d: {  	_ =	shalt  }
0x3e: {  	_ =	shalt  }
0x3f: {  	_ =	shalt  }
0x40: {  	_ =	shalt  }
0x41: {  	_ =	shalt  }
0x42: {  	_ =	shalt  }
0x43: {  	_ =	shalt  }
0x44: {  	_ =	shalt  }
0x45: {  	_ =	shalt  }
0x46: {  	_ =	shalt  }
0x47: {  	_ =	shalt  }
0x48: {  	_ =	shalt  }
0x49: {  	_ =	shalt  }
0x4a: {  	_ =	shalt  }
0x4b: {  	_ =	shalt  }
0x4c: {  	_ =	shalt  }
0x4d: {  	_ =	shalt  }
0x4e: {  	_ =	shalt  }
0x4f: {  	_ =	shalt  }
0x50: {  	_ =	shalt  }
0x51: {  	_ =	shalt  }
0x52: {  	_ =	shalt  }
0x53: {  	_ =	shalt  }
0x54: {  	_ =	shalt  }
0x55: {  	_ =	shalt  }
0x56: {  	_ =	shalt  }
0x57: {  	_ =	shalt  }
0x58: {  	_ =	shalt  }
0x59: {  	_ =	shalt  }
0x5a: {  	_ =	shalt  }
0x5b: {  	_ =	shalt  }
0x5c: {  	_ =	shalt  }
0x5d: {  	_ =	shalt  }
0x5e: {  	_ =	shalt  }
0x5f: {  	_ =	shalt  }
0x60: {  	_ =	shalt  }
0x61: {  	_ =	shalt  }
0x62: {  	_ =	shalt  }
0x63: {  	_ =	shalt  }
0x64: {  	_ =	shalt  }
0x65: {  	_ =	shalt  }
0x66: {  	_ =	shalt  }
0x67: {  	_ =	shalt  }
0x68: {  	_ =	shalt  }
0x69: {  	_ =	shalt  }
0x6a: {  	_ =	shalt  }
0x6b: {  	_ =	shalt  }
0x6c: {  	_ =	shalt  }
0x6d: {  	_ =	shalt  }
0x6e: {  	_ =	shalt  }
0x6f: {  	_ =	shalt  }
0x70: {  	_ =	shalt  }
0x71: {  	_ =	shalt  }
0x72: {  	_ =	shalt  }
0x73: {  	_ =	shalt  }
0x74: {  	_ =	shalt  }
0x75: {  	_ =	shalt  }
0x76: {  	_ =	shalt  }
0x77: {  	_ =	shalt  }
0x78: {  	_ =	shalt  }
0x79: {  	_ =	shalt  }
0x7a: {  	_ =	shalt  }
0x7b: {  	_ =	shalt  }
0x7c: {  	_ =	shalt  }
0x7d: {  	_ =	shalt  }
0x7e: {  	_ =	shalt  }
0x7f: {  	_ =	shalt  }
0x80: {  	_ =	shalt  }
0x81: {  	_ =	shalt  }
0x82: {  	_ =	shalt  }
0x83: {  	_ =	shalt  }
0x84: {  	_ =	shalt  }
0x85: {  	_ =	shalt  }
0x86: {  	_ =	shalt  }
0x87: {  	_ =	shalt  }
.Lfunc_end0:
.L_simem_size_0:
called_computation.3_lowered:
.L_overlay_start_0:
0x88: {  	s2 =	sld [smem:$0x3FD9]  }
0x89: {  	s3 =	sld [smem:$0x3FFE];
	_ =	sdelay $0x1  }
0x8a: {  	s1 =	srdreg.scid  }
0x8b: {  	s0 =	sand.u32 $0x1, s1  }
0x8c: {  	s17 =	sshll.u32 s0, $0xA;
	s2 =	sadd.s32 s3, s2  }
0x8d: {  	s2 =	sadd.s32 s2, s17  }
0x8e: {  	[smem:$0x3FAF] =	sst s2  }
0x8f: {  	_ = 	snop  }
0x90: {  	s18 =	sld [smem:$0x3FC3];
	(tm) =	ssettm $0x1  }
0x91: {  	s19 =	sld [smem:$0x3FFB];
	_ =	sdelay $0x3  }
0x92: {  	_ =	strace s19  }
0x93: {  	s2 =	sld [smem:$0x3FFC];
	_ =	sdelay $0x3  }
0x94: {  	_ =	strace s2  }
0x95: {  	s2 =	sld [smem:$0x3FFD];
	_ =	sdelay $0x3  }
0x96: {  	_ =	strace s2  }
0x97: {  	_ =	strace $0x8FFFFFFF  }
0x98: {  	s20 =	sld [smem:$0x3FDB];
	_ =	sdelay $0x1  }
0x99: {  	s4 =	simm.s32 $_scs_section_size  }
0x9a: {  	s5 =	simm.s32 $_size__tile_overlayer_lowered;
	s6 =	simm.s32 $_tile_overlayer_lowered  }
0x9b: {  	s7 =	simm.s32 $0x1BFF;
	s21 =	sshll.u32 s6, $0x1;
	s4 =	sadd.s32 s4, s20  }
0x9c: {  	s22 =	simm.s32 $0x0;
	s5 =	sshll.u32 s5, $0x1;
	s6 =	sadd.s32 s21, s4  }
0x9d: {  	[timem:s22], [sflag:s7] =	dma.local [hbm:s6], s5  }
0x9e: {  	_ =	swait.ge [sflag:s7], s5  }
0x9f: {  	s5 =	ssub.s32 $0x0, s5;
	[sflag:s7] =	ssyncset.done $0x0  }
0xa0: {  	[sflag:s7] =	ssyncadd.s32 s5;
	_ =	sdelay $0x1  }
0xa1: {  	s23 =	simm.s32 $0x1B8B  }
0xa2: {  	_ =	swait.ge [sflag:s23], $0x1  }
0xa3: {  	[sflag:s23] =	ssyncset.done $0x0  }
0xa4: {  	[sflag:s23] =	ssyncadd.s32 $0xFFFFFFFF  }
0xa5: {  	s5 =	sld [smem:$0x0]  }
0xa6: {  	s6 =	sand.u32 $0xFFFFFFFE, s1  }
0xa7: {  	p0 =	sne.s32 s1, s6  }
0xa8: {  	s6 =	sshll.u32 @p0 s6, $0xE  }
0xa9: {  	s6 =	sadd.s32 @p0 $0x11B8D, s6;
	s7 =	sshll.u32 @p0 s5, $0x11  }
0xaa: {  	s6 =	sor.u32 @p0 s7, s6  }
0xab: {  	[sflag:s6] =	ssyncadd.remote.s32 @p0 $0x1;
	_ =	sdelay $0x1  }
0xac: {  	s6 =	simm.s32 @p0 $0x1B8D  }
0xad: {  	_ =	swait.eq @p0 [sflag:s6], $0x1  }
0xae: {  	[sflag:s6] =	ssyncadd.s32 @p0 $0xFFFFFFFF  }
0xaf: {  	s7 =	sshll.u32 @!p0 s1, $0xE  }
0xb0: {  	s7 =	sor.u32 @!p0 $0x4000, s7;
	s6 =	simm.s32 @!p0 $0x1B8D  }
0xb1: {  	s5 =	sshll.u32 @!p0 s5, $0x11;
	s7 =	sadd.s32 @!p0 $0x11B8D, s7;
	_ =	swait.eq @!p0 [sflag:s6], $0x1  }
0xb2: {  	s5 =	sor.u32 @!p0 s5, s7;
	[sflag:s6] =	ssyncadd.s32 @!p0 $0xFFFFFFFF  }
0xb3: {  	s25 =	simm.s32 $0x1B8E;
	s24 =	sld [smem:$0x3FFE];
	[sflag:s5] =	ssyncadd.remote.s32 @!p0 $0x1  }
0xb4: {  	s26 =	simm.s32 $execute0_lowered;
	[smem:$0x3FD2] =	sst s25  }
0xb5: {  	s6 =	sshll.u32 s26, $0x1;
	_ =	strace $0x8000004F;
	[dreg:$0x1] =	wrdreg $0xFFFFFFFF  }
0xb6: {  	s28 =	simm.s32 $_size_execute0_lowered;
	s4 =	sadd.s32 s4, s6;
	[dreg:$0x0] =	wrdreg $0x0  }
0xb7: {  	s6 =	sshll.u32 s28, $0x1;
	[dreg:$0x2] =	wrdreg s4  }
0xb8: {  	[dreg:$0x3] =	wrdreg s6  }
0xb9: {  	[dreg:$0x4] =	wrdreg $0xC0  }
0xba: {  	_ =	task [dreg:s22], $0x5FFFF  }
0xbb: {  	[dreg:$0x1] =	wrdreg $0xFFFFFFFF  }
0xbc: {  	[dreg:$0x0] =	wrdreg $0x60  }
0xbd: {  	[dreg:$0x2] =	wrdreg s24  }
0xbe: {  	[dreg:$0x3] =	wrdreg s18  }
0xbf: {  	[dreg:$0x4] =	wrdreg $0xA9000  }
0xc0: {  	[dreg:$0x5] =	wrdreg $0x9  }
0xc1: {  	_ =	task.clear_ibuf [dreg:s22], $0x6FFFF;
	_ =	strace $0x9000004F  }
0xc2: {  	s29 =	simm.s32 $0x9;
	_ =	strace $0x80000051  }
0xc3: {  	_ =	swait.ge [sflag:s29], $0x1  }
0xc4: {  	[sflag:s29] =	ssyncadd.s32 $0xFFFFFFFF  }
0xc5: {  	_ =	strace $0x90000051  }
0xc6: {  	_ =	sfence  }
0xc7: {  	s30 =	sld [smem:$0x0];
	_ =	sdelay $0x2  }
0xc8: {  	s31 =	sshll.u32 s1, $0xD;
	s1 =	sshrl.u32 s1, $0x2  }
0xc9: {  	s4 =	sand.u32 $0x4000, s31;
	s1 =	sadd.s32 s1, s30  }
0xca: {  	s0 =	sor.u32 s4, s0;
	s1 =	sshll.u32 s1, $0x11  }
0xcb: {  	s0 =	sor.u32 s1, s0  }
0xcc: {  	s0 =	sadd.s32 $0x8F2B, s0  }
0xcd: {  	[sflag:s0] =	ssyncadd.remote.s32 $0x1  }
0xce: {  	_ =	sfence.sel $0xFFFF  }
0xcf: {  	[dreg:$0x0] =	wrdreg $0xFFFFFFFF;
	(pc) =	sbr.abs _section_cstart, $3  }
0xd0: {  	[dreg:$0x1] =	wrdreg $0xFFFFFFFF  }
0xd1: {  	_ =	task.clear_ibuf [dreg:s22], $0x2FFFF;
	_ =	strace $0x9FFFFFFF  }
0xd2: {  	(tm) =	ssettm $0x7FFFFFFF  }
0xd3: {  	_ =	shalt  }
tec
execute0_lowered:
.L_overlay_start_1:
0x0: {  	(tag) =	ssettag $0x1  }
0x1: {  	s0 =	rddreg [dreg:$0x0];
	s1 =	srdreg.scid  }
0x2: {  	s2 =	rddreg [dreg:$0x1];
	s17 =	stileid.u32;
	s28 =	simm.s32 $0x3  }
0x3: {  	s29 =	simm.s32 $0x2800;
	s1 =	sand.u32 $0x1, s1;
	s25 =	smul.u32 $0x500, s17  }
0x4: {  	s30 =	simm.s32 $0x2900;
	s13 =	sor.u32 $0x20, s17;
	s3 =	smul.u32 $0x27100, s1  }
0x5: {  	s31 =	simm.s32 $0x1;
	s18 =	sor.u32 $0x30, s17;
	s9 =	smul.u32 $0x500, s13  }
0x6: {  	s5 =	sadd.s32 $0xA2000, s0;
	s20 =	sor.u32 $0x40, s17;
	s10 =	smul.u32 $0x500, s18  }
0x7: {  	s21 =	sor.u32 $0x50, s17;
	s4 =	sshll.u32 s1, $0x4;
	s12 =	smul.u32 $0x500, s20  }
0x8: {  	s6 =	ssub.s32 $0x2, s1;
	s26 =	smul.u32 $0x500, s21;
	s4 =	sor.u32 s17, s4  }
0x9: {  	s22 =	sshrl.u32 s6, $0x1;
	s0 =	sadd.s32 s3, s0;
	s7 =	sshll.u32 s4, $0x4  }
0xa: {  	s3 =	ssub.s32 s6, s22;
	s24 =	sshll.u32 s4, $0xB;
	s4 =	sor.u32 $0x4E0, s4  }
0xb: {  	s22 =	sor.u32 $0x60, s17;
	s23 =	sadd.s32 s2, s7;
	s6 =	sadd.s32 s5, s24  }
0xc: {  	s0 =	sadd.s32 $0x5200, s0;
	s11 =	sshll.u32 s4, $0x4;
	s14 =	sshll.u32 s4, $0xB  }
0xd: {  	s15 =	smul.u32 $0x500, s22;
	p0 =	sgt.u32 s4, $0x4E1;
	[dreg:$0x4] =	wrdreg s23  }
0xe: {  	s4 =	simm.s32 $0x0;
	[dreg:$0x5] =	wrdreg s6;
	s6 =	sor.u32 $0x10, s17  }
0xf: {  	s23 =	sor.u32 $0x70, s17;
	s11 =	sadd.s32 s2, s11;
	s7 =	sadd.s32 s0, s25  }
0x10: {  	s16 =	sadd.s32 s0, s9;
	s19 =	sadd.s32 s0, s10;
	[dreg:$0x6] =	wrdreg s11  }
0x11: {  	s24 =	sadd.s32 s0, s12;
	s9 =	sadd.s32 s0, s26;
	[dreg:$0x7] =	wrdreg s7  }
0x12: {  	s25 =	sshll.u32 s1, $0xF;
	s12 =	sadd.s32 s5, s14;
	[dreg:$0x9] =	wrdreg s16  }
0x13: {  	s1 =	sshll.u32 s1, $0x8;
	s8 =	smul.u32 $0x500, s6;
	[dreg:$0xa] =	wrdreg s19  }
0x14: {  	s26 =	sshll.u32 s17, $0xB;
	s16 =	smul.u32 $0x500, s23;
	[dreg:$0xb] =	wrdreg s24  }
0x15: {  	s10 =	sadd.s32 s0, s15;
	s1 =	sadd.s32 s1, s2;
	s19 =	smul.u32 $0xA000, s17  }
0x16: {  	s7 =	sshll.u32 s17, $0x4;
	s15 =	rddreg [dreg:$0x2];
	s24 =	smul.u32 $0xA000, s13  }
0x17: {  	s17 =	smax.u32 s3, $0x1;
	p1 =	sgt.u32 s23, $0x7C;
	s13 =	smul.u32 $0xA000, s23  }
0x18: {  	s3 =	simm.s32 $0x4;
	s8 =	sadd.s32 s0, s8;
	s11 =	sadd.s32 s0, s16  }
0x19: {  	s0 =	sadd.s32 s25, s5;
	s16 =	simm.s32 $0x0;
	s2 =	sshrl.u32 s19, $0x2  }
0x1a: {  	s25 =	smul.u32 $0xA000, s18;
	s5 =	sshrl.u32 s24, $0x2;
	[dreg:$0x8] =	wrdreg s8  }
0x1b: {  	s14 =	sadd.s32 s26, s0;
	s0 =	sadd.s32 s7, s1;
	s8 =	smul.u32 $0xA000, s6  }
0x1c: {  	[smem:$0x7FF] =	sst s16;
	s18 =	sadd.s32 s2, s15;
	s26 =	smul.u32 $0xA000, s20  }
0x1d: {  	s7 =	smul.u32 $0xA000, s21;
	s20 =	sadd.s32 s5, s15;
	s6 =	sshrl.u32 s25, $0x2  }
0x1e: {  	_ =	strace $0x80000050;
	s1 =	sshrl.u32 s8, $0x2;
	s21 =	sadd.s32 s6, s15  }
0x1f: {  	s8 =	smul.u32 $0xA000, s22;
	s25 =	sshrl.u32 s7, $0x2;
	s6 =	sadd.s32 $0x400, s0  }
0x20: {  	s0 =	simm.s32 $0x2880;
	s19 =	sadd.s32 s1, s15;
	s1 =	sshrl.u32 s26, $0x2  }
0x21: {  	s23 =	sadd.s32 s25, s15;
	s26 =	sshrl.u32 s13, $0x2;
	s13 =	simm.s32 $0x2  }
0x22: {  	s22 =	sadd.s32 s1, s15;
	s2 =	sshrl.u32 s8, $0x2;
	s25 =	sadd.s32 s26, s15  }
0x23: {  	v0 =	vimm.f32 $0.0e+00;
	s1 =	simm.s32 $0x6900;
	s24 =	sadd.s32 s2, s15;
	s2 =	simm.s32 $0x80  }
.LBB2_1:
0x24: {  	s5 =	simm.s32 $0x0;
	s26 =	simm.s32 $0x200  }
.LBB2_2:
0x25: {  	p2 =	sne.s32 s26, $0x9E00;
	[tilespmem:s5+$0x70] =	vst v0  }
0x26: {  	[tilespmem:s5+$0x0] =	vst v0  }
0x27: {  	[tilespmem:s5+$0x10] =	vst v0  }
.Ltmp0:
0x28: {  	[tilespmem:s5+$0x20] =	vst v0;
	(pc) =	sbr.rel @p2 .LBB2_2-.Ltmp0, $4  }
0x29: {  	[tilespmem:s5+$0x30] =	vst v0  }
0x2a: {  	[tilespmem:s5+$0x40] =	vst v0  }
0x2b: {  	[tilespmem:s5+$0x50] =	vst v0  }
0x2c: {  	[tilespmem:s5+$0x60] =	vst v0;
	s5 =	sshra.s32 s26, $0x2;
	s26 =	sadd.s32 $0x200, s26  }
0x2d: {  	[tilespmem:s5+$0x70] =	vst v0  }
0x2e: {  	[tilespmem:s5+$0x0] =	vst v0  }
0x2f: {  	[tilespmem:s5+$0x10] =	vst v0  }
0x30: {  	[tilespmem:s5+$0x20] =	vst v0  }
0x31: {  	[tilespmem:s5+$0x30] =	vst v0  }
0x32: {  	[tilespmem:s5+$0x40] =	vst v0  }
0x33: {  	[tilespmem:s5+$0x50] =	vst v0  }
0x34: {  	[tilespmem:s5+$0x60] =	vst v0  }
0x35: {  	[spmem:s18] =	stream.linear.scatter [tilespmem:s16], [sflag:$0x3], $0x2800, $0x38;
	[tilespmem:$0x1E180] =	vst v63  }
0x36: {  	_ =	swait.ge [sflag:s28], $0x2800  }
0x37: {  	[sflag:s28] =	ssyncset.done $0x0  }
0x38: {  	[sflag:s28] =	ssyncadd.s32 $0xFFFFD800  }
0x39: {  	[spmem:s19] =	stream.linear.scatter [tilespmem:s16], [sflag:$0x3], $0x2800, $0x38;
	[tilespmem:$0x1E180] =	vst v63  }
0x3a: {  	_ =	swait.ge [sflag:s28], $0x2800  }
0x3b: {  	[sflag:s28] =	ssyncset.done $0x0  }
0x3c: {  	[sflag:s28] =	ssyncadd.s32 $0xFFFFD800  }
0x3d: {  	[spmem:s20] =	stream.linear.scatter [tilespmem:s16], [sflag:$0x3], $0x2800, $0x38;
	[tilespmem:$0x1E180] =	vst v63  }
0x3e: {  	_ =	swait.ge [sflag:s28], $0x2800  }
0x3f: {  	[sflag:s28] =	ssyncset.done $0x0  }
0x40: {  	[sflag:s28] =	ssyncadd.s32 $0xFFFFD800  }
0x41: {  	[spmem:s21] =	stream.linear.scatter [tilespmem:s16], [sflag:$0x3], $0x2800, $0x38;
	[tilespmem:$0x1E180] =	vst v63  }
0x42: {  	_ =	swait.ge [sflag:s28], $0x2800  }
0x43: {  	[sflag:s28] =	ssyncset.done $0x0  }
0x44: {  	[sflag:s28] =	ssyncadd.s32 $0xFFFFD800  }
0x45: {  	[spmem:s22] =	stream.linear.scatter [tilespmem:s16], [sflag:$0x3], $0x2800, $0x38;
	[tilespmem:$0x1E180] =	vst v63  }
0x46: {  	_ =	swait.ge [sflag:s28], $0x2800  }
0x47: {  	[sflag:s28] =	ssyncset.done $0x0  }
0x48: {  	[sflag:s28] =	ssyncadd.s32 $0xFFFFD800  }
0x49: {  	[spmem:s23] =	stream.linear.scatter [tilespmem:s16], [sflag:$0x3], $0x2800, $0x38;
	[tilespmem:$0x1E180] =	vst v63  }
0x4a: {  	_ =	swait.ge [sflag:s28], $0x2800  }
0x4b: {  	[sflag:s28] =	ssyncset.done $0x0  }
0x4c: {  	[sflag:s28] =	ssyncadd.s32 $0xFFFFD800  }
0x4d: {  	[spmem:s24] =	stream.linear.scatter [tilespmem:s16], [sflag:$0x3], $0x2800, $0x38;
	[tilespmem:$0x1E180] =	vst v63  }
0x4e: {  	_ =	swait.ge [sflag:s28], $0x2800  }
0x4f: {  	[sflag:s28] =	ssyncset.done $0x0  }
0x50: {  	s5 =	simm.s32 @!p1 $0x0;
	[sflag:s28] =	ssyncadd.s32 $0xFFFFD800  }
0x51: {  	[spmem:s25] =	stream.linear.scatter @!p1 [tilespmem:s5], [sflag:$0x3], $0x2800, $0x38;
	[tilespmem:$0x1E180] =	vst v63  }
0x52: {  	s5 =	simm.s32 @!p1 $0x3  }
0x53: {  	_ =	swait.ge @!p1 [sflag:s5], $0x2800  }
0x54: {  	[sflag:s5] =	ssyncset.done @!p1 $0x0  }
0x55: {  	[sflag:s5] =	ssyncadd.s32 @!p1 $0xFFFFD800  }
0x56: {  	[bflag:$0x0] =	sbarrier.arrive $0xFFFF  }
0x57: {  	s8 =	simm.s32 $0x0;
	s7 =	rddreg [dreg:$0x4]  }
0x58: {  	[tilespmem:s29], [sflag:$0x1] =	stream.linear.gather [hbm4b:s7+s8], $0x80, $0x38;
	[tilespmem:$0x1E180] =	vst v63  }
0x59: {  	s26 =	rddreg [dreg:$0x5]  }
0x5a: {  	[tilespmem:s30], [sflag:$0x2] =	stream.linear.gather [hbm4b:s26+s8], $0x4000, $0x38;
	[tilespmem:$0x1E180] =	vst v63  }
0x5b: {  	_ =	swait.ge [sflag:s31], $0x80  }
0x5c: {  	[sflag:s31] =	ssyncset.done $0x0  }
0x5d: {  	[sflag:s31] =	ssyncadd.s32 $0xFFFFFF80  }
0x5e: {  	_ =	swait.ge [sflag:s13], $0x4000  }
0x5f: {  	[sflag:s13] =	ssyncset.done $0x0  }
0x60: {  	s7 =	sadd.s32 $0xFFFFFE00, s6;
	s26 =	sadd.s32 $0x0, s14;
	[sflag:s13] =	ssyncadd.s32 $0xFFFFC000  }
0x61: {  	[tilespmem:s0], [sflag:$0x1] =	stream.linear.gather [hbm4b:s7+s16], $0x80, $0x38;
	[tilespmem:$0x1E180] =	vst v63  }
0x62: {  	s8 =	sadd.s32 $0x10000, s26  }
0x63: {  	[tilespmem:s1], [sflag:$0x2] =	stream.linear.gather [hbm4b:s8+s16], $0x4000, $0x38;
	[tilespmem:$0x1E180] =	vst v63  }
0x64: {  	_ = 	snop  }
0x65: {  	[spmem:s15] =	stream.indirect.scatter.add.f32 [tilespmem:s30], [sflag:$0x4], $0x80, s29, s2, $0xb8;
	[tilespmem:$0x1E180] =	vst v63  }
0x66: {  	_ =	swait.ge [sflag:s3], $0x4000  }
0x67: {  	[sflag:s3] =	ssyncset.done $0x0  }
0x68: {  	[sflag:s3] =	ssyncadd.s32 $0xFFFFC000  }
0x69: {  	_ =	swait.ge [sflag:s31], $0x80  }
0x6a: {  	[sflag:s31] =	ssyncset.done $0x0  }
0x6b: {  	[sflag:s31] =	ssyncadd.s32 $0xFFFFFF80  }
0x6c: {  	_ =	swait.ge [sflag:s13], $0x4000  }
0x6d: {  	[sflag:s13] =	ssyncset.done $0x0  }
0x6e: {  	[sflag:s13] =	ssyncadd.s32 $0xFFFFC000  }
0x6f: {  	[tilespmem:s29], [sflag:$0x1] =	stream.linear.gather [hbm4b:s6+s16], $0x80, $0x38;
	[tilespmem:$0x1E180] =	vst v63  }
0x70: {  	s26 =	sadd.s32 $0x20000, s26  }
0x71: {  	[tilespmem:s30], [sflag:$0x2] =	stream.linear.gather [hbm4b:s26+s16], $0x4000, $0x38;
	[tilespmem:$0x1E180] =	vst v63  }
0x72: {  	_ = 	snop  }
0x73: {  	[spmem:s15] =	stream.indirect.scatter.add.f32 [tilespmem:s1], [sflag:$0x3], $0x80, s0, s2, $0xb8;
	[tilespmem:$0x1E180] =	vst v63  }
0x74: {  	_ =	swait.ge [sflag:s28], $0x4000  }
0x75: {  	s5 =	simm.s32 $0x20000;
	s26 =	smov.u32 s6;
	[sflag:s28] =	ssyncset.done $0x0  }
.LBB2_4:
0x76: {  	p2 =	sne.s32 s5, $0x240000;
	[sflag:s28] =	ssyncadd.s32 $0xFFFFC000;
	s26 =	sadd.s32 $0x400, s26  }
0x77: {  	s7 =	smov.u32 s5;
	s5 =	sadd.s32 $0x20000, s5  }
0x78: {  	_ =	swait.ge [sflag:s31], $0x80  }
0x79: {  	[sflag:s31] =	ssyncset.done $0x0  }
0x7a: {  	[sflag:s31] =	ssyncadd.s32 $0xFFFFFF80  }
0x7b: {  	_ =	swait.ge [sflag:s13], $0x4000  }
0x7c: {  	[sflag:s13] =	ssyncset.done $0x0  }
0x7d: {  	s8 =	sadd.s32 $0xFFFFFE00, s26;
	s7 =	sadd.s32 s7, s14;
	[sflag:s13] =	ssyncadd.s32 $0xFFFFC000  }
0x7e: {  	[tilespmem:s0], [sflag:$0x1] =	stream.linear.gather [hbm4b:s8+s16], $0x80, $0x38;
	[tilespmem:$0x1E180] =	vst v63  }
0x7f: {  	s8 =	sadd.s32 $0x10000, s7  }
0x80: {  	[tilespmem:s1], [sflag:$0x2] =	stream.linear.gather [hbm4b:s8+s16], $0x4000, $0x38;
	[tilespmem:$0x1E180] =	vst v63  }
0x81: {  	_ = 	snop  }
0x82: {  	[spmem:s15] =	stream.indirect.scatter.add.f32 [tilespmem:s30], [sflag:$0x4], $0x80, s29, s2, $0xb8;
	[tilespmem:$0x1E180] =	vst v63  }
0x83: {  	_ =	swait.ge [sflag:s3], $0x4000  }
0x84: {  	[sflag:s3] =	ssyncset.done $0x0  }
0x85: {  	[sflag:s3] =	ssyncadd.s32 $0xFFFFC000  }
0x86: {  	_ =	swait.ge [sflag:s31], $0x80  }
0x87: {  	[sflag:s31] =	ssyncset.done $0x0  }
0x88: {  	[sflag:s31] =	ssyncadd.s32 $0xFFFFFF80  }
0x89: {  	_ =	swait.ge [sflag:s13], $0x4000  }
0x8a: {  	[sflag:s13] =	ssyncset.done $0x0  }
0x8b: {  	[sflag:s13] =	ssyncadd.s32 $0xFFFFC000  }
0x8c: {  	[tilespmem:s29], [sflag:$0x1] =	stream.linear.gather [hbm4b:s26+s16], $0x80, $0x38;
	[tilespmem:$0x1E180] =	vst v63  }
0x8d: {  	s7 =	sadd.s32 $0x20000, s7  }
0x8e: {  	[tilespmem:s30], [sflag:$0x2] =	stream.linear.gather [hbm4b:s7+s16], $0x4000, $0x38;
	[tilespmem:$0x1E180] =	vst v63  }
.Ltmp1:
0x8f: {  	_ = 	snop;
	(pc) =	sbr.rel @p2 .LBB2_4-.Ltmp1, $4  }
0x90: {  	_ = 	snop  }
0x91: {  	[spmem:s15] =	stream.indirect.scatter.add.f32 [tilespmem:s1], [sflag:$0x3], $0x80, s0, s2, $0xb8;
	[tilespmem:$0x1E180] =	vst v63  }
0x92: {  	_ =	swait.ge [sflag:s28], $0x4000  }
0x93: {  	[sflag:s28] =	ssyncset.done $0x0  }
0x94: {  	[sflag:s28] =	ssyncadd.s32 $0xFFFFC000  }
0x95: {  	_ =	swait.ge [sflag:s31], $0x80  }
0x96: {  	[sflag:s31] =	ssyncset.done $0x0  }
0x97: {  	[sflag:s31] =	ssyncadd.s32 $0xFFFFFF80  }
0x98: {  	_ =	swait.ge [sflag:s13], $0x4000  }
0x99: {  	s5 =	simm.s32 @!p0 $0x0;
	[sflag:s13] =	ssyncset.done $0x0  }
0x9a: {  	s7 =	simm.s32 @!p0 $0x2880;
	s8 =	rddreg [dreg:$0x6];
	[sflag:s13] =	ssyncadd.s32 $0xFFFFC000  }
0x9b: {  	[tilespmem:s7], [sflag:$0x1] =	stream.linear.gather @!p0 [hbm4b:s8+s5], $0x80, $0x38;
	[tilespmem:$0x1E180] =	vst v63  }
0x9c: {  	s8 =	simm.s32 @!p0 $0x6900  }
0x9d: {  	[tilespmem:s8], [sflag:$0x2] =	stream.linear.gather @!p0 [hbm4b:s12+s5], $0x4000, $0x38;
	[tilespmem:$0x1E180] =	vst v63  }
0x9e: {  	_ = 	snop  }
0x9f: {  	[spmem:s15] =	stream.indirect.scatter.add.f32 [tilespmem:s30], [sflag:$0x4], $0x80, s29, s2, $0xb8;
	[tilespmem:$0x1E180] =	vst v63  }
0xa0: {  	_ =	swait.ge [sflag:s3], $0x4000  }
0xa1: {  	[sflag:s3] =	ssyncset.done $0x0  }
0xa2: {  	s5 =	simm.s32 @!p0 $0x1;
	[sflag:s3] =	ssyncadd.s32 $0xFFFFC000  }
0xa3: {  	_ =	swait.ge @!p0 [sflag:s5], $0x80  }
0xa4: {  	[sflag:s5] =	ssyncset.done @!p0 $0x0  }
0xa5: {  	[sflag:s5] =	ssyncadd.s32 @!p0 $0xFFFFFF80;
	s5 =	simm.s32 @!p0 $0x2  }
0xa6: {  	_ =	swait.ge @!p0 [sflag:s5], $0x4000  }
0xa7: {  	[sflag:s5] =	ssyncset.done @!p0 $0x0  }
0xa8: {  	[sflag:s5] =	ssyncadd.s32 @!p0 $0xFFFFC000;
	s5 =	simm.s32 @!p0 $0x80  }
0xa9: {  	[spmem:s15] =	stream.indirect.scatter.add.f32 @!p0 [tilespmem:s8], [sflag:$0x3], $0x80, s7, s5, $0xb8;
	[tilespmem:$0x1E180] =	vst v63  }
0xaa: {  	s5 =	simm.s32 @!p0 $0x3  }
0xab: {  	_ =	swait.ge @!p0 [sflag:s5], $0x4000  }
0xac: {  	[sflag:s5] =	ssyncset.done @!p0 $0x0  }
0xad: {  	s7 =	stileid.u32;
	[sflag:s5] =	ssyncadd.s32 @!p0 $0xFFFFC000  }
0xae: {  	s5 =	sshll.u32 s7, $0x6;
	[bflag:$0x0] =	sbarrier.arrive $0xFFFF  }
0xaf: {  	s8 =	sshrl.u32 s18, $0x3;
	s5 =	sor.u32 $0x1C03, s5;
	s26 =	rddreg [dreg:$0x7]  }
0xb0: {  	[hbm:s26], [sflag:s5] =	dma.local [spmem:s8], $0x500  }
0xb1: {  	_ =	swait.ge [sflag:s28], $0x500  }
0xb2: {  	[sflag:s28] =	ssyncset.done $0x0  }
0xb3: {  	s8 =	sshrl.u32 s19, $0x3;
	s26 =	rddreg [dreg:$0x8];
	[sflag:s28] =	ssyncadd.s32 $0xFFFFFB00  }
0xb4: {  	[hbm:s26], [sflag:s5] =	dma.local [spmem:s8], $0x500  }
0xb5: {  	_ =	swait.ge [sflag:s28], $0x500  }
0xb6: {  	[sflag:s28] =	ssyncset.done $0x0  }
0xb7: {  	s8 =	sshrl.u32 s20, $0x3;
	s26 =	rddreg [dreg:$0x9];
	[sflag:s28] =	ssyncadd.s32 $0xFFFFFB00  }
0xb8: {  	[hbm:s26], [sflag:s5] =	dma.local [spmem:s8], $0x500  }
0xb9: {  	_ =	swait.ge [sflag:s28], $0x500  }
0xba: {  	[sflag:s28] =	ssyncset.done $0x0  }
0xbb: {  	s8 =	sshrl.u32 s21, $0x3;
	s26 =	rddreg [dreg:$0xa];
	[sflag:s28] =	ssyncadd.s32 $0xFFFFFB00  }
0xbc: {  	[hbm:s26], [sflag:s5] =	dma.local [spmem:s8], $0x500  }
0xbd: {  	_ =	swait.ge [sflag:s28], $0x500  }
0xbe: {  	[sflag:s28] =	ssyncset.done $0x0  }
0xbf: {  	s8 =	sshrl.u32 s22, $0x3;
	s26 =	rddreg [dreg:$0xb];
	[sflag:s28] =	ssyncadd.s32 $0xFFFFFB00  }
0xc0: {  	[hbm:s26], [sflag:s5] =	dma.local [spmem:s8], $0x500  }
0xc1: {  	_ =	swait.ge [sflag:s28], $0x500  }
0xc2: {  	[sflag:s28] =	ssyncset.done $0x0  }
0xc3: {  	s8 =	sshrl.u32 s23, $0x3;
	[sflag:s28] =	ssyncadd.s32 $0xFFFFFB00  }
0xc4: {  	[hbm:s9], [sflag:s5] =	dma.local [spmem:s8], $0x500  }
0xc5: {  	_ =	swait.ge [sflag:s28], $0x500  }
0xc6: {  	[sflag:s28] =	ssyncset.done $0x0  }
0xc7: {  	s26 =	sshrl.u32 s24, $0x3;
	[sflag:s28] =	ssyncadd.s32 $0xFFFFFB00  }
0xc8: {  	[hbm:s10], [sflag:s5] =	dma.local [spmem:s26], $0x500  }
0xc9: {  	_ =	swait.ge [sflag:s28], $0x500  }
0xca: {  	[sflag:s28] =	ssyncset.done $0x0  }
0xcb: {  	s4 =	sadd.s32 $0x1, s4;
	s7 =	sshrl.u32 @!p1 s25, $0x3;
	[sflag:s28] =	ssyncadd.s32 $0xFFFFFB00  }
0xcc: {  	[hbm:s11], [sflag:s5] =	dma.local @!p1 [spmem:s7], $0x500  }
0xcd: {  	p2 =	sne.s32 s4, s17;
	s5 =	simm.s32 @!p1 $0x3  }
.Ltmp2:
0xce: {  	_ =	swait.ge @!p1 [sflag:s5], $0x500;
	(pc) =	sbr.rel @p2 .LBB2_1-.Ltmp2, $3  }
0xcf: {  	[sflag:s5] =	ssyncset.done @!p1 $0x0  }
0xd0: {  	[sflag:s5] =	ssyncadd.s32 @!p1 $0xFFFFFB00  }
0xd1: {  	[bflag:$0x0] =	sbarrier.arrive $0xFFFF;
	_ =	sdelay $0x1  }
0xd2: {  	_ =	sfence.sel $0x180000  }
0xd3: {  	[bflag:$0x0] =	sbarrier.arrive $0xFFFF  }
0xd4: {  	_ =	strace $0x90000050  }
0xd5: {  	s0 =	stileid.u32;
	[bflag:$0x2] =	sbarrier.arrive $0xFFFF  }
0xd6: {  	p0 =	sne.s32 s0, $0x0;
	s0 =	rddreg [dreg:$0x3]  }
0xd7: {  	s0 =	sadd.s32 @!p0 $0x100000, s0  }
0xd8: {  	[sflag:s0] =	ssyncadd.tile.s32 @!p0 $0x1;
	_ =	shalt  }
.Lfunc_end2:
_tile_overlayer_lowered:
.L_overlay_start_2:
0xd9: {  	(tag) =	ssettag $0x2  }
0xda: {  	s0 =	rddreg [dreg:$0x0];
	s2 =	stileid.u32  }
0xdb: {  	s1 =	rddreg [dreg:$0x1];
	p0 =	sne.s32 s2, $0x0  }
0xdc: {  	s3 =	rddreg [dreg:$0x2];
	[bflag:$0x3] =	sbarrier.arrive $0xFFFF;
	s2 =	simm.s32 @!p0 $0x1C03  }
0xdd: {  	[timem:s3], [sflag:s2] =	dma.local @!p0 [hbm:s0], s1  }
0xde: {  	s0 =	simm.s32 @!p0 $0x3  }
0xdf: {  	_ =	swait.ge @!p0 [sflag:s0], s1  }
0xe0: {  	s1 =	ssub.s32 @!p0 $0x0, s1;
	[sflag:s0] =	ssyncset.done @!p0 $0x0  }
0xe1: {  	[sflag:s0] =	ssyncadd.s32 @!p0 s1  }
0xe2: {  	[bflag:$0x3] =	sbarrier.arrive $0xFFFF  }
0xe3: {  	_ =	shalt  }

</sc_bundles>
